<compile_context>
chip_gen: v7x
topology: tpu7x:2x2x1
jax: 0.10.2.dev20260603
libtpu: 0.0.44.dev20260713+nightly
codegen_flags: <defaults>
</compile_context>

<pallas_src>
import functools

import jax
import jax.numpy as jnp
from jax import lax
from jax.experimental import pallas as pl
from jax.experimental.pallas import tpu as pltpu
from jax.experimental.pallas import tpu_sc as plsc

S = 256
D = 768
L = 48
K = 4
NBUF = 3

_NC = 2
_NS = 16
_NW = _NC * _NS
_TPW = S // _NW
_NV = L // 16


def _logits_kernel(x_ref, gate_w_ref, o_ref):
    o_ref[...] = jax.lax.dot_general(
        x_ref[...], gate_w_ref[...], (((1,), (1,)), ((), ())),
        preferred_element_type=jnp.float32)


def _gather16(v, idx):
    dn = lax.GatherDimensionNumbers(
        offset_dims=(), collapsed_slice_dims=(0,), start_index_map=(0,))
    return lax.gather(v, idx[:, None], dn, (1,),
                      mode=lax.GatherScatterMode.PROMISE_IN_BOUNDS)


def _bcast_lane(v, j):
    return _gather16(v, jnp.full((16,), j, jnp.int32))


def _allmax(v):
    iota = lax.iota(jnp.int32, 16)
    for sh in (8, 4, 2, 1):
        v = jnp.maximum(v, _gather16(v, iota ^ sh))
    return v


def _allmin_i32(v):
    iota = lax.iota(jnp.int32, 16)
    for sh in (8, 4, 2, 1):
        v = jnp.minimum(v, _gather16(v, iota ^ sh))
    return v


def _allsum(v):
    iota = lax.iota(jnp.int32, 16)
    for sh in (8, 4, 2, 1):
        v = v + _gather16(v, iota ^ sh)
    return v


def _router_body(logits_hbm, g_hbm, lg_v, g_v):
    wid = lax.axis_index("s") * _NC + lax.axis_index("c")
    base = wid * _TPW
    pltpu.sync_copy(logits_hbm.at[pl.ds(base, _TPW)], lg_v)
    iota = lax.iota(jnp.int32, 16)
    neg_inf = jnp.float32(-jnp.inf)
    big = jnp.int32(1 << 20)
    for t in range(_TPW):
        work = [lg_v[t, pl.ds(16 * c, 16)] for c in range(_NV)]
        idxs = []
        vals = []
        for _ in range(K):
            m = work[0]
            for c in range(1, _NV):
                m = jnp.maximum(m, work[c])
            bmax = _allmax(m)
            cand = jnp.full((16,), big, jnp.int32)
            for c in range(_NV):
                cand = jnp.minimum(
                    cand, jnp.where(work[c] >= bmax, iota + 16 * c, big))
            bidx = _allmin_i32(cand)
            idxs.append(bidx)
            vals.append(bmax)
            for c in range(_NV):
                work[c] = jnp.where(iota + 16 * c == bidx, neg_inf, work[c])
        tv = jnp.full((16,), neg_inf, jnp.float32)
        for j in range(K):
            tv = jnp.where(iota == j, vals[j], tv)
        e = jnp.exp(tv - vals[0])
        tot = _allsum(e)
        p = e / tot
        ps = [_bcast_lane(p, j) for j in range(K)]
        for c in range(_NV):
            row = jnp.zeros((16,), jnp.float32)
            for j in range(K):
                row = jnp.where(iota + 16 * c == idxs[j], ps[j], row)
            g_v[t, pl.ds(16 * c, 16)] = row
    pltpu.sync_copy(g_v, g_hbm.at[pl.ds(base, _TPW)])


def _make_router():
    mesh = plsc.VectorSubcoreMesh(core_axis_name="c", subcore_axis_name="s")
    return pl.kernel(
        _router_body,
        mesh=mesh,
        out_type=jax.ShapeDtypeStruct((S, L), jnp.float32),
        scratch_types=[
            pltpu.VMEM((_TPW, L), jnp.float32),
            pltpu.VMEM((_TPW, L), jnp.float32),
        ],
    )


def _combine_kernel(x_ref, g_ref, w_hbm, out_w_ref, out_b_ref,
                    ln_g_ref, ln_b_ref, o_ref, acc_ref, wbuf, sem):
    l = pl.program_id(0)

    def _copy(i, slot):
        return pltpu.make_async_copy(w_hbm.at[i], wbuf.at[slot], sem.at[slot])

    @pl.when(l == 0)
    def _prologue():
        for i in range(NBUF):
            _copy(i, i).start()
        acc_ref[...] = jnp.zeros((S, D), jnp.float32)

    slot = jax.lax.rem(l, NBUF)
    _copy(l, slot).wait()

    lane = jax.lax.broadcasted_iota(jnp.int32, (S, L), 1)
    g_col = jnp.sum(jnp.where(lane == l, g_ref[...], 0.0), axis=-1,
                    keepdims=True)
    y = jax.lax.dot_general(
        x_ref[...], wbuf[slot], (((1,), (0,)), ((), ())),
        preferred_element_type=jnp.float32,
        precision=jax.lax.Precision.DEFAULT)
    acc_ref[...] += g_col * y

    @pl.when(l + NBUF < L)
    def _refill():
        _copy(l + NBUF, slot).start()

    @pl.when(l == L - 1)
    def _epilogue():
        x = x_ref[...]
        h = x + jax.lax.dot_general(
            acc_ref[...], out_w_ref[...], (((1,), (1,)), ((), ())),
            preferred_element_type=jnp.float32) + out_b_ref[...]
        mean = jnp.mean(h, axis=-1, keepdims=True)
        c = h - mean
        var = jnp.mean(c * c, axis=-1, keepdims=True)
        o_ref[...] = c * jax.lax.rsqrt(var + 1e-5) * ln_g_ref[...] + ln_b_ref[...]


@functools.partial(jax.jit, static_argnames=())
def kernel(x, gate_w, lattice_weights, out_w, out_b, ln_gamma, ln_beta):
    x2 = x.reshape(S, D)
    logits = pl.pallas_call(
        _logits_kernel,
        in_specs=[
            pl.BlockSpec((S, D), lambda: (0, 0)),
            pl.BlockSpec((L, D), lambda: (0, 0)),
        ],
        out_specs=pl.BlockSpec((S, L), lambda: (0, 0)),
        out_shape=jax.ShapeDtypeStruct((S, L), jnp.float32),
    )(x2, gate_w)
    g = _make_router()(logits)
    out = pl.pallas_call(
        _combine_kernel,
        grid=(L,),
        in_specs=[
            pl.BlockSpec((S, D), lambda l: (0, 0)),
            pl.BlockSpec((S, L), lambda l: (0, 0)),
            pl.BlockSpec(memory_space=pl.ANY),
            pl.BlockSpec((D, D), lambda l: (0, 0)),
            pl.BlockSpec((1, D), lambda l: (0, 0)),
            pl.BlockSpec((1, D), lambda l: (0, 0)),
            pl.BlockSpec((1, D), lambda l: (0, 0)),
        ],
        out_specs=pl.BlockSpec((S, D), lambda l: (0, 0)),
        out_shape=jax.ShapeDtypeStruct((S, D), jnp.float32),
        scratch_shapes=[
            pltpu.VMEM((S, D), jnp.float32),
            pltpu.VMEM((NBUF, D, D), jnp.float32),
            pltpu.SemaphoreType.DMA((NBUF,)),
        ],
        compiler_params=pltpu.CompilerParams(
            dimension_semantics=("arbitrary",),
        ),
    )(x2, g, lattice_weights, out_w, out_b.reshape(1, D),
      ln_gamma.reshape(1, D), ln_beta.reshape(1, D))
    return out.reshape(1, S, D)

# --- scband reference (transcript-rebuilt; emitter-appended) ---
"""Pipeline reference for scband-hyper-lattice-block-46291157516385 (READ-ONLY COPY).

The authoritative reference and input builder live on the scoring server;
editing this copy changes nothing except your own understanding.
"""

import jax, jax.numpy as jnp
import numpy as np


def setup_inputs(seed: int = 0) -> dict:
    key = jax.random.key(seed)
    ks = jax.random.split(key, 4)
    B, S, D, L = 1, 256, 768, 48
    x = jax.random.normal(ks[0], (B, S, D), dtype=jnp.float32)
    gate_w = jax.random.normal(ks[1], (L, D), dtype=jnp.float32) * 0.02
    lattice_weights = jax.random.normal(ks[2], (L, D, D), dtype=jnp.float32) * 0.02
    out_w = jax.random.normal(ks[3], (D, D), dtype=jnp.float32) * 0.02
    out_b = jnp.zeros((D,), dtype=jnp.float32)
    ln_gamma = jnp.ones((D,), dtype=jnp.float32)
    ln_beta = jnp.zeros((D,), dtype=jnp.float32)
    return {"x": x, "gate_w": gate_w, "lattice_weights": lattice_weights,
            "out_w": out_w, "out_b": out_b, "ln_gamma": ln_gamma, "ln_beta": ln_beta}


def reference(x, gate_w, lattice_weights, out_w, out_b, ln_gamma, ln_beta):
    B, S, D = x.shape
    L = lattice_weights.shape[0]
    k = max(1, int(L * 0.1))
    # DynamicLatticeGate: gate_proj (no bias) -> top-k -> softmax over top-k logits
    router_logits = x @ gate_w.T  # [B, S, L]
    top_vals, indices = jax.lax.top_k(router_logits, k)  # [B, S, k]
    scores = jax.nn.softmax(top_vals, axis=-1)  # [B, S, k]
    # effective_transform = sum_k scores * W[idx]; x @ effective_transform
    # computed equivalently as sum_k scores * (x @ W[idx]) to bound memory:
    y_all = jnp.einsum('bsd,lde->bsle', x, lattice_weights)  # [B, S, L, D]
    idx = jnp.broadcast_to(indices[..., None], (B, S, k, D))
    y_sel = jnp.take_along_axis(y_all, idx, axis=2)  # [B, S, k, D]
    lattice_out = jnp.sum(y_sel * scores[..., None], axis=2)  # [B, S, D]
    # out_proj + residual + LayerNorm
    h = x + lattice_out @ out_w.T + out_b
    mean = jnp.mean(h, axis=-1, keepdims=True)
    var = jnp.var(h, axis=-1, keepdims=True)
    return (h - mean) / jnp.sqrt(var + 1e-5) * ln_gamma + ln_beta

if __name__ == "__main__":
    import jax
    _d = setup_inputs()
    print(jax.jit(kernel)(*tuple(_d.values())))

</pallas_src>

<mosaic_0001>
#map = affine_map<(d0, d1) -> (0, 0)>
module attributes {stable_mosaic.version = 14 : i64} {
  func.func @_router_body(%arg0: i32, %arg1: i32, %arg2: memref<256x48xf32, #tpu.memory_space<hbm>>, %arg3: memref<256x48xf32, #tpu.memory_space<hbm>>, %arg4: memref<8x48xf32, #tpu.memory_space<vmem>>, %arg5: memref<8x48xf32, #tpu.memory_space<vmem>>) attributes {dimension_semantics = [#tpu.dimension_semantics<core_parallel>, #tpu.dimension_semantics<subcore_parallel>], iteration_bounds = array<i64: 2, 16>, scalar_prefetch = 0 : i64, scratch_operands = 2 : i64, tpu.core_type = #tpu.core_type<sc_vector_subcore>, window_params = [{transform_indices = #map}, {transform_indices = #map}]} {
    %mul3A = arith.constant 2 : i32
    %mul3A_0 = arith.muli %arg1, %mul3A : i32
    %add3A = arith.addi %mul3A_0, %arg0 : i32
    %mul3A_1 = arith.constant 8 : i32
    %mul3A_2 = arith.muli %add3A, %mul3A_1 : i32
    "tpu.region"() ({
      %run_scoped3A = tpu.sem_alloc : memref<!tpu.dma_semaphore, #tpu.memory_space<semaphore_mem>>
      %dma_start3A = arith.constant 0 : i32
      %dma_start3A_4765 = tpu.memref_slice %arg2[%mul3A_2, %dma_start3A] : memref<256x48xf32, #tpu.memory_space<hbm>> -> memref<8x48xf32, #tpu.memory_space<hbm>>
      %dma_start3A_4766 = arith.constant 0 : i32
      %dma_start3A_4767 = tpu.memref_slice %arg2[%mul3A_2, %dma_start3A_4766] : memref<256x48xf32, #tpu.memory_space<hbm>> -> memref<8x48xf32, #tpu.memory_space<hbm>>
      tpu.enqueue_dma source(%dma_start3A_4767 : memref<8x48xf32, #tpu.memory_space<hbm>>) target(%arg4 : memref<8x48xf32, #tpu.memory_space<vmem>>) target_semaphore(%run_scoped3A : memref<!tpu.dma_semaphore, #tpu.memory_space<semaphore_mem>>)
      %dma_wait3A = arith.constant 0 : i32
      %dma_wait3A_4768 = tpu.memref_slice %arg2[%mul3A_2, %dma_wait3A] : memref<256x48xf32, #tpu.memory_space<hbm>> -> memref<8x48xf32, #tpu.memory_space<hbm>>
      %dma_wait3A_4769 = arith.constant 0 : i32
      %dma_wait3A_4770 = tpu.memref_slice %arg2[%mul3A_2, %dma_wait3A_4769] : memref<256x48xf32, #tpu.memory_space<hbm>> -> memref<8x48xf32, #tpu.memory_space<hbm>>
      tpu.wait_dma2 semaphore(%run_scoped3A : memref<!tpu.dma_semaphore, #tpu.memory_space<semaphore_mem>>) src(%dma_wait3A_4770 : memref<8x48xf32, #tpu.memory_space<hbm>>) dst(%arg4 : memref<8x48xf32, #tpu.memory_space<vmem>>)
      tpu.yield
    }) : () -> ()
    %iota3A = tpu.iota {dimensions = array<i32: 0>} : vector<16xi32>
    %get3A = arith.constant 0 : i32
    %get3A_3 = arith.index_cast %get3A : i32 to index
    %get3A_4 = arith.constant 0 : index
    %get3A_5 = tpu.vector_load %arg4[%get3A_3, %get3A_4] {strides = array<i32>} : memref<8x48xf32, #tpu.memory_space<vmem>>, vector<1x16xf32>,
    %get3A_6 = vector.shape_cast %get3A_5 : vector<1x16xf32> to vector<16xf32>
    %get3A_7 = arith.constant 0 : i32
    %get3A_8 = arith.index_cast %get3A_7 : i32 to index
    %get3A_9 = arith.constant 16 : index
    %get3A_10 = tpu.vector_load %arg4[%get3A_8, %get3A_9] {strides = array<i32>} : memref<8x48xf32, #tpu.memory_space<vmem>>, vector<1x16xf32>,
    %get3A_11 = vector.shape_cast %get3A_10 : vector<1x16xf32> to vector<16xf32>
    %get3A_12 = arith.constant 0 : i32
    %get3A_13 = arith.index_cast %get3A_12 : i32 to index
    %get3A_14 = arith.constant 32 : index
    %get3A_15 = tpu.vector_load %arg4[%get3A_13, %get3A_14] {strides = array<i32>} : memref<8x48xf32, #tpu.memory_space<vmem>>, vector<1x16xf32>,
    %get3A_16 = vector.shape_cast %get3A_15 : vector<1x16xf32> to vector<16xf32>
    %max3A = arith.maximumf %get3A_6, %get3A_11 : vector<16xf32>
    %max3A_17 = arith.maximumf %max3A, %get3A_16 : vector<16xf32>
    %iota3A_18 = tpu.iota {dimensions = array<i32: 0>} : vector<16xi32>
    %xor3A = arith.constant 8 : i32
    %xor3A_19 = vector.broadcast %xor3A : i32 to vector<16xi32>
    %xor3A_20 = arith.xori %iota3A_18, %xor3A_19 : vector<16xi32>
    %broadcast_in_dim3A = vector.shape_cast %xor3A_20 : vector<16xi32> to vector<16x1xi32>
    %gather3A = vector.shape_cast %broadcast_in_dim3A : vector<16x1xi32> to vector<16xi32>
    %gather3A_21 = tpu.dynamic_gather %max3A_17[%gather3A] in [0] : vector<16xf32>, vector<16xi32> -> vector<16xf32>
    %max3A_22 = arith.maximumf %max3A_17, %gather3A_21 : vector<16xf32>
    %xor3A_23 = arith.constant 4 : i32
    %xor3A_24 = vector.broadcast %xor3A_23 : i32 to vector<16xi32>
    %xor3A_25 = arith.xori %iota3A_18, %xor3A_24 : vector<16xi32>
    %broadcast_in_dim3A_26 = vector.shape_cast %xor3A_25 : vector<16xi32> to vector<16x1xi32>
    %gather3A_27 = vector.shape_cast %broadcast_in_dim3A_26 : vector<16x1xi32> to vector<16xi32>
    %gather3A_28 = tpu.dynamic_gather %max3A_22[%gather3A_27] in [0] : vector<16xf32>, vector<16xi32> -> vector<16xf32>
    %max3A_29 = arith.maximumf %max3A_22, %gather3A_28 : vector<16xf32>
    %xor3A_30 = arith.constant 2 : i32
    %xor3A_31 = vector.broadcast %xor3A_30 : i32 to vector<16xi32>
    %xor3A_32 = arith.xori %iota3A_18, %xor3A_31 : vector<16xi32>
    %broadcast_in_dim3A_33 = vector.shape_cast %xor3A_32 : vector<16xi32> to vector<16x1xi32>
    %gather3A_34 = vector.shape_cast %broadcast_in_dim3A_33 : vector<16x1xi32> to vector<16xi32>
    %gather3A_35 = tpu.dynamic_gather %max3A_29[%gather3A_34] in [0] : vector<16xf32>, vector<16xi32> -> vector<16xf32>
    %max3A_36 = arith.maximumf %max3A_29, %gather3A_35 : vector<16xf32>
    %xor3A_37 = arith.constant 1 : i32
    %xor3A_38 = vector.broadcast %xor3A_37 : i32 to vector<16xi32>
    %xor3A_39 = arith.xori %iota3A_18, %xor3A_38 : vector<16xi32>
    %broadcast_in_dim3A_40 = vector.shape_cast %xor3A_39 : vector<16xi32> to vector<16x1xi32>
    %gather3A_41 = vector.shape_cast %broadcast_in_dim3A_40 : vector<16x1xi32> to vector<16xi32>
    %gather3A_42 = tpu.dynamic_gather %max3A_36[%gather3A_41] in [0] : vector<16xf32>, vector<16xi32> -> vector<16xf32>
    %max3A_43 = arith.maximumf %max3A_36, %gather3A_42 : vector<16xf32>
    %broadcast_in_dim3A_44 = arith.constant 1048576 : i32
    %broadcast_in_dim3A_45 = vector.broadcast %broadcast_in_dim3A_44 : i32 to vector<16xi32>
    %ge3A = arith.cmpf oge, %get3A_6, %max3A_43 : vector<16xf32>
    %add3A_46 = arith.constant 0 : i32
    %add3A_47 = vector.broadcast %add3A_46 : i32 to vector<16xi32>
    %add3A_48 = arith.addi %iota3A, %add3A_47 : vector<16xi32>
    %jit3A = arith.constant 1048576 : i32
    %broadcast_in_dim3A_49 = vector.broadcast %jit3A : i32 to vector<16xi32>
    %select_n3A = arith.select %ge3A, %add3A_48, %broadcast_in_dim3A_49 : vector<16xi1>, vector<16xi32>
    %min3A = arith.minsi %broadcast_in_dim3A_45, %select_n3A : vector<16xi32>
    %ge3A_50 = arith.cmpf oge, %get3A_11, %max3A_43 : vector<16xf32>
    %add3A_51 = arith.constant 16 : i32
    %add3A_52 = vector.broadcast %add3A_51 : i32 to vector<16xi32>
    %add3A_53 = arith.addi %iota3A, %add3A_52 : vector<16xi32>
    %jit3A_54 = arith.constant 1048576 : i32
    %broadcast_in_dim3A_55 = vector.broadcast %jit3A_54 : i32 to vector<16xi32>
    %select_n3A_56 = arith.select %ge3A_50, %add3A_53, %broadcast_in_dim3A_55 : vector<16xi1>, vector<16xi32>
    %min3A_57 = arith.minsi %min3A, %select_n3A_56 : vector<16xi32>
    %ge3A_58 = arith.cmpf oge, %get3A_16, %max3A_43 : vector<16xf32>
    %add3A_59 = arith.constant 32 : i32
    %add3A_60 = vector.broadcast %add3A_59 : i32 to vector<16xi32>
    %add3A_61 = arith.addi %iota3A, %add3A_60 : vector<16xi32>
    %jit3A_62 = arith.constant 1048576 : i32
    %broadcast_in_dim3A_63 = vector.broadcast %jit3A_62 : i32 to vector<16xi32>
    %select_n3A_64 = arith.select %ge3A_58, %add3A_61, %broadcast_in_dim3A_63 : vector<16xi1>, vector<16xi32>
    %min3A_65 = arith.minsi %min3A_57, %select_n3A_64 : vector<16xi32>
    %iota3A_66 = tpu.iota {dimensions = array<i32: 0>} : vector<16xi32>
    %xor3A_67 = arith.constant 8 : i32
    %xor3A_68 = vector.broadcast %xor3A_67 : i32 to vector<16xi32>
    %xor3A_69 = arith.xori %iota3A_66, %xor3A_68 : vector<16xi32>
    %broadcast_in_dim3A_70 = vector.shape_cast %xor3A_69 : vector<16xi32> to vector<16x1xi32>
    %gather3A_71 = vector.shape_cast %broadcast_in_dim3A_70 : vector<16x1xi32> to vector<16xi32>
    %gather3A_72 = tpu.dynamic_gather %min3A_65[%gather3A_71] in [0] : vector<16xi32>, vector<16xi32> -> vector<16xi32>
    %min3A_73 = arith.minsi %min3A_65, %gather3A_72 : vector<16xi32>
    %xor3A_74 = arith.constant 4 : i32
    %xor3A_75 = vector.broadcast %xor3A_74 : i32 to vector<16xi32>
    %xor3A_76 = arith.xori %iota3A_66, %xor3A_75 : vector<16xi32>
    %broadcast_in_dim3A_77 = vector.shape_cast %xor3A_76 : vector<16xi32> to vector<16x1xi32>
    %gather3A_78 = vector.shape_cast %broadcast_in_dim3A_77 : vector<16x1xi32> to vector<16xi32>
    %gather3A_79 = tpu.dynamic_gather %min3A_73[%gather3A_78] in [0] : vector<16xi32>, vector<16xi32> -> vector<16xi32>
    %min3A_80 = arith.minsi %min3A_73, %gather3A_79 : vector<16xi32>
    %xor3A_81 = arith.constant 2 : i32
    %xor3A_82 = vector.broadcast %xor3A_81 : i32 to vector<16xi32>
    %xor3A_83 = arith.xori %iota3A_66, %xor3A_82 : vector<16xi32>
    %broadcast_in_dim3A_84 = vector.shape_cast %xor3A_83 : vector<16xi32> to vector<16x1xi32>
    %gather3A_85 = vector.shape_cast %broadcast_in_dim3A_84 : vector<16x1xi32> to vector<16xi32>
    %gather3A_86 = tpu.dynamic_gather %min3A_80[%gather3A_85] in [0] : vector<16xi32>, vector<16xi32> -> vector<16xi32>
    %min3A_87 = arith.minsi %min3A_80, %gather3A_86 : vector<16xi32>
    %xor3A_88 = arith.constant 1 : i32
    %xor3A_89 = vector.broadcast %xor3A_88 : i32 to vector<16xi32>
    %xor3A_90 = arith.xori %iota3A_66, %xor3A_89 : vector<16xi32>
    %broadcast_in_dim3A_91 = vector.shape_cast %xor3A_90 : vector<16xi32> to vector<16x1xi32>
    %gather3A_92 = vector.shape_cast %broadcast_in_dim3A_91 : vector<16x1xi32> to vector<16xi32>
    %gather3A_93 = tpu.dynamic_gather %min3A_87[%gather3A_92] in [0] : vector<16xi32>, vector<16xi32> -> vector<16xi32>
    %min3A_94 = arith.minsi %min3A_87, %gather3A_93 : vector<16xi32>
    %add3A_95 = arith.constant 0 : i32
    %add3A_96 = vector.broadcast %add3A_95 : i32 to vector<16xi32>
    %add3A_97 = arith.addi %iota3A, %add3A_96 : vector<16xi32>
    %eq3A = arith.cmpi eq, %add3A_97, %min3A_94 : vector<16xi32>
    %jit3A_98 = arith.constant 0xFF800000 : f32
    %broadcast_in_dim3A_99 = vector.broadcast %jit3A_98 : f32 to vector<16xf32>
    %select_n3A_100 = arith.select %eq3A, %broadcast_in_dim3A_99, %get3A_6 : vector<16xi1>, vector<16xf32>
    %add3A_101 = arith.constant 16 : i32
    %add3A_102 = vector.broadcast %add3A_101 : i32 to vector<16xi32>
    %add3A_103 = arith.addi %iota3A, %add3A_102 : vector<16xi32>
    %eq3A_104 = arith.cmpi eq, %add3A_103, %min3A_94 : vector<16xi32>
    %jit3A_105 = arith.constant 0xFF800000 : f32
    %broadcast_in_dim3A_106 = vector.broadcast %jit3A_105 : f32 to vector<16xf32>
    %select_n3A_107 = arith.select %eq3A_104, %broadcast_in_dim3A_106, %get3A_11 : vector<16xi1>, vector<16xf32>
    %add3A_108 = arith.constant 32 : i32
    %add3A_109 = vector.broadcast %add3A_108 : i32 to vector<16xi32>
    %add3A_110 = arith.addi %iota3A, %add3A_109 : vector<16xi32>
    %eq3A_111 = arith.cmpi eq, %add3A_110, %min3A_94 : vector<16xi32>
    %jit3A_112 = arith.constant 0xFF800000 : f32
    %broadcast_in_dim3A_113 = vector.broadcast %jit3A_112 : f32 to vector<16xf32>
    %select_n3A_114 = arith.select %eq3A_111, %broadcast_in_dim3A_113, %get3A_16 : vector<16xi1>, vector<16xf32>
    %max3A_115 = arith.maximumf %select_n3A_100, %select_n3A_107 : vector<16xf32>
    %max3A_116 = arith.maximumf %max3A_115, %select_n3A_114 : vector<16xf32>
    %iota3A_117 = tpu.iota {dimensions = array<i32: 0>} : vector<16xi32>
    %xor3A_118 = arith.constant 8 : i32
    %xor3A_119 = vector.broadcast %xor3A_118 : i32 to vector<16xi32>
    %xor3A_120 = arith.xori %iota3A_117, %xor3A_119 : vector<16xi32>
    %broadcast_in_dim3A_121 = vector.shape_cast %xor3A_120 : vector<16xi32> to vector<16x1xi32>
    %gather3A_122 = vector.shape_cast %broadcast_in_dim3A_121 : vector<16x1xi32> to vector<16xi32>
    %gather3A_123 = tpu.dynamic_gather %max3A_116[%gather3A_122] in [0] : vector<16xf32>, vector<16xi32> -> vector<16xf32>
    %max3A_124 = arith.maximumf %max3A_116, %gather3A_123 : vector<16xf32>
    %xor3A_125 = arith.constant 4 : i32
    %xor3A_126 = vector.broadcast %xor3A_125 : i32 to vector<16xi32>
    %xor3A_127 = arith.xori %iota3A_117, %xor3A_126 : vector<16xi32>
    %broadcast_in_dim3A_128 = vector.shape_cast %xor3A_127 : vector<16xi32> to vector<16x1xi32>
    %gather3A_129 = vector.shape_cast %broadcast_in_dim3A_128 : vector<16x1xi32> to vector<16xi32>
    %gather3A_130 = tpu.dynamic_gather %max3A_124[%gather3A_129] in [0] : vector<16xf32>, vector<16xi32> -> vector<16xf32>
    %max3A_131 = arith.maximumf %max3A_124, %gather3A_130 : vector<16xf32>
    %xor3A_132 = arith.constant 2 : i32
    %xor3A_133 = vector.broadcast %xor3A_132 : i32 to vector<16xi32>
    %xor3A_134 = arith.xori %iota3A_117, %xor3A_133 : vector<16xi32>
    %broadcast_in_dim3A_135 = vector.shape_cast %xor3A_134 : vector<16xi32> to vector<16x1xi32>
    %gather3A_136 = vector.shape_cast %broadcast_in_dim3A_135 : vector<16x1xi32> to vector<16xi32>
    %gather3A_137 = tpu.dynamic_gather %max3A_131[%gather3A_136] in [0] : vector<16xf32>, vector<16xi32> -> vector<16xf32>
    %max3A_138 = arith.maximumf %max3A_131, %gather3A_137 : vector<16xf32>
    %xor3A_139 = arith.constant 1 : i32
    %xor3A_140 = vector.broadcast %xor3A_139 : i32 to vector<16xi32>
    %xor3A_141 = arith.xori %iota3A_117, %xor3A_140 : vector<16xi32>
    %broadcast_in_dim3A_142 = vector.shape_cast %xor3A_141 : vector<16xi32> to vector<16x1xi32>
    %gather3A_143 = vector.shape_cast %broadcast_in_dim3A_142 : vector<16x1xi32> to vector<16xi32>
    %gather3A_144 = tpu.dynamic_gather %max3A_138[%gather3A_143] in [0] : vector<16xf32>, vector<16xi32> -> vector<16xf32>
    %max3A_145 = arith.maximumf %max3A_138, %gather3A_144 : vector<16xf32>
    %broadcast_in_dim3A_146 = arith.constant 1048576 : i32
    %broadcast_in_dim3A_147 = vector.broadcast %broadcast_in_dim3A_146 : i32 to vector<16xi32>
    %ge3A_148 = arith.cmpf oge, %select_n3A_100, %max3A_145 : vector<16xf32>
    %add3A_149 = arith.constant 0 : i32
    %add3A_150 = vector.broadcast %add3A_149 : i32 to vector<16xi32>
    %add3A_151 = arith.addi %iota3A, %add3A_150 : vector<16xi32>
    %jit3A_152 = arith.constant 1048576 : i32
    %broadcast_in_dim3A_153 = vector.broadcast %jit3A_152 : i32 to vector<16xi32>
    %select_n3A_154 = arith.select %ge3A_148, %add3A_151, %broadcast_in_dim3A_153 : vector<16xi1>, vector<16xi32>
    %min3A_155 = arith.minsi %broadcast_in_dim3A_147, %select_n3A_154 : vector<16xi32>
    %ge3A_156 = arith.cmpf oge, %select_n3A_107, %max3A_145 : vector<16xf32>
    %add3A_157 = arith.constant 16 : i32
    %add3A_158 = vector.broadcast %add3A_157 : i32 to vector<16xi32>
    %add3A_159 = arith.addi %iota3A, %add3A_158 : vector<16xi32>
    %jit3A_160 = arith.constant 1048576 : i32
    %broadcast_in_dim3A_161 = vector.broadcast %jit3A_160 : i32 to vector<16xi32>
    %select_n3A_162 = arith.select %ge3A_156, %add3A_159, %broadcast_in_dim3A_161 : vector<16xi1>, vector<16xi32>
    %min3A_163 = arith.minsi %min3A_155, %select_n3A_162 : vector<16xi32>
    %ge3A_164 = arith.cmpf oge, %select_n3A_114, %max3A_145 : vector<16xf32>
    %add3A_165 = arith.constant 32 : i32
    %add3A_166 = vector.broadcast %add3A_165 : i32 to vector<16xi32>
    %add3A_167 = arith.addi %iota3A, %add3A_166 : vector<16xi32>
    %jit3A_168 = arith.constant 1048576 : i32
    %broadcast_in_dim3A_169 = vector.broadcast %jit3A_168 : i32 to vector<16xi32>
    %select_n3A_170 = arith.select %ge3A_164, %add3A_167, %broadcast_in_dim3A_169 : vector<16xi1>, vector<16xi32>
    %min3A_171 = arith.minsi %min3A_163, %select_n3A_170 : vector<16xi32>
    %iota3A_172 = tpu.iota {dimensions = array<i32: 0>} : vector<16xi32>
    %xor3A_173 = arith.constant 8 : i32
    %xor3A_174 = vector.broadcast %xor3A_173 : i32 to vector<16xi32>
    %xor3A_175 = arith.xori %iota3A_172, %xor3A_174 : vector<16xi32>
    %broadcast_in_dim3A_176 = vector.shape_cast %xor3A_175 : vector<16xi32> to vector<16x1xi32>
    %gather3A_177 = vector.shape_cast %broadcast_in_dim3A_176 : vector<16x1xi32> to vector<16xi32>
    %gather3A_178 = tpu.dynamic_gather %min3A_171[%gather3A_177] in [0] : vector<16xi32>, vector<16xi32> -> vector<16xi32>
    %min3A_179 = arith.minsi %min3A_171, %gather3A_178 : vector<16xi32>
    %xor3A_180 = arith.constant 4 : i32
    %xor3A_181 = vector.broadcast %xor3A_180 : i32 to vector<16xi32>
    %xor3A_182 = arith.xori %iota3A_172, %xor3A_181 : vector<16xi32>
    %broadcast_in_dim3A_183 = vector.shape_cast %xor3A_182 : vector<16xi32> to vector<16x1xi32>
    %gather3A_184 = vector.shape_cast %broadcast_in_dim3A_183 : vector<16x1xi32> to vector<16xi32>
    %gather3A_185 = tpu.dynamic_gather %min3A_179[%gather3A_184] in [0] : vector<16xi32>, vector<16xi32> -> vector<16xi32>
    %min3A_186 = arith.minsi %min3A_179, %gather3A_185 : vector<16xi32>
    %xor3A_187 = arith.constant 2 : i32
    %xor3A_188 = vector.broadcast %xor3A_187 : i32 to vector<16xi32>
    %xor3A_189 = arith.xori %iota3A_172, %xor3A_188 : vector<16xi32>
    %broadcast_in_dim3A_190 = vector.shape_cast %xor3A_189 : vector<16xi32> to vector<16x1xi32>
    %gather3A_191 = vector.shape_cast %broadcast_in_dim3A_190 : vector<16x1xi32> to vector<16xi32>
    %gather3A_192 = tpu.dynamic_gather %min3A_186[%gather3A_191] in [0] : vector<16xi32>, vector<16xi32> -> vector<16xi32>
    %min3A_193 = arith.minsi %min3A_186, %gather3A_192 : vector<16xi32>
    %xor3A_194 = arith.constant 1 : i32
    %xor3A_195 = vector.broadcast %xor3A_194 : i32 to vector<16xi32>
    %xor3A_196 = arith.xori %iota3A_172, %xor3A_195 : vector<16xi32>
    %broadcast_in_dim3A_197 = vector.shape_cast %xor3A_196 : vector<16xi32> to vector<16x1xi32>
    %gather3A_198 = vector.shape_cast %broadcast_in_dim3A_197 : vector<16x1xi32> to vector<16xi32>
    %gather3A_199 = tpu.dynamic_gather %min3A_193[%gather3A_198] in [0] : vector<16xi32>, vector<16xi32> -> vector<16xi32>
    %min3A_200 = arith.minsi %min3A_193, %gather3A_199 : vector<16xi32>
    %add3A_201 = arith.constant 0 : i32
    %add3A_202 = vector.broadcast %add3A_201 : i32 to vector<16xi32>
    %add3A_203 = arith.addi %iota3A, %add3A_202 : vector<16xi32>
    %eq3A_204 = arith.cmpi eq, %add3A_203, %min3A_200 : vector<16xi32>
    %jit3A_205 = arith.constant 0xFF800000 : f32
    %broadcast_in_dim3A_206 = vector.broadcast %jit3A_205 : f32 to vector<16xf32>
    %select_n3A_207 = arith.select %eq3A_204, %broadcast_in_dim3A_206, %select_n3A_100 : vector<16xi1>, vector<16xf32>
    %add3A_208 = arith.constant 16 : i32
    %add3A_209 = vector.broadcast %add3A_208 : i32 to vector<16xi32>
    %add3A_210 = arith.addi %iota3A, %add3A_209 : vector<16xi32>
    %eq3A_211 = arith.cmpi eq, %add3A_210, %min3A_200 : vector<16xi32>
    %jit3A_212 = arith.constant 0xFF800000 : f32
    %broadcast_in_dim3A_213 = vector.broadcast %jit3A_212 : f32 to vector<16xf32>
    %select_n3A_214 = arith.select %eq3A_211, %broadcast_in_dim3A_213, %select_n3A_107 : vector<16xi1>, vector<16xf32>
    %add3A_215 = arith.constant 32 : i32
    %add3A_216 = vector.broadcast %add3A_215 : i32 to vector<16xi32>
    %add3A_217 = arith.addi %iota3A, %add3A_216 : vector<16xi32>
    %eq3A_218 = arith.cmpi eq, %add3A_217, %min3A_200 : vector<16xi32>
    %jit3A_219 = arith.constant 0xFF800000 : f32
    %broadcast_in_dim3A_220 = vector.broadcast %jit3A_219 : f32 to vector<16xf32>
    %select_n3A_221 = arith.select %eq3A_218, %broadcast_in_dim3A_220, %select_n3A_114 : vector<16xi1>, vector<16xf32>
    %max3A_222 = arith.maximumf %select_n3A_207, %select_n3A_214 : vector<16xf32>
    %max3A_223 = arith.maximumf %max3A_222, %select_n3A_221 : vector<16xf32>
    %iota3A_224 = tpu.iota {dimensions = array<i32: 0>} : vector<16xi32>
    %xor3A_225 = arith.constant 8 : i32
    %xor3A_226 = vector.broadcast %xor3A_225 : i32 to vector<16xi32>
    %xor3A_227 = arith.xori %iota3A_224, %xor3A_226 : vector<16xi32>
    %broadcast_in_dim3A_228 = vector.shape_cast %xor3A_227 : vector<16xi32> to vector<16x1xi32>
    %gather3A_229 = vector.shape_cast %broadcast_in_dim3A_228 : vector<16x1xi32> to vector<16xi32>
    %gather3A_230 = tpu.dynamic_gather %max3A_223[%gather3A_229] in [0] : vector<16xf32>, vector<16xi32> -> vector<16xf32>
    %max3A_231 = arith.maximumf %max3A_223, %gather3A_230 : vector<16xf32>
    %xor3A_232 = arith.constant 4 : i32
    %xor3A_233 = vector.broadcast %xor3A_232 : i32 to vector<16xi32>
    %xor3A_234 = arith.xori %iota3A_224, %xor3A_233 : vector<16xi32>
    %broadcast_in_dim3A_235 = vector.shape_cast %xor3A_234 : vector<16xi32> to vector<16x1xi32>
    %gather3A_236 = vector.shape_cast %broadcast_in_dim3A_235 : vector<16x1xi32> to vector<16xi32>
    %gather3A_237 = tpu.dynamic_gather %max3A_231[%gather3A_236] in [0] : vector<16xf32>, vector<16xi32> -> vector<16xf32>
    %max3A_238 = arith.maximumf %max3A_231, %gather3A_237 : vector<16xf32>
    %xor3A_239 = arith.constant 2 : i32
    %xor3A_240 = vector.broadcast %xor3A_239 : i32 to vector<16xi32>
    %xor3A_241 = arith.xori %iota3A_224, %xor3A_240 : vector<16xi32>
    %broadcast_in_dim3A_242 = vector.shape_cast %xor3A_241 : vector<16xi32> to vector<16x1xi32>
    %gather3A_243 = vector.shape_cast %broadcast_in_dim3A_242 : vector<16x1xi32> to vector<16xi32>
    %gather3A_244 = tpu.dynamic_gather %max3A_238[%gather3A_243] in [0] : vector<16xf32>, vector<16xi32> -> vector<16xf32>
    %max3A_245 = arith.maximumf %max3A_238, %gather3A_244 : vector<16xf32>
    %xor3A_246 = arith.constant 1 : i32
    %xor3A_247 = vector.broadcast %xor3A_246 : i32 to vector<16xi32>
    %xor3A_248 = arith.xori %iota3A_224, %xor3A_247 : vector<16xi32>
    %broadcast_in_dim3A_249 = vector.shape_cast %xor3A_248 : vector<16xi32> to vector<16x1xi32>
    %gather3A_250 = vector.shape_cast %broadcast_in_dim3A_249 : vector<16x1xi32> to vector<16xi32>
    %gather3A_251 = tpu.dynamic_gather %max3A_245[%gather3A_250] in [0] : vector<16xf32>, vector<16xi32> -> vector<16xf32>
    %max3A_252 = arith.maximumf %max3A_245, %gather3A_251 : vector<16xf32>
    %broadcast_in_dim3A_253 = arith.constant 1048576 : i32
    %broadcast_in_dim3A_254 = vector.broadcast %broadcast_in_dim3A_253 : i32 to vector<16xi32>
    %ge3A_255 = arith.cmpf oge, %select_n3A_207, %max3A_252 : vector<16xf32>
    %add3A_256 = arith.constant 0 : i32
    %add3A_257 = vector.broadcast %add3A_256 : i32 to vector<16xi32>
    %add3A_258 = arith.addi %iota3A, %add3A_257 : vector<16xi32>
    %jit3A_259 = arith.constant 1048576 : i32
    %broadcast_in_dim3A_260 = vector.broadcast %jit3A_259 : i32 to vector<16xi32>
    %select_n3A_261 = arith.select %ge3A_255, %add3A_258, %broadcast_in_dim3A_260 : vector<16xi1>, vector<16xi32>
    %min3A_262 = arith.minsi %broadcast_in_dim3A_254, %select_n3A_261 : vector<16xi32>
    %ge3A_263 = arith.cmpf oge, %select_n3A_214, %max3A_252 : vector<16xf32>
    %add3A_264 = arith.constant 16 : i32
    %add3A_265 = vector.broadcast %add3A_264 : i32 to vector<16xi32>
    %add3A_266 = arith.addi %iota3A, %add3A_265 : vector<16xi32>
    %jit3A_267 = arith.constant 1048576 : i32
    %broadcast_in_dim3A_268 = vector.broadcast %jit3A_267 : i32 to vector<16xi32>
    %select_n3A_269 = arith.select %ge3A_263, %add3A_266, %broadcast_in_dim3A_268 : vector<16xi1>, vector<16xi32>
    %min3A_270 = arith.minsi %min3A_262, %select_n3A_269 : vector<16xi32>
    %ge3A_271 = arith.cmpf oge, %select_n3A_221, %max3A_252 : vector<16xf32>
    %add3A_272 = arith.constant 32 : i32
    %add3A_273 = vector.broadcast %add3A_272 : i32 to vector<16xi32>
    %add3A_274 = arith.addi %iota3A, %add3A_273 : vector<16xi32>
    %jit3A_275 = arith.constant 1048576 : i32
    %broadcast_in_dim3A_276 = vector.broadcast %jit3A_275 : i32 to vector<16xi32>
    %select_n3A_277 = arith.select %ge3A_271, %add3A_274, %broadcast_in_dim3A_276 : vector<16xi1>, vector<16xi32>
    %min3A_278 = arith.minsi %min3A_270, %select_n3A_277 : vector<16xi32>
    %iota3A_279 = tpu.iota {dimensions = array<i32: 0>} : vector<16xi32>
    %xor3A_280 = arith.constant 8 : i32
    %xor3A_281 = vector.broadcast %xor3A_280 : i32 to vector<16xi32>
    %xor3A_282 = arith.xori %iota3A_279, %xor3A_281 : vector<16xi32>
    %broadcast_in_dim3A_283 = vector.shape_cast %xor3A_282 : vector<16xi32> to vector<16x1xi32>
    %gather3A_284 = vector.shape_cast %broadcast_in_dim3A_283 : vector<16x1xi32> to vector<16xi32>
    %gather3A_285 = tpu.dynamic_gather %min3A_278[%gather3A_284] in [0] : vector<16xi32>, vector<16xi32> -> vector<16xi32>
    %min3A_286 = arith.minsi %min3A_278, %gather3A_285 : vector<16xi32>
    %xor3A_287 = arith.constant 4 : i32
    %xor3A_288 = vector.broadcast %xor3A_287 : i32 to vector<16xi32>
    %xor3A_289 = arith.xori %iota3A_279, %xor3A_288 : vector<16xi32>
    %broadcast_in_dim3A_290 = vector.shape_cast %xor3A_289 : vector<16xi32> to vector<16x1xi32>
    %gather3A_291 = vector.shape_cast %broadcast_in_dim3A_290 : vector<16x1xi32> to vector<16xi32>
    %gather3A_292 = tpu.dynamic_gather %min3A_286[%gather3A_291] in [0] : vector<16xi32>, vector<16xi32> -> vector<16xi32>
    %min3A_293 = arith.minsi %min3A_286, %gather3A_292 : vector<16xi32>
    %xor3A_294 = arith.constant 2 : i32
    %xor3A_295 = vector.broadcast %xor3A_294 : i32 to vector<16xi32>
    %xor3A_296 = arith.xori %iota3A_279, %xor3A_295 : vector<16xi32>
    %broadcast_in_dim3A_297 = vector.shape_cast %xor3A_296 : vector<16xi32> to vector<16x1xi32>
    %gather3A_298 = vector.shape_cast %broadcast_in_dim3A_297 : vector<16x1xi32> to vector<16xi32>
    %gather3A_299 = tpu.dynamic_gather %min3A_293[%gather3A_298] in [0] : vector<16xi32>, vector<16xi32> -> vector<16xi32>
    %min3A_300 = arith.minsi %min3A_293, %gather3A_299 : vector<16xi32>
    %xor3A_301 = arith.constant 1 : i32
    %xor3A_302 = vector.broadcast %xor3A_301 : i32 to vector<16xi32>
    %xor3A_303 = arith.xori %iota3A_279, %xor3A_302 : vector<16xi32>
    %broadcast_in_dim3A_304 = vector.shape_cast %xor3A_303 : vector<16xi32> to vector<16x1xi32>
    %gather3A_305 = vector.shape_cast %broadcast_in_dim3A_304 : vector<16x1xi32> to vector<16xi32>
    %gather3A_306 = tpu.dynamic_gather %min3A_300[%gather3A_305] in [0] : vector<16xi32>, vector<16xi32> -> vector<16xi32>
    %min3A_307 = arith.minsi %min3A_300, %gather3A_306 : vector<16xi32>
    %add3A_308 = arith.constant 0 : i32
    %add3A_309 = vector.broadcast %add3A_308 : i32 to vector<16xi32>
    %add3A_310 = arith.addi %iota3A, %add3A_309 : vector<16xi32>
    %eq3A_311 = arith.cmpi eq, %add3A_310, %min3A_307 : vector<16xi32>
    %jit3A_312 = arith.constant 0xFF800000 : f32
    %broadcast_in_dim3A_313 = vector.broadcast %jit3A_312 : f32 to vector<16xf32>
    %select_n3A_314 = arith.select %eq3A_311, %broadcast_in_dim3A_313, %select_n3A_207 : vector<16xi1>, vector<16xf32>
    %add3A_315 = arith.constant 16 : i32
    %add3A_316 = vector.broadcast %add3A_315 : i32 to vector<16xi32>
    %add3A_317 = arith.addi %iota3A, %add3A_316 : vector<16xi32>
    %eq3A_318 = arith.cmpi eq, %add3A_317, %min3A_307 : vector<16xi32>
    %jit3A_319 = arith.constant 0xFF800000 : f32
    %broadcast_in_dim3A_320 = vector.broadcast %jit3A_319 : f32 to vector<16xf32>
    %select_n3A_321 = arith.select %eq3A_318, %broadcast_in_dim3A_320, %select_n3A_214 : vector<16xi1>, vector<16xf32>
    %add3A_322 = arith.constant 32 : i32
    %add3A_323 = vector.broadcast %add3A_322 : i32 to vector<16xi32>
    %add3A_324 = arith.addi %iota3A, %add3A_323 : vector<16xi32>
    %eq3A_325 = arith.cmpi eq, %add3A_324, %min3A_307 : vector<16xi32>
    %jit3A_326 = arith.constant 0xFF800000 : f32
    %broadcast_in_dim3A_327 = vector.broadcast %jit3A_326 : f32 to vector<16xf32>
    %select_n3A_328 = arith.select %eq3A_325, %broadcast_in_dim3A_327, %select_n3A_221 : vector<16xi1>, vector<16xf32>
    %max3A_329 = arith.maximumf %select_n3A_314, %select_n3A_321 : vector<16xf32>
    %max3A_330 = arith.maximumf %max3A_329, %select_n3A_328 : vector<16xf32>
    %iota3A_331 = tpu.iota {dimensions = array<i32: 0>} : vector<16xi32>
    %xor3A_332 = arith.constant 8 : i32
    %xor3A_333 = vector.broadcast %xor3A_332 : i32 to vector<16xi32>
    %xor3A_334 = arith.xori %iota3A_331, %xor3A_333 : vector<16xi32>
    %broadcast_in_dim3A_335 = vector.shape_cast %xor3A_334 : vector<16xi32> to vector<16x1xi32>
    %gather3A_336 = vector.shape_cast %broadcast_in_dim3A_335 : vector<16x1xi32> to vector<16xi32>
    %gather3A_337 = tpu.dynamic_gather %max3A_330[%gather3A_336] in [0] : vector<16xf32>, vector<16xi32> -> vector<16xf32>
    %max3A_338 = arith.maximumf %max3A_330, %gather3A_337 : vector<16xf32>
    %xor3A_339 = arith.constant 4 : i32
    %xor3A_340 = vector.broadcast %xor3A_339 : i32 to vector<16xi32>
    %xor3A_341 = arith.xori %iota3A_331, %xor3A_340 : vector<16xi32>
    %broadcast_in_dim3A_342 = vector.shape_cast %xor3A_341 : vector<16xi32> to vector<16x1xi32>
    %gather3A_343 = vector.shape_cast %broadcast_in_dim3A_342 : vector<16x1xi32> to vector<16xi32>
    %gather3A_344 = tpu.dynamic_gather %max3A_338[%gather3A_343] in [0] : vector<16xf32>, vector<16xi32> -> vector<16xf32>
    %max3A_345 = arith.maximumf %max3A_338, %gather3A_344 : vector<16xf32>
    %xor3A_346 = arith.constant 2 : i32
    %xor3A_347 = vector.broadcast %xor3A_346 : i32 to vector<16xi32>
    %xor3A_348 = arith.xori %iota3A_331, %xor3A_347 : vector<16xi32>
    %broadcast_in_dim3A_349 = vector.shape_cast %xor3A_348 : vector<16xi32> to vector<16x1xi32>
    %gather3A_350 = vector.shape_cast %broadcast_in_dim3A_349 : vector<16x1xi32> to vector<16xi32>
    %gather3A_351 = tpu.dynamic_gather %max3A_345[%gather3A_350] in [0] : vector<16xf32>, vector<16xi32> -> vector<16xf32>
    %max3A_352 = arith.maximumf %max3A_345, %gather3A_351 : vector<16xf32>
    %xor3A_353 = arith.constant 1 : i32
    %xor3A_354 = vector.broadcast %xor3A_353 : i32 to vector<16xi32>
    %xor3A_355 = arith.xori %iota3A_331, %xor3A_354 : vector<16xi32>
    %broadcast_in_dim3A_356 = vector.shape_cast %xor3A_355 : vector<16xi32> to vector<16x1xi32>
    %gather3A_357 = vector.shape_cast %broadcast_in_dim3A_356 : vector<16x1xi32> to vector<16xi32>
    %gather3A_358 = tpu.dynamic_gather %max3A_352[%gather3A_357] in [0] : vector<16xf32>, vector<16xi32> -> vector<16xf32>
    %max3A_359 = arith.maximumf %max3A_352, %gather3A_358 : vector<16xf32>
    %broadcast_in_dim3A_360 = arith.constant 1048576 : i32
    %broadcast_in_dim3A_361 = vector.broadcast %broadcast_in_dim3A_360 : i32 to vector<16xi32>
    %ge3A_362 = arith.cmpf oge, %select_n3A_314, %max3A_359 : vector<16xf32>
    %add3A_363 = arith.constant 0 : i32
    %add3A_364 = vector.broadcast %add3A_363 : i32 to vector<16xi32>
    %add3A_365 = arith.addi %iota3A, %add3A_364 : vector<16xi32>
    %jit3A_366 = arith.constant 1048576 : i32
    %broadcast_in_dim3A_367 = vector.broadcast %jit3A_366 : i32 to vector<16xi32>
    %select_n3A_368 = arith.select %ge3A_362, %add3A_365, %broadcast_in_dim3A_367 : vector<16xi1>, vector<16xi32>
    %min3A_369 = arith.minsi %broadcast_in_dim3A_361, %select_n3A_368 : vector<16xi32>
    %ge3A_370 = arith.cmpf oge, %select_n3A_321, %max3A_359 : vector<16xf32>
    %add3A_371 = arith.constant 16 : i32
    %add3A_372 = vector.broadcast %add3A_371 : i32 to vector<16xi32>
    %add3A_373 = arith.addi %iota3A, %add3A_372 : vector<16xi32>
    %jit3A_374 = arith.constant 1048576 : i32
    %broadcast_in_dim3A_375 = vector.broadcast %jit3A_374 : i32 to vector<16xi32>
    %select_n3A_376 = arith.select %ge3A_370, %add3A_373, %broadcast_in_dim3A_375 : vector<16xi1>, vector<16xi32>
    %min3A_377 = arith.minsi %min3A_369, %select_n3A_376 : vector<16xi32>
    %ge3A_378 = arith.cmpf oge, %select_n3A_328, %max3A_359 : vector<16xf32>
    %add3A_379 = arith.constant 32 : i32
    %add3A_380 = vector.broadcast %add3A_379 : i32 to vector<16xi32>
    %add3A_381 = arith.addi %iota3A, %add3A_380 : vector<16xi32>
    %jit3A_382 = arith.constant 1048576 : i32
    %broadcast_in_dim3A_383 = vector.broadcast %jit3A_382 : i32 to vector<16xi32>
    %select_n3A_384 = arith.select %ge3A_378, %add3A_381, %broadcast_in_dim3A_383 : vector<16xi1>, vector<16xi32>
    %min3A_385 = arith.minsi %min3A_377, %select_n3A_384 : vector<16xi32>
    %iota3A_386 = tpu.iota {dimensions = array<i32: 0>} : vector<16xi32>
    %xor3A_387 = arith.constant 8 : i32
    %xor3A_388 = vector.broadcast %xor3A_387 : i32 to vector<16xi32>
    %xor3A_389 = arith.xori %iota3A_386, %xor3A_388 : vector<16xi32>
    %broadcast_in_dim3A_390 = vector.shape_cast %xor3A_389 : vector<16xi32> to vector<16x1xi32>
    %gather3A_391 = vector.shape_cast %broadcast_in_dim3A_390 : vector<16x1xi32> to vector<16xi32>
    %gather3A_392 = tpu.dynamic_gather %min3A_385[%gather3A_391] in [0] : vector<16xi32>, vector<16xi32> -> vector<16xi32>
    %min3A_393 = arith.minsi %min3A_385, %gather3A_392 : vector<16xi32>
    %xor3A_394 = arith.constant 4 : i32
    %xor3A_395 = vector.broadcast %xor3A_394 : i32 to vector<16xi32>
    %xor3A_396 = arith.xori %iota3A_386, %xor3A_395 : vector<16xi32>
    %broadcast_in_dim3A_397 = vector.shape_cast %xor3A_396 : vector<16xi32> to vector<16x1xi32>
    %gather3A_398 = vector.shape_cast %broadcast_in_dim3A_397 : vector<16x1xi32> to vector<16xi32>
    %gather3A_399 = tpu.dynamic_gather %min3A_393[%gather3A_398] in [0] : vector<16xi32>, vector<16xi32> -> vector<16xi32>
    %min3A_400 = arith.minsi %min3A_393, %gather3A_399 : vector<16xi32>
    %xor3A_401 = arith.constant 2 : i32
    %xor3A_402 = vector.broadcast %xor3A_401 : i32 to vector<16xi32>
    %xor3A_403 = arith.xori %iota3A_386, %xor3A_402 : vector<16xi32>
    %broadcast_in_dim3A_404 = vector.shape_cast %xor3A_403 : vector<16xi32> to vector<16x1xi32>
    %gather3A_405 = vector.shape_cast %broadcast_in_dim3A_404 : vector<16x1xi32> to vector<16xi32>
    %gather3A_406 = tpu.dynamic_gather %min3A_400[%gather3A_405] in [0] : vector<16xi32>, vector<16xi32> -> vector<16xi32>
    %min3A_407 = arith.minsi %min3A_400, %gather3A_406 : vector<16xi32>
    %xor3A_408 = arith.constant 1 : i32
    %xor3A_409 = vector.broadcast %xor3A_408 : i32 to vector<16xi32>
    %xor3A_410 = arith.xori %iota3A_386, %xor3A_409 : vector<16xi32>
    %broadcast_in_dim3A_411 = vector.shape_cast %xor3A_410 : vector<16xi32> to vector<16x1xi32>
    %gather3A_412 = vector.shape_cast %broadcast_in_dim3A_411 : vector<16x1xi32> to vector<16xi32>
    %gather3A_413 = tpu.dynamic_gather %min3A_407[%gather3A_412] in [0] : vector<16xi32>, vector<16xi32> -> vector<16xi32>
    %min3A_414 = arith.minsi %min3A_407, %gather3A_413 : vector<16xi32>
    %add3A_415 = arith.constant 0 : i32
    %add3A_416 = vector.broadcast %add3A_415 : i32 to vector<16xi32>
    %add3A_417 = arith.addi %iota3A, %add3A_416 : vector<16xi32>
    %eq3A_418 = arith.cmpi eq, %add3A_417, %min3A_414 : vector<16xi32>
    %jit3A_419 = arith.constant 0xFF800000 : f32
    %broadcast_in_dim3A_420 = vector.broadcast %jit3A_419 : f32 to vector<16xf32>
    %select_n3A_421 = arith.select %eq3A_418, %broadcast_in_dim3A_420, %select_n3A_314 : vector<16xi1>, vector<16xf32>
    %add3A_422 = arith.constant 16 : i32
    %add3A_423 = vector.broadcast %add3A_422 : i32 to vector<16xi32>
    %add3A_424 = arith.addi %iota3A, %add3A_423 : vector<16xi32>
    %eq3A_425 = arith.cmpi eq, %add3A_424, %min3A_414 : vector<16xi32>
    %jit3A_426 = arith.constant 0xFF800000 : f32
    %broadcast_in_dim3A_427 = vector.broadcast %jit3A_426 : f32 to vector<16xf32>
    %select_n3A_428 = arith.select %eq3A_425, %broadcast_in_dim3A_427, %select_n3A_321 : vector<16xi1>, vector<16xf32>
    %add3A_429 = arith.constant 32 : i32
    %add3A_430 = vector.broadcast %add3A_429 : i32 to vector<16xi32>
    %add3A_431 = arith.addi %iota3A, %add3A_430 : vector<16xi32>
    %eq3A_432 = arith.cmpi eq, %add3A_431, %min3A_414 : vector<16xi32>
    %jit3A_433 = arith.constant 0xFF800000 : f32
    %broadcast_in_dim3A_434 = vector.broadcast %jit3A_433 : f32 to vector<16xf32>
    %select_n3A_435 = arith.select %eq3A_432, %broadcast_in_dim3A_434, %select_n3A_328 : vector<16xi1>, vector<16xf32>
    %broadcast_in_dim3A_436 = arith.constant 0xFF800000 : f32
    %broadcast_in_dim3A_437 = vector.broadcast %broadcast_in_dim3A_436 : f32 to vector<16xf32>
    %eq3A_438 = arith.constant 0 : i32
    %eq3A_439 = vector.broadcast %eq3A_438 : i32 to vector<16xi32>
    %eq3A_440 = arith.cmpi eq, %iota3A, %eq3A_439 : vector<16xi32>
    %select_n3A_441 = arith.select %eq3A_440, %max3A_43, %broadcast_in_dim3A_437 : vector<16xi1>, vector<16xf32>
    %eq3A_442 = arith.constant 1 : i32
    %eq3A_443 = vector.broadcast %eq3A_442 : i32 to vector<16xi32>
    %eq3A_444 = arith.cmpi eq, %iota3A, %eq3A_443 : vector<16xi32>
    %select_n3A_445 = arith.select %eq3A_444, %max3A_145, %select_n3A_441 : vector<16xi1>, vector<16xf32>
    %eq3A_446 = arith.constant 2 : i32
    %eq3A_447 = vector.broadcast %eq3A_446 : i32 to vector<16xi32>
    %eq3A_448 = arith.cmpi eq, %iota3A, %eq3A_447 : vector<16xi32>
    %select_n3A_449 = arith.select %eq3A_448, %max3A_252, %select_n3A_445 : vector<16xi1>, vector<16xf32>
    %eq3A_450 = arith.constant 3 : i32
    %eq3A_451 = vector.broadcast %eq3A_450 : i32 to vector<16xi32>
    %eq3A_452 = arith.cmpi eq, %iota3A, %eq3A_451 : vector<16xi32>
    %select_n3A_453 = arith.select %eq3A_452, %max3A_359, %select_n3A_449 : vector<16xi1>, vector<16xf32>
    %sub3A = arith.subf %select_n3A_453, %max3A_43 : vector<16xf32>
    %exp3A = math.exp %sub3A : vector<16xf32>
    %iota3A_454 = tpu.iota {dimensions = array<i32: 0>} : vector<16xi32>
    %xor3A_455 = arith.constant 8 : i32
    %xor3A_456 = vector.broadcast %xor3A_455 : i32 to vector<16xi32>
    %xor3A_457 = arith.xori %iota3A_454, %xor3A_456 : vector<16xi32>
    %broadcast_in_dim3A_458 = vector.shape_cast %xor3A_457 : vector<16xi32> to vector<16x1xi32>
    %gather3A_459 = vector.shape_cast %broadcast_in_dim3A_458 : vector<16x1xi32> to vector<16xi32>
    %gather3A_460 = tpu.dynamic_gather %exp3A[%gather3A_459] in [0] : vector<16xf32>, vector<16xi32> -> vector<16xf32>
    %add3A_461 = arith.addf %exp3A, %gather3A_460 : vector<16xf32>
    %xor3A_462 = arith.constant 4 : i32
    %xor3A_463 = vector.broadcast %xor3A_462 : i32 to vector<16xi32>
    %xor3A_464 = arith.xori %iota3A_454, %xor3A_463 : vector<16xi32>
    %broadcast_in_dim3A_465 = vector.shape_cast %xor3A_464 : vector<16xi32> to vector<16x1xi32>
    %gather3A_466 = vector.shape_cast %broadcast_in_dim3A_465 : vector<16x1xi32> to vector<16xi32>
    %gather3A_467 = tpu.dynamic_gather %add3A_461[%gather3A_466] in [0] : vector<16xf32>, vector<16xi32> -> vector<16xf32>
    %add3A_468 = arith.addf %add3A_461, %gather3A_467 : vector<16xf32>
    %xor3A_469 = arith.constant 2 : i32
    %xor3A_470 = vector.broadcast %xor3A_469 : i32 to vector<16xi32>
    %xor3A_471 = arith.xori %iota3A_454, %xor3A_470 : vector<16xi32>
    %broadcast_in_dim3A_472 = vector.shape_cast %xor3A_471 : vector<16xi32> to vector<16x1xi32>
    %gather3A_473 = vector.shape_cast %broadcast_in_dim3A_472 : vector<16x1xi32> to vector<16xi32>
    %gather3A_474 = tpu.dynamic_gather %add3A_468[%gather3A_473] in [0] : vector<16xf32>, vector<16xi32> -> vector<16xf32>
    %add3A_475 = arith.addf %add3A_468, %gather3A_474 : vector<16xf32>
    %xor3A_476 = arith.constant 1 : i32
    %xor3A_477 = vector.broadcast %xor3A_476 : i32 to vector<16xi32>
    %xor3A_478 = arith.xori %iota3A_454, %xor3A_477 : vector<16xi32>
    %broadcast_in_dim3A_479 = vector.shape_cast %xor3A_478 : vector<16xi32> to vector<16x1xi32>
    %gather3A_480 = vector.shape_cast %broadcast_in_dim3A_479 : vector<16x1xi32> to vector<16xi32>
    %gather3A_481 = tpu.dynamic_gather %add3A_475[%gather3A_480] in [0] : vector<16xf32>, vector<16xi32> -> vector<16xf32>
    %add3A_482 = arith.addf %add3A_475, %gather3A_481 : vector<16xf32>
    %div3A = arith.divf %exp3A, %add3A_482 : vector<16xf32>
    %broadcast_in_dim3A_483 = arith.constant 0 : i32
    %broadcast_in_dim3A_484 = vector.broadcast %broadcast_in_dim3A_483 : i32 to vector<16xi32>
    %broadcast_in_dim3A_485 = vector.shape_cast %broadcast_in_dim3A_484 : vector<16xi32> to vector<16x1xi32>
    %gather3A_486 = vector.shape_cast %broadcast_in_dim3A_485 : vector<16x1xi32> to vector<16xi32>
    %gather3A_487 = tpu.dynamic_gather %div3A[%gather3A_486] in [0] : vector<16xf32>, vector<16xi32> -> vector<16xf32>
    %broadcast_in_dim3A_488 = arith.constant 1 : i32
    %broadcast_in_dim3A_489 = vector.broadcast %broadcast_in_dim3A_488 : i32 to vector<16xi32>
    %broadcast_in_dim3A_490 = vector.shape_cast %broadcast_in_dim3A_489 : vector<16xi32> to vector<16x1xi32>
    %gather3A_491 = vector.shape_cast %broadcast_in_dim3A_490 : vector<16x1xi32> to vector<16xi32>
    %gather3A_492 = tpu.dynamic_gather %div3A[%gather3A_491] in [0] : vector<16xf32>, vector<16xi32> -> vector<16xf32>
    %broadcast_in_dim3A_493 = arith.constant 2 : i32
    %broadcast_in_dim3A_494 = vector.broadcast %broadcast_in_dim3A_493 : i32 to vector<16xi32>
    %broadcast_in_dim3A_495 = vector.shape_cast %broadcast_in_dim3A_494 : vector<16xi32> to vector<16x1xi32>
    %gather3A_496 = vector.shape_cast %broadcast_in_dim3A_495 : vector<16x1xi32> to vector<16xi32>
    %gather3A_497 = tpu.dynamic_gather %div3A[%gather3A_496] in [0] : vector<16xf32>, vector<16xi32> -> vector<16xf32>
    %broadcast_in_dim3A_498 = arith.constant 3 : i32
    %broadcast_in_dim3A_499 = vector.broadcast %broadcast_in_dim3A_498 : i32 to vector<16xi32>
    %broadcast_in_dim3A_500 = vector.shape_cast %broadcast_in_dim3A_499 : vector<16xi32> to vector<16x1xi32>
    %gather3A_501 = vector.shape_cast %broadcast_in_dim3A_500 : vector<16x1xi32> to vector<16xi32>
    %gather3A_502 = tpu.dynamic_gather %div3A[%gather3A_501] in [0] : vector<16xf32>, vector<16xi32> -> vector<16xf32>
    %broadcast_in_dim3A_503 = arith.constant 0.000000e+00 : f32
    %broadcast_in_dim3A_504 = vector.broadcast %broadcast_in_dim3A_503 : f32 to vector<16xf32>
    %add3A_505 = arith.constant 0 : i32
    %add3A_506 = vector.broadcast %add3A_505 : i32 to vector<16xi32>
    %add3A_507 = arith.addi %iota3A, %add3A_506 : vector<16xi32>
    %eq3A_508 = arith.cmpi eq, %add3A_507, %min3A_94 : vector<16xi32>
    %select_n3A_509 = arith.select %eq3A_508, %gather3A_487, %broadcast_in_dim3A_504 : vector<16xi1>, vector<16xf32>
    %add3A_510 = arith.constant 0 : i32
    %add3A_511 = vector.broadcast %add3A_510 : i32 to vector<16xi32>
    %add3A_512 = arith.addi %iota3A, %add3A_511 : vector<16xi32>
    %eq3A_513 = arith.cmpi eq, %add3A_512, %min3A_200 : vector<16xi32>
    %select_n3A_514 = arith.select %eq3A_513, %gather3A_492, %select_n3A_509 : vector<16xi1>, vector<16xf32>
    %add3A_515 = arith.constant 0 : i32
    %add3A_516 = vector.broadcast %add3A_515 : i32 to vector<16xi32>
    %add3A_517 = arith.addi %iota3A, %add3A_516 : vector<16xi32>
    %eq3A_518 = arith.cmpi eq, %add3A_517, %min3A_307 : vector<16xi32>
    %select_n3A_519 = arith.select %eq3A_518, %gather3A_497, %select_n3A_514 : vector<16xi1>, vector<16xf32>
    %add3A_520 = arith.constant 0 : i32
    %add3A_521 = vector.broadcast %add3A_520 : i32 to vector<16xi32>
    %add3A_522 = arith.addi %iota3A, %add3A_521 : vector<16xi32>
    %eq3A_523 = arith.cmpi eq, %add3A_522, %min3A_414 : vector<16xi32>
    %select_n3A_524 = arith.select %eq3A_523, %gather3A_502, %select_n3A_519 : vector<16xi1>, vector<16xf32>
    %swap3A = arith.constant 0 : i32
    %swap3A_525 = arith.index_cast %swap3A : i32 to index
    %swap3A_526 = arith.constant 0 : index
    %swap3A_527 = tpu.vector_load %arg5[%swap3A_525, %swap3A_526] {strides = array<i32>} : memref<8x48xf32, #tpu.memory_space<vmem>>, vector<1x16xf32>,
    %swap3A_528 = vector.shape_cast %swap3A_527 : vector<1x16xf32> to vector<16xf32>
    %swap3A_529 = vector.shape_cast %select_n3A_524 : vector<16xf32> to vector<1x16xf32>
    tpu.vector_store %arg5[%swap3A_525, %swap3A_526], %swap3A_529 {strides = array<i32>} : memref<8x48xf32, #tpu.memory_space<vmem>>, vector<1x16xf32>,
    %broadcast_in_dim3A_530 = arith.constant 0.000000e+00 : f32
    %broadcast_in_dim3A_531 = vector.broadcast %broadcast_in_dim3A_530 : f32 to vector<16xf32>
    %add3A_532 = arith.constant 16 : i32
    %add3A_533 = vector.broadcast %add3A_532 : i32 to vector<16xi32>
    %add3A_534 = arith.addi %iota3A, %add3A_533 : vector<16xi32>
    %eq3A_535 = arith.cmpi eq, %add3A_534, %min3A_94 : vector<16xi32>
    %select_n3A_536 = arith.select %eq3A_535, %gather3A_487, %broadcast_in_dim3A_531 : vector<16xi1>, vector<16xf32>
    %add3A_537 = arith.constant 16 : i32
    %add3A_538 = vector.broadcast %add3A_537 : i32 to vector<16xi32>
    %add3A_539 = arith.addi %iota3A, %add3A_538 : vector<16xi32>
    %eq3A_540 = arith.cmpi eq, %add3A_539, %min3A_200 : vector<16xi32>
    %select_n3A_541 = arith.select %eq3A_540, %gather3A_492, %select_n3A_536 : vector<16xi1>, vector<16xf32>
    %add3A_542 = arith.constant 16 : i32
    %add3A_543 = vector.broadcast %add3A_542 : i32 to vector<16xi32>
    %add3A_544 = arith.addi %iota3A, %add3A_543 : vector<16xi32>
    %eq3A_545 = arith.cmpi eq, %add3A_544, %min3A_307 : vector<16xi32>
    %select_n3A_546 = arith.select %eq3A_545, %gather3A_497, %select_n3A_541 : vector<16xi1>, vector<16xf32>
    %add3A_547 = arith.constant 16 : i32
    %add3A_548 = vector.broadcast %add3A_547 : i32 to vector<16xi32>
    %add3A_549 = arith.addi %iota3A, %add3A_548 : vector<16xi32>
    %eq3A_550 = arith.cmpi eq, %add3A_549, %min3A_414 : vector<16xi32>
    %select_n3A_551 = arith.select %eq3A_550, %gather3A_502, %select_n3A_546 : vector<16xi1>, vector<16xf32>
    %swap3A_552 = arith.constant 0 : i32
    %swap3A_553 = arith.index_cast %swap3A_552 : i32 to index
    %swap3A_554 = arith.constant 16 : index
    %swap3A_555 = tpu.vector_load %arg5[%swap3A_553, %swap3A_554] {strides = array<i32>} : memref<8x48xf32, #tpu.memory_space<vmem>>, vector<1x16xf32>,
    %swap3A_556 = vector.shape_cast %swap3A_555 : vector<1x16xf32> to vector<16xf32>
    %swap3A_557 = vector.shape_cast %select_n3A_551 : vector<16xf32> to vector<1x16xf32>
    tpu.vector_store %arg5[%swap3A_553, %swap3A_554], %swap3A_557 {strides = array<i32>} : memref<8x48xf32, #tpu.memory_space<vmem>>, vector<1x16xf32>,
    %broadcast_in_dim3A_558 = arith.constant 0.000000e+00 : f32
    %broadcast_in_dim3A_559 = vector.broadcast %broadcast_in_dim3A_558 : f32 to vector<16xf32>
    %add3A_560 = arith.constant 32 : i32
    %add3A_561 = vector.broadcast %add3A_560 : i32 to vector<16xi32>
    %add3A_562 = arith.addi %iota3A, %add3A_561 : vector<16xi32>
    %eq3A_563 = arith.cmpi eq, %add3A_562, %min3A_94 : vector<16xi32>
    %select_n3A_564 = arith.select %eq3A_563, %gather3A_487, %broadcast_in_dim3A_559 : vector<16xi1>, vector<16xf32>
    %add3A_565 = arith.constant 32 : i32
    %add3A_566 = vector.broadcast %add3A_565 : i32 to vector<16xi32>
    %add3A_567 = arith.addi %iota3A, %add3A_566 : vector<16xi32>
    %eq3A_568 = arith.cmpi eq, %add3A_567, %min3A_200 : vector<16xi32>
    %select_n3A_569 = arith.select %eq3A_568, %gather3A_492, %select_n3A_564 : vector<16xi1>, vector<16xf32>
    %add3A_570 = arith.constant 32 : i32
    %add3A_571 = vector.broadcast %add3A_570 : i32 to vector<16xi32>
    %add3A_572 = arith.addi %iota3A, %add3A_571 : vector<16xi32>
    %eq3A_573 = arith.cmpi eq, %add3A_572, %min3A_307 : vector<16xi32>
    %select_n3A_574 = arith.select %eq3A_573, %gather3A_497, %select_n3A_569 : vector<16xi1>, vector<16xf32>
    %add3A_575 = arith.constant 32 : i32
    %add3A_576 = vector.broadcast %add3A_575 : i32 to vector<16xi32>
    %add3A_577 = arith.addi %iota3A, %add3A_576 : vector<16xi32>
    %eq3A_578 = arith.cmpi eq, %add3A_577, %min3A_414 : vector<16xi32>
    %select_n3A_579 = arith.select %eq3A_578, %gather3A_502, %select_n3A_574 : vector<16xi1>, vector<16xf32>
    %swap3A_580 = arith.constant 0 : i32
    %swap3A_581 = arith.index_cast %swap3A_580 : i32 to index
    %swap3A_582 = arith.constant 32 : index
    %swap3A_583 = tpu.vector_load %arg5[%swap3A_581, %swap3A_582] {strides = array<i32>} : memref<8x48xf32, #tpu.memory_space<vmem>>, vector<1x16xf32>,
    %swap3A_584 = vector.shape_cast %swap3A_583 : vector<1x16xf32> to vector<16xf32>
    %swap3A_585 = vector.shape_cast %select_n3A_579 : vector<16xf32> to vector<1x16xf32>
    tpu.vector_store %arg5[%swap3A_581, %swap3A_582], %swap3A_585 {strides = array<i32>} : memref<8x48xf32, #tpu.memory_space<vmem>>, vector<1x16xf32>,
    %get3A_586 = arith.constant 1 : i32
    %get3A_587 = arith.index_cast %get3A_586 : i32 to index
    %get3A_588 = arith.constant 0 : index
    %get3A_589 = tpu.vector_load %arg4[%get3A_587, %get3A_588] {strides = array<i32>} : memref<8x48xf32, #tpu.memory_space<vmem>>, vector<1x16xf32>,
    %get3A_590 = vector.shape_cast %get3A_589 : vector<1x16xf32> to vector<16xf32>
    %get3A_591 = arith.constant 1 : i32
    %get3A_592 = arith.index_cast %get3A_591 : i32 to index
    %get3A_593 = arith.constant 16 : index
    %get3A_594 = tpu.vector_load %arg4[%get3A_592, %get3A_593] {strides = array<i32>} : memref<8x48xf32, #tpu.memory_space<vmem>>, vector<1x16xf32>,
    %get3A_595 = vector.shape_cast %get3A_594 : vector<1x16xf32> to vector<16xf32>
    %get3A_596 = arith.constant 1 : i32
    %get3A_597 = arith.index_cast %get3A_596 : i32 to index
    %get3A_598 = arith.constant 32 : index
    %get3A_599 = tpu.vector_load %arg4[%get3A_597, %get3A_598] {strides = array<i32>} : memref<8x48xf32, #tpu.memory_space<vmem>>, vector<1x16xf32>,
    %get3A_600 = vector.shape_cast %get3A_599 : vector<1x16xf32> to vector<16xf32>
    %max3A_601 = arith.maximumf %get3A_590, %get3A_595 : vector<16xf32>
    %max3A_602 = arith.maximumf %max3A_601, %get3A_600 : vector<16xf32>
    %iota3A_603 = tpu.iota {dimensions = array<i32: 0>} : vector<16xi32>
    %xor3A_604 = arith.constant 8 : i32
    %xor3A_605 = vector.broadcast %xor3A_604 : i32 to vector<16xi32>
    %xor3A_606 = arith.xori %iota3A_603, %xor3A_605 : vector<16xi32>
    %broadcast_in_dim3A_607 = vector.shape_cast %xor3A_606 : vector<16xi32> to vector<16x1xi32>
    %gather3A_608 = vector.shape_cast %broadcast_in_dim3A_607 : vector<16x1xi32> to vector<16xi32>
    %gather3A_609 = tpu.dynamic_gather %max3A_602[%gather3A_608] in [0] : vector<16xf32>, vector<16xi32> -> vector<16xf32>
    %max3A_610 = arith.maximumf %max3A_602, %gather3A_609 : vector<16xf32>
    %xor3A_611 = arith.constant 4 : i32
    %xor3A_612 = vector.broadcast %xor3A_611 : i32 to vector<16xi32>
    %xor3A_613 = arith.xori %iota3A_603, %xor3A_612 : vector<16xi32>
    %broadcast_in_dim3A_614 = vector.shape_cast %xor3A_613 : vector<16xi32> to vector<16x1xi32>
    %gather3A_615 = vector.shape_cast %broadcast_in_dim3A_614 : vector<16x1xi32> to vector<16xi32>
    %gather3A_616 = tpu.dynamic_gather %max3A_610[%gather3A_615] in [0] : vector<16xf32>, vector<16xi32> -> vector<16xf32>
    %max3A_617 = arith.maximumf %max3A_610, %gather3A_616 : vector<16xf32>
    %xor3A_618 = arith.constant 2 : i32
    %xor3A_619 = vector.broadcast %xor3A_618 : i32 to vector<16xi32>
    %xor3A_620 = arith.xori %iota3A_603, %xor3A_619 : vector<16xi32>
    %broadcast_in_dim3A_621 = vector.shape_cast %xor3A_620 : vector<16xi32> to vector<16x1xi32>
    %gather3A_622 = vector.shape_cast %broadcast_in_dim3A_621 : vector<16x1xi32> to vector<16xi32>
    %gather3A_623 = tpu.dynamic_gather %max3A_617[%gather3A_622] in [0] : vector<16xf32>, vector<16xi32> -> vector<16xf32>
    %max3A_624 = arith.maximumf %max3A_617, %gather3A_623 : vector<16xf32>
    %xor3A_625 = arith.constant 1 : i32
    %xor3A_626 = vector.broadcast %xor3A_625 : i32 to vector<16xi32>
    %xor3A_627 = arith.xori %iota3A_603, %xor3A_626 : vector<16xi32>
    %broadcast_in_dim3A_628 = vector.shape_cast %xor3A_627 : vector<16xi32> to vector<16x1xi32>
    %gather3A_629 = vector.shape_cast %broadcast_in_dim3A_628 : vector<16x1xi32> to vector<16xi32>
    %gather3A_630 = tpu.dynamic_gather %max3A_624[%gather3A_629] in [0] : vector<16xf32>, vector<16xi32> -> vector<16xf32>
    %max3A_631 = arith.maximumf %max3A_624, %gather3A_630 : vector<16xf32>
    %broadcast_in_dim3A_632 = arith.constant 1048576 : i32
    %broadcast_in_dim3A_633 = vector.broadcast %broadcast_in_dim3A_632 : i32 to vector<16xi32>
    %ge3A_634 = arith.cmpf oge, %get3A_590, %max3A_631 : vector<16xf32>
    %add3A_635 = arith.constant 0 : i32
    %add3A_636 = vector.broadcast %add3A_635 : i32 to vector<16xi32>
    %add3A_637 = arith.addi %iota3A, %add3A_636 : vector<16xi32>
    %jit3A_638 = arith.constant 1048576 : i32
    %broadcast_in_dim3A_639 = vector.broadcast %jit3A_638 : i32 to vector<16xi32>
    %select_n3A_640 = arith.select %ge3A_634, %add3A_637, %broadcast_in_dim3A_639 : vector<16xi1>, vector<16xi32>
    %min3A_641 = arith.minsi %broadcast_in_dim3A_633, %select_n3A_640 : vector<16xi32>
    %ge3A_642 = arith.cmpf oge, %get3A_595, %max3A_631 : vector<16xf32>
    %add3A_643 = arith.constant 16 : i32
    %add3A_644 = vector.broadcast %add3A_643 : i32 to vector<16xi32>
    %add3A_645 = arith.addi %iota3A, %add3A_644 : vector<16xi32>
    %jit3A_646 = arith.constant 1048576 : i32
    %broadcast_in_dim3A_647 = vector.broadcast %jit3A_646 : i32 to vector<16xi32>
    %select_n3A_648 = arith.select %ge3A_642, %add3A_645, %broadcast_in_dim3A_647 : vector<16xi1>, vector<16xi32>
    %min3A_649 = arith.minsi %min3A_641, %select_n3A_648 : vector<16xi32>
    %ge3A_650 = arith.cmpf oge, %get3A_600, %max3A_631 : vector<16xf32>
    %add3A_651 = arith.constant 32 : i32
    %add3A_652 = vector.broadcast %add3A_651 : i32 to vector<16xi32>
    %add3A_653 = arith.addi %iota3A, %add3A_652 : vector<16xi32>
    %jit3A_654 = arith.constant 1048576 : i32
    %broadcast_in_dim3A_655 = vector.broadcast %jit3A_654 : i32 to vector<16xi32>
    %select_n3A_656 = arith.select %ge3A_650, %add3A_653, %broadcast_in_dim3A_655 : vector<16xi1>, vector<16xi32>
    %min3A_657 = arith.minsi %min3A_649, %select_n3A_656 : vector<16xi32>
    %iota3A_658 = tpu.iota {dimensions = array<i32: 0>} : vector<16xi32>
    %xor3A_659 = arith.constant 8 : i32
    %xor3A_660 = vector.broadcast %xor3A_659 : i32 to vector<16xi32>
    %xor3A_661 = arith.xori %iota3A_658, %xor3A_660 : vector<16xi32>
    %broadcast_in_dim3A_662 = vector.shape_cast %xor3A_661 : vector<16xi32> to vector<16x1xi32>
    %gather3A_663 = vector.shape_cast %broadcast_in_dim3A_662 : vector<16x1xi32> to vector<16xi32>
    %gather3A_664 = tpu.dynamic_gather %min3A_657[%gather3A_663] in [0] : vector<16xi32>, vector<16xi32> -> vector<16xi32>
    %min3A_665 = arith.minsi %min3A_657, %gather3A_664 : vector<16xi32>
    %xor3A_666 = arith.constant 4 : i32
    %xor3A_667 = vector.broadcast %xor3A_666 : i32 to vector<16xi32>
    %xor3A_668 = arith.xori %iota3A_658, %xor3A_667 : vector<16xi32>
    %broadcast_in_dim3A_669 = vector.shape_cast %xor3A_668 : vector<16xi32> to vector<16x1xi32>
    %gather3A_670 = vector.shape_cast %broadcast_in_dim3A_669 : vector<16x1xi32> to vector<16xi32>
    %gather3A_671 = tpu.dynamic_gather %min3A_665[%gather3A_670] in [0] : vector<16xi32>, vector<16xi32> -> vector<16xi32>
    %min3A_672 = arith.minsi %min3A_665, %gather3A_671 : vector<16xi32>
    %xor3A_673 = arith.constant 2 : i32
    %xor3A_674 = vector.broadcast %xor3A_673 : i32 to vector<16xi32>
    %xor3A_675 = arith.xori %iota3A_658, %xor3A_674 : vector<16xi32>
    %broadcast_in_dim3A_676 = vector.shape_cast %xor3A_675 : vector<16xi32> to vector<16x1xi32>
    %gather3A_677 = vector.shape_cast %broadcast_in_dim3A_676 : vector<16x1xi32> to vector<16xi32>
    %gather3A_678 = tpu.dynamic_gather %min3A_672[%gather3A_677] in [0] : vector<16xi32>, vector<16xi32> -> vector<16xi32>
    %min3A_679 = arith.minsi %min3A_672, %gather3A_678 : vector<16xi32>
    %xor3A_680 = arith.constant 1 : i32
    %xor3A_681 = vector.broadcast %xor3A_680 : i32 to vector<16xi32>
    %xor3A_682 = arith.xori %iota3A_658, %xor3A_681 : vector<16xi32>
    %broadcast_in_dim3A_683 = vector.shape_cast %xor3A_682 : vector<16xi32> to vector<16x1xi32>
    %gather3A_684 = vector.shape_cast %broadcast_in_dim3A_683 : vector<16x1xi32> to vector<16xi32>
    %gather3A_685 = tpu.dynamic_gather %min3A_679[%gather3A_684] in [0] : vector<16xi32>, vector<16xi32> -> vector<16xi32>
    %min3A_686 = arith.minsi %min3A_679, %gather3A_685 : vector<16xi32>
    %add3A_687 = arith.constant 0 : i32
    %add3A_688 = vector.broadcast %add3A_687 : i32 to vector<16xi32>
    %add3A_689 = arith.addi %iota3A, %add3A_688 : vector<16xi32>
    %eq3A_690 = arith.cmpi eq, %add3A_689, %min3A_686 : vector<16xi32>
    %jit3A_691 = arith.constant 0xFF800000 : f32
    %broadcast_in_dim3A_692 = vector.broadcast %jit3A_691 : f32 to vector<16xf32>
    %select_n3A_693 = arith.select %eq3A_690, %broadcast_in_dim3A_692, %get3A_590 : vector<16xi1>, vector<16xf32>
    %add3A_694 = arith.constant 16 : i32
    %add3A_695 = vector.broadcast %add3A_694 : i32 to vector<16xi32>
    %add3A_696 = arith.addi %iota3A, %add3A_695 : vector<16xi32>
    %eq3A_697 = arith.cmpi eq, %add3A_696, %min3A_686 : vector<16xi32>
    %jit3A_698 = arith.constant 0xFF800000 : f32
    %broadcast_in_dim3A_699 = vector.broadcast %jit3A_698 : f32 to vector<16xf32>
    %select_n3A_700 = arith.select %eq3A_697, %broadcast_in_dim3A_699, %get3A_595 : vector<16xi1>, vector<16xf32>
    %add3A_701 = arith.constant 32 : i32
    %add3A_702 = vector.broadcast %add3A_701 : i32 to vector<16xi32>
    %add3A_703 = arith.addi %iota3A, %add3A_702 : vector<16xi32>
    %eq3A_704 = arith.cmpi eq, %add3A_703, %min3A_686 : vector<16xi32>
    %jit3A_705 = arith.constant 0xFF800000 : f32
    %broadcast_in_dim3A_706 = vector.broadcast %jit3A_705 : f32 to vector<16xf32>
    %select_n3A_707 = arith.select %eq3A_704, %broadcast_in_dim3A_706, %get3A_600 : vector<16xi1>, vector<16xf32>
    %max3A_708 = arith.maximumf %select_n3A_693, %select_n3A_700 : vector<16xf32>
    %max3A_709 = arith.maximumf %max3A_708, %select_n3A_707 : vector<16xf32>
    %iota3A_710 = tpu.iota {dimensions = array<i32: 0>} : vector<16xi32>
    %xor3A_711 = arith.constant 8 : i32
    %xor3A_712 = vector.broadcast %xor3A_711 : i32 to vector<16xi32>
    %xor3A_713 = arith.xori %iota3A_710, %xor3A_712 : vector<16xi32>
    %broadcast_in_dim3A_714 = vector.shape_cast %xor3A_713 : vector<16xi32> to vector<16x1xi32>
    %gather3A_715 = vector.shape_cast %broadcast_in_dim3A_714 : vector<16x1xi32> to vector<16xi32>
    %gather3A_716 = tpu.dynamic_gather %max3A_709[%gather3A_715] in [0] : vector<16xf32>, vector<16xi32> -> vector<16xf32>
    %max3A_717 = arith.maximumf %max3A_709, %gather3A_716 : vector<16xf32>
    %xor3A_718 = arith.constant 4 : i32
    %xor3A_719 = vector.broadcast %xor3A_718 : i32 to vector<16xi32>
    %xor3A_720 = arith.xori %iota3A_710, %xor3A_719 : vector<16xi32>
    %broadcast_in_dim3A_721 = vector.shape_cast %xor3A_720 : vector<16xi32> to vector<16x1xi32>
    %gather3A_722 = vector.shape_cast %broadcast_in_dim3A_721 : vector<16x1xi32> to vector<16xi32>
    %gather3A_723 = tpu.dynamic_gather %max3A_717[%gather3A_722] in [0] : vector<16xf32>, vector<16xi32> -> vector<16xf32>
    %max3A_724 = arith.maximumf %max3A_717, %gather3A_723 : vector<16xf32>
    %xor3A_725 = arith.constant 2 : i32
    %xor3A_726 = vector.broadcast %xor3A_725 : i32 to vector<16xi32>
    %xor3A_727 = arith.xori %iota3A_710, %xor3A_726 : vector<16xi32>
    %broadcast_in_dim3A_728 = vector.shape_cast %xor3A_727 : vector<16xi32> to vector<16x1xi32>
    %gather3A_729 = vector.shape_cast %broadcast_in_dim3A_728 : vector<16x1xi32> to vector<16xi32>
    %gather3A_730 = tpu.dynamic_gather %max3A_724[%gather3A_729] in [0] : vector<16xf32>, vector<16xi32> -> vector<16xf32>
    %max3A_731 = arith.maximumf %max3A_724, %gather3A_730 : vector<16xf32>
    %xor3A_732 = arith.constant 1 : i32
    %xor3A_733 = vector.broadcast %xor3A_732 : i32 to vector<16xi32>
    %xor3A_734 = arith.xori %iota3A_710, %xor3A_733 : vector<16xi32>
    %broadcast_in_dim3A_735 = vector.shape_cast %xor3A_734 : vector<16xi32> to vector<16x1xi32>
    %gather3A_736 = vector.shape_cast %broadcast_in_dim3A_735 : vector<16x1xi32> to vector<16xi32>
    %gather3A_737 = tpu.dynamic_gather %max3A_731[%gather3A_736] in [0] : vector<16xf32>, vector<16xi32> -> vector<16xf32>
    %max3A_738 = arith.maximumf %max3A_731, %gather3A_737 : vector<16xf32>
    %broadcast_in_dim3A_739 = arith.constant 1048576 : i32
    %broadcast_in_dim3A_740 = vector.broadcast %broadcast_in_dim3A_739 : i32 to vector<16xi32>
    %ge3A_741 = arith.cmpf oge, %select_n3A_693, %max3A_738 : vector<16xf32>
    %add3A_742 = arith.constant 0 : i32
    %add3A_743 = vector.broadcast %add3A_742 : i32 to vector<16xi32>
    %add3A_744 = arith.addi %iota3A, %add3A_743 : vector<16xi32>
    %jit3A_745 = arith.constant 1048576 : i32
    %broadcast_in_dim3A_746 = vector.broadcast %jit3A_745 : i32 to vector<16xi32>
    %select_n3A_747 = arith.select %ge3A_741, %add3A_744, %broadcast_in_dim3A_746 : vector<16xi1>, vector<16xi32>
    %min3A_748 = arith.minsi %broadcast_in_dim3A_740, %select_n3A_747 : vector<16xi32>
    %ge3A_749 = arith.cmpf oge, %select_n3A_700, %max3A_738 : vector<16xf32>
    %add3A_750 = arith.constant 16 : i32
    %add3A_751 = vector.broadcast %add3A_750 : i32 to vector<16xi32>
    %add3A_752 = arith.addi %iota3A, %add3A_751 : vector<16xi32>
    %jit3A_753 = arith.constant 1048576 : i32
    %broadcast_in_dim3A_754 = vector.broadcast %jit3A_753 : i32 to vector<16xi32>
    %select_n3A_755 = arith.select %ge3A_749, %add3A_752, %broadcast_in_dim3A_754 : vector<16xi1>, vector<16xi32>
    %min3A_756 = arith.minsi %min3A_748, %select_n3A_755 : vector<16xi32>
    %ge3A_757 = arith.cmpf oge, %select_n3A_707, %max3A_738 : vector<16xf32>
    %add3A_758 = arith.constant 32 : i32
    %add3A_759 = vector.broadcast %add3A_758 : i32 to vector<16xi32>
    %add3A_760 = arith.addi %iota3A, %add3A_759 : vector<16xi32>
    %jit3A_761 = arith.constant 1048576 : i32
    %broadcast_in_dim3A_762 = vector.broadcast %jit3A_761 : i32 to vector<16xi32>
    %select_n3A_763 = arith.select %ge3A_757, %add3A_760, %broadcast_in_dim3A_762 : vector<16xi1>, vector<16xi32>
    %min3A_764 = arith.minsi %min3A_756, %select_n3A_763 : vector<16xi32>
    %iota3A_765 = tpu.iota {dimensions = array<i32: 0>} : vector<16xi32>
    %xor3A_766 = arith.constant 8 : i32
    %xor3A_767 = vector.broadcast %xor3A_766 : i32 to vector<16xi32>
    %xor3A_768 = arith.xori %iota3A_765, %xor3A_767 : vector<16xi32>
    %broadcast_in_dim3A_769 = vector.shape_cast %xor3A_768 : vector<16xi32> to vector<16x1xi32>
    %gather3A_770 = vector.shape_cast %broadcast_in_dim3A_769 : vector<16x1xi32> to vector<16xi32>
    %gather3A_771 = tpu.dynamic_gather %min3A_764[%gather3A_770] in [0] : vector<16xi32>, vector<16xi32> -> vector<16xi32>
    %min3A_772 = arith.minsi %min3A_764, %gather3A_771 : vector<16xi32>
    %xor3A_773 = arith.constant 4 : i32
    %xor3A_774 = vector.broadcast %xor3A_773 : i32 to vector<16xi32>
    %xor3A_775 = arith.xori %iota3A_765, %xor3A_774 : vector<16xi32>
    %broadcast_in_dim3A_776 = vector.shape_cast %xor3A_775 : vector<16xi32> to vector<16x1xi32>
    %gather3A_777 = vector.shape_cast %broadcast_in_dim3A_776 : vector<16x1xi32> to vector<16xi32>
    %gather3A_778 = tpu.dynamic_gather %min3A_772[%gather3A_777] in [0] : vector<16xi32>, vector<16xi32> -> vector<16xi32>
    %min3A_779 = arith.minsi %min3A_772, %gather3A_778 : vector<16xi32>
    %xor3A_780 = arith.constant 2 : i32
    %xor3A_781 = vector.broadcast %xor3A_780 : i32 to vector<16xi32>
    %xor3A_782 = arith.xori %iota3A_765, %xor3A_781 : vector<16xi32>
    %broadcast_in_dim3A_783 = vector.shape_cast %xor3A_782 : vector<16xi32> to vector<16x1xi32>
    %gather3A_784 = vector.shape_cast %broadcast_in_dim3A_783 : vector<16x1xi32> to vector<16xi32>
    %gather3A_785 = tpu.dynamic_gather %min3A_779[%gather3A_784] in [0] : vector<16xi32>, vector<16xi32> -> vector<16xi32>
    %min3A_786 = arith.minsi %min3A_779, %gather3A_785 : vector<16xi32>
    %xor3A_787 = arith.constant 1 : i32
    %xor3A_788 = vector.broadcast %xor3A_787 : i32 to vector<16xi32>
    %xor3A_789 = arith.xori %iota3A_765, %xor3A_788 : vector<16xi32>
    %broadcast_in_dim3A_790 = vector.shape_cast %xor3A_789 : vector<16xi32> to vector<16x1xi32>
    %gather3A_791 = vector.shape_cast %broadcast_in_dim3A_790 : vector<16x1xi32> to vector<16xi32>
    %gather3A_792 = tpu.dynamic_gather %min3A_786[%gather3A_791] in [0] : vector<16xi32>, vector<16xi32> -> vector<16xi32>
    %min3A_793 = arith.minsi %min3A_786, %gather3A_792 : vector<16xi32>
    %add3A_794 = arith.constant 0 : i32
    %add3A_795 = vector.broadcast %add3A_794 : i32 to vector<16xi32>
    %add3A_796 = arith.addi %iota3A, %add3A_795 : vector<16xi32>
    %eq3A_797 = arith.cmpi eq, %add3A_796, %min3A_793 : vector<16xi32>
    %jit3A_798 = arith.constant 0xFF800000 : f32
    %broadcast_in_dim3A_799 = vector.broadcast %jit3A_798 : f32 to vector<16xf32>
    %select_n3A_800 = arith.select %eq3A_797, %broadcast_in_dim3A_799, %select_n3A_693 : vector<16xi1>, vector<16xf32>
    %add3A_801 = arith.constant 16 : i32
    %add3A_802 = vector.broadcast %add3A_801 : i32 to vector<16xi32>
    %add3A_803 = arith.addi %iota3A, %add3A_802 : vector<16xi32>
    %eq3A_804 = arith.cmpi eq, %add3A_803, %min3A_793 : vector<16xi32>
    %jit3A_805 = arith.constant 0xFF800000 : f32
    %broadcast_in_dim3A_806 = vector.broadcast %jit3A_805 : f32 to vector<16xf32>
    %select_n3A_807 = arith.select %eq3A_804, %broadcast_in_dim3A_806, %select_n3A_700 : vector<16xi1>, vector<16xf32>
    %add3A_808 = arith.constant 32 : i32
    %add3A_809 = vector.broadcast %add3A_808 : i32 to vector<16xi32>
    %add3A_810 = arith.addi %iota3A, %add3A_809 : vector<16xi32>
    %eq3A_811 = arith.cmpi eq, %add3A_810, %min3A_793 : vector<16xi32>
    %jit3A_812 = arith.constant 0xFF800000 : f32
    %broadcast_in_dim3A_813 = vector.broadcast %jit3A_812 : f32 to vector<16xf32>
    %select_n3A_814 = arith.select %eq3A_811, %broadcast_in_dim3A_813, %select_n3A_707 : vector<16xi1>, vector<16xf32>
    %max3A_815 = arith.maximumf %select_n3A_800, %select_n3A_807 : vector<16xf32>
    %max3A_816 = arith.maximumf %max3A_815, %select_n3A_814 : vector<16xf32>
    %iota3A_817 = tpu.iota {dimensions = array<i32: 0>} : vector<16xi32>
    %xor3A_818 = arith.constant 8 : i32
    %xor3A_819 = vector.broadcast %xor3A_818 : i32 to vector<16xi32>
    %xor3A_820 = arith.xori %iota3A_817, %xor3A_819 : vector<16xi32>
    %broadcast_in_dim3A_821 = vector.shape_cast %xor3A_820 : vector<16xi32> to vector<16x1xi32>
    %gather3A_822 = vector.shape_cast %broadcast_in_dim3A_821 : vector<16x1xi32> to vector<16xi32>
    %gather3A_823 = tpu.dynamic_gather %max3A_816[%gather3A_822] in [0] : vector<16xf32>, vector<16xi32> -> vector<16xf32>
    %max3A_824 = arith.maximumf %max3A_816, %gather3A_823 : vector<16xf32>
    %xor3A_825 = arith.constant 4 : i32
    %xor3A_826 = vector.broadcast %xor3A_825 : i32 to vector<16xi32>
    %xor3A_827 = arith.xori %iota3A_817, %xor3A_826 : vector<16xi32>
    %broadcast_in_dim3A_828 = vector.shape_cast %xor3A_827 : vector<16xi32> to vector<16x1xi32>
    %gather3A_829 = vector.shape_cast %broadcast_in_dim3A_828 : vector<16x1xi32> to vector<16xi32>
    %gather3A_830 = tpu.dynamic_gather %max3A_824[%gather3A_829] in [0] : vector<16xf32>, vector<16xi32> -> vector<16xf32>
    %max3A_831 = arith.maximumf %max3A_824, %gather3A_830 : vector<16xf32>
    %xor3A_832 = arith.constant 2 : i32
    %xor3A_833 = vector.broadcast %xor3A_832 : i32 to vector<16xi32>
    %xor3A_834 = arith.xori %iota3A_817, %xor3A_833 : vector<16xi32>
    %broadcast_in_dim3A_835 = vector.shape_cast %xor3A_834 : vector<16xi32> to vector<16x1xi32>
    %gather3A_836 = vector.shape_cast %broadcast_in_dim3A_835 : vector<16x1xi32> to vector<16xi32>
    %gather3A_837 = tpu.dynamic_gather %max3A_831[%gather3A_836] in [0] : vector<16xf32>, vector<16xi32> -> vector<16xf32>
    %max3A_838 = arith.maximumf %max3A_831, %gather3A_837 : vector<16xf32>
    %xor3A_839 = arith.constant 1 : i32
    %xor3A_840 = vector.broadcast %xor3A_839 : i32 to vector<16xi32>
    %xor3A_841 = arith.xori %iota3A_817, %xor3A_840 : vector<16xi32>
    %broadcast_in_dim3A_842 = vector.shape_cast %xor3A_841 : vector<16xi32> to vector<16x1xi32>
    %gather3A_843 = vector.shape_cast %broadcast_in_dim3A_842 : vector<16x1xi32> to vector<16xi32>
    %gather3A_844 = tpu.dynamic_gather %max3A_838[%gather3A_843] in [0] : vector<16xf32>, vector<16xi32> -> vector<16xf32>
    %max3A_845 = arith.maximumf %max3A_838, %gather3A_844 : vector<16xf32>
    %broadcast_in_dim3A_846 = arith.constant 1048576 : i32
    %broadcast_in_dim3A_847 = vector.broadcast %broadcast_in_dim3A_846 : i32 to vector<16xi32>
    %ge3A_848 = arith.cmpf oge, %select_n3A_800, %max3A_845 : vector<16xf32>
    %add3A_849 = arith.constant 0 : i32
    %add3A_850 = vector.broadcast %add3A_849 : i32 to vector<16xi32>
    %add3A_851 = arith.addi %iota3A, %add3A_850 : vector<16xi32>
    %jit3A_852 = arith.constant 1048576 : i32
    %broadcast_in_dim3A_853 = vector.broadcast %jit3A_852 : i32 to vector<16xi32>
    %select_n3A_854 = arith.select %ge3A_848, %add3A_851, %broadcast_in_dim3A_853 : vector<16xi1>, vector<16xi32>
    %min3A_855 = arith.minsi %broadcast_in_dim3A_847, %select_n3A_854 : vector<16xi32>
    %ge3A_856 = arith.cmpf oge, %select_n3A_807, %max3A_845 : vector<16xf32>
    %add3A_857 = arith.constant 16 : i32
    %add3A_858 = vector.broadcast %add3A_857 : i32 to vector<16xi32>
    %add3A_859 = arith.addi %iota3A, %add3A_858 : vector<16xi32>
    %jit3A_860 = arith.constant 1048576 : i32
    %broadcast_in_dim3A_861 = vector.broadcast %jit3A_860 : i32 to vector<16xi32>
    %select_n3A_862 = arith.select %ge3A_856, %add3A_859, %broadcast_in_dim3A_861 : vector<16xi1>, vector<16xi32>
    %min3A_863 = arith.minsi %min3A_855, %select_n3A_862 : vector<16xi32>
    %ge3A_864 = arith.cmpf oge, %select_n3A_814, %max3A_845 : vector<16xf32>
    %add3A_865 = arith.constant 32 : i32
    %add3A_866 = vector.broadcast %add3A_865 : i32 to vector<16xi32>
    %add3A_867 = arith.addi %iota3A, %add3A_866 : vector<16xi32>
    %jit3A_868 = arith.constant 1048576 : i32
    %broadcast_in_dim3A_869 = vector.broadcast %jit3A_868 : i32 to vector<16xi32>
    %select_n3A_870 = arith.select %ge3A_864, %add3A_867, %broadcast_in_dim3A_869 : vector<16xi1>, vector<16xi32>
    %min3A_871 = arith.minsi %min3A_863, %select_n3A_870 : vector<16xi32>
    %iota3A_872 = tpu.iota {dimensions = array<i32: 0>} : vector<16xi32>
    %xor3A_873 = arith.constant 8 : i32
    %xor3A_874 = vector.broadcast %xor3A_873 : i32 to vector<16xi32>
    %xor3A_875 = arith.xori %iota3A_872, %xor3A_874 : vector<16xi32>
    %broadcast_in_dim3A_876 = vector.shape_cast %xor3A_875 : vector<16xi32> to vector<16x1xi32>
    %gather3A_877 = vector.shape_cast %broadcast_in_dim3A_876 : vector<16x1xi32> to vector<16xi32>
    %gather3A_878 = tpu.dynamic_gather %min3A_871[%gather3A_877] in [0] : vector<16xi32>, vector<16xi32> -> vector<16xi32>
    %min3A_879 = arith.minsi %min3A_871, %gather3A_878 : vector<16xi32>
    %xor3A_880 = arith.constant 4 : i32
    %xor3A_881 = vector.broadcast %xor3A_880 : i32 to vector<16xi32>
    %xor3A_882 = arith.xori %iota3A_872, %xor3A_881 : vector<16xi32>
    %broadcast_in_dim3A_883 = vector.shape_cast %xor3A_882 : vector<16xi32> to vector<16x1xi32>
    %gather3A_884 = vector.shape_cast %broadcast_in_dim3A_883 : vector<16x1xi32> to vector<16xi32>
    %gather3A_885 = tpu.dynamic_gather %min3A_879[%gather3A_884] in [0] : vector<16xi32>, vector<16xi32> -> vector<16xi32>
    %min3A_886 = arith.minsi %min3A_879, %gather3A_885 : vector<16xi32>
    %xor3A_887 = arith.constant 2 : i32
    %xor3A_888 = vector.broadcast %xor3A_887 : i32 to vector<16xi32>
    %xor3A_889 = arith.xori %iota3A_872, %xor3A_888 : vector<16xi32>
    %broadcast_in_dim3A_890 = vector.shape_cast %xor3A_889 : vector<16xi32> to vector<16x1xi32>
    %gather3A_891 = vector.shape_cast %broadcast_in_dim3A_890 : vector<16x1xi32> to vector<16xi32>
    %gather3A_892 = tpu.dynamic_gather %min3A_886[%gather3A_891] in [0] : vector<16xi32>, vector<16xi32> -> vector<16xi32>
    %min3A_893 = arith.minsi %min3A_886, %gather3A_892 : vector<16xi32>
    %xor3A_894 = arith.constant 1 : i32
    %xor3A_895 = vector.broadcast %xor3A_894 : i32 to vector<16xi32>
    %xor3A_896 = arith.xori %iota3A_872, %xor3A_895 : vector<16xi32>
    %broadcast_in_dim3A_897 = vector.shape_cast %xor3A_896 : vector<16xi32> to vector<16x1xi32>
    %gather3A_898 = vector.shape_cast %broadcast_in_dim3A_897 : vector<16x1xi32> to vector<16xi32>
    %gather3A_899 = tpu.dynamic_gather %min3A_893[%gather3A_898] in [0] : vector<16xi32>, vector<16xi32> -> vector<16xi32>
    %min3A_900 = arith.minsi %min3A_893, %gather3A_899 : vector<16xi32>
    %add3A_901 = arith.constant 0 : i32
    %add3A_902 = vector.broadcast %add3A_901 : i32 to vector<16xi32>
    %add3A_903 = arith.addi %iota3A, %add3A_902 : vector<16xi32>
    %eq3A_904 = arith.cmpi eq, %add3A_903, %min3A_900 : vector<16xi32>
    %jit3A_905 = arith.constant 0xFF800000 : f32
    %broadcast_in_dim3A_906 = vector.broadcast %jit3A_905 : f32 to vector<16xf32>
    %select_n3A_907 = arith.select %eq3A_904, %broadcast_in_dim3A_906, %select_n3A_800 : vector<16xi1>, vector<16xf32>
    %add3A_908 = arith.constant 16 : i32
    %add3A_909 = vector.broadcast %add3A_908 : i32 to vector<16xi32>
    %add3A_910 = arith.addi %iota3A, %add3A_909 : vector<16xi32>
    %eq3A_911 = arith.cmpi eq, %add3A_910, %min3A_900 : vector<16xi32>
    %jit3A_912 = arith.constant 0xFF800000 : f32
    %broadcast_in_dim3A_913 = vector.broadcast %jit3A_912 : f32 to vector<16xf32>
    %select_n3A_914 = arith.select %eq3A_911, %broadcast_in_dim3A_913, %select_n3A_807 : vector<16xi1>, vector<16xf32>
    %add3A_915 = arith.constant 32 : i32
    %add3A_916 = vector.broadcast %add3A_915 : i32 to vector<16xi32>
    %add3A_917 = arith.addi %iota3A, %add3A_916 : vector<16xi32>
    %eq3A_918 = arith.cmpi eq, %add3A_917, %min3A_900 : vector<16xi32>
    %jit3A_919 = arith.constant 0xFF800000 : f32
    %broadcast_in_dim3A_920 = vector.broadcast %jit3A_919 : f32 to vector<16xf32>
    %select_n3A_921 = arith.select %eq3A_918, %broadcast_in_dim3A_920, %select_n3A_814 : vector<16xi1>, vector<16xf32>
    %max3A_922 = arith.maximumf %select_n3A_907, %select_n3A_914 : vector<16xf32>
    %max3A_923 = arith.maximumf %max3A_922, %select_n3A_921 : vector<16xf32>
    %iota3A_924 = tpu.iota {dimensions = array<i32: 0>} : vector<16xi32>
    %xor3A_925 = arith.constant 8 : i32
    %xor3A_926 = vector.broadcast %xor3A_925 : i32 to vector<16xi32>
    %xor3A_927 = arith.xori %iota3A_924, %xor3A_926 : vector<16xi32>
    %broadcast_in_dim3A_928 = vector.shape_cast %xor3A_927 : vector<16xi32> to vector<16x1xi32>
    %gather3A_929 = vector.shape_cast %broadcast_in_dim3A_928 : vector<16x1xi32> to vector<16xi32>
    %gather3A_930 = tpu.dynamic_gather %max3A_923[%gather3A_929] in [0] : vector<16xf32>, vector<16xi32> -> vector<16xf32>
    %max3A_931 = arith.maximumf %max3A_923, %gather3A_930 : vector<16xf32>
    %xor3A_932 = arith.constant 4 : i32
    %xor3A_933 = vector.broadcast %xor3A_932 : i32 to vector<16xi32>
    %xor3A_934 = arith.xori %iota3A_924, %xor3A_933 : vector<16xi32>
    %broadcast_in_dim3A_935 = vector.shape_cast %xor3A_934 : vector<16xi32> to vector<16x1xi32>
    %gather3A_936 = vector.shape_cast %broadcast_in_dim3A_935 : vector<16x1xi32> to vector<16xi32>
    %gather3A_937 = tpu.dynamic_gather %max3A_931[%gather3A_936] in [0] : vector<16xf32>, vector<16xi32> -> vector<16xf32>
    %max3A_938 = arith.maximumf %max3A_931, %gather3A_937 : vector<16xf32>
    %xor3A_939 = arith.constant 2 : i32
    %xor3A_940 = vector.broadcast %xor3A_939 : i32 to vector<16xi32>
    %xor3A_941 = arith.xori %iota3A_924, %xor3A_940 : vector<16xi32>
    %broadcast_in_dim3A_942 = vector.shape_cast %xor3A_941 : vector<16xi32> to vector<16x1xi32>
    %gather3A_943 = vector.shape_cast %broadcast_in_dim3A_942 : vector<16x1xi32> to vector<16xi32>
    %gather3A_944 = tpu.dynamic_gather %max3A_938[%gather3A_943] in [0] : vector<16xf32>, vector<16xi32> -> vector<16xf32>
    %max3A_945 = arith.maximumf %max3A_938, %gather3A_944 : vector<16xf32>
    %xor3A_946 = arith.constant 1 : i32
    %xor3A_947 = vector.broadcast %xor3A_946 : i32 to vector<16xi32>
    %xor3A_948 = arith.xori %iota3A_924, %xor3A_947 : vector<16xi32>
    %broadcast_in_dim3A_949 = vector.shape_cast %xor3A_948 : vector<16xi32> to vector<16x1xi32>
    %gather3A_950 = vector.shape_cast %broadcast_in_dim3A_949 : vector<16x1xi32> to vector<16xi32>
    %gather3A_951 = tpu.dynamic_gather %max3A_945[%gather3A_950] in [0] : vector<16xf32>, vector<16xi32> -> vector<16xf32>
    %max3A_952 = arith.maximumf %max3A_945, %gather3A_951 : vector<16xf32>
    %broadcast_in_dim3A_953 = arith.constant 1048576 : i32
    %broadcast_in_dim3A_954 = vector.broadcast %broadcast_in_dim3A_953 : i32 to vector<16xi32>
    %ge3A_955 = arith.cmpf oge, %select_n3A_907, %max3A_952 : vector<16xf32>
    %add3A_956 = arith.constant 0 : i32
    %add3A_957 = vector.broadcast %add3A_956 : i32 to vector<16xi32>
    %add3A_958 = arith.addi %iota3A, %add3A_957 : vector<16xi32>
    %jit3A_959 = arith.constant 1048576 : i32
    %broadcast_in_dim3A_960 = vector.broadcast %jit3A_959 : i32 to vector<16xi32>
    %select_n3A_961 = arith.select %ge3A_955, %add3A_958, %broadcast_in_dim3A_960 : vector<16xi1>, vector<16xi32>
    %min3A_962 = arith.minsi %broadcast_in_dim3A_954, %select_n3A_961 : vector<16xi32>
    %ge3A_963 = arith.cmpf oge, %select_n3A_914, %max3A_952 : vector<16xf32>
    %add3A_964 = arith.constant 16 : i32
    %add3A_965 = vector.broadcast %add3A_964 : i32 to vector<16xi32>
    %add3A_966 = arith.addi %iota3A, %add3A_965 : vector<16xi32>
    %jit3A_967 = arith.constant 1048576 : i32
    %broadcast_in_dim3A_968 = vector.broadcast %jit3A_967 : i32 to vector<16xi32>
    %select_n3A_969 = arith.select %ge3A_963, %add3A_966, %broadcast_in_dim3A_968 : vector<16xi1>, vector<16xi32>
    %min3A_970 = arith.minsi %min3A_962, %select_n3A_969 : vector<16xi32>
    %ge3A_971 = arith.cmpf oge, %select_n3A_921, %max3A_952 : vector<16xf32>
    %add3A_972 = arith.constant 32 : i32
    %add3A_973 = vector.broadcast %add3A_972 : i32 to vector<16xi32>
    %add3A_974 = arith.addi %iota3A, %add3A_973 : vector<16xi32>
    %jit3A_975 = arith.constant 1048576 : i32
    %broadcast_in_dim3A_976 = vector.broadcast %jit3A_975 : i32 to vector<16xi32>
    %select_n3A_977 = arith.select %ge3A_971, %add3A_974, %broadcast_in_dim3A_976 : vector<16xi1>, vector<16xi32>
    %min3A_978 = arith.minsi %min3A_970, %select_n3A_977 : vector<16xi32>
    %iota3A_979 = tpu.iota {dimensions = array<i32: 0>} : vector<16xi32>
    %xor3A_980 = arith.constant 8 : i32
    %xor3A_981 = vector.broadcast %xor3A_980 : i32 to vector<16xi32>
    %xor3A_982 = arith.xori %iota3A_979, %xor3A_981 : vector<16xi32>
    %broadcast_in_dim3A_983 = vector.shape_cast %xor3A_982 : vector<16xi32> to vector<16x1xi32>
    %gather3A_984 = vector.shape_cast %broadcast_in_dim3A_983 : vector<16x1xi32> to vector<16xi32>
    %gather3A_985 = tpu.dynamic_gather %min3A_978[%gather3A_984] in [0] : vector<16xi32>, vector<16xi32> -> vector<16xi32>
    %min3A_986 = arith.minsi %min3A_978, %gather3A_985 : vector<16xi32>
    %xor3A_987 = arith.constant 4 : i32
    %xor3A_988 = vector.broadcast %xor3A_987 : i32 to vector<16xi32>
    %xor3A_989 = arith.xori %iota3A_979, %xor3A_988 : vector<16xi32>
    %broadcast_in_dim3A_990 = vector.shape_cast %xor3A_989 : vector<16xi32> to vector<16x1xi32>
    %gather3A_991 = vector.shape_cast %broadcast_in_dim3A_990 : vector<16x1xi32> to vector<16xi32>
    %gather3A_992 = tpu.dynamic_gather %min3A_986[%gather3A_991] in [0] : vector<16xi32>, vector<16xi32> -> vector<16xi32>
    %min3A_993 = arith.minsi %min3A_986, %gather3A_992 : vector<16xi32>
    %xor3A_994 = arith.constant 2 : i32
    %xor3A_995 = vector.broadcast %xor3A_994 : i32 to vector<16xi32>
    %xor3A_996 = arith.xori %iota3A_979, %xor3A_995 : vector<16xi32>
    %broadcast_in_dim3A_997 = vector.shape_cast %xor3A_996 : vector<16xi32> to vector<16x1xi32>
    %gather3A_998 = vector.shape_cast %broadcast_in_dim3A_997 : vector<16x1xi32> to vector<16xi32>
    %gather3A_999 = tpu.dynamic_gather %min3A_993[%gather3A_998] in [0] : vector<16xi32>, vector<16xi32> -> vector<16xi32>
    %min3A_1000 = arith.minsi %min3A_993, %gather3A_999 : vector<16xi32>
    %xor3A_1001 = arith.constant 1 : i32
    %xor3A_1002 = vector.broadcast %xor3A_1001 : i32 to vector<16xi32>
    %xor3A_1003 = arith.xori %iota3A_979, %xor3A_1002 : vector<16xi32>
    %broadcast_in_dim3A_1004 = vector.shape_cast %xor3A_1003 : vector<16xi32> to vector<16x1xi32>
    %gather3A_1005 = vector.shape_cast %broadcast_in_dim3A_1004 : vector<16x1xi32> to vector<16xi32>
    %gather3A_1006 = tpu.dynamic_gather %min3A_1000[%gather3A_1005] in [0] : vector<16xi32>, vector<16xi32> -> vector<16xi32>
    %min3A_1007 = arith.minsi %min3A_1000, %gather3A_1006 : vector<16xi32>
    %add3A_1008 = arith.constant 0 : i32
    %add3A_1009 = vector.broadcast %add3A_1008 : i32 to vector<16xi32>
    %add3A_1010 = arith.addi %iota3A, %add3A_1009 : vector<16xi32>
    %eq3A_1011 = arith.cmpi eq, %add3A_1010, %min3A_1007 : vector<16xi32>
    %jit3A_1012 = arith.constant 0xFF800000 : f32
    %broadcast_in_dim3A_1013 = vector.broadcast %jit3A_1012 : f32 to vector<16xf32>
    %select_n3A_1014 = arith.select %eq3A_1011, %broadcast_in_dim3A_1013, %select_n3A_907 : vector<16xi1>, vector<16xf32>
    %add3A_1015 = arith.constant 16 : i32
    %add3A_1016 = vector.broadcast %add3A_1015 : i32 to vector<16xi32>
    %add3A_1017 = arith.addi %iota3A, %add3A_1016 : vector<16xi32>
    %eq3A_1018 = arith.cmpi eq, %add3A_1017, %min3A_1007 : vector<16xi32>
    %jit3A_1019 = arith.constant 0xFF800000 : f32
    %broadcast_in_dim3A_1020 = vector.broadcast %jit3A_1019 : f32 to vector<16xf32>
    %select_n3A_1021 = arith.select %eq3A_1018, %broadcast_in_dim3A_1020, %select_n3A_914 : vector<16xi1>, vector<16xf32>
    %add3A_1022 = arith.constant 32 : i32
    %add3A_1023 = vector.broadcast %add3A_1022 : i32 to vector<16xi32>
    %add3A_1024 = arith.addi %iota3A, %add3A_1023 : vector<16xi32>
    %eq3A_1025 = arith.cmpi eq, %add3A_1024, %min3A_1007 : vector<16xi32>
    %jit3A_1026 = arith.constant 0xFF800000 : f32
    %broadcast_in_dim3A_1027 = vector.broadcast %jit3A_1026 : f32 to vector<16xf32>
    %select_n3A_1028 = arith.select %eq3A_1025, %broadcast_in_dim3A_1027, %select_n3A_921 : vector<16xi1>, vector<16xf32>
    %broadcast_in_dim3A_1029 = arith.constant 0xFF800000 : f32
    %broadcast_in_dim3A_1030 = vector.broadcast %broadcast_in_dim3A_1029 : f32 to vector<16xf32>
    %eq3A_1031 = arith.constant 0 : i32
    %eq3A_1032 = vector.broadcast %eq3A_1031 : i32 to vector<16xi32>
    %eq3A_1033 = arith.cmpi eq, %iota3A, %eq3A_1032 : vector<16xi32>
    %select_n3A_1034 = arith.select %eq3A_1033, %max3A_631, %broadcast_in_dim3A_1030 : vector<16xi1>, vector<16xf32>
    %eq3A_1035 = arith.constant 1 : i32
    %eq3A_1036 = vector.broadcast %eq3A_1035 : i32 to vector<16xi32>
    %eq3A_1037 = arith.cmpi eq, %iota3A, %eq3A_1036 : vector<16xi32>
    %select_n3A_1038 = arith.select %eq3A_1037, %max3A_738, %select_n3A_1034 : vector<16xi1>, vector<16xf32>
    %eq3A_1039 = arith.constant 2 : i32
    %eq3A_1040 = vector.broadcast %eq3A_1039 : i32 to vector<16xi32>
    %eq3A_1041 = arith.cmpi eq, %iota3A, %eq3A_1040 : vector<16xi32>
    %select_n3A_1042 = arith.select %eq3A_1041, %max3A_845, %select_n3A_1038 : vector<16xi1>, vector<16xf32>
    %eq3A_1043 = arith.constant 3 : i32
    %eq3A_1044 = vector.broadcast %eq3A_1043 : i32 to vector<16xi32>
    %eq3A_1045 = arith.cmpi eq, %iota3A, %eq3A_1044 : vector<16xi32>
    %select_n3A_1046 = arith.select %eq3A_1045, %max3A_952, %select_n3A_1042 : vector<16xi1>, vector<16xf32>
    %sub3A_1047 = arith.subf %select_n3A_1046, %max3A_631 : vector<16xf32>
    %exp3A_1048 = math.exp %sub3A_1047 : vector<16xf32>
    %iota3A_1049 = tpu.iota {dimensions = array<i32: 0>} : vector<16xi32>
    %xor3A_1050 = arith.constant 8 : i32
    %xor3A_1051 = vector.broadcast %xor3A_1050 : i32 to vector<16xi32>
    %xor3A_1052 = arith.xori %iota3A_1049, %xor3A_1051 : vector<16xi32>
    %broadcast_in_dim3A_1053 = vector.shape_cast %xor3A_1052 : vector<16xi32> to vector<16x1xi32>
    %gather3A_1054 = vector.shape_cast %broadcast_in_dim3A_1053 : vector<16x1xi32> to vector<16xi32>
    %gather3A_1055 = tpu.dynamic_gather %exp3A_1048[%gather3A_1054] in [0] : vector<16xf32>, vector<16xi32> -> vector<16xf32>
    %add3A_1056 = arith.addf %exp3A_1048, %gather3A_1055 : vector<16xf32>
    %xor3A_1057 = arith.constant 4 : i32
    %xor3A_1058 = vector.broadcast %xor3A_1057 : i32 to vector<16xi32>
    %xor3A_1059 = arith.xori %iota3A_1049, %xor3A_1058 : vector<16xi32>
    %broadcast_in_dim3A_1060 = vector.shape_cast %xor3A_1059 : vector<16xi32> to vector<16x1xi32>
    %gather3A_1061 = vector.shape_cast %broadcast_in_dim3A_1060 : vector<16x1xi32> to vector<16xi32>
    %gather3A_1062 = tpu.dynamic_gather %add3A_1056[%gather3A_1061] in [0] : vector<16xf32>, vector<16xi32> -> vector<16xf32>
    %add3A_1063 = arith.addf %add3A_1056, %gather3A_1062 : vector<16xf32>
    %xor3A_1064 = arith.constant 2 : i32
    %xor3A_1065 = vector.broadcast %xor3A_1064 : i32 to vector<16xi32>
    %xor3A_1066 = arith.xori %iota3A_1049, %xor3A_1065 : vector<16xi32>
    %broadcast_in_dim3A_1067 = vector.shape_cast %xor3A_1066 : vector<16xi32> to vector<16x1xi32>
    %gather3A_1068 = vector.shape_cast %broadcast_in_dim3A_1067 : vector<16x1xi32> to vector<16xi32>
    %gather3A_1069 = tpu.dynamic_gather %add3A_1063[%gather3A_1068] in [0] : vector<16xf32>, vector<16xi32> -> vector<16xf32>
    %add3A_1070 = arith.addf %add3A_1063, %gather3A_1069 : vector<16xf32>
    %xor3A_1071 = arith.constant 1 : i32
    %xor3A_1072 = vector.broadcast %xor3A_1071 : i32 to vector<16xi32>
    %xor3A_1073 = arith.xori %iota3A_1049, %xor3A_1072 : vector<16xi32>
    %broadcast_in_dim3A_1074 = vector.shape_cast %xor3A_1073 : vector<16xi32> to vector<16x1xi32>
    %gather3A_1075 = vector.shape_cast %broadcast_in_dim3A_1074 : vector<16x1xi32> to vector<16xi32>
    %gather3A_1076 = tpu.dynamic_gather %add3A_1070[%gather3A_1075] in [0] : vector<16xf32>, vector<16xi32> -> vector<16xf32>
    %add3A_1077 = arith.addf %add3A_1070, %gather3A_1076 : vector<16xf32>
    %div3A_1078 = arith.divf %exp3A_1048, %add3A_1077 : vector<16xf32>
    %broadcast_in_dim3A_1079 = arith.constant 0 : i32
    %broadcast_in_dim3A_1080 = vector.broadcast %broadcast_in_dim3A_1079 : i32 to vector<16xi32>
    %broadcast_in_dim3A_1081 = vector.shape_cast %broadcast_in_dim3A_1080 : vector<16xi32> to vector<16x1xi32>
    %gather3A_1082 = vector.shape_cast %broadcast_in_dim3A_1081 : vector<16x1xi32> to vector<16xi32>
    %gather3A_1083 = tpu.dynamic_gather %div3A_1078[%gather3A_1082] in [0] : vector<16xf32>, vector<16xi32> -> vector<16xf32>
    %broadcast_in_dim3A_1084 = arith.constant 1 : i32
    %broadcast_in_dim3A_1085 = vector.broadcast %broadcast_in_dim3A_1084 : i32 to vector<16xi32>
    %broadcast_in_dim3A_1086 = vector.shape_cast %broadcast_in_dim3A_1085 : vector<16xi32> to vector<16x1xi32>
    %gather3A_1087 = vector.shape_cast %broadcast_in_dim3A_1086 : vector<16x1xi32> to vector<16xi32>
    %gather3A_1088 = tpu.dynamic_gather %div3A_1078[%gather3A_1087] in [0] : vector<16xf32>, vector<16xi32> -> vector<16xf32>
    %broadcast_in_dim3A_1089 = arith.constant 2 : i32
    %broadcast_in_dim3A_1090 = vector.broadcast %broadcast_in_dim3A_1089 : i32 to vector<16xi32>
    %broadcast_in_dim3A_1091 = vector.shape_cast %broadcast_in_dim3A_1090 : vector<16xi32> to vector<16x1xi32>
    %gather3A_1092 = vector.shape_cast %broadcast_in_dim3A_1091 : vector<16x1xi32> to vector<16xi32>
    %gather3A_1093 = tpu.dynamic_gather %div3A_1078[%gather3A_1092] in [0] : vector<16xf32>, vector<16xi32> -> vector<16xf32>
    %broadcast_in_dim3A_1094 = arith.constant 3 : i32
    %broadcast_in_dim3A_1095 = vector.broadcast %broadcast_in_dim3A_1094 : i32 to vector<16xi32>
    %broadcast_in_dim3A_1096 = vector.shape_cast %broadcast_in_dim3A_1095 : vector<16xi32> to vector<16x1xi32>
    %gather3A_1097 = vector.shape_cast %broadcast_in_dim3A_1096 : vector<16x1xi32> to vector<16xi32>
    %gather3A_1098 = tpu.dynamic_gather %div3A_1078[%gather3A_1097] in [0] : vector<16xf32>, vector<16xi32> -> vector<16xf32>
    %broadcast_in_dim3A_1099 = arith.constant 0.000000e+00 : f32
    %broadcast_in_dim3A_1100 = vector.broadcast %broadcast_in_dim3A_1099 : f32 to vector<16xf32>
    %add3A_1101 = arith.constant 0 : i32
    %add3A_1102 = vector.broadcast %add3A_1101 : i32 to vector<16xi32>
    %add3A_1103 = arith.addi %iota3A, %add3A_1102 : vector<16xi32>
    %eq3A_1104 = arith.cmpi eq, %add3A_1103, %min3A_686 : vector<16xi32>
    %select_n3A_1105 = arith.select %eq3A_1104, %gather3A_1083, %broadcast_in_dim3A_1100 : vector<16xi1>, vector<16xf32>
    %add3A_1106 = arith.constant 0 : i32
    %add3A_1107 = vector.broadcast %add3A_1106 : i32 to vector<16xi32>
    %add3A_1108 = arith.addi %iota3A, %add3A_1107 : vector<16xi32>
    %eq3A_1109 = arith.cmpi eq, %add3A_1108, %min3A_793 : vector<16xi32>
    %select_n3A_1110 = arith.select %eq3A_1109, %gather3A_1088, %select_n3A_1105 : vector<16xi1>, vector<16xf32>
    %add3A_1111 = arith.constant 0 : i32
    %add3A_1112 = vector.broadcast %add3A_1111 : i32 to vector<16xi32>
    %add3A_1113 = arith.addi %iota3A, %add3A_1112 : vector<16xi32>
    %eq3A_1114 = arith.cmpi eq, %add3A_1113, %min3A_900 : vector<16xi32>
    %select_n3A_1115 = arith.select %eq3A_1114, %gather3A_1093, %select_n3A_1110 : vector<16xi1>, vector<16xf32>
    %add3A_1116 = arith.constant 0 : i32
    %add3A_1117 = vector.broadcast %add3A_1116 : i32 to vector<16xi32>
    %add3A_1118 = arith.addi %iota3A, %add3A_1117 : vector<16xi32>
    %eq3A_1119 = arith.cmpi eq, %add3A_1118, %min3A_1007 : vector<16xi32>
    %select_n3A_1120 = arith.select %eq3A_1119, %gather3A_1098, %select_n3A_1115 : vector<16xi1>, vector<16xf32>
    %swap3A_1121 = arith.constant 1 : i32
    %swap3A_1122 = arith.index_cast %swap3A_1121 : i32 to index
    %swap3A_1123 = arith.constant 0 : index
    %swap3A_1124 = tpu.vector_load %arg5[%swap3A_1122, %swap3A_1123] {strides = array<i32>} : memref<8x48xf32, #tpu.memory_space<vmem>>, vector<1x16xf32>,
    %swap3A_1125 = vector.shape_cast %swap3A_1124 : vector<1x16xf32> to vector<16xf32>
    %swap3A_1126 = vector.shape_cast %select_n3A_1120 : vector<16xf32> to vector<1x16xf32>
    tpu.vector_store %arg5[%swap3A_1122, %swap3A_1123], %swap3A_1126 {strides = array<i32>} : memref<8x48xf32, #tpu.memory_space<vmem>>, vector<1x16xf32>,
    %broadcast_in_dim3A_1127 = arith.constant 0.000000e+00 : f32
    %broadcast_in_dim3A_1128 = vector.broadcast %broadcast_in_dim3A_1127 : f32 to vector<16xf32>
    %add3A_1129 = arith.constant 16 : i32
    %add3A_1130 = vector.broadcast %add3A_1129 : i32 to vector<16xi32>
    %add3A_1131 = arith.addi %iota3A, %add3A_1130 : vector<16xi32>
    %eq3A_1132 = arith.cmpi eq, %add3A_1131, %min3A_686 : vector<16xi32>
    %select_n3A_1133 = arith.select %eq3A_1132, %gather3A_1083, %broadcast_in_dim3A_1128 : vector<16xi1>, vector<16xf32>
    %add3A_1134 = arith.constant 16 : i32
    %add3A_1135 = vector.broadcast %add3A_1134 : i32 to vector<16xi32>
    %add3A_1136 = arith.addi %iota3A, %add3A_1135 : vector<16xi32>
    %eq3A_1137 = arith.cmpi eq, %add3A_1136, %min3A_793 : vector<16xi32>
    %select_n3A_1138 = arith.select %eq3A_1137, %gather3A_1088, %select_n3A_1133 : vector<16xi1>, vector<16xf32>
    %add3A_1139 = arith.constant 16 : i32
    %add3A_1140 = vector.broadcast %add3A_1139 : i32 to vector<16xi32>
    %add3A_1141 = arith.addi %iota3A, %add3A_1140 : vector<16xi32>
    %eq3A_1142 = arith.cmpi eq, %add3A_1141, %min3A_900 : vector<16xi32>
    %select_n3A_1143 = arith.select %eq3A_1142, %gather3A_1093, %select_n3A_1138 : vector<16xi1>, vector<16xf32>
    %add3A_1144 = arith.constant 16 : i32
    %add3A_1145 = vector.broadcast %add3A_1144 : i32 to vector<16xi32>
    %add3A_1146 = arith.addi %iota3A, %add3A_1145 : vector<16xi32>
    %eq3A_1147 = arith.cmpi eq, %add3A_1146, %min3A_1007 : vector<16xi32>
    %select_n3A_1148 = arith.select %eq3A_1147, %gather3A_1098, %select_n3A_1143 : vector<16xi1>, vector<16xf32>
    %swap3A_1149 = arith.constant 1 : i32
    %swap3A_1150 = arith.index_cast %swap3A_1149 : i32 to index
    %swap3A_1151 = arith.constant 16 : index
    %swap3A_1152 = tpu.vector_load %arg5[%swap3A_1150, %swap3A_1151] {strides = array<i32>} : memref<8x48xf32, #tpu.memory_space<vmem>>, vector<1x16xf32>,
    %swap3A_1153 = vector.shape_cast %swap3A_1152 : vector<1x16xf32> to vector<16xf32>
    %swap3A_1154 = vector.shape_cast %select_n3A_1148 : vector<16xf32> to vector<1x16xf32>
    tpu.vector_store %arg5[%swap3A_1150, %swap3A_1151], %swap3A_1154 {strides = array<i32>} : memref<8x48xf32, #tpu.memory_space<vmem>>, vector<1x16xf32>,
    %broadcast_in_dim3A_1155 = arith.constant 0.000000e+00 : f32
    %broadcast_in_dim3A_1156 = vector.broadcast %broadcast_in_dim3A_1155 : f32 to vector<16xf32>
    %add3A_1157 = arith.constant 32 : i32
    %add3A_1158 = vector.broadcast %add3A_1157 : i32 to vector<16xi32>
    %add3A_1159 = arith.addi %iota3A, %add3A_1158 : vector<16xi32>
    %eq3A_1160 = arith.cmpi eq, %add3A_1159, %min3A_686 : vector<16xi32>
    %select_n3A_1161 = arith.select %eq3A_1160, %gather3A_1083, %broadcast_in_dim3A_1156 : vector<16xi1>, vector<16xf32>
    %add3A_1162 = arith.constant 32 : i32
    %add3A_1163 = vector.broadcast %add3A_1162 : i32 to vector<16xi32>
    %add3A_1164 = arith.addi %iota3A, %add3A_1163 : vector<16xi32>
    %eq3A_1165 = arith.cmpi eq, %add3A_1164, %min3A_793 : vector<16xi32>
    %select_n3A_1166 = arith.select %eq3A_1165, %gather3A_1088, %select_n3A_1161 : vector<16xi1>, vector<16xf32>
    %add3A_1167 = arith.constant 32 : i32
    %add3A_1168 = vector.broadcast %add3A_1167 : i32 to vector<16xi32>
    %add3A_1169 = arith.addi %iota3A, %add3A_1168 : vector<16xi32>
    %eq3A_1170 = arith.cmpi eq, %add3A_1169, %min3A_900 : vector<16xi32>
    %select_n3A_1171 = arith.select %eq3A_1170, %gather3A_1093, %select_n3A_1166 : vector<16xi1>, vector<16xf32>
    %add3A_1172 = arith.constant 32 : i32
    %add3A_1173 = vector.broadcast %add3A_1172 : i32 to vector<16xi32>
    %add3A_1174 = arith.addi %iota3A, %add3A_1173 : vector<16xi32>
    %eq3A_1175 = arith.cmpi eq, %add3A_1174, %min3A_1007 : vector<16xi32>
    %select_n3A_1176 = arith.select %eq3A_1175, %gather3A_1098, %select_n3A_1171 : vector<16xi1>, vector<16xf32>
    %swap3A_1177 = arith.constant 1 : i32
    %swap3A_1178 = arith.index_cast %swap3A_1177 : i32 to index
    %swap3A_1179 = arith.constant 32 : index
    %swap3A_1180 = tpu.vector_load %arg5[%swap3A_1178, %swap3A_1179] {strides = array<i32>} : memref<8x48xf32, #tpu.memory_space<vmem>>, vector<1x16xf32>,
    %swap3A_1181 = vector.shape_cast %swap3A_1180 : vector<1x16xf32> to vector<16xf32>
    %swap3A_1182 = vector.shape_cast %select_n3A_1176 : vector<16xf32> to vector<1x16xf32>
    tpu.vector_store %arg5[%swap3A_1178, %swap3A_1179], %swap3A_1182 {strides = array<i32>} : memref<8x48xf32, #tpu.memory_space<vmem>>, vector<1x16xf32>,
    %get3A_1183 = arith.constant 2 : i32
    %get3A_1184 = arith.index_cast %get3A_1183 : i32 to index
    %get3A_1185 = arith.constant 0 : index
    %get3A_1186 = tpu.vector_load %arg4[%get3A_1184, %get3A_1185] {strides = array<i32>} : memref<8x48xf32, #tpu.memory_space<vmem>>, vector<1x16xf32>,
    %get3A_1187 = vector.shape_cast %get3A_1186 : vector<1x16xf32> to vector<16xf32>
    %get3A_1188 = arith.constant 2 : i32
    %get3A_1189 = arith.index_cast %get3A_1188 : i32 to index
    %get3A_1190 = arith.constant 16 : index
    %get3A_1191 = tpu.vector_load %arg4[%get3A_1189, %get3A_1190] {strides = array<i32>} : memref<8x48xf32, #tpu.memory_space<vmem>>, vector<1x16xf32>,
    %get3A_1192 = vector.shape_cast %get3A_1191 : vector<1x16xf32> to vector<16xf32>
    %get3A_1193 = arith.constant 2 : i32
    %get3A_1194 = arith.index_cast %get3A_1193 : i32 to index
    %get3A_1195 = arith.constant 32 : index
    %get3A_1196 = tpu.vector_load %arg4[%get3A_1194, %get3A_1195] {strides = array<i32>} : memref<8x48xf32, #tpu.memory_space<vmem>>, vector<1x16xf32>,
    %get3A_1197 = vector.shape_cast %get3A_1196 : vector<1x16xf32> to vector<16xf32>
    %max3A_1198 = arith.maximumf %get3A_1187, %get3A_1192 : vector<16xf32>
    %max3A_1199 = arith.maximumf %max3A_1198, %get3A_1197 : vector<16xf32>
    %iota3A_1200 = tpu.iota {dimensions = array<i32: 0>} : vector<16xi32>
    %xor3A_1201 = arith.constant 8 : i32
    %xor3A_1202 = vector.broadcast %xor3A_1201 : i32 to vector<16xi32>
    %xor3A_1203 = arith.xori %iota3A_1200, %xor3A_1202 : vector<16xi32>
    %broadcast_in_dim3A_1204 = vector.shape_cast %xor3A_1203 : vector<16xi32> to vector<16x1xi32>
    %gather3A_1205 = vector.shape_cast %broadcast_in_dim3A_1204 : vector<16x1xi32> to vector<16xi32>
    %gather3A_1206 = tpu.dynamic_gather %max3A_1199[%gather3A_1205] in [0] : vector<16xf32>, vector<16xi32> -> vector<16xf32>
    %max3A_1207 = arith.maximumf %max3A_1199, %gather3A_1206 : vector<16xf32>
    %xor3A_1208 = arith.constant 4 : i32
    %xor3A_1209 = vector.broadcast %xor3A_1208 : i32 to vector<16xi32>
    %xor3A_1210 = arith.xori %iota3A_1200, %xor3A_1209 : vector<16xi32>
    %broadcast_in_dim3A_1211 = vector.shape_cast %xor3A_1210 : vector<16xi32> to vector<16x1xi32>
    %gather3A_1212 = vector.shape_cast %broadcast_in_dim3A_1211 : vector<16x1xi32> to vector<16xi32>
    %gather3A_1213 = tpu.dynamic_gather %max3A_1207[%gather3A_1212] in [0] : vector<16xf32>, vector<16xi32> -> vector<16xf32>
    %max3A_1214 = arith.maximumf %max3A_1207, %gather3A_1213 : vector<16xf32>
    %xor3A_1215 = arith.constant 2 : i32
    %xor3A_1216 = vector.broadcast %xor3A_1215 : i32 to vector<16xi32>
    %xor3A_1217 = arith.xori %iota3A_1200, %xor3A_1216 : vector<16xi32>
    %broadcast_in_dim3A_1218 = vector.shape_cast %xor3A_1217 : vector<16xi32> to vector<16x1xi32>
    %gather3A_1219 = vector.shape_cast %broadcast_in_dim3A_1218 : vector<16x1xi32> to vector<16xi32>
    %gather3A_1220 = tpu.dynamic_gather %max3A_1214[%gather3A_1219] in [0] : vector<16xf32>, vector<16xi32> -> vector<16xf32>
    %max3A_1221 = arith.maximumf %max3A_1214, %gather3A_1220 : vector<16xf32>
    %xor3A_1222 = arith.constant 1 : i32
    %xor3A_1223 = vector.broadcast %xor3A_1222 : i32 to vector<16xi32>
    %xor3A_1224 = arith.xori %iota3A_1200, %xor3A_1223 : vector<16xi32>
    %broadcast_in_dim3A_1225 = vector.shape_cast %xor3A_1224 : vector<16xi32> to vector<16x1xi32>
    %gather3A_1226 = vector.shape_cast %broadcast_in_dim3A_1225 : vector<16x1xi32> to vector<16xi32>
    %gather3A_1227 = tpu.dynamic_gather %max3A_1221[%gather3A_1226] in [0] : vector<16xf32>, vector<16xi32> -> vector<16xf32>
    %max3A_1228 = arith.maximumf %max3A_1221, %gather3A_1227 : vector<16xf32>
    %broadcast_in_dim3A_1229 = arith.constant 1048576 : i32
    %broadcast_in_dim3A_1230 = vector.broadcast %broadcast_in_dim3A_1229 : i32 to vector<16xi32>
    %ge3A_1231 = arith.cmpf oge, %get3A_1187, %max3A_1228 : vector<16xf32>
    %add3A_1232 = arith.constant 0 : i32
    %add3A_1233 = vector.broadcast %add3A_1232 : i32 to vector<16xi32>
    %add3A_1234 = arith.addi %iota3A, %add3A_1233 : vector<16xi32>
    %jit3A_1235 = arith.constant 1048576 : i32
    %broadcast_in_dim3A_1236 = vector.broadcast %jit3A_1235 : i32 to vector<16xi32>
    %select_n3A_1237 = arith.select %ge3A_1231, %add3A_1234, %broadcast_in_dim3A_1236 : vector<16xi1>, vector<16xi32>
    %min3A_1238 = arith.minsi %broadcast_in_dim3A_1230, %select_n3A_1237 : vector<16xi32>
    %ge3A_1239 = arith.cmpf oge, %get3A_1192, %max3A_1228 : vector<16xf32>
    %add3A_1240 = arith.constant 16 : i32
    %add3A_1241 = vector.broadcast %add3A_1240 : i32 to vector<16xi32>
    %add3A_1242 = arith.addi %iota3A, %add3A_1241 : vector<16xi32>
    %jit3A_1243 = arith.constant 1048576 : i32
    %broadcast_in_dim3A_1244 = vector.broadcast %jit3A_1243 : i32 to vector<16xi32>
    %select_n3A_1245 = arith.select %ge3A_1239, %add3A_1242, %broadcast_in_dim3A_1244 : vector<16xi1>, vector<16xi32>
    %min3A_1246 = arith.minsi %min3A_1238, %select_n3A_1245 : vector<16xi32>
    %ge3A_1247 = arith.cmpf oge, %get3A_1197, %max3A_1228 : vector<16xf32>
    %add3A_1248 = arith.constant 32 : i32
    %add3A_1249 = vector.broadcast %add3A_1248 : i32 to vector<16xi32>
    %add3A_1250 = arith.addi %iota3A, %add3A_1249 : vector<16xi32>
    %jit3A_1251 = arith.constant 1048576 : i32
    %broadcast_in_dim3A_1252 = vector.broadcast %jit3A_1251 : i32 to vector<16xi32>
    %select_n3A_1253 = arith.select %ge3A_1247, %add3A_1250, %broadcast_in_dim3A_1252 : vector<16xi1>, vector<16xi32>
    %min3A_1254 = arith.minsi %min3A_1246, %select_n3A_1253 : vector<16xi32>
    %iota3A_1255 = tpu.iota {dimensions = array<i32: 0>} : vector<16xi32>
    %xor3A_1256 = arith.constant 8 : i32
    %xor3A_1257 = vector.broadcast %xor3A_1256 : i32 to vector<16xi32>
    %xor3A_1258 = arith.xori %iota3A_1255, %xor3A_1257 : vector<16xi32>
    %broadcast_in_dim3A_1259 = vector.shape_cast %xor3A_1258 : vector<16xi32> to vector<16x1xi32>
    %gather3A_1260 = vector.shape_cast %broadcast_in_dim3A_1259 : vector<16x1xi32> to vector<16xi32>
    %gather3A_1261 = tpu.dynamic_gather %min3A_1254[%gather3A_1260] in [0] : vector<16xi32>, vector<16xi32> -> vector<16xi32>
    %min3A_1262 = arith.minsi %min3A_1254, %gather3A_1261 : vector<16xi32>
    %xor3A_1263 = arith.constant 4 : i32
    %xor3A_1264 = vector.broadcast %xor3A_1263 : i32 to vector<16xi32>
    %xor3A_1265 = arith.xori %iota3A_1255, %xor3A_1264 : vector<16xi32>
    %broadcast_in_dim3A_1266 = vector.shape_cast %xor3A_1265 : vector<16xi32> to vector<16x1xi32>
    %gather3A_1267 = vector.shape_cast %broadcast_in_dim3A_1266 : vector<16x1xi32> to vector<16xi32>
    %gather3A_1268 = tpu.dynamic_gather %min3A_1262[%gather3A_1267] in [0] : vector<16xi32>, vector<16xi32> -> vector<16xi32>
    %min3A_1269 = arith.minsi %min3A_1262, %gather3A_1268 : vector<16xi32>
    %xor3A_1270 = arith.constant 2 : i32
    %xor3A_1271 = vector.broadcast %xor3A_1270 : i32 to vector<16xi32>
    %xor3A_1272 = arith.xori %iota3A_1255, %xor3A_1271 : vector<16xi32>
    %broadcast_in_dim3A_1273 = vector.shape_cast %xor3A_1272 : vector<16xi32> to vector<16x1xi32>
    %gather3A_1274 = vector.shape_cast %broadcast_in_dim3A_1273 : vector<16x1xi32> to vector<16xi32>
    %gather3A_1275 = tpu.dynamic_gather %min3A_1269[%gather3A_1274] in [0] : vector<16xi32>, vector<16xi32> -> vector<16xi32>
    %min3A_1276 = arith.minsi %min3A_1269, %gather3A_1275 : vector<16xi32>
    %xor3A_1277 = arith.constant 1 : i32
    %xor3A_1278 = vector.broadcast %xor3A_1277 : i32 to vector<16xi32>
    %xor3A_1279 = arith.xori %iota3A_1255, %xor3A_1278 : vector<16xi32>
    %broadcast_in_dim3A_1280 = vector.shape_cast %xor3A_1279 : vector<16xi32> to vector<16x1xi32>
    %gather3A_1281 = vector.shape_cast %broadcast_in_dim3A_1280 : vector<16x1xi32> to vector<16xi32>
    %gather3A_1282 = tpu.dynamic_gather %min3A_1276[%gather3A_1281] in [0] : vector<16xi32>, vector<16xi32> -> vector<16xi32>
    %min3A_1283 = arith.minsi %min3A_1276, %gather3A_1282 : vector<16xi32>
    %add3A_1284 = arith.constant 0 : i32
    %add3A_1285 = vector.broadcast %add3A_1284 : i32 to vector<16xi32>
    %add3A_1286 = arith.addi %iota3A, %add3A_1285 : vector<16xi32>
    %eq3A_1287 = arith.cmpi eq, %add3A_1286, %min3A_1283 : vector<16xi32>
    %jit3A_1288 = arith.constant 0xFF800000 : f32
    %broadcast_in_dim3A_1289 = vector.broadcast %jit3A_1288 : f32 to vector<16xf32>
    %select_n3A_1290 = arith.select %eq3A_1287, %broadcast_in_dim3A_1289, %get3A_1187 : vector<16xi1>, vector<16xf32>
    %add3A_1291 = arith.constant 16 : i32
    %add3A_1292 = vector.broadcast %add3A_1291 : i32 to vector<16xi32>
    %add3A_1293 = arith.addi %iota3A, %add3A_1292 : vector<16xi32>
    %eq3A_1294 = arith.cmpi eq, %add3A_1293, %min3A_1283 : vector<16xi32>
    %jit3A_1295 = arith.constant 0xFF800000 : f32
    %broadcast_in_dim3A_1296 = vector.broadcast %jit3A_1295 : f32 to vector<16xf32>
    %select_n3A_1297 = arith.select %eq3A_1294, %broadcast_in_dim3A_1296, %get3A_1192 : vector<16xi1>, vector<16xf32>
    %add3A_1298 = arith.constant 32 : i32
    %add3A_1299 = vector.broadcast %add3A_1298 : i32 to vector<16xi32>
    %add3A_1300 = arith.addi %iota3A, %add3A_1299 : vector<16xi32>
    %eq3A_1301 = arith.cmpi eq, %add3A_1300, %min3A_1283 : vector<16xi32>
    %jit3A_1302 = arith.constant 0xFF800000 : f32
    %broadcast_in_dim3A_1303 = vector.broadcast %jit3A_1302 : f32 to vector<16xf32>
    %select_n3A_1304 = arith.select %eq3A_1301, %broadcast_in_dim3A_1303, %get3A_1197 : vector<16xi1>, vector<16xf32>
    %max3A_1305 = arith.maximumf %select_n3A_1290, %select_n3A_1297 : vector<16xf32>
    %max3A_1306 = arith.maximumf %max3A_1305, %select_n3A_1304 : vector<16xf32>
    %iota3A_1307 = tpu.iota {dimensions = array<i32: 0>} : vector<16xi32>
    %xor3A_1308 = arith.constant 8 : i32
    %xor3A_1309 = vector.broadcast %xor3A_1308 : i32 to vector<16xi32>
    %xor3A_1310 = arith.xori %iota3A_1307, %xor3A_1309 : vector<16xi32>
    %broadcast_in_dim3A_1311 = vector.shape_cast %xor3A_1310 : vector<16xi32> to vector<16x1xi32>
    %gather3A_1312 = vector.shape_cast %broadcast_in_dim3A_1311 : vector<16x1xi32> to vector<16xi32>
    %gather3A_1313 = tpu.dynamic_gather %max3A_1306[%gather3A_1312] in [0] : vector<16xf32>, vector<16xi32> -> vector<16xf32>
    %max3A_1314 = arith.maximumf %max3A_1306, %gather3A_1313 : vector<16xf32>
    %xor3A_1315 = arith.constant 4 : i32
    %xor3A_1316 = vector.broadcast %xor3A_1315 : i32 to vector<16xi32>
    %xor3A_1317 = arith.xori %iota3A_1307, %xor3A_1316 : vector<16xi32>
    %broadcast_in_dim3A_1318 = vector.shape_cast %xor3A_1317 : vector<16xi32> to vector<16x1xi32>
    %gather3A_1319 = vector.shape_cast %broadcast_in_dim3A_1318 : vector<16x1xi32> to vector<16xi32>
    %gather3A_1320 = tpu.dynamic_gather %max3A_1314[%gather3A_1319] in [0] : vector<16xf32>, vector<16xi32> -> vector<16xf32>
    %max3A_1321 = arith.maximumf %max3A_1314, %gather3A_1320 : vector<16xf32>
    %xor3A_1322 = arith.constant 2 : i32
    %xor3A_1323 = vector.broadcast %xor3A_1322 : i32 to vector<16xi32>
    %xor3A_1324 = arith.xori %iota3A_1307, %xor3A_1323 : vector<16xi32>
    %broadcast_in_dim3A_1325 = vector.shape_cast %xor3A_1324 : vector<16xi32> to vector<16x1xi32>
    %gather3A_1326 = vector.shape_cast %broadcast_in_dim3A_1325 : vector<16x1xi32> to vector<16xi32>
    %gather3A_1327 = tpu.dynamic_gather %max3A_1321[%gather3A_1326] in [0] : vector<16xf32>, vector<16xi32> -> vector<16xf32>
    %max3A_1328 = arith.maximumf %max3A_1321, %gather3A_1327 : vector<16xf32>
    %xor3A_1329 = arith.constant 1 : i32
    %xor3A_1330 = vector.broadcast %xor3A_1329 : i32 to vector<16xi32>
    %xor3A_1331 = arith.xori %iota3A_1307, %xor3A_1330 : vector<16xi32>
    %broadcast_in_dim3A_1332 = vector.shape_cast %xor3A_1331 : vector<16xi32> to vector<16x1xi32>
    %gather3A_1333 = vector.shape_cast %broadcast_in_dim3A_1332 : vector<16x1xi32> to vector<16xi32>
    %gather3A_1334 = tpu.dynamic_gather %max3A_1328[%gather3A_1333] in [0] : vector<16xf32>, vector<16xi32> -> vector<16xf32>
    %max3A_1335 = arith.maximumf %max3A_1328, %gather3A_1334 : vector<16xf32>
    %broadcast_in_dim3A_1336 = arith.constant 1048576 : i32
    %broadcast_in_dim3A_1337 = vector.broadcast %broadcast_in_dim3A_1336 : i32 to vector<16xi32>
    %ge3A_1338 = arith.cmpf oge, %select_n3A_1290, %max3A_1335 : vector<16xf32>
    %add3A_1339 = arith.constant 0 : i32
    %add3A_1340 = vector.broadcast %add3A_1339 : i32 to vector<16xi32>
    %add3A_1341 = arith.addi %iota3A, %add3A_1340 : vector<16xi32>
    %jit3A_1342 = arith.constant 1048576 : i32
    %broadcast_in_dim3A_1343 = vector.broadcast %jit3A_1342 : i32 to vector<16xi32>
    %select_n3A_1344 = arith.select %ge3A_1338, %add3A_1341, %broadcast_in_dim3A_1343 : vector<16xi1>, vector<16xi32>
    %min3A_1345 = arith.minsi %broadcast_in_dim3A_1337, %select_n3A_1344 : vector<16xi32>
    %ge3A_1346 = arith.cmpf oge, %select_n3A_1297, %max3A_1335 : vector<16xf32>
    %add3A_1347 = arith.constant 16 : i32
    %add3A_1348 = vector.broadcast %add3A_1347 : i32 to vector<16xi32>
    %add3A_1349 = arith.addi %iota3A, %add3A_1348 : vector<16xi32>
    %jit3A_1350 = arith.constant 1048576 : i32
    %broadcast_in_dim3A_1351 = vector.broadcast %jit3A_1350 : i32 to vector<16xi32>
    %select_n3A_1352 = arith.select %ge3A_1346, %add3A_1349, %broadcast_in_dim3A_1351 : vector<16xi1>, vector<16xi32>
    %min3A_1353 = arith.minsi %min3A_1345, %select_n3A_1352 : vector<16xi32>
    %ge3A_1354 = arith.cmpf oge, %select_n3A_1304, %max3A_1335 : vector<16xf32>
    %add3A_1355 = arith.constant 32 : i32
    %add3A_1356 = vector.broadcast %add3A_1355 : i32 to vector<16xi32>
    %add3A_1357 = arith.addi %iota3A, %add3A_1356 : vector<16xi32>
    %jit3A_1358 = arith.constant 1048576 : i32
    %broadcast_in_dim3A_1359 = vector.broadcast %jit3A_1358 : i32 to vector<16xi32>
    %select_n3A_1360 = arith.select %ge3A_1354, %add3A_1357, %broadcast_in_dim3A_1359 : vector<16xi1>, vector<16xi32>
    %min3A_1361 = arith.minsi %min3A_1353, %select_n3A_1360 : vector<16xi32>
    %iota3A_1362 = tpu.iota {dimensions = array<i32: 0>} : vector<16xi32>
    %xor3A_1363 = arith.constant 8 : i32
    %xor3A_1364 = vector.broadcast %xor3A_1363 : i32 to vector<16xi32>
    %xor3A_1365 = arith.xori %iota3A_1362, %xor3A_1364 : vector<16xi32>
    %broadcast_in_dim3A_1366 = vector.shape_cast %xor3A_1365 : vector<16xi32> to vector<16x1xi32>
    %gather3A_1367 = vector.shape_cast %broadcast_in_dim3A_1366 : vector<16x1xi32> to vector<16xi32>
    %gather3A_1368 = tpu.dynamic_gather %min3A_1361[%gather3A_1367] in [0] : vector<16xi32>, vector<16xi32> -> vector<16xi32>
    %min3A_1369 = arith.minsi %min3A_1361, %gather3A_1368 : vector<16xi32>
    %xor3A_1370 = arith.constant 4 : i32
    %xor3A_1371 = vector.broadcast %xor3A_1370 : i32 to vector<16xi32>
    %xor3A_1372 = arith.xori %iota3A_1362, %xor3A_1371 : vector<16xi32>
    %broadcast_in_dim3A_1373 = vector.shape_cast %xor3A_1372 : vector<16xi32> to vector<16x1xi32>
    %gather3A_1374 = vector.shape_cast %broadcast_in_dim3A_1373 : vector<16x1xi32> to vector<16xi32>
    %gather3A_1375 = tpu.dynamic_gather %min3A_1369[%gather3A_1374] in [0] : vector<16xi32>, vector<16xi32> -> vector<16xi32>
    %min3A_1376 = arith.minsi %min3A_1369, %gather3A_1375 : vector<16xi32>
    %xor3A_1377 = arith.constant 2 : i32
    %xor3A_1378 = vector.broadcast %xor3A_1377 : i32 to vector<16xi32>
    %xor3A_1379 = arith.xori %iota3A_1362, %xor3A_1378 : vector<16xi32>
    %broadcast_in_dim3A_1380 = vector.shape_cast %xor3A_1379 : vector<16xi32> to vector<16x1xi32>
    %gather3A_1381 = vector.shape_cast %broadcast_in_dim3A_1380 : vector<16x1xi32> to vector<16xi32>
    %gather3A_1382 = tpu.dynamic_gather %min3A_1376[%gather3A_1381] in [0] : vector<16xi32>, vector<16xi32> -> vector<16xi32>
    %min3A_1383 = arith.minsi %min3A_1376, %gather3A_1382 : vector<16xi32>
    %xor3A_1384 = arith.constant 1 : i32
    %xor3A_1385 = vector.broadcast %xor3A_1384 : i32 to vector<16xi32>
    %xor3A_1386 = arith.xori %iota3A_1362, %xor3A_1385 : vector<16xi32>
    %broadcast_in_dim3A_1387 = vector.shape_cast %xor3A_1386 : vector<16xi32> to vector<16x1xi32>
    %gather3A_1388 = vector.shape_cast %broadcast_in_dim3A_1387 : vector<16x1xi32> to vector<16xi32>
    %gather3A_1389 = tpu.dynamic_gather %min3A_1383[%gather3A_1388] in [0] : vector<16xi32>, vector<16xi32> -> vector<16xi32>
    %min3A_1390 = arith.minsi %min3A_1383, %gather3A_1389 : vector<16xi32>
    %add3A_1391 = arith.constant 0 : i32
    %add3A_1392 = vector.broadcast %add3A_1391 : i32 to vector<16xi32>
    %add3A_1393 = arith.addi %iota3A, %add3A_1392 : vector<16xi32>
    %eq3A_1394 = arith.cmpi eq, %add3A_1393, %min3A_1390 : vector<16xi32>
    %jit3A_1395 = arith.constant 0xFF800000 : f32
    %broadcast_in_dim3A_1396 = vector.broadcast %jit3A_1395 : f32 to vector<16xf32>
    %select_n3A_1397 = arith.select %eq3A_1394, %broadcast_in_dim3A_1396, %select_n3A_1290 : vector<16xi1>, vector<16xf32>
    %add3A_1398 = arith.constant 16 : i32
    %add3A_1399 = vector.broadcast %add3A_1398 : i32 to vector<16xi32>
    %add3A_1400 = arith.addi %iota3A, %add3A_1399 : vector<16xi32>
    %eq3A_1401 = arith.cmpi eq, %add3A_1400, %min3A_1390 : vector<16xi32>
    %jit3A_1402 = arith.constant 0xFF800000 : f32
    %broadcast_in_dim3A_1403 = vector.broadcast %jit3A_1402 : f32 to vector<16xf32>
    %select_n3A_1404 = arith.select %eq3A_1401, %broadcast_in_dim3A_1403, %select_n3A_1297 : vector<16xi1>, vector<16xf32>
    %add3A_1405 = arith.constant 32 : i32
    %add3A_1406 = vector.broadcast %add3A_1405 : i32 to vector<16xi32>
    %add3A_1407 = arith.addi %iota3A, %add3A_1406 : vector<16xi32>
    %eq3A_1408 = arith.cmpi eq, %add3A_1407, %min3A_1390 : vector<16xi32>
    %jit3A_1409 = arith.constant 0xFF800000 : f32
    %broadcast_in_dim3A_1410 = vector.broadcast %jit3A_1409 : f32 to vector<16xf32>
    %select_n3A_1411 = arith.select %eq3A_1408, %broadcast_in_dim3A_1410, %select_n3A_1304 : vector<16xi1>, vector<16xf32>
    %max3A_1412 = arith.maximumf %select_n3A_1397, %select_n3A_1404 : vector<16xf32>
    %max3A_1413 = arith.maximumf %max3A_1412, %select_n3A_1411 : vector<16xf32>
    %iota3A_1414 = tpu.iota {dimensions = array<i32: 0>} : vector<16xi32>
    %xor3A_1415 = arith.constant 8 : i32
    %xor3A_1416 = vector.broadcast %xor3A_1415 : i32 to vector<16xi32>
    %xor3A_1417 = arith.xori %iota3A_1414, %xor3A_1416 : vector<16xi32>
    %broadcast_in_dim3A_1418 = vector.shape_cast %xor3A_1417 : vector<16xi32> to vector<16x1xi32>
    %gather3A_1419 = vector.shape_cast %broadcast_in_dim3A_1418 : vector<16x1xi32> to vector<16xi32>
    %gather3A_1420 = tpu.dynamic_gather %max3A_1413[%gather3A_1419] in [0] : vector<16xf32>, vector<16xi32> -> vector<16xf32>
    %max3A_1421 = arith.maximumf %max3A_1413, %gather3A_1420 : vector<16xf32>
    %xor3A_1422 = arith.constant 4 : i32
    %xor3A_1423 = vector.broadcast %xor3A_1422 : i32 to vector<16xi32>
    %xor3A_1424 = arith.xori %iota3A_1414, %xor3A_1423 : vector<16xi32>
    %broadcast_in_dim3A_1425 = vector.shape_cast %xor3A_1424 : vector<16xi32> to vector<16x1xi32>
    %gather3A_1426 = vector.shape_cast %broadcast_in_dim3A_1425 : vector<16x1xi32> to vector<16xi32>
    %gather3A_1427 = tpu.dynamic_gather %max3A_1421[%gather3A_1426] in [0] : vector<16xf32>, vector<16xi32> -> vector<16xf32>
    %max3A_1428 = arith.maximumf %max3A_1421, %gather3A_1427 : vector<16xf32>
    %xor3A_1429 = arith.constant 2 : i32
    %xor3A_1430 = vector.broadcast %xor3A_1429 : i32 to vector<16xi32>
    %xor3A_1431 = arith.xori %iota3A_1414, %xor3A_1430 : vector<16xi32>
    %broadcast_in_dim3A_1432 = vector.shape_cast %xor3A_1431 : vector<16xi32> to vector<16x1xi32>
    %gather3A_1433 = vector.shape_cast %broadcast_in_dim3A_1432 : vector<16x1xi32> to vector<16xi32>
    %gather3A_1434 = tpu.dynamic_gather %max3A_1428[%gather3A_1433] in [0] : vector<16xf32>, vector<16xi32> -> vector<16xf32>
    %max3A_1435 = arith.maximumf %max3A_1428, %gather3A_1434 : vector<16xf32>
    %xor3A_1436 = arith.constant 1 : i32
    %xor3A_1437 = vector.broadcast %xor3A_1436 : i32 to vector<16xi32>
    %xor3A_1438 = arith.xori %iota3A_1414, %xor3A_1437 : vector<16xi32>
    %broadcast_in_dim3A_1439 = vector.shape_cast %xor3A_1438 : vector<16xi32> to vector<16x1xi32>
    %gather3A_1440 = vector.shape_cast %broadcast_in_dim3A_1439 : vector<16x1xi32> to vector<16xi32>
    %gather3A_1441 = tpu.dynamic_gather %max3A_1435[%gather3A_1440] in [0] : vector<16xf32>, vector<16xi32> -> vector<16xf32>
    %max3A_1442 = arith.maximumf %max3A_1435, %gather3A_1441 : vector<16xf32>
    %broadcast_in_dim3A_1443 = arith.constant 1048576 : i32
    %broadcast_in_dim3A_1444 = vector.broadcast %broadcast_in_dim3A_1443 : i32 to vector<16xi32>
    %ge3A_1445 = arith.cmpf oge, %select_n3A_1397, %max3A_1442 : vector<16xf32>
    %add3A_1446 = arith.constant 0 : i32
    %add3A_1447 = vector.broadcast %add3A_1446 : i32 to vector<16xi32>
    %add3A_1448 = arith.addi %iota3A, %add3A_1447 : vector<16xi32>
    %jit3A_1449 = arith.constant 1048576 : i32
    %broadcast_in_dim3A_1450 = vector.broadcast %jit3A_1449 : i32 to vector<16xi32>
    %select_n3A_1451 = arith.select %ge3A_1445, %add3A_1448, %broadcast_in_dim3A_1450 : vector<16xi1>, vector<16xi32>
    %min3A_1452 = arith.minsi %broadcast_in_dim3A_1444, %select_n3A_1451 : vector<16xi32>
    %ge3A_1453 = arith.cmpf oge, %select_n3A_1404, %max3A_1442 : vector<16xf32>
    %add3A_1454 = arith.constant 16 : i32
    %add3A_1455 = vector.broadcast %add3A_1454 : i32 to vector<16xi32>
    %add3A_1456 = arith.addi %iota3A, %add3A_1455 : vector<16xi32>
    %jit3A_1457 = arith.constant 1048576 : i32
    %broadcast_in_dim3A_1458 = vector.broadcast %jit3A_1457 : i32 to vector<16xi32>
    %select_n3A_1459 = arith.select %ge3A_1453, %add3A_1456, %broadcast_in_dim3A_1458 : vector<16xi1>, vector<16xi32>
    %min3A_1460 = arith.minsi %min3A_1452, %select_n3A_1459 : vector<16xi32>
    %ge3A_1461 = arith.cmpf oge, %select_n3A_1411, %max3A_1442 : vector<16xf32>
    %add3A_1462 = arith.constant 32 : i32
    %add3A_1463 = vector.broadcast %add3A_1462 : i32 to vector<16xi32>
    %add3A_1464 = arith.addi %iota3A, %add3A_1463 : vector<16xi32>
    %jit3A_1465 = arith.constant 1048576 : i32
    %broadcast_in_dim3A_1466 = vector.broadcast %jit3A_1465 : i32 to vector<16xi32>
    %select_n3A_1467 = arith.select %ge3A_1461, %add3A_1464, %broadcast_in_dim3A_1466 : vector<16xi1>, vector<16xi32>
    %min3A_1468 = arith.minsi %min3A_1460, %select_n3A_1467 : vector<16xi32>
    %iota3A_1469 = tpu.iota {dimensions = array<i32: 0>} : vector<16xi32>
    %xor3A_1470 = arith.constant 8 : i32
    %xor3A_1471 = vector.broadcast %xor3A_1470 : i32 to vector<16xi32>
    %xor3A_1472 = arith.xori %iota3A_1469, %xor3A_1471 : vector<16xi32>
    %broadcast_in_dim3A_1473 = vector.shape_cast %xor3A_1472 : vector<16xi32> to vector<16x1xi32>
    %gather3A_1474 = vector.shape_cast %broadcast_in_dim3A_1473 : vector<16x1xi32> to vector<16xi32>
    %gather3A_1475 = tpu.dynamic_gather %min3A_1468[%gather3A_1474] in [0] : vector<16xi32>, vector<16xi32> -> vector<16xi32>
    %min3A_1476 = arith.minsi %min3A_1468, %gather3A_1475 : vector<16xi32>
    %xor3A_1477 = arith.constant 4 : i32
    %xor3A_1478 = vector.broadcast %xor3A_1477 : i32 to vector<16xi32>
    %xor3A_1479 = arith.xori %iota3A_1469, %xor3A_1478 : vector<16xi32>
    %broadcast_in_dim3A_1480 = vector.shape_cast %xor3A_1479 : vector<16xi32> to vector<16x1xi32>
    %gather3A_1481 = vector.shape_cast %broadcast_in_dim3A_1480 : vector<16x1xi32> to vector<16xi32>
    %gather3A_1482 = tpu.dynamic_gather %min3A_1476[%gather3A_1481] in [0] : vector<16xi32>, vector<16xi32> -> vector<16xi32>
    %min3A_1483 = arith.minsi %min3A_1476, %gather3A_1482 : vector<16xi32>
    %xor3A_1484 = arith.constant 2 : i32
    %xor3A_1485 = vector.broadcast %xor3A_1484 : i32 to vector<16xi32>
    %xor3A_1486 = arith.xori %iota3A_1469, %xor3A_1485 : vector<16xi32>
    %broadcast_in_dim3A_1487 = vector.shape_cast %xor3A_1486 : vector<16xi32> to vector<16x1xi32>
    %gather3A_1488 = vector.shape_cast %broadcast_in_dim3A_1487 : vector<16x1xi32> to vector<16xi32>
    %gather3A_1489 = tpu.dynamic_gather %min3A_1483[%gather3A_1488] in [0] : vector<16xi32>, vector<16xi32> -> vector<16xi32>
    %min3A_1490 = arith.minsi %min3A_1483, %gather3A_1489 : vector<16xi32>
    %xor3A_1491 = arith.constant 1 : i32
    %xor3A_1492 = vector.broadcast %xor3A_1491 : i32 to vector<16xi32>
    %xor3A_1493 = arith.xori %iota3A_1469, %xor3A_1492 : vector<16xi32>
    %broadcast_in_dim3A_1494 = vector.shape_cast %xor3A_1493 : vector<16xi32> to vector<16x1xi32>
    %gather3A_1495 = vector.shape_cast %broadcast_in_dim3A_1494 : vector<16x1xi32> to vector<16xi32>
    %gather3A_1496 = tpu.dynamic_gather %min3A_1490[%gather3A_1495] in [0] : vector<16xi32>, vector<16xi32> -> vector<16xi32>
    %min3A_1497 = arith.minsi %min3A_1490, %gather3A_1496 : vector<16xi32>
    %add3A_1498 = arith.constant 0 : i32
    %add3A_1499 = vector.broadcast %add3A_1498 : i32 to vector<16xi32>
    %add3A_1500 = arith.addi %iota3A, %add3A_1499 : vector<16xi32>
    %eq3A_1501 = arith.cmpi eq, %add3A_1500, %min3A_1497 : vector<16xi32>
    %jit3A_1502 = arith.constant 0xFF800000 : f32
    %broadcast_in_dim3A_1503 = vector.broadcast %jit3A_1502 : f32 to vector<16xf32>
    %select_n3A_1504 = arith.select %eq3A_1501, %broadcast_in_dim3A_1503, %select_n3A_1397 : vector<16xi1>, vector<16xf32>
    %add3A_1505 = arith.constant 16 : i32
    %add3A_1506 = vector.broadcast %add3A_1505 : i32 to vector<16xi32>
    %add3A_1507 = arith.addi %iota3A, %add3A_1506 : vector<16xi32>
    %eq3A_1508 = arith.cmpi eq, %add3A_1507, %min3A_1497 : vector<16xi32>
    %jit3A_1509 = arith.constant 0xFF800000 : f32
    %broadcast_in_dim3A_1510 = vector.broadcast %jit3A_1509 : f32 to vector<16xf32>
    %select_n3A_1511 = arith.select %eq3A_1508, %broadcast_in_dim3A_1510, %select_n3A_1404 : vector<16xi1>, vector<16xf32>
    %add3A_1512 = arith.constant 32 : i32
    %add3A_1513 = vector.broadcast %add3A_1512 : i32 to vector<16xi32>
    %add3A_1514 = arith.addi %iota3A, %add3A_1513 : vector<16xi32>
    %eq3A_1515 = arith.cmpi eq, %add3A_1514, %min3A_1497 : vector<16xi32>
    %jit3A_1516 = arith.constant 0xFF800000 : f32
    %broadcast_in_dim3A_1517 = vector.broadcast %jit3A_1516 : f32 to vector<16xf32>
    %select_n3A_1518 = arith.select %eq3A_1515, %broadcast_in_dim3A_1517, %select_n3A_1411 : vector<16xi1>, vector<16xf32>
    %max3A_1519 = arith.maximumf %select_n3A_1504, %select_n3A_1511 : vector<16xf32>
    %max3A_1520 = arith.maximumf %max3A_1519, %select_n3A_1518 : vector<16xf32>
    %iota3A_1521 = tpu.iota {dimensions = array<i32: 0>} : vector<16xi32>
    %xor3A_1522 = arith.constant 8 : i32
    %xor3A_1523 = vector.broadcast %xor3A_1522 : i32 to vector<16xi32>
    %xor3A_1524 = arith.xori %iota3A_1521, %xor3A_1523 : vector<16xi32>
    %broadcast_in_dim3A_1525 = vector.shape_cast %xor3A_1524 : vector<16xi32> to vector<16x1xi32>
    %gather3A_1526 = vector.shape_cast %broadcast_in_dim3A_1525 : vector<16x1xi32> to vector<16xi32>
    %gather3A_1527 = tpu.dynamic_gather %max3A_1520[%gather3A_1526] in [0] : vector<16xf32>, vector<16xi32> -> vector<16xf32>
    %max3A_1528 = arith.maximumf %max3A_1520, %gather3A_1527 : vector<16xf32>
    %xor3A_1529 = arith.constant 4 : i32
    %xor3A_1530 = vector.broadcast %xor3A_1529 : i32 to vector<16xi32>
    %xor3A_1531 = arith.xori %iota3A_1521, %xor3A_1530 : vector<16xi32>
    %broadcast_in_dim3A_1532 = vector.shape_cast %xor3A_1531 : vector<16xi32> to vector<16x1xi32>
    %gather3A_1533 = vector.shape_cast %broadcast_in_dim3A_1532 : vector<16x1xi32> to vector<16xi32>
    %gather3A_1534 = tpu.dynamic_gather %max3A_1528[%gather3A_1533] in [0] : vector<16xf32>, vector<16xi32> -> vector<16xf32>
    %max3A_1535 = arith.maximumf %max3A_1528, %gather3A_1534 : vector<16xf32>
    %xor3A_1536 = arith.constant 2 : i32
    %xor3A_1537 = vector.broadcast %xor3A_1536 : i32 to vector<16xi32>
    %xor3A_1538 = arith.xori %iota3A_1521, %xor3A_1537 : vector<16xi32>
    %broadcast_in_dim3A_1539 = vector.shape_cast %xor3A_1538 : vector<16xi32> to vector<16x1xi32>
    %gather3A_1540 = vector.shape_cast %broadcast_in_dim3A_1539 : vector<16x1xi32> to vector<16xi32>
    %gather3A_1541 = tpu.dynamic_gather %max3A_1535[%gather3A_1540] in [0] : vector<16xf32>, vector<16xi32> -> vector<16xf32>
    %max3A_1542 = arith.maximumf %max3A_1535, %gather3A_1541 : vector<16xf32>
    %xor3A_1543 = arith.constant 1 : i32
    %xor3A_1544 = vector.broadcast %xor3A_1543 : i32 to vector<16xi32>
    %xor3A_1545 = arith.xori %iota3A_1521, %xor3A_1544 : vector<16xi32>
    %broadcast_in_dim3A_1546 = vector.shape_cast %xor3A_1545 : vector<16xi32> to vector<16x1xi32>
    %gather3A_1547 = vector.shape_cast %broadcast_in_dim3A_1546 : vector<16x1xi32> to vector<16xi32>
    %gather3A_1548 = tpu.dynamic_gather %max3A_1542[%gather3A_1547] in [0] : vector<16xf32>, vector<16xi32> -> vector<16xf32>
    %max3A_1549 = arith.maximumf %max3A_1542, %gather3A_1548 : vector<16xf32>
    %broadcast_in_dim3A_1550 = arith.constant 1048576 : i32
    %broadcast_in_dim3A_1551 = vector.broadcast %broadcast_in_dim3A_1550 : i32 to vector<16xi32>
    %ge3A_1552 = arith.cmpf oge, %select_n3A_1504, %max3A_1549 : vector<16xf32>
    %add3A_1553 = arith.constant 0 : i32
    %add3A_1554 = vector.broadcast %add3A_1553 : i32 to vector<16xi32>
    %add3A_1555 = arith.addi %iota3A, %add3A_1554 : vector<16xi32>
    %jit3A_1556 = arith.constant 1048576 : i32
    %broadcast_in_dim3A_1557 = vector.broadcast %jit3A_1556 : i32 to vector<16xi32>
    %select_n3A_1558 = arith.select %ge3A_1552, %add3A_1555, %broadcast_in_dim3A_1557 : vector<16xi1>, vector<16xi32>
    %min3A_1559 = arith.minsi %broadcast_in_dim3A_1551, %select_n3A_1558 : vector<16xi32>
    %ge3A_1560 = arith.cmpf oge, %select_n3A_1511, %max3A_1549 : vector<16xf32>
    %add3A_1561 = arith.constant 16 : i32
    %add3A_1562 = vector.broadcast %add3A_1561 : i32 to vector<16xi32>
    %add3A_1563 = arith.addi %iota3A, %add3A_1562 : vector<16xi32>
    %jit3A_1564 = arith.constant 1048576 : i32
    %broadcast_in_dim3A_1565 = vector.broadcast %jit3A_1564 : i32 to vector<16xi32>
    %select_n3A_1566 = arith.select %ge3A_1560, %add3A_1563, %broadcast_in_dim3A_1565 : vector<16xi1>, vector<16xi32>
    %min3A_1567 = arith.minsi %min3A_1559, %select_n3A_1566 : vector<16xi32>
    %ge3A_1568 = arith.cmpf oge, %select_n3A_1518, %max3A_1549 : vector<16xf32>
    %add3A_1569 = arith.constant 32 : i32
    %add3A_1570 = vector.broadcast %add3A_1569 : i32 to vector<16xi32>
    %add3A_1571 = arith.addi %iota3A, %add3A_1570 : vector<16xi32>
    %jit3A_1572 = arith.constant 1048576 : i32
    %broadcast_in_dim3A_1573 = vector.broadcast %jit3A_1572 : i32 to vector<16xi32>
    %select_n3A_1574 = arith.select %ge3A_1568, %add3A_1571, %broadcast_in_dim3A_1573 : vector<16xi1>, vector<16xi32>
    %min3A_1575 = arith.minsi %min3A_1567, %select_n3A_1574 : vector<16xi32>
    %iota3A_1576 = tpu.iota {dimensions = array<i32: 0>} : vector<16xi32>
    %xor3A_1577 = arith.constant 8 : i32
    %xor3A_1578 = vector.broadcast %xor3A_1577 : i32 to vector<16xi32>
    %xor3A_1579 = arith.xori %iota3A_1576, %xor3A_1578 : vector<16xi32>
    %broadcast_in_dim3A_1580 = vector.shape_cast %xor3A_1579 : vector<16xi32> to vector<16x1xi32>
    %gather3A_1581 = vector.shape_cast %broadcast_in_dim3A_1580 : vector<16x1xi32> to vector<16xi32>
    %gather3A_1582 = tpu.dynamic_gather %min3A_1575[%gather3A_1581] in [0] : vector<16xi32>, vector<16xi32> -> vector<16xi32>
    %min3A_1583 = arith.minsi %min3A_1575, %gather3A_1582 : vector<16xi32>
    %xor3A_1584 = arith.constant 4 : i32
    %xor3A_1585 = vector.broadcast %xor3A_1584 : i32 to vector<16xi32>
    %xor3A_1586 = arith.xori %iota3A_1576, %xor3A_1585 : vector<16xi32>
    %broadcast_in_dim3A_1587 = vector.shape_cast %xor3A_1586 : vector<16xi32> to vector<16x1xi32>
    %gather3A_1588 = vector.shape_cast %broadcast_in_dim3A_1587 : vector<16x1xi32> to vector<16xi32>
    %gather3A_1589 = tpu.dynamic_gather %min3A_1583[%gather3A_1588] in [0] : vector<16xi32>, vector<16xi32> -> vector<16xi32>
    %min3A_1590 = arith.minsi %min3A_1583, %gather3A_1589 : vector<16xi32>
    %xor3A_1591 = arith.constant 2 : i32
    %xor3A_1592 = vector.broadcast %xor3A_1591 : i32 to vector<16xi32>
    %xor3A_1593 = arith.xori %iota3A_1576, %xor3A_1592 : vector<16xi32>
    %broadcast_in_dim3A_1594 = vector.shape_cast %xor3A_1593 : vector<16xi32> to vector<16x1xi32>
    %gather3A_1595 = vector.shape_cast %broadcast_in_dim3A_1594 : vector<16x1xi32> to vector<16xi32>
    %gather3A_1596 = tpu.dynamic_gather %min3A_1590[%gather3A_1595] in [0] : vector<16xi32>, vector<16xi32> -> vector<16xi32>
    %min3A_1597 = arith.minsi %min3A_1590, %gather3A_1596 : vector<16xi32>
    %xor3A_1598 = arith.constant 1 : i32
    %xor3A_1599 = vector.broadcast %xor3A_1598 : i32 to vector<16xi32>
    %xor3A_1600 = arith.xori %iota3A_1576, %xor3A_1599 : vector<16xi32>
    %broadcast_in_dim3A_1601 = vector.shape_cast %xor3A_1600 : vector<16xi32> to vector<16x1xi32>
    %gather3A_1602 = vector.shape_cast %broadcast_in_dim3A_1601 : vector<16x1xi32> to vector<16xi32>
    %gather3A_1603 = tpu.dynamic_gather %min3A_1597[%gather3A_1602] in [0] : vector<16xi32>, vector<16xi32> -> vector<16xi32>
    %min3A_1604 = arith.minsi %min3A_1597, %gather3A_1603 : vector<16xi32>
    %add3A_1605 = arith.constant 0 : i32
    %add3A_1606 = vector.broadcast %add3A_1605 : i32 to vector<16xi32>
    %add3A_1607 = arith.addi %iota3A, %add3A_1606 : vector<16xi32>
    %eq3A_1608 = arith.cmpi eq, %add3A_1607, %min3A_1604 : vector<16xi32>
    %jit3A_1609 = arith.constant 0xFF800000 : f32
    %broadcast_in_dim3A_1610 = vector.broadcast %jit3A_1609 : f32 to vector<16xf32>
    %select_n3A_1611 = arith.select %eq3A_1608, %broadcast_in_dim3A_1610, %select_n3A_1504 : vector<16xi1>, vector<16xf32>
    %add3A_1612 = arith.constant 16 : i32
    %add3A_1613 = vector.broadcast %add3A_1612 : i32 to vector<16xi32>
    %add3A_1614 = arith.addi %iota3A, %add3A_1613 : vector<16xi32>
    %eq3A_1615 = arith.cmpi eq, %add3A_1614, %min3A_1604 : vector<16xi32>
    %jit3A_1616 = arith.constant 0xFF800000 : f32
    %broadcast_in_dim3A_1617 = vector.broadcast %jit3A_1616 : f32 to vector<16xf32>
    %select_n3A_1618 = arith.select %eq3A_1615, %broadcast_in_dim3A_1617, %select_n3A_1511 : vector<16xi1>, vector<16xf32>
    %add3A_1619 = arith.constant 32 : i32
    %add3A_1620 = vector.broadcast %add3A_1619 : i32 to vector<16xi32>
    %add3A_1621 = arith.addi %iota3A, %add3A_1620 : vector<16xi32>
    %eq3A_1622 = arith.cmpi eq, %add3A_1621, %min3A_1604 : vector<16xi32>
    %jit3A_1623 = arith.constant 0xFF800000 : f32
    %broadcast_in_dim3A_1624 = vector.broadcast %jit3A_1623 : f32 to vector<16xf32>
    %select_n3A_1625 = arith.select %eq3A_1622, %broadcast_in_dim3A_1624, %select_n3A_1518 : vector<16xi1>, vector<16xf32>
    %broadcast_in_dim3A_1626 = arith.constant 0xFF800000 : f32
    %broadcast_in_dim3A_1627 = vector.broadcast %broadcast_in_dim3A_1626 : f32 to vector<16xf32>
    %eq3A_1628 = arith.constant 0 : i32
    %eq3A_1629 = vector.broadcast %eq3A_1628 : i32 to vector<16xi32>
    %eq3A_1630 = arith.cmpi eq, %iota3A, %eq3A_1629 : vector<16xi32>
    %select_n3A_1631 = arith.select %eq3A_1630, %max3A_1228, %broadcast_in_dim3A_1627 : vector<16xi1>, vector<16xf32>
    %eq3A_1632 = arith.constant 1 : i32
    %eq3A_1633 = vector.broadcast %eq3A_1632 : i32 to vector<16xi32>
    %eq3A_1634 = arith.cmpi eq, %iota3A, %eq3A_1633 : vector<16xi32>
    %select_n3A_1635 = arith.select %eq3A_1634, %max3A_1335, %select_n3A_1631 : vector<16xi1>, vector<16xf32>
    %eq3A_1636 = arith.constant 2 : i32
    %eq3A_1637 = vector.broadcast %eq3A_1636 : i32 to vector<16xi32>
    %eq3A_1638 = arith.cmpi eq, %iota3A, %eq3A_1637 : vector<16xi32>
    %select_n3A_1639 = arith.select %eq3A_1638, %max3A_1442, %select_n3A_1635 : vector<16xi1>, vector<16xf32>
    %eq3A_1640 = arith.constant 3 : i32
    %eq3A_1641 = vector.broadcast %eq3A_1640 : i32 to vector<16xi32>
    %eq3A_1642 = arith.cmpi eq, %iota3A, %eq3A_1641 : vector<16xi32>
    %select_n3A_1643 = arith.select %eq3A_1642, %max3A_1549, %select_n3A_1639 : vector<16xi1>, vector<16xf32>
    %sub3A_1644 = arith.subf %select_n3A_1643, %max3A_1228 : vector<16xf32>
    %exp3A_1645 = math.exp %sub3A_1644 : vector<16xf32>
    %iota3A_1646 = tpu.iota {dimensions = array<i32: 0>} : vector<16xi32>
    %xor3A_1647 = arith.constant 8 : i32
    %xor3A_1648 = vector.broadcast %xor3A_1647 : i32 to vector<16xi32>
    %xor3A_1649 = arith.xori %iota3A_1646, %xor3A_1648 : vector<16xi32>
    %broadcast_in_dim3A_1650 = vector.shape_cast %xor3A_1649 : vector<16xi32> to vector<16x1xi32>
    %gather3A_1651 = vector.shape_cast %broadcast_in_dim3A_1650 : vector<16x1xi32> to vector<16xi32>
    %gather3A_1652 = tpu.dynamic_gather %exp3A_1645[%gather3A_1651] in [0] : vector<16xf32>, vector<16xi32> -> vector<16xf32>
    %add3A_1653 = arith.addf %exp3A_1645, %gather3A_1652 : vector<16xf32>
    %xor3A_1654 = arith.constant 4 : i32
    %xor3A_1655 = vector.broadcast %xor3A_1654 : i32 to vector<16xi32>
    %xor3A_1656 = arith.xori %iota3A_1646, %xor3A_1655 : vector<16xi32>
    %broadcast_in_dim3A_1657 = vector.shape_cast %xor3A_1656 : vector<16xi32> to vector<16x1xi32>
    %gather3A_1658 = vector.shape_cast %broadcast_in_dim3A_1657 : vector<16x1xi32> to vector<16xi32>
    %gather3A_1659 = tpu.dynamic_gather %add3A_1653[%gather3A_1658] in [0] : vector<16xf32>, vector<16xi32> -> vector<16xf32>
    %add3A_1660 = arith.addf %add3A_1653, %gather3A_1659 : vector<16xf32>
    %xor3A_1661 = arith.constant 2 : i32
    %xor3A_1662 = vector.broadcast %xor3A_1661 : i32 to vector<16xi32>
    %xor3A_1663 = arith.xori %iota3A_1646, %xor3A_1662 : vector<16xi32>
    %broadcast_in_dim3A_1664 = vector.shape_cast %xor3A_1663 : vector<16xi32> to vector<16x1xi32>
    %gather3A_1665 = vector.shape_cast %broadcast_in_dim3A_1664 : vector<16x1xi32> to vector<16xi32>
    %gather3A_1666 = tpu.dynamic_gather %add3A_1660[%gather3A_1665] in [0] : vector<16xf32>, vector<16xi32> -> vector<16xf32>
    %add3A_1667 = arith.addf %add3A_1660, %gather3A_1666 : vector<16xf32>
    %xor3A_1668 = arith.constant 1 : i32
    %xor3A_1669 = vector.broadcast %xor3A_1668 : i32 to vector<16xi32>
    %xor3A_1670 = arith.xori %iota3A_1646, %xor3A_1669 : vector<16xi32>
    %broadcast_in_dim3A_1671 = vector.shape_cast %xor3A_1670 : vector<16xi32> to vector<16x1xi32>
    %gather3A_1672 = vector.shape_cast %broadcast_in_dim3A_1671 : vector<16x1xi32> to vector<16xi32>
    %gather3A_1673 = tpu.dynamic_gather %add3A_1667[%gather3A_1672] in [0] : vector<16xf32>, vector<16xi32> -> vector<16xf32>
    %add3A_1674 = arith.addf %add3A_1667, %gather3A_1673 : vector<16xf32>
    %div3A_1675 = arith.divf %exp3A_1645, %add3A_1674 : vector<16xf32>
    %broadcast_in_dim3A_1676 = arith.constant 0 : i32
    %broadcast_in_dim3A_1677 = vector.broadcast %broadcast_in_dim3A_1676 : i32 to vector<16xi32>
    %broadcast_in_dim3A_1678 = vector.shape_cast %broadcast_in_dim3A_1677 : vector<16xi32> to vector<16x1xi32>
    %gather3A_1679 = vector.shape_cast %broadcast_in_dim3A_1678 : vector<16x1xi32> to vector<16xi32>
    %gather3A_1680 = tpu.dynamic_gather %div3A_1675[%gather3A_1679] in [0] : vector<16xf32>, vector<16xi32> -> vector<16xf32>
    %broadcast_in_dim3A_1681 = arith.constant 1 : i32
    %broadcast_in_dim3A_1682 = vector.broadcast %broadcast_in_dim3A_1681 : i32 to vector<16xi32>
    %broadcast_in_dim3A_1683 = vector.shape_cast %broadcast_in_dim3A_1682 : vector<16xi32> to vector<16x1xi32>
    %gather3A_1684 = vector.shape_cast %broadcast_in_dim3A_1683 : vector<16x1xi32> to vector<16xi32>
    %gather3A_1685 = tpu.dynamic_gather %div3A_1675[%gather3A_1684] in [0] : vector<16xf32>, vector<16xi32> -> vector<16xf32>
    %broadcast_in_dim3A_1686 = arith.constant 2 : i32
    %broadcast_in_dim3A_1687 = vector.broadcast %broadcast_in_dim3A_1686 : i32 to vector<16xi32>
    %broadcast_in_dim3A_1688 = vector.shape_cast %broadcast_in_dim3A_1687 : vector<16xi32> to vector<16x1xi32>
    %gather3A_1689 = vector.shape_cast %broadcast_in_dim3A_1688 : vector<16x1xi32> to vector<16xi32>
    %gather3A_1690 = tpu.dynamic_gather %div3A_1675[%gather3A_1689] in [0] : vector<16xf32>, vector<16xi32> -> vector<16xf32>
    %broadcast_in_dim3A_1691 = arith.constant 3 : i32
    %broadcast_in_dim3A_1692 = vector.broadcast %broadcast_in_dim3A_1691 : i32 to vector<16xi32>
    %broadcast_in_dim3A_1693 = vector.shape_cast %broadcast_in_dim3A_1692 : vector<16xi32> to vector<16x1xi32>
    %gather3A_1694 = vector.shape_cast %broadcast_in_dim3A_1693 : vector<16x1xi32> to vector<16xi32>
    %gather3A_1695 = tpu.dynamic_gather %div3A_1675[%gather3A_1694] in [0] : vector<16xf32>, vector<16xi32> -> vector<16xf32>
    %broadcast_in_dim3A_1696 = arith.constant 0.000000e+00 : f32
    %broadcast_in_dim3A_1697 = vector.broadcast %broadcast_in_dim3A_1696 : f32 to vector<16xf32>
    %add3A_1698 = arith.constant 0 : i32
    %add3A_1699 = vector.broadcast %add3A_1698 : i32 to vector<16xi32>
    %add3A_1700 = arith.addi %iota3A, %add3A_1699 : vector<16xi32>
    %eq3A_1701 = arith.cmpi eq, %add3A_1700, %min3A_1283 : vector<16xi32>
    %select_n3A_1702 = arith.select %eq3A_1701, %gather3A_1680, %broadcast_in_dim3A_1697 : vector<16xi1>, vector<16xf32>
    %add3A_1703 = arith.constant 0 : i32
    %add3A_1704 = vector.broadcast %add3A_1703 : i32 to vector<16xi32>
    %add3A_1705 = arith.addi %iota3A, %add3A_1704 : vector<16xi32>
    %eq3A_1706 = arith.cmpi eq, %add3A_1705, %min3A_1390 : vector<16xi32>
    %select_n3A_1707 = arith.select %eq3A_1706, %gather3A_1685, %select_n3A_1702 : vector<16xi1>, vector<16xf32>
    %add3A_1708 = arith.constant 0 : i32
    %add3A_1709 = vector.broadcast %add3A_1708 : i32 to vector<16xi32>
    %add3A_1710 = arith.addi %iota3A, %add3A_1709 : vector<16xi32>
    %eq3A_1711 = arith.cmpi eq, %add3A_1710, %min3A_1497 : vector<16xi32>
    %select_n3A_1712 = arith.select %eq3A_1711, %gather3A_1690, %select_n3A_1707 : vector<16xi1>, vector<16xf32>
    %add3A_1713 = arith.constant 0 : i32
    %add3A_1714 = vector.broadcast %add3A_1713 : i32 to vector<16xi32>
    %add3A_1715 = arith.addi %iota3A, %add3A_1714 : vector<16xi32>
    %eq3A_1716 = arith.cmpi eq, %add3A_1715, %min3A_1604 : vector<16xi32>
    %select_n3A_1717 = arith.select %eq3A_1716, %gather3A_1695, %select_n3A_1712 : vector<16xi1>, vector<16xf32>
    %swap3A_1718 = arith.constant 2 : i32
    %swap3A_1719 = arith.index_cast %swap3A_1718 : i32 to index
    %swap3A_1720 = arith.constant 0 : index
    %swap3A_1721 = tpu.vector_load %arg5[%swap3A_1719, %swap3A_1720] {strides = array<i32>} : memref<8x48xf32, #tpu.memory_space<vmem>>, vector<1x16xf32>,
    %swap3A_1722 = vector.shape_cast %swap3A_1721 : vector<1x16xf32> to vector<16xf32>
    %swap3A_1723 = vector.shape_cast %select_n3A_1717 : vector<16xf32> to vector<1x16xf32>
    tpu.vector_store %arg5[%swap3A_1719, %swap3A_1720], %swap3A_1723 {strides = array<i32>} : memref<8x48xf32, #tpu.memory_space<vmem>>, vector<1x16xf32>,
    %broadcast_in_dim3A_1724 = arith.constant 0.000000e+00 : f32
    %broadcast_in_dim3A_1725 = vector.broadcast %broadcast_in_dim3A_1724 : f32 to vector<16xf32>
    %add3A_1726 = arith.constant 16 : i32
    %add3A_1727 = vector.broadcast %add3A_1726 : i32 to vector<16xi32>
    %add3A_1728 = arith.addi %iota3A, %add3A_1727 : vector<16xi32>
    %eq3A_1729 = arith.cmpi eq, %add3A_1728, %min3A_1283 : vector<16xi32>
    %select_n3A_1730 = arith.select %eq3A_1729, %gather3A_1680, %broadcast_in_dim3A_1725 : vector<16xi1>, vector<16xf32>
    %add3A_1731 = arith.constant 16 : i32
    %add3A_1732 = vector.broadcast %add3A_1731 : i32 to vector<16xi32>
    %add3A_1733 = arith.addi %iota3A, %add3A_1732 : vector<16xi32>
    %eq3A_1734 = arith.cmpi eq, %add3A_1733, %min3A_1390 : vector<16xi32>
    %select_n3A_1735 = arith.select %eq3A_1734, %gather3A_1685, %select_n3A_1730 : vector<16xi1>, vector<16xf32>
    %add3A_1736 = arith.constant 16 : i32
    %add3A_1737 = vector.broadcast %add3A_1736 : i32 to vector<16xi32>
    %add3A_1738 = arith.addi %iota3A, %add3A_1737 : vector<16xi32>
    %eq3A_1739 = arith.cmpi eq, %add3A_1738, %min3A_1497 : vector<16xi32>
    %select_n3A_1740 = arith.select %eq3A_1739, %gather3A_1690, %select_n3A_1735 : vector<16xi1>, vector<16xf32>
    %add3A_1741 = arith.constant 16 : i32
    %add3A_1742 = vector.broadcast %add3A_1741 : i32 to vector<16xi32>
    %add3A_1743 = arith.addi %iota3A, %add3A_1742 : vector<16xi32>
    %eq3A_1744 = arith.cmpi eq, %add3A_1743, %min3A_1604 : vector<16xi32>
    %select_n3A_1745 = arith.select %eq3A_1744, %gather3A_1695, %select_n3A_1740 : vector<16xi1>, vector<16xf32>
    %swap3A_1746 = arith.constant 2 : i32
    %swap3A_1747 = arith.index_cast %swap3A_1746 : i32 to index
    %swap3A_1748 = arith.constant 16 : index
    %swap3A_1749 = tpu.vector_load %arg5[%swap3A_1747, %swap3A_1748] {strides = array<i32>} : memref<8x48xf32, #tpu.memory_space<vmem>>, vector<1x16xf32>,
    %swap3A_1750 = vector.shape_cast %swap3A_1749 : vector<1x16xf32> to vector<16xf32>
    %swap3A_1751 = vector.shape_cast %select_n3A_1745 : vector<16xf32> to vector<1x16xf32>
    tpu.vector_store %arg5[%swap3A_1747, %swap3A_1748], %swap3A_1751 {strides = array<i32>} : memref<8x48xf32, #tpu.memory_space<vmem>>, vector<1x16xf32>,
    %broadcast_in_dim3A_1752 = arith.constant 0.000000e+00 : f32
    %broadcast_in_dim3A_1753 = vector.broadcast %broadcast_in_dim3A_1752 : f32 to vector<16xf32>
    %add3A_1754 = arith.constant 32 : i32
    %add3A_1755 = vector.broadcast %add3A_1754 : i32 to vector<16xi32>
    %add3A_1756 = arith.addi %iota3A, %add3A_1755 : vector<16xi32>
    %eq3A_1757 = arith.cmpi eq, %add3A_1756, %min3A_1283 : vector<16xi32>
    %select_n3A_1758 = arith.select %eq3A_1757, %gather3A_1680, %broadcast_in_dim3A_1753 : vector<16xi1>, vector<16xf32>
    %add3A_1759 = arith.constant 32 : i32
    %add3A_1760 = vector.broadcast %add3A_1759 : i32 to vector<16xi32>
    %add3A_1761 = arith.addi %iota3A, %add3A_1760 : vector<16xi32>
    %eq3A_1762 = arith.cmpi eq, %add3A_1761, %min3A_1390 : vector<16xi32>
    %select_n3A_1763 = arith.select %eq3A_1762, %gather3A_1685, %select_n3A_1758 : vector<16xi1>, vector<16xf32>
    %add3A_1764 = arith.constant 32 : i32
    %add3A_1765 = vector.broadcast %add3A_1764 : i32 to vector<16xi32>
    %add3A_1766 = arith.addi %iota3A, %add3A_1765 : vector<16xi32>
    %eq3A_1767 = arith.cmpi eq, %add3A_1766, %min3A_1497 : vector<16xi32>
    %select_n3A_1768 = arith.select %eq3A_1767, %gather3A_1690, %select_n3A_1763 : vector<16xi1>, vector<16xf32>
    %add3A_1769 = arith.constant 32 : i32
    %add3A_1770 = vector.broadcast %add3A_1769 : i32 to vector<16xi32>
    %add3A_1771 = arith.addi %iota3A, %add3A_1770 : vector<16xi32>
    %eq3A_1772 = arith.cmpi eq, %add3A_1771, %min3A_1604 : vector<16xi32>
    %select_n3A_1773 = arith.select %eq3A_1772, %gather3A_1695, %select_n3A_1768 : vector<16xi1>, vector<16xf32>
    %swap3A_1774 = arith.constant 2 : i32
    %swap3A_1775 = arith.index_cast %swap3A_1774 : i32 to index
    %swap3A_1776 = arith.constant 32 : index
    %swap3A_1777 = tpu.vector_load %arg5[%swap3A_1775, %swap3A_1776] {strides = array<i32>} : memref<8x48xf32, #tpu.memory_space<vmem>>, vector<1x16xf32>,
    %swap3A_1778 = vector.shape_cast %swap3A_1777 : vector<1x16xf32> to vector<16xf32>
    %swap3A_1779 = vector.shape_cast %select_n3A_1773 : vector<16xf32> to vector<1x16xf32>
    tpu.vector_store %arg5[%swap3A_1775, %swap3A_1776], %swap3A_1779 {strides = array<i32>} : memref<8x48xf32, #tpu.memory_space<vmem>>, vector<1x16xf32>,
    %get3A_1780 = arith.constant 3 : i32
    %get3A_1781 = arith.index_cast %get3A_1780 : i32 to index
    %get3A_1782 = arith.constant 0 : index
    %get3A_1783 = tpu.vector_load %arg4[%get3A_1781, %get3A_1782] {strides = array<i32>} : memref<8x48xf32, #tpu.memory_space<vmem>>, vector<1x16xf32>,
    %get3A_1784 = vector.shape_cast %get3A_1783 : vector<1x16xf32> to vector<16xf32>
    %get3A_1785 = arith.constant 3 : i32
    %get3A_1786 = arith.index_cast %get3A_1785 : i32 to index
    %get3A_1787 = arith.constant 16 : index
    %get3A_1788 = tpu.vector_load %arg4[%get3A_1786, %get3A_1787] {strides = array<i32>} : memref<8x48xf32, #tpu.memory_space<vmem>>, vector<1x16xf32>,
    %get3A_1789 = vector.shape_cast %get3A_1788 : vector<1x16xf32> to vector<16xf32>
    %get3A_1790 = arith.constant 3 : i32
    %get3A_1791 = arith.index_cast %get3A_1790 : i32 to index
    %get3A_1792 = arith.constant 32 : index
    %get3A_1793 = tpu.vector_load %arg4[%get3A_1791, %get3A_1792] {strides = array<i32>} : memref<8x48xf32, #tpu.memory_space<vmem>>, vector<1x16xf32>,
    %get3A_1794 = vector.shape_cast %get3A_1793 : vector<1x16xf32> to vector<16xf32>
    %max3A_1795 = arith.maximumf %get3A_1784, %get3A_1789 : vector<16xf32>
    %max3A_1796 = arith.maximumf %max3A_1795, %get3A_1794 : vector<16xf32>
    %iota3A_1797 = tpu.iota {dimensions = array<i32: 0>} : vector<16xi32>
    %xor3A_1798 = arith.constant 8 : i32
    %xor3A_1799 = vector.broadcast %xor3A_1798 : i32 to vector<16xi32>
    %xor3A_1800 = arith.xori %iota3A_1797, %xor3A_1799 : vector<16xi32>
    %broadcast_in_dim3A_1801 = vector.shape_cast %xor3A_1800 : vector<16xi32> to vector<16x1xi32>
    %gather3A_1802 = vector.shape_cast %broadcast_in_dim3A_1801 : vector<16x1xi32> to vector<16xi32>
    %gather3A_1803 = tpu.dynamic_gather %max3A_1796[%gather3A_1802] in [0] : vector<16xf32>, vector<16xi32> -> vector<16xf32>
    %max3A_1804 = arith.maximumf %max3A_1796, %gather3A_1803 : vector<16xf32>
    %xor3A_1805 = arith.constant 4 : i32
    %xor3A_1806 = vector.broadcast %xor3A_1805 : i32 to vector<16xi32>
    %xor3A_1807 = arith.xori %iota3A_1797, %xor3A_1806 : vector<16xi32>
    %broadcast_in_dim3A_1808 = vector.shape_cast %xor3A_1807 : vector<16xi32> to vector<16x1xi32>
    %gather3A_1809 = vector.shape_cast %broadcast_in_dim3A_1808 : vector<16x1xi32> to vector<16xi32>
    %gather3A_1810 = tpu.dynamic_gather %max3A_1804[%gather3A_1809] in [0] : vector<16xf32>, vector<16xi32> -> vector<16xf32>
    %max3A_1811 = arith.maximumf %max3A_1804, %gather3A_1810 : vector<16xf32>
    %xor3A_1812 = arith.constant 2 : i32
    %xor3A_1813 = vector.broadcast %xor3A_1812 : i32 to vector<16xi32>
    %xor3A_1814 = arith.xori %iota3A_1797, %xor3A_1813 : vector<16xi32>
    %broadcast_in_dim3A_1815 = vector.shape_cast %xor3A_1814 : vector<16xi32> to vector<16x1xi32>
    %gather3A_1816 = vector.shape_cast %broadcast_in_dim3A_1815 : vector<16x1xi32> to vector<16xi32>
    %gather3A_1817 = tpu.dynamic_gather %max3A_1811[%gather3A_1816] in [0] : vector<16xf32>, vector<16xi32> -> vector<16xf32>
    %max3A_1818 = arith.maximumf %max3A_1811, %gather3A_1817 : vector<16xf32>
    %xor3A_1819 = arith.constant 1 : i32
    %xor3A_1820 = vector.broadcast %xor3A_1819 : i32 to vector<16xi32>
    %xor3A_1821 = arith.xori %iota3A_1797, %xor3A_1820 : vector<16xi32>
    %broadcast_in_dim3A_1822 = vector.shape_cast %xor3A_1821 : vector<16xi32> to vector<16x1xi32>
    %gather3A_1823 = vector.shape_cast %broadcast_in_dim3A_1822 : vector<16x1xi32> to vector<16xi32>
    %gather3A_1824 = tpu.dynamic_gather %max3A_1818[%gather3A_1823] in [0] : vector<16xf32>, vector<16xi32> -> vector<16xf32>
    %max3A_1825 = arith.maximumf %max3A_1818, %gather3A_1824 : vector<16xf32>
    %broadcast_in_dim3A_1826 = arith.constant 1048576 : i32
    %broadcast_in_dim3A_1827 = vector.broadcast %broadcast_in_dim3A_1826 : i32 to vector<16xi32>
    %ge3A_1828 = arith.cmpf oge, %get3A_1784, %max3A_1825 : vector<16xf32>
    %add3A_1829 = arith.constant 0 : i32
    %add3A_1830 = vector.broadcast %add3A_1829 : i32 to vector<16xi32>
    %add3A_1831 = arith.addi %iota3A, %add3A_1830 : vector<16xi32>
    %jit3A_1832 = arith.constant 1048576 : i32
    %broadcast_in_dim3A_1833 = vector.broadcast %jit3A_1832 : i32 to vector<16xi32>
    %select_n3A_1834 = arith.select %ge3A_1828, %add3A_1831, %broadcast_in_dim3A_1833 : vector<16xi1>, vector<16xi32>
    %min3A_1835 = arith.minsi %broadcast_in_dim3A_1827, %select_n3A_1834 : vector<16xi32>
    %ge3A_1836 = arith.cmpf oge, %get3A_1789, %max3A_1825 : vector<16xf32>
    %add3A_1837 = arith.constant 16 : i32
    %add3A_1838 = vector.broadcast %add3A_1837 : i32 to vector<16xi32>
    %add3A_1839 = arith.addi %iota3A, %add3A_1838 : vector<16xi32>
    %jit3A_1840 = arith.constant 1048576 : i32
    %broadcast_in_dim3A_1841 = vector.broadcast %jit3A_1840 : i32 to vector<16xi32>
    %select_n3A_1842 = arith.select %ge3A_1836, %add3A_1839, %broadcast_in_dim3A_1841 : vector<16xi1>, vector<16xi32>
    %min3A_1843 = arith.minsi %min3A_1835, %select_n3A_1842 : vector<16xi32>
    %ge3A_1844 = arith.cmpf oge, %get3A_1794, %max3A_1825 : vector<16xf32>
    %add3A_1845 = arith.constant 32 : i32
    %add3A_1846 = vector.broadcast %add3A_1845 : i32 to vector<16xi32>
    %add3A_1847 = arith.addi %iota3A, %add3A_1846 : vector<16xi32>
    %jit3A_1848 = arith.constant 1048576 : i32
    %broadcast_in_dim3A_1849 = vector.broadcast %jit3A_1848 : i32 to vector<16xi32>
    %select_n3A_1850 = arith.select %ge3A_1844, %add3A_1847, %broadcast_in_dim3A_1849 : vector<16xi1>, vector<16xi32>
    %min3A_1851 = arith.minsi %min3A_1843, %select_n3A_1850 : vector<16xi32>
    %iota3A_1852 = tpu.iota {dimensions = array<i32: 0>} : vector<16xi32>
    %xor3A_1853 = arith.constant 8 : i32
    %xor3A_1854 = vector.broadcast %xor3A_1853 : i32 to vector<16xi32>
    %xor3A_1855 = arith.xori %iota3A_1852, %xor3A_1854 : vector<16xi32>
    %broadcast_in_dim3A_1856 = vector.shape_cast %xor3A_1855 : vector<16xi32> to vector<16x1xi32>
    %gather3A_1857 = vector.shape_cast %broadcast_in_dim3A_1856 : vector<16x1xi32> to vector<16xi32>
    %gather3A_1858 = tpu.dynamic_gather %min3A_1851[%gather3A_1857] in [0] : vector<16xi32>, vector<16xi32> -> vector<16xi32>
    %min3A_1859 = arith.minsi %min3A_1851, %gather3A_1858 : vector<16xi32>
    %xor3A_1860 = arith.constant 4 : i32
    %xor3A_1861 = vector.broadcast %xor3A_1860 : i32 to vector<16xi32>
    %xor3A_1862 = arith.xori %iota3A_1852, %xor3A_1861 : vector<16xi32>
    %broadcast_in_dim3A_1863 = vector.shape_cast %xor3A_1862 : vector<16xi32> to vector<16x1xi32>
    %gather3A_1864 = vector.shape_cast %broadcast_in_dim3A_1863 : vector<16x1xi32> to vector<16xi32>
    %gather3A_1865 = tpu.dynamic_gather %min3A_1859[%gather3A_1864] in [0] : vector<16xi32>, vector<16xi32> -> vector<16xi32>
    %min3A_1866 = arith.minsi %min3A_1859, %gather3A_1865 : vector<16xi32>
    %xor3A_1867 = arith.constant 2 : i32
    %xor3A_1868 = vector.broadcast %xor3A_1867 : i32 to vector<16xi32>
    %xor3A_1869 = arith.xori %iota3A_1852, %xor3A_1868 : vector<16xi32>
    %broadcast_in_dim3A_1870 = vector.shape_cast %xor3A_1869 : vector<16xi32> to vector<16x1xi32>
    %gather3A_1871 = vector.shape_cast %broadcast_in_dim3A_1870 : vector<16x1xi32> to vector<16xi32>
    %gather3A_1872 = tpu.dynamic_gather %min3A_1866[%gather3A_1871] in [0] : vector<16xi32>, vector<16xi32> -> vector<16xi32>
    %min3A_1873 = arith.minsi %min3A_1866, %gather3A_1872 : vector<16xi32>
    %xor3A_1874 = arith.constant 1 : i32
    %xor3A_1875 = vector.broadcast %xor3A_1874 : i32 to vector<16xi32>
    %xor3A_1876 = arith.xori %iota3A_1852, %xor3A_1875 : vector<16xi32>
    %broadcast_in_dim3A_1877 = vector.shape_cast %xor3A_1876 : vector<16xi32> to vector<16x1xi32>
    %gather3A_1878 = vector.shape_cast %broadcast_in_dim3A_1877 : vector<16x1xi32> to vector<16xi32>
    %gather3A_1879 = tpu.dynamic_gather %min3A_1873[%gather3A_1878] in [0] : vector<16xi32>, vector<16xi32> -> vector<16xi32>
    %min3A_1880 = arith.minsi %min3A_1873, %gather3A_1879 : vector<16xi32>
    %add3A_1881 = arith.constant 0 : i32
    %add3A_1882 = vector.broadcast %add3A_1881 : i32 to vector<16xi32>
    %add3A_1883 = arith.addi %iota3A, %add3A_1882 : vector<16xi32>
    %eq3A_1884 = arith.cmpi eq, %add3A_1883, %min3A_1880 : vector<16xi32>
    %jit3A_1885 = arith.constant 0xFF800000 : f32
    %broadcast_in_dim3A_1886 = vector.broadcast %jit3A_1885 : f32 to vector<16xf32>
    %select_n3A_1887 = arith.select %eq3A_1884, %broadcast_in_dim3A_1886, %get3A_1784 : vector<16xi1>, vector<16xf32>
    %add3A_1888 = arith.constant 16 : i32
    %add3A_1889 = vector.broadcast %add3A_1888 : i32 to vector<16xi32>
    %add3A_1890 = arith.addi %iota3A, %add3A_1889 : vector<16xi32>
    %eq3A_1891 = arith.cmpi eq, %add3A_1890, %min3A_1880 : vector<16xi32>
    %jit3A_1892 = arith.constant 0xFF800000 : f32
    %broadcast_in_dim3A_1893 = vector.broadcast %jit3A_1892 : f32 to vector<16xf32>
    %select_n3A_1894 = arith.select %eq3A_1891, %broadcast_in_dim3A_1893, %get3A_1789 : vector<16xi1>, vector<16xf32>
    %add3A_1895 = arith.constant 32 : i32
    %add3A_1896 = vector.broadcast %add3A_1895 : i32 to vector<16xi32>
    %add3A_1897 = arith.addi %iota3A, %add3A_1896 : vector<16xi32>
    %eq3A_1898 = arith.cmpi eq, %add3A_1897, %min3A_1880 : vector<16xi32>
    %jit3A_1899 = arith.constant 0xFF800000 : f32
    %broadcast_in_dim3A_1900 = vector.broadcast %jit3A_1899 : f32 to vector<16xf32>
    %select_n3A_1901 = arith.select %eq3A_1898, %broadcast_in_dim3A_1900, %get3A_1794 : vector<16xi1>, vector<16xf32>
    %max3A_1902 = arith.maximumf %select_n3A_1887, %select_n3A_1894 : vector<16xf32>
    %max3A_1903 = arith.maximumf %max3A_1902, %select_n3A_1901 : vector<16xf32>
    %iota3A_1904 = tpu.iota {dimensions = array<i32: 0>} : vector<16xi32>
    %xor3A_1905 = arith.constant 8 : i32
    %xor3A_1906 = vector.broadcast %xor3A_1905 : i32 to vector<16xi32>
    %xor3A_1907 = arith.xori %iota3A_1904, %xor3A_1906 : vector<16xi32>
    %broadcast_in_dim3A_1908 = vector.shape_cast %xor3A_1907 : vector<16xi32> to vector<16x1xi32>
    %gather3A_1909 = vector.shape_cast %broadcast_in_dim3A_1908 : vector<16x1xi32> to vector<16xi32>
    %gather3A_1910 = tpu.dynamic_gather %max3A_1903[%gather3A_1909] in [0] : vector<16xf32>, vector<16xi32> -> vector<16xf32>
    %max3A_1911 = arith.maximumf %max3A_1903, %gather3A_1910 : vector<16xf32>
    %xor3A_1912 = arith.constant 4 : i32
    %xor3A_1913 = vector.broadcast %xor3A_1912 : i32 to vector<16xi32>
    %xor3A_1914 = arith.xori %iota3A_1904, %xor3A_1913 : vector<16xi32>
    %broadcast_in_dim3A_1915 = vector.shape_cast %xor3A_1914 : vector<16xi32> to vector<16x1xi32>
    %gather3A_1916 = vector.shape_cast %broadcast_in_dim3A_1915 : vector<16x1xi32> to vector<16xi32>
    %gather3A_1917 = tpu.dynamic_gather %max3A_1911[%gather3A_1916] in [0] : vector<16xf32>, vector<16xi32> -> vector<16xf32>
    %max3A_1918 = arith.maximumf %max3A_1911, %gather3A_1917 : vector<16xf32>
    %xor3A_1919 = arith.constant 2 : i32
    %xor3A_1920 = vector.broadcast %xor3A_1919 : i32 to vector<16xi32>
    %xor3A_1921 = arith.xori %iota3A_1904, %xor3A_1920 : vector<16xi32>
    %broadcast_in_dim3A_1922 = vector.shape_cast %xor3A_1921 : vector<16xi32> to vector<16x1xi32>
    %gather3A_1923 = vector.shape_cast %broadcast_in_dim3A_1922 : vector<16x1xi32> to vector<16xi32>
    %gather3A_1924 = tpu.dynamic_gather %max3A_1918[%gather3A_1923] in [0] : vector<16xf32>, vector<16xi32> -> vector<16xf32>
    %max3A_1925 = arith.maximumf %max3A_1918, %gather3A_1924 : vector<16xf32>
    %xor3A_1926 = arith.constant 1 : i32
    %xor3A_1927 = vector.broadcast %xor3A_1926 : i32 to vector<16xi32>
    %xor3A_1928 = arith.xori %iota3A_1904, %xor3A_1927 : vector<16xi32>
    %broadcast_in_dim3A_1929 = vector.shape_cast %xor3A_1928 : vector<16xi32> to vector<16x1xi32>
    %gather3A_1930 = vector.shape_cast %broadcast_in_dim3A_1929 : vector<16x1xi32> to vector<16xi32>
    %gather3A_1931 = tpu.dynamic_gather %max3A_1925[%gather3A_1930] in [0] : vector<16xf32>, vector<16xi32> -> vector<16xf32>
    %max3A_1932 = arith.maximumf %max3A_1925, %gather3A_1931 : vector<16xf32>
    %broadcast_in_dim3A_1933 = arith.constant 1048576 : i32
    %broadcast_in_dim3A_1934 = vector.broadcast %broadcast_in_dim3A_1933 : i32 to vector<16xi32>
    %ge3A_1935 = arith.cmpf oge, %select_n3A_1887, %max3A_1932 : vector<16xf32>
    %add3A_1936 = arith.constant 0 : i32
    %add3A_1937 = vector.broadcast %add3A_1936 : i32 to vector<16xi32>
    %add3A_1938 = arith.addi %iota3A, %add3A_1937 : vector<16xi32>
    %jit3A_1939 = arith.constant 1048576 : i32
    %broadcast_in_dim3A_1940 = vector.broadcast %jit3A_1939 : i32 to vector<16xi32>
    %select_n3A_1941 = arith.select %ge3A_1935, %add3A_1938, %broadcast_in_dim3A_1940 : vector<16xi1>, vector<16xi32>
    %min3A_1942 = arith.minsi %broadcast_in_dim3A_1934, %select_n3A_1941 : vector<16xi32>
    %ge3A_1943 = arith.cmpf oge, %select_n3A_1894, %max3A_1932 : vector<16xf32>
    %add3A_1944 = arith.constant 16 : i32
    %add3A_1945 = vector.broadcast %add3A_1944 : i32 to vector<16xi32>
    %add3A_1946 = arith.addi %iota3A, %add3A_1945 : vector<16xi32>
    %jit3A_1947 = arith.constant 1048576 : i32
    %broadcast_in_dim3A_1948 = vector.broadcast %jit3A_1947 : i32 to vector<16xi32>
    %select_n3A_1949 = arith.select %ge3A_1943, %add3A_1946, %broadcast_in_dim3A_1948 : vector<16xi1>, vector<16xi32>
    %min3A_1950 = arith.minsi %min3A_1942, %select_n3A_1949 : vector<16xi32>
    %ge3A_1951 = arith.cmpf oge, %select_n3A_1901, %max3A_1932 : vector<16xf32>
    %add3A_1952 = arith.constant 32 : i32
    %add3A_1953 = vector.broadcast %add3A_1952 : i32 to vector<16xi32>
    %add3A_1954 = arith.addi %iota3A, %add3A_1953 : vector<16xi32>
    %jit3A_1955 = arith.constant 1048576 : i32
    %broadcast_in_dim3A_1956 = vector.broadcast %jit3A_1955 : i32 to vector<16xi32>
    %select_n3A_1957 = arith.select %ge3A_1951, %add3A_1954, %broadcast_in_dim3A_1956 : vector<16xi1>, vector<16xi32>
    %min3A_1958 = arith.minsi %min3A_1950, %select_n3A_1957 : vector<16xi32>
    %iota3A_1959 = tpu.iota {dimensions = array<i32: 0>} : vector<16xi32>
    %xor3A_1960 = arith.constant 8 : i32
    %xor3A_1961 = vector.broadcast %xor3A_1960 : i32 to vector<16xi32>
    %xor3A_1962 = arith.xori %iota3A_1959, %xor3A_1961 : vector<16xi32>
    %broadcast_in_dim3A_1963 = vector.shape_cast %xor3A_1962 : vector<16xi32> to vector<16x1xi32>
    %gather3A_1964 = vector.shape_cast %broadcast_in_dim3A_1963 : vector<16x1xi32> to vector<16xi32>
    %gather3A_1965 = tpu.dynamic_gather %min3A_1958[%gather3A_1964] in [0] : vector<16xi32>, vector<16xi32> -> vector<16xi32>
    %min3A_1966 = arith.minsi %min3A_1958, %gather3A_1965 : vector<16xi32>
    %xor3A_1967 = arith.constant 4 : i32
    %xor3A_1968 = vector.broadcast %xor3A_1967 : i32 to vector<16xi32>
    %xor3A_1969 = arith.xori %iota3A_1959, %xor3A_1968 : vector<16xi32>
    %broadcast_in_dim3A_1970 = vector.shape_cast %xor3A_1969 : vector<16xi32> to vector<16x1xi32>
    %gather3A_1971 = vector.shape_cast %broadcast_in_dim3A_1970 : vector<16x1xi32> to vector<16xi32>
    %gather3A_1972 = tpu.dynamic_gather %min3A_1966[%gather3A_1971] in [0] : vector<16xi32>, vector<16xi32> -> vector<16xi32>
    %min3A_1973 = arith.minsi %min3A_1966, %gather3A_1972 : vector<16xi32>
    %xor3A_1974 = arith.constant 2 : i32
    %xor3A_1975 = vector.broadcast %xor3A_1974 : i32 to vector<16xi32>
    %xor3A_1976 = arith.xori %iota3A_1959, %xor3A_1975 : vector<16xi32>
    %broadcast_in_dim3A_1977 = vector.shape_cast %xor3A_1976 : vector<16xi32> to vector<16x1xi32>
    %gather3A_1978 = vector.shape_cast %broadcast_in_dim3A_1977 : vector<16x1xi32> to vector<16xi32>
    %gather3A_1979 = tpu.dynamic_gather %min3A_1973[%gather3A_1978] in [0] : vector<16xi32>, vector<16xi32> -> vector<16xi32>
    %min3A_1980 = arith.minsi %min3A_1973, %gather3A_1979 : vector<16xi32>
    %xor3A_1981 = arith.constant 1 : i32
    %xor3A_1982 = vector.broadcast %xor3A_1981 : i32 to vector<16xi32>
    %xor3A_1983 = arith.xori %iota3A_1959, %xor3A_1982 : vector<16xi32>
    %broadcast_in_dim3A_1984 = vector.shape_cast %xor3A_1983 : vector<16xi32> to vector<16x1xi32>
    %gather3A_1985 = vector.shape_cast %broadcast_in_dim3A_1984 : vector<16x1xi32> to vector<16xi32>
    %gather3A_1986 = tpu.dynamic_gather %min3A_1980[%gather3A_1985] in [0] : vector<16xi32>, vector<16xi32> -> vector<16xi32>
    %min3A_1987 = arith.minsi %min3A_1980, %gather3A_1986 : vector<16xi32>
    %add3A_1988 = arith.constant 0 : i32
    %add3A_1989 = vector.broadcast %add3A_1988 : i32 to vector<16xi32>
    %add3A_1990 = arith.addi %iota3A, %add3A_1989 : vector<16xi32>
    %eq3A_1991 = arith.cmpi eq, %add3A_1990, %min3A_1987 : vector<16xi32>
    %jit3A_1992 = arith.constant 0xFF800000 : f32
    %broadcast_in_dim3A_1993 = vector.broadcast %jit3A_1992 : f32 to vector<16xf32>
    %select_n3A_1994 = arith.select %eq3A_1991, %broadcast_in_dim3A_1993, %select_n3A_1887 : vector<16xi1>, vector<16xf32>
    %add3A_1995 = arith.constant 16 : i32
    %add3A_1996 = vector.broadcast %add3A_1995 : i32 to vector<16xi32>
    %add3A_1997 = arith.addi %iota3A, %add3A_1996 : vector<16xi32>
    %eq3A_1998 = arith.cmpi eq, %add3A_1997, %min3A_1987 : vector<16xi32>
    %jit3A_1999 = arith.constant 0xFF800000 : f32
    %broadcast_in_dim3A_2000 = vector.broadcast %jit3A_1999 : f32 to vector<16xf32>
    %select_n3A_2001 = arith.select %eq3A_1998, %broadcast_in_dim3A_2000, %select_n3A_1894 : vector<16xi1>, vector<16xf32>
    %add3A_2002 = arith.constant 32 : i32
    %add3A_2003 = vector.broadcast %add3A_2002 : i32 to vector<16xi32>
    %add3A_2004 = arith.addi %iota3A, %add3A_2003 : vector<16xi32>
    %eq3A_2005 = arith.cmpi eq, %add3A_2004, %min3A_1987 : vector<16xi32>
    %jit3A_2006 = arith.constant 0xFF800000 : f32
    %broadcast_in_dim3A_2007 = vector.broadcast %jit3A_2006 : f32 to vector<16xf32>
    %select_n3A_2008 = arith.select %eq3A_2005, %broadcast_in_dim3A_2007, %select_n3A_1901 : vector<16xi1>, vector<16xf32>
    %max3A_2009 = arith.maximumf %select_n3A_1994, %select_n3A_2001 : vector<16xf32>
    %max3A_2010 = arith.maximumf %max3A_2009, %select_n3A_2008 : vector<16xf32>
    %iota3A_2011 = tpu.iota {dimensions = array<i32: 0>} : vector<16xi32>
    %xor3A_2012 = arith.constant 8 : i32
    %xor3A_2013 = vector.broadcast %xor3A_2012 : i32 to vector<16xi32>
    %xor3A_2014 = arith.xori %iota3A_2011, %xor3A_2013 : vector<16xi32>
    %broadcast_in_dim3A_2015 = vector.shape_cast %xor3A_2014 : vector<16xi32> to vector<16x1xi32>
    %gather3A_2016 = vector.shape_cast %broadcast_in_dim3A_2015 : vector<16x1xi32> to vector<16xi32>
    %gather3A_2017 = tpu.dynamic_gather %max3A_2010[%gather3A_2016] in [0] : vector<16xf32>, vector<16xi32> -> vector<16xf32>
    %max3A_2018 = arith.maximumf %max3A_2010, %gather3A_2017 : vector<16xf32>
    %xor3A_2019 = arith.constant 4 : i32
    %xor3A_2020 = vector.broadcast %xor3A_2019 : i32 to vector<16xi32>
    %xor3A_2021 = arith.xori %iota3A_2011, %xor3A_2020 : vector<16xi32>
    %broadcast_in_dim3A_2022 = vector.shape_cast %xor3A_2021 : vector<16xi32> to vector<16x1xi32>
    %gather3A_2023 = vector.shape_cast %broadcast_in_dim3A_2022 : vector<16x1xi32> to vector<16xi32>
    %gather3A_2024 = tpu.dynamic_gather %max3A_2018[%gather3A_2023] in [0] : vector<16xf32>, vector<16xi32> -> vector<16xf32>
    %max3A_2025 = arith.maximumf %max3A_2018, %gather3A_2024 : vector<16xf32>
    %xor3A_2026 = arith.constant 2 : i32
    %xor3A_2027 = vector.broadcast %xor3A_2026 : i32 to vector<16xi32>
    %xor3A_2028 = arith.xori %iota3A_2011, %xor3A_2027 : vector<16xi32>
    %broadcast_in_dim3A_2029 = vector.shape_cast %xor3A_2028 : vector<16xi32> to vector<16x1xi32>
    %gather3A_2030 = vector.shape_cast %broadcast_in_dim3A_2029 : vector<16x1xi32> to vector<16xi32>
    %gather3A_2031 = tpu.dynamic_gather %max3A_2025[%gather3A_2030] in [0] : vector<16xf32>, vector<16xi32> -> vector<16xf32>
    %max3A_2032 = arith.maximumf %max3A_2025, %gather3A_2031 : vector<16xf32>
    %xor3A_2033 = arith.constant 1 : i32
    %xor3A_2034 = vector.broadcast %xor3A_2033 : i32 to vector<16xi32>
    %xor3A_2035 = arith.xori %iota3A_2011, %xor3A_2034 : vector<16xi32>
    %broadcast_in_dim3A_2036 = vector.shape_cast %xor3A_2035 : vector<16xi32> to vector<16x1xi32>
    %gather3A_2037 = vector.shape_cast %broadcast_in_dim3A_2036 : vector<16x1xi32> to vector<16xi32>
    %gather3A_2038 = tpu.dynamic_gather %max3A_2032[%gather3A_2037] in [0] : vector<16xf32>, vector<16xi32> -> vector<16xf32>
    %max3A_2039 = arith.maximumf %max3A_2032, %gather3A_2038 : vector<16xf32>
    %broadcast_in_dim3A_2040 = arith.constant 1048576 : i32
    %broadcast_in_dim3A_2041 = vector.broadcast %broadcast_in_dim3A_2040 : i32 to vector<16xi32>
    %ge3A_2042 = arith.cmpf oge, %select_n3A_1994, %max3A_2039 : vector<16xf32>
    %add3A_2043 = arith.constant 0 : i32
    %add3A_2044 = vector.broadcast %add3A_2043 : i32 to vector<16xi32>
    %add3A_2045 = arith.addi %iota3A, %add3A_2044 : vector<16xi32>
    %jit3A_2046 = arith.constant 1048576 : i32
    %broadcast_in_dim3A_2047 = vector.broadcast %jit3A_2046 : i32 to vector<16xi32>
    %select_n3A_2048 = arith.select %ge3A_2042, %add3A_2045, %broadcast_in_dim3A_2047 : vector<16xi1>, vector<16xi32>
    %min3A_2049 = arith.minsi %broadcast_in_dim3A_2041, %select_n3A_2048 : vector<16xi32>
    %ge3A_2050 = arith.cmpf oge, %select_n3A_2001, %max3A_2039 : vector<16xf32>
    %add3A_2051 = arith.constant 16 : i32
    %add3A_2052 = vector.broadcast %add3A_2051 : i32 to vector<16xi32>
    %add3A_2053 = arith.addi %iota3A, %add3A_2052 : vector<16xi32>
    %jit3A_2054 = arith.constant 1048576 : i32
    %broadcast_in_dim3A_2055 = vector.broadcast %jit3A_2054 : i32 to vector<16xi32>
    %select_n3A_2056 = arith.select %ge3A_2050, %add3A_2053, %broadcast_in_dim3A_2055 : vector<16xi1>, vector<16xi32>
    %min3A_2057 = arith.minsi %min3A_2049, %select_n3A_2056 : vector<16xi32>
    %ge3A_2058 = arith.cmpf oge, %select_n3A_2008, %max3A_2039 : vector<16xf32>
    %add3A_2059 = arith.constant 32 : i32
    %add3A_2060 = vector.broadcast %add3A_2059 : i32 to vector<16xi32>
    %add3A_2061 = arith.addi %iota3A, %add3A_2060 : vector<16xi32>
    %jit3A_2062 = arith.constant 1048576 : i32
    %broadcast_in_dim3A_2063 = vector.broadcast %jit3A_2062 : i32 to vector<16xi32>
    %select_n3A_2064 = arith.select %ge3A_2058, %add3A_2061, %broadcast_in_dim3A_2063 : vector<16xi1>, vector<16xi32>
    %min3A_2065 = arith.minsi %min3A_2057, %select_n3A_2064 : vector<16xi32>
    %iota3A_2066 = tpu.iota {dimensions = array<i32: 0>} : vector<16xi32>
    %xor3A_2067 = arith.constant 8 : i32
    %xor3A_2068 = vector.broadcast %xor3A_2067 : i32 to vector<16xi32>
    %xor3A_2069 = arith.xori %iota3A_2066, %xor3A_2068 : vector<16xi32>
    %broadcast_in_dim3A_2070 = vector.shape_cast %xor3A_2069 : vector<16xi32> to vector<16x1xi32>
    %gather3A_2071 = vector.shape_cast %broadcast_in_dim3A_2070 : vector<16x1xi32> to vector<16xi32>
    %gather3A_2072 = tpu.dynamic_gather %min3A_2065[%gather3A_2071] in [0] : vector<16xi32>, vector<16xi32> -> vector<16xi32>
    %min3A_2073 = arith.minsi %min3A_2065, %gather3A_2072 : vector<16xi32>
    %xor3A_2074 = arith.constant 4 : i32
    %xor3A_2075 = vector.broadcast %xor3A_2074 : i32 to vector<16xi32>
    %xor3A_2076 = arith.xori %iota3A_2066, %xor3A_2075 : vector<16xi32>
    %broadcast_in_dim3A_2077 = vector.shape_cast %xor3A_2076 : vector<16xi32> to vector<16x1xi32>
    %gather3A_2078 = vector.shape_cast %broadcast_in_dim3A_2077 : vector<16x1xi32> to vector<16xi32>
    %gather3A_2079 = tpu.dynamic_gather %min3A_2073[%gather3A_2078] in [0] : vector<16xi32>, vector<16xi32> -> vector<16xi32>
    %min3A_2080 = arith.minsi %min3A_2073, %gather3A_2079 : vector<16xi32>
    %xor3A_2081 = arith.constant 2 : i32
    %xor3A_2082 = vector.broadcast %xor3A_2081 : i32 to vector<16xi32>
    %xor3A_2083 = arith.xori %iota3A_2066, %xor3A_2082 : vector<16xi32>
    %broadcast_in_dim3A_2084 = vector.shape_cast %xor3A_2083 : vector<16xi32> to vector<16x1xi32>
    %gather3A_2085 = vector.shape_cast %broadcast_in_dim3A_2084 : vector<16x1xi32> to vector<16xi32>
    %gather3A_2086 = tpu.dynamic_gather %min3A_2080[%gather3A_2085] in [0] : vector<16xi32>, vector<16xi32> -> vector<16xi32>
    %min3A_2087 = arith.minsi %min3A_2080, %gather3A_2086 : vector<16xi32>
    %xor3A_2088 = arith.constant 1 : i32
    %xor3A_2089 = vector.broadcast %xor3A_2088 : i32 to vector<16xi32>
    %xor3A_2090 = arith.xori %iota3A_2066, %xor3A_2089 : vector<16xi32>
    %broadcast_in_dim3A_2091 = vector.shape_cast %xor3A_2090 : vector<16xi32> to vector<16x1xi32>
    %gather3A_2092 = vector.shape_cast %broadcast_in_dim3A_2091 : vector<16x1xi32> to vector<16xi32>
    %gather3A_2093 = tpu.dynamic_gather %min3A_2087[%gather3A_2092] in [0] : vector<16xi32>, vector<16xi32> -> vector<16xi32>
    %min3A_2094 = arith.minsi %min3A_2087, %gather3A_2093 : vector<16xi32>
    %add3A_2095 = arith.constant 0 : i32
    %add3A_2096 = vector.broadcast %add3A_2095 : i32 to vector<16xi32>
    %add3A_2097 = arith.addi %iota3A, %add3A_2096 : vector<16xi32>
    %eq3A_2098 = arith.cmpi eq, %add3A_2097, %min3A_2094 : vector<16xi32>
    %jit3A_2099 = arith.constant 0xFF800000 : f32
    %broadcast_in_dim3A_2100 = vector.broadcast %jit3A_2099 : f32 to vector<16xf32>
    %select_n3A_2101 = arith.select %eq3A_2098, %broadcast_in_dim3A_2100, %select_n3A_1994 : vector<16xi1>, vector<16xf32>
    %add3A_2102 = arith.constant 16 : i32
    %add3A_2103 = vector.broadcast %add3A_2102 : i32 to vector<16xi32>
    %add3A_2104 = arith.addi %iota3A, %add3A_2103 : vector<16xi32>
    %eq3A_2105 = arith.cmpi eq, %add3A_2104, %min3A_2094 : vector<16xi32>
    %jit3A_2106 = arith.constant 0xFF800000 : f32
    %broadcast_in_dim3A_2107 = vector.broadcast %jit3A_2106 : f32 to vector<16xf32>
    %select_n3A_2108 = arith.select %eq3A_2105, %broadcast_in_dim3A_2107, %select_n3A_2001 : vector<16xi1>, vector<16xf32>
    %add3A_2109 = arith.constant 32 : i32
    %add3A_2110 = vector.broadcast %add3A_2109 : i32 to vector<16xi32>
    %add3A_2111 = arith.addi %iota3A, %add3A_2110 : vector<16xi32>
    %eq3A_2112 = arith.cmpi eq, %add3A_2111, %min3A_2094 : vector<16xi32>
    %jit3A_2113 = arith.constant 0xFF800000 : f32
    %broadcast_in_dim3A_2114 = vector.broadcast %jit3A_2113 : f32 to vector<16xf32>
    %select_n3A_2115 = arith.select %eq3A_2112, %broadcast_in_dim3A_2114, %select_n3A_2008 : vector<16xi1>, vector<16xf32>
    %max3A_2116 = arith.maximumf %select_n3A_2101, %select_n3A_2108 : vector<16xf32>
    %max3A_2117 = arith.maximumf %max3A_2116, %select_n3A_2115 : vector<16xf32>
    %iota3A_2118 = tpu.iota {dimensions = array<i32: 0>} : vector<16xi32>
    %xor3A_2119 = arith.constant 8 : i32
    %xor3A_2120 = vector.broadcast %xor3A_2119 : i32 to vector<16xi32>
    %xor3A_2121 = arith.xori %iota3A_2118, %xor3A_2120 : vector<16xi32>
    %broadcast_in_dim3A_2122 = vector.shape_cast %xor3A_2121 : vector<16xi32> to vector<16x1xi32>
    %gather3A_2123 = vector.shape_cast %broadcast_in_dim3A_2122 : vector<16x1xi32> to vector<16xi32>
    %gather3A_2124 = tpu.dynamic_gather %max3A_2117[%gather3A_2123] in [0] : vector<16xf32>, vector<16xi32> -> vector<16xf32>
    %max3A_2125 = arith.maximumf %max3A_2117, %gather3A_2124 : vector<16xf32>
    %xor3A_2126 = arith.constant 4 : i32
    %xor3A_2127 = vector.broadcast %xor3A_2126 : i32 to vector<16xi32>
    %xor3A_2128 = arith.xori %iota3A_2118, %xor3A_2127 : vector<16xi32>
    %broadcast_in_dim3A_2129 = vector.shape_cast %xor3A_2128 : vector<16xi32> to vector<16x1xi32>
    %gather3A_2130 = vector.shape_cast %broadcast_in_dim3A_2129 : vector<16x1xi32> to vector<16xi32>
    %gather3A_2131 = tpu.dynamic_gather %max3A_2125[%gather3A_2130] in [0] : vector<16xf32>, vector<16xi32> -> vector<16xf32>
    %max3A_2132 = arith.maximumf %max3A_2125, %gather3A_2131 : vector<16xf32>
    %xor3A_2133 = arith.constant 2 : i32
    %xor3A_2134 = vector.broadcast %xor3A_2133 : i32 to vector<16xi32>
    %xor3A_2135 = arith.xori %iota3A_2118, %xor3A_2134 : vector<16xi32>
    %broadcast_in_dim3A_2136 = vector.shape_cast %xor3A_2135 : vector<16xi32> to vector<16x1xi32>
    %gather3A_2137 = vector.shape_cast %broadcast_in_dim3A_2136 : vector<16x1xi32> to vector<16xi32>
    %gather3A_2138 = tpu.dynamic_gather %max3A_2132[%gather3A_2137] in [0] : vector<16xf32>, vector<16xi32> -> vector<16xf32>
    %max3A_2139 = arith.maximumf %max3A_2132, %gather3A_2138 : vector<16xf32>
    %xor3A_2140 = arith.constant 1 : i32
    %xor3A_2141 = vector.broadcast %xor3A_2140 : i32 to vector<16xi32>
    %xor3A_2142 = arith.xori %iota3A_2118, %xor3A_2141 : vector<16xi32>
    %broadcast_in_dim3A_2143 = vector.shape_cast %xor3A_2142 : vector<16xi32> to vector<16x1xi32>
    %gather3A_2144 = vector.shape_cast %broadcast_in_dim3A_2143 : vector<16x1xi32> to vector<16xi32>
    %gather3A_2145 = tpu.dynamic_gather %max3A_2139[%gather3A_2144] in [0] : vector<16xf32>, vector<16xi32> -> vector<16xf32>
    %max3A_2146 = arith.maximumf %max3A_2139, %gather3A_2145 : vector<16xf32>
    %broadcast_in_dim3A_2147 = arith.constant 1048576 : i32
    %broadcast_in_dim3A_2148 = vector.broadcast %broadcast_in_dim3A_2147 : i32 to vector<16xi32>
    %ge3A_2149 = arith.cmpf oge, %select_n3A_2101, %max3A_2146 : vector<16xf32>
    %add3A_2150 = arith.constant 0 : i32
    %add3A_2151 = vector.broadcast %add3A_2150 : i32 to vector<16xi32>
    %add3A_2152 = arith.addi %iota3A, %add3A_2151 : vector<16xi32>
    %jit3A_2153 = arith.constant 1048576 : i32
    %broadcast_in_dim3A_2154 = vector.broadcast %jit3A_2153 : i32 to vector<16xi32>
    %select_n3A_2155 = arith.select %ge3A_2149, %add3A_2152, %broadcast_in_dim3A_2154 : vector<16xi1>, vector<16xi32>
    %min3A_2156 = arith.minsi %broadcast_in_dim3A_2148, %select_n3A_2155 : vector<16xi32>
    %ge3A_2157 = arith.cmpf oge, %select_n3A_2108, %max3A_2146 : vector<16xf32>
    %add3A_2158 = arith.constant 16 : i32
    %add3A_2159 = vector.broadcast %add3A_2158 : i32 to vector<16xi32>
    %add3A_2160 = arith.addi %iota3A, %add3A_2159 : vector<16xi32>
    %jit3A_2161 = arith.constant 1048576 : i32
    %broadcast_in_dim3A_2162 = vector.broadcast %jit3A_2161 : i32 to vector<16xi32>
    %select_n3A_2163 = arith.select %ge3A_2157, %add3A_2160, %broadcast_in_dim3A_2162 : vector<16xi1>, vector<16xi32>
    %min3A_2164 = arith.minsi %min3A_2156, %select_n3A_2163 : vector<16xi32>
    %ge3A_2165 = arith.cmpf oge, %select_n3A_2115, %max3A_2146 : vector<16xf32>
    %add3A_2166 = arith.constant 32 : i32
    %add3A_2167 = vector.broadcast %add3A_2166 : i32 to vector<16xi32>
    %add3A_2168 = arith.addi %iota3A, %add3A_2167 : vector<16xi32>
    %jit3A_2169 = arith.constant 1048576 : i32
    %broadcast_in_dim3A_2170 = vector.broadcast %jit3A_2169 : i32 to vector<16xi32>
    %select_n3A_2171 = arith.select %ge3A_2165, %add3A_2168, %broadcast_in_dim3A_2170 : vector<16xi1>, vector<16xi32>
    %min3A_2172 = arith.minsi %min3A_2164, %select_n3A_2171 : vector<16xi32>
    %iota3A_2173 = tpu.iota {dimensions = array<i32: 0>} : vector<16xi32>
    %xor3A_2174 = arith.constant 8 : i32
    %xor3A_2175 = vector.broadcast %xor3A_2174 : i32 to vector<16xi32>
    %xor3A_2176 = arith.xori %iota3A_2173, %xor3A_2175 : vector<16xi32>
    %broadcast_in_dim3A_2177 = vector.shape_cast %xor3A_2176 : vector<16xi32> to vector<16x1xi32>
    %gather3A_2178 = vector.shape_cast %broadcast_in_dim3A_2177 : vector<16x1xi32> to vector<16xi32>
    %gather3A_2179 = tpu.dynamic_gather %min3A_2172[%gather3A_2178] in [0] : vector<16xi32>, vector<16xi32> -> vector<16xi32>
    %min3A_2180 = arith.minsi %min3A_2172, %gather3A_2179 : vector<16xi32>
    %xor3A_2181 = arith.constant 4 : i32
    %xor3A_2182 = vector.broadcast %xor3A_2181 : i32 to vector<16xi32>
    %xor3A_2183 = arith.xori %iota3A_2173, %xor3A_2182 : vector<16xi32>
    %broadcast_in_dim3A_2184 = vector.shape_cast %xor3A_2183 : vector<16xi32> to vector<16x1xi32>
    %gather3A_2185 = vector.shape_cast %broadcast_in_dim3A_2184 : vector<16x1xi32> to vector<16xi32>
    %gather3A_2186 = tpu.dynamic_gather %min3A_2180[%gather3A_2185] in [0] : vector<16xi32>, vector<16xi32> -> vector<16xi32>
    %min3A_2187 = arith.minsi %min3A_2180, %gather3A_2186 : vector<16xi32>
    %xor3A_2188 = arith.constant 2 : i32
    %xor3A_2189 = vector.broadcast %xor3A_2188 : i32 to vector<16xi32>
    %xor3A_2190 = arith.xori %iota3A_2173, %xor3A_2189 : vector<16xi32>
    %broadcast_in_dim3A_2191 = vector.shape_cast %xor3A_2190 : vector<16xi32> to vector<16x1xi32>
    %gather3A_2192 = vector.shape_cast %broadcast_in_dim3A_2191 : vector<16x1xi32> to vector<16xi32>
    %gather3A_2193 = tpu.dynamic_gather %min3A_2187[%gather3A_2192] in [0] : vector<16xi32>, vector<16xi32> -> vector<16xi32>
    %min3A_2194 = arith.minsi %min3A_2187, %gather3A_2193 : vector<16xi32>
    %xor3A_2195 = arith.constant 1 : i32
    %xor3A_2196 = vector.broadcast %xor3A_2195 : i32 to vector<16xi32>
    %xor3A_2197 = arith.xori %iota3A_2173, %xor3A_2196 : vector<16xi32>
    %broadcast_in_dim3A_2198 = vector.shape_cast %xor3A_2197 : vector<16xi32> to vector<16x1xi32>
    %gather3A_2199 = vector.shape_cast %broadcast_in_dim3A_2198 : vector<16x1xi32> to vector<16xi32>
    %gather3A_2200 = tpu.dynamic_gather %min3A_2194[%gather3A_2199] in [0] : vector<16xi32>, vector<16xi32> -> vector<16xi32>
    %min3A_2201 = arith.minsi %min3A_2194, %gather3A_2200 : vector<16xi32>
    %add3A_2202 = arith.constant 0 : i32
    %add3A_2203 = vector.broadcast %add3A_2202 : i32 to vector<16xi32>
    %add3A_2204 = arith.addi %iota3A, %add3A_2203 : vector<16xi32>
    %eq3A_2205 = arith.cmpi eq, %add3A_2204, %min3A_2201 : vector<16xi32>
    %jit3A_2206 = arith.constant 0xFF800000 : f32
    %broadcast_in_dim3A_2207 = vector.broadcast %jit3A_2206 : f32 to vector<16xf32>
    %select_n3A_2208 = arith.select %eq3A_2205, %broadcast_in_dim3A_2207, %select_n3A_2101 : vector<16xi1>, vector<16xf32>
    %add3A_2209 = arith.constant 16 : i32
    %add3A_2210 = vector.broadcast %add3A_2209 : i32 to vector<16xi32>
    %add3A_2211 = arith.addi %iota3A, %add3A_2210 : vector<16xi32>
    %eq3A_2212 = arith.cmpi eq, %add3A_2211, %min3A_2201 : vector<16xi32>
    %jit3A_2213 = arith.constant 0xFF800000 : f32
    %broadcast_in_dim3A_2214 = vector.broadcast %jit3A_2213 : f32 to vector<16xf32>
    %select_n3A_2215 = arith.select %eq3A_2212, %broadcast_in_dim3A_2214, %select_n3A_2108 : vector<16xi1>, vector<16xf32>
    %add3A_2216 = arith.constant 32 : i32
    %add3A_2217 = vector.broadcast %add3A_2216 : i32 to vector<16xi32>
    %add3A_2218 = arith.addi %iota3A, %add3A_2217 : vector<16xi32>
    %eq3A_2219 = arith.cmpi eq, %add3A_2218, %min3A_2201 : vector<16xi32>
    %jit3A_2220 = arith.constant 0xFF800000 : f32
    %broadcast_in_dim3A_2221 = vector.broadcast %jit3A_2220 : f32 to vector<16xf32>
    %select_n3A_2222 = arith.select %eq3A_2219, %broadcast_in_dim3A_2221, %select_n3A_2115 : vector<16xi1>, vector<16xf32>
    %broadcast_in_dim3A_2223 = arith.constant 0xFF800000 : f32
    %broadcast_in_dim3A_2224 = vector.broadcast %broadcast_in_dim3A_2223 : f32 to vector<16xf32>
    %eq3A_2225 = arith.constant 0 : i32
    %eq3A_2226 = vector.broadcast %eq3A_2225 : i32 to vector<16xi32>
    %eq3A_2227 = arith.cmpi eq, %iota3A, %eq3A_2226 : vector<16xi32>
    %select_n3A_2228 = arith.select %eq3A_2227, %max3A_1825, %broadcast_in_dim3A_2224 : vector<16xi1>, vector<16xf32>
    %eq3A_2229 = arith.constant 1 : i32
    %eq3A_2230 = vector.broadcast %eq3A_2229 : i32 to vector<16xi32>
    %eq3A_2231 = arith.cmpi eq, %iota3A, %eq3A_2230 : vector<16xi32>
    %select_n3A_2232 = arith.select %eq3A_2231, %max3A_1932, %select_n3A_2228 : vector<16xi1>, vector<16xf32>
    %eq3A_2233 = arith.constant 2 : i32
    %eq3A_2234 = vector.broadcast %eq3A_2233 : i32 to vector<16xi32>
    %eq3A_2235 = arith.cmpi eq, %iota3A, %eq3A_2234 : vector<16xi32>
    %select_n3A_2236 = arith.select %eq3A_2235, %max3A_2039, %select_n3A_2232 : vector<16xi1>, vector<16xf32>
    %eq3A_2237 = arith.constant 3 : i32
    %eq3A_2238 = vector.broadcast %eq3A_2237 : i32 to vector<16xi32>
    %eq3A_2239 = arith.cmpi eq, %iota3A, %eq3A_2238 : vector<16xi32>
    %select_n3A_2240 = arith.select %eq3A_2239, %max3A_2146, %select_n3A_2236 : vector<16xi1>, vector<16xf32>
    %sub3A_2241 = arith.subf %select_n3A_2240, %max3A_1825 : vector<16xf32>
    %exp3A_2242 = math.exp %sub3A_2241 : vector<16xf32>
    %iota3A_2243 = tpu.iota {dimensions = array<i32: 0>} : vector<16xi32>
    %xor3A_2244 = arith.constant 8 : i32
    %xor3A_2245 = vector.broadcast %xor3A_2244 : i32 to vector<16xi32>
    %xor3A_2246 = arith.xori %iota3A_2243, %xor3A_2245 : vector<16xi32>
    %broadcast_in_dim3A_2247 = vector.shape_cast %xor3A_2246 : vector<16xi32> to vector<16x1xi32>
    %gather3A_2248 = vector.shape_cast %broadcast_in_dim3A_2247 : vector<16x1xi32> to vector<16xi32>
    %gather3A_2249 = tpu.dynamic_gather %exp3A_2242[%gather3A_2248] in [0] : vector<16xf32>, vector<16xi32> -> vector<16xf32>
    %add3A_2250 = arith.addf %exp3A_2242, %gather3A_2249 : vector<16xf32>
    %xor3A_2251 = arith.constant 4 : i32
    %xor3A_2252 = vector.broadcast %xor3A_2251 : i32 to vector<16xi32>
    %xor3A_2253 = arith.xori %iota3A_2243, %xor3A_2252 : vector<16xi32>
    %broadcast_in_dim3A_2254 = vector.shape_cast %xor3A_2253 : vector<16xi32> to vector<16x1xi32>
    %gather3A_2255 = vector.shape_cast %broadcast_in_dim3A_2254 : vector<16x1xi32> to vector<16xi32>
    %gather3A_2256 = tpu.dynamic_gather %add3A_2250[%gather3A_2255] in [0] : vector<16xf32>, vector<16xi32> -> vector<16xf32>
    %add3A_2257 = arith.addf %add3A_2250, %gather3A_2256 : vector<16xf32>
    %xor3A_2258 = arith.constant 2 : i32
    %xor3A_2259 = vector.broadcast %xor3A_2258 : i32 to vector<16xi32>
    %xor3A_2260 = arith.xori %iota3A_2243, %xor3A_2259 : vector<16xi32>
    %broadcast_in_dim3A_2261 = vector.shape_cast %xor3A_2260 : vector<16xi32> to vector<16x1xi32>
    %gather3A_2262 = vector.shape_cast %broadcast_in_dim3A_2261 : vector<16x1xi32> to vector<16xi32>
    %gather3A_2263 = tpu.dynamic_gather %add3A_2257[%gather3A_2262] in [0] : vector<16xf32>, vector<16xi32> -> vector<16xf32>
    %add3A_2264 = arith.addf %add3A_2257, %gather3A_2263 : vector<16xf32>
    %xor3A_2265 = arith.constant 1 : i32
    %xor3A_2266 = vector.broadcast %xor3A_2265 : i32 to vector<16xi32>
    %xor3A_2267 = arith.xori %iota3A_2243, %xor3A_2266 : vector<16xi32>
    %broadcast_in_dim3A_2268 = vector.shape_cast %xor3A_2267 : vector<16xi32> to vector<16x1xi32>
    %gather3A_2269 = vector.shape_cast %broadcast_in_dim3A_2268 : vector<16x1xi32> to vector<16xi32>
    %gather3A_2270 = tpu.dynamic_gather %add3A_2264[%gather3A_2269] in [0] : vector<16xf32>, vector<16xi32> -> vector<16xf32>
    %add3A_2271 = arith.addf %add3A_2264, %gather3A_2270 : vector<16xf32>
    %div3A_2272 = arith.divf %exp3A_2242, %add3A_2271 : vector<16xf32>
    %broadcast_in_dim3A_2273 = arith.constant 0 : i32
    %broadcast_in_dim3A_2274 = vector.broadcast %broadcast_in_dim3A_2273 : i32 to vector<16xi32>
    %broadcast_in_dim3A_2275 = vector.shape_cast %broadcast_in_dim3A_2274 : vector<16xi32> to vector<16x1xi32>
    %gather3A_2276 = vector.shape_cast %broadcast_in_dim3A_2275 : vector<16x1xi32> to vector<16xi32>
    %gather3A_2277 = tpu.dynamic_gather %div3A_2272[%gather3A_2276] in [0] : vector<16xf32>, vector<16xi32> -> vector<16xf32>
    %broadcast_in_dim3A_2278 = arith.constant 1 : i32
    %broadcast_in_dim3A_2279 = vector.broadcast %broadcast_in_dim3A_2278 : i32 to vector<16xi32>
    %broadcast_in_dim3A_2280 = vector.shape_cast %broadcast_in_dim3A_2279 : vector<16xi32> to vector<16x1xi32>
    %gather3A_2281 = vector.shape_cast %broadcast_in_dim3A_2280 : vector<16x1xi32> to vector<16xi32>
    %gather3A_2282 = tpu.dynamic_gather %div3A_2272[%gather3A_2281] in [0] : vector<16xf32>, vector<16xi32> -> vector<16xf32>
    %broadcast_in_dim3A_2283 = arith.constant 2 : i32
    %broadcast_in_dim3A_2284 = vector.broadcast %broadcast_in_dim3A_2283 : i32 to vector<16xi32>
    %broadcast_in_dim3A_2285 = vector.shape_cast %broadcast_in_dim3A_2284 : vector<16xi32> to vector<16x1xi32>
    %gather3A_2286 = vector.shape_cast %broadcast_in_dim3A_2285 : vector<16x1xi32> to vector<16xi32>
    %gather3A_2287 = tpu.dynamic_gather %div3A_2272[%gather3A_2286] in [0] : vector<16xf32>, vector<16xi32> -> vector<16xf32>
    %broadcast_in_dim3A_2288 = arith.constant 3 : i32
    %broadcast_in_dim3A_2289 = vector.broadcast %broadcast_in_dim3A_2288 : i32 to vector<16xi32>
    %broadcast_in_dim3A_2290 = vector.shape_cast %broadcast_in_dim3A_2289 : vector<16xi32> to vector<16x1xi32>
    %gather3A_2291 = vector.shape_cast %broadcast_in_dim3A_2290 : vector<16x1xi32> to vector<16xi32>
    %gather3A_2292 = tpu.dynamic_gather %div3A_2272[%gather3A_2291] in [0] : vector<16xf32>, vector<16xi32> -> vector<16xf32>
    %broadcast_in_dim3A_2293 = arith.constant 0.000000e+00 : f32
    %broadcast_in_dim3A_2294 = vector.broadcast %broadcast_in_dim3A_2293 : f32 to vector<16xf32>
    %add3A_2295 = arith.constant 0 : i32
    %add3A_2296 = vector.broadcast %add3A_2295 : i32 to vector<16xi32>
    %add3A_2297 = arith.addi %iota3A, %add3A_2296 : vector<16xi32>
    %eq3A_2298 = arith.cmpi eq, %add3A_2297, %min3A_1880 : vector<16xi32>
    %select_n3A_2299 = arith.select %eq3A_2298, %gather3A_2277, %broadcast_in_dim3A_2294 : vector<16xi1>, vector<16xf32>
    %add3A_2300 = arith.constant 0 : i32
    %add3A_2301 = vector.broadcast %add3A_2300 : i32 to vector<16xi32>
    %add3A_2302 = arith.addi %iota3A, %add3A_2301 : vector<16xi32>
    %eq3A_2303 = arith.cmpi eq, %add3A_2302, %min3A_1987 : vector<16xi32>
    %select_n3A_2304 = arith.select %eq3A_2303, %gather3A_2282, %select_n3A_2299 : vector<16xi1>, vector<16xf32>
    %add3A_2305 = arith.constant 0 : i32
    %add3A_2306 = vector.broadcast %add3A_2305 : i32 to vector<16xi32>
    %add3A_2307 = arith.addi %iota3A, %add3A_2306 : vector<16xi32>
    %eq3A_2308 = arith.cmpi eq, %add3A_2307, %min3A_2094 : vector<16xi32>
    %select_n3A_2309 = arith.select %eq3A_2308, %gather3A_2287, %select_n3A_2304 : vector<16xi1>, vector<16xf32>
    %add3A_2310 = arith.constant 0 : i32
    %add3A_2311 = vector.broadcast %add3A_2310 : i32 to vector<16xi32>
    %add3A_2312 = arith.addi %iota3A, %add3A_2311 : vector<16xi32>
    %eq3A_2313 = arith.cmpi eq, %add3A_2312, %min3A_2201 : vector<16xi32>
    %select_n3A_2314 = arith.select %eq3A_2313, %gather3A_2292, %select_n3A_2309 : vector<16xi1>, vector<16xf32>
    %swap3A_2315 = arith.constant 3 : i32
    %swap3A_2316 = arith.index_cast %swap3A_2315 : i32 to index
    %swap3A_2317 = arith.constant 0 : index
    %swap3A_2318 = tpu.vector_load %arg5[%swap3A_2316, %swap3A_2317] {strides = array<i32>} : memref<8x48xf32, #tpu.memory_space<vmem>>, vector<1x16xf32>,
    %swap3A_2319 = vector.shape_cast %swap3A_2318 : vector<1x16xf32> to vector<16xf32>
    %swap3A_2320 = vector.shape_cast %select_n3A_2314 : vector<16xf32> to vector<1x16xf32>
    tpu.vector_store %arg5[%swap3A_2316, %swap3A_2317], %swap3A_2320 {strides = array<i32>} : memref<8x48xf32, #tpu.memory_space<vmem>>, vector<1x16xf32>,
    %broadcast_in_dim3A_2321 = arith.constant 0.000000e+00 : f32
    %broadcast_in_dim3A_2322 = vector.broadcast %broadcast_in_dim3A_2321 : f32 to vector<16xf32>
    %add3A_2323 = arith.constant 16 : i32
    %add3A_2324 = vector.broadcast %add3A_2323 : i32 to vector<16xi32>
    %add3A_2325 = arith.addi %iota3A, %add3A_2324 : vector<16xi32>
    %eq3A_2326 = arith.cmpi eq, %add3A_2325, %min3A_1880 : vector<16xi32>
    %select_n3A_2327 = arith.select %eq3A_2326, %gather3A_2277, %broadcast_in_dim3A_2322 : vector<16xi1>, vector<16xf32>
    %add3A_2328 = arith.constant 16 : i32
    %add3A_2329 = vector.broadcast %add3A_2328 : i32 to vector<16xi32>
    %add3A_2330 = arith.addi %iota3A, %add3A_2329 : vector<16xi32>
    %eq3A_2331 = arith.cmpi eq, %add3A_2330, %min3A_1987 : vector<16xi32>
    %select_n3A_2332 = arith.select %eq3A_2331, %gather3A_2282, %select_n3A_2327 : vector<16xi1>, vector<16xf32>
    %add3A_2333 = arith.constant 16 : i32
    %add3A_2334 = vector.broadcast %add3A_2333 : i32 to vector<16xi32>
    %add3A_2335 = arith.addi %iota3A, %add3A_2334 : vector<16xi32>
    %eq3A_2336 = arith.cmpi eq, %add3A_2335, %min3A_2094 : vector<16xi32>
    %select_n3A_2337 = arith.select %eq3A_2336, %gather3A_2287, %select_n3A_2332 : vector<16xi1>, vector<16xf32>
    %add3A_2338 = arith.constant 16 : i32
    %add3A_2339 = vector.broadcast %add3A_2338 : i32 to vector<16xi32>
    %add3A_2340 = arith.addi %iota3A, %add3A_2339 : vector<16xi32>
    %eq3A_2341 = arith.cmpi eq, %add3A_2340, %min3A_2201 : vector<16xi32>
    %select_n3A_2342 = arith.select %eq3A_2341, %gather3A_2292, %select_n3A_2337 : vector<16xi1>, vector<16xf32>
    %swap3A_2343 = arith.constant 3 : i32
    %swap3A_2344 = arith.index_cast %swap3A_2343 : i32 to index
    %swap3A_2345 = arith.constant 16 : index
    %swap3A_2346 = tpu.vector_load %arg5[%swap3A_2344, %swap3A_2345] {strides = array<i32>} : memref<8x48xf32, #tpu.memory_space<vmem>>, vector<1x16xf32>,
    %swap3A_2347 = vector.shape_cast %swap3A_2346 : vector<1x16xf32> to vector<16xf32>
    %swap3A_2348 = vector.shape_cast %select_n3A_2342 : vector<16xf32> to vector<1x16xf32>
    tpu.vector_store %arg5[%swap3A_2344, %swap3A_2345], %swap3A_2348 {strides = array<i32>} : memref<8x48xf32, #tpu.memory_space<vmem>>, vector<1x16xf32>,
    %broadcast_in_dim3A_2349 = arith.constant 0.000000e+00 : f32
    %broadcast_in_dim3A_2350 = vector.broadcast %broadcast_in_dim3A_2349 : f32 to vector<16xf32>
    %add3A_2351 = arith.constant 32 : i32
    %add3A_2352 = vector.broadcast %add3A_2351 : i32 to vector<16xi32>
    %add3A_2353 = arith.addi %iota3A, %add3A_2352 : vector<16xi32>
    %eq3A_2354 = arith.cmpi eq, %add3A_2353, %min3A_1880 : vector<16xi32>
    %select_n3A_2355 = arith.select %eq3A_2354, %gather3A_2277, %broadcast_in_dim3A_2350 : vector<16xi1>, vector<16xf32>
    %add3A_2356 = arith.constant 32 : i32
    %add3A_2357 = vector.broadcast %add3A_2356 : i32 to vector<16xi32>
    %add3A_2358 = arith.addi %iota3A, %add3A_2357 : vector<16xi32>
    %eq3A_2359 = arith.cmpi eq, %add3A_2358, %min3A_1987 : vector<16xi32>
    %select_n3A_2360 = arith.select %eq3A_2359, %gather3A_2282, %select_n3A_2355 : vector<16xi1>, vector<16xf32>
    %add3A_2361 = arith.constant 32 : i32
    %add3A_2362 = vector.broadcast %add3A_2361 : i32 to vector<16xi32>
    %add3A_2363 = arith.addi %iota3A, %add3A_2362 : vector<16xi32>
    %eq3A_2364 = arith.cmpi eq, %add3A_2363, %min3A_2094 : vector<16xi32>
    %select_n3A_2365 = arith.select %eq3A_2364, %gather3A_2287, %select_n3A_2360 : vector<16xi1>, vector<16xf32>
    %add3A_2366 = arith.constant 32 : i32
    %add3A_2367 = vector.broadcast %add3A_2366 : i32 to vector<16xi32>
    %add3A_2368 = arith.addi %iota3A, %add3A_2367 : vector<16xi32>
    %eq3A_2369 = arith.cmpi eq, %add3A_2368, %min3A_2201 : vector<16xi32>
    %select_n3A_2370 = arith.select %eq3A_2369, %gather3A_2292, %select_n3A_2365 : vector<16xi1>, vector<16xf32>
    %swap3A_2371 = arith.constant 3 : i32
    %swap3A_2372 = arith.index_cast %swap3A_2371 : i32 to index
    %swap3A_2373 = arith.constant 32 : index
    %swap3A_2374 = tpu.vector_load %arg5[%swap3A_2372, %swap3A_2373] {strides = array<i32>} : memref<8x48xf32, #tpu.memory_space<vmem>>, vector<1x16xf32>,
    %swap3A_2375 = vector.shape_cast %swap3A_2374 : vector<1x16xf32> to vector<16xf32>
    %swap3A_2376 = vector.shape_cast %select_n3A_2370 : vector<16xf32> to vector<1x16xf32>
    tpu.vector_store %arg5[%swap3A_2372, %swap3A_2373], %swap3A_2376 {strides = array<i32>} : memref<8x48xf32, #tpu.memory_space<vmem>>, vector<1x16xf32>,
    %get3A_2377 = arith.constant 4 : i32
    %get3A_2378 = arith.index_cast %get3A_2377 : i32 to index
    %get3A_2379 = arith.constant 0 : index
    %get3A_2380 = tpu.vector_load %arg4[%get3A_2378, %get3A_2379] {strides = array<i32>} : memref<8x48xf32, #tpu.memory_space<vmem>>, vector<1x16xf32>,
    %get3A_2381 = vector.shape_cast %get3A_2380 : vector<1x16xf32> to vector<16xf32>
    %get3A_2382 = arith.constant 4 : i32
    %get3A_2383 = arith.index_cast %get3A_2382 : i32 to index
    %get3A_2384 = arith.constant 16 : index
    %get3A_2385 = tpu.vector_load %arg4[%get3A_2383, %get3A_2384] {strides = array<i32>} : memref<8x48xf32, #tpu.memory_space<vmem>>, vector<1x16xf32>,
    %get3A_2386 = vector.shape_cast %get3A_2385 : vector<1x16xf32> to vector<16xf32>
    %get3A_2387 = arith.constant 4 : i32
    %get3A_2388 = arith.index_cast %get3A_2387 : i32 to index
    %get3A_2389 = arith.constant 32 : index
    %get3A_2390 = tpu.vector_load %arg4[%get3A_2388, %get3A_2389] {strides = array<i32>} : memref<8x48xf32, #tpu.memory_space<vmem>>, vector<1x16xf32>,
    %get3A_2391 = vector.shape_cast %get3A_2390 : vector<1x16xf32> to vector<16xf32>
    %max3A_2392 = arith.maximumf %get3A_2381, %get3A_2386 : vector<16xf32>
    %max3A_2393 = arith.maximumf %max3A_2392, %get3A_2391 : vector<16xf32>
    %iota3A_2394 = tpu.iota {dimensions = array<i32: 0>} : vector<16xi32>
    %xor3A_2395 = arith.constant 8 : i32
    %xor3A_2396 = vector.broadcast %xor3A_2395 : i32 to vector<16xi32>
    %xor3A_2397 = arith.xori %iota3A_2394, %xor3A_2396 : vector<16xi32>
    %broadcast_in_dim3A_2398 = vector.shape_cast %xor3A_2397 : vector<16xi32> to vector<16x1xi32>
    %gather3A_2399 = vector.shape_cast %broadcast_in_dim3A_2398 : vector<16x1xi32> to vector<16xi32>
    %gather3A_2400 = tpu.dynamic_gather %max3A_2393[%gather3A_2399] in [0] : vector<16xf32>, vector<16xi32> -> vector<16xf32>
    %max3A_2401 = arith.maximumf %max3A_2393, %gather3A_2400 : vector<16xf32>
    %xor3A_2402 = arith.constant 4 : i32
    %xor3A_2403 = vector.broadcast %xor3A_2402 : i32 to vector<16xi32>
    %xor3A_2404 = arith.xori %iota3A_2394, %xor3A_2403 : vector<16xi32>
    %broadcast_in_dim3A_2405 = vector.shape_cast %xor3A_2404 : vector<16xi32> to vector<16x1xi32>
    %gather3A_2406 = vector.shape_cast %broadcast_in_dim3A_2405 : vector<16x1xi32> to vector<16xi32>
    %gather3A_2407 = tpu.dynamic_gather %max3A_2401[%gather3A_2406] in [0] : vector<16xf32>, vector<16xi32> -> vector<16xf32>
    %max3A_2408 = arith.maximumf %max3A_2401, %gather3A_2407 : vector<16xf32>
    %xor3A_2409 = arith.constant 2 : i32
    %xor3A_2410 = vector.broadcast %xor3A_2409 : i32 to vector<16xi32>
    %xor3A_2411 = arith.xori %iota3A_2394, %xor3A_2410 : vector<16xi32>
    %broadcast_in_dim3A_2412 = vector.shape_cast %xor3A_2411 : vector<16xi32> to vector<16x1xi32>
    %gather3A_2413 = vector.shape_cast %broadcast_in_dim3A_2412 : vector<16x1xi32> to vector<16xi32>
    %gather3A_2414 = tpu.dynamic_gather %max3A_2408[%gather3A_2413] in [0] : vector<16xf32>, vector<16xi32> -> vector<16xf32>
    %max3A_2415 = arith.maximumf %max3A_2408, %gather3A_2414 : vector<16xf32>
    %xor3A_2416 = arith.constant 1 : i32
    %xor3A_2417 = vector.broadcast %xor3A_2416 : i32 to vector<16xi32>
    %xor3A_2418 = arith.xori %iota3A_2394, %xor3A_2417 : vector<16xi32>
    %broadcast_in_dim3A_2419 = vector.shape_cast %xor3A_2418 : vector<16xi32> to vector<16x1xi32>
    %gather3A_2420 = vector.shape_cast %broadcast_in_dim3A_2419 : vector<16x1xi32> to vector<16xi32>
    %gather3A_2421 = tpu.dynamic_gather %max3A_2415[%gather3A_2420] in [0] : vector<16xf32>, vector<16xi32> -> vector<16xf32>
    %max3A_2422 = arith.maximumf %max3A_2415, %gather3A_2421 : vector<16xf32>
    %broadcast_in_dim3A_2423 = arith.constant 1048576 : i32
    %broadcast_in_dim3A_2424 = vector.broadcast %broadcast_in_dim3A_2423 : i32 to vector<16xi32>
    %ge3A_2425 = arith.cmpf oge, %get3A_2381, %max3A_2422 : vector<16xf32>
    %add3A_2426 = arith.constant 0 : i32
    %add3A_2427 = vector.broadcast %add3A_2426 : i32 to vector<16xi32>
    %add3A_2428 = arith.addi %iota3A, %add3A_2427 : vector<16xi32>
    %jit3A_2429 = arith.constant 1048576 : i32
    %broadcast_in_dim3A_2430 = vector.broadcast %jit3A_2429 : i32 to vector<16xi32>
    %select_n3A_2431 = arith.select %ge3A_2425, %add3A_2428, %broadcast_in_dim3A_2430 : vector<16xi1>, vector<16xi32>
    %min3A_2432 = arith.minsi %broadcast_in_dim3A_2424, %select_n3A_2431 : vector<16xi32>
    %ge3A_2433 = arith.cmpf oge, %get3A_2386, %max3A_2422 : vector<16xf32>
    %add3A_2434 = arith.constant 16 : i32
    %add3A_2435 = vector.broadcast %add3A_2434 : i32 to vector<16xi32>
    %add3A_2436 = arith.addi %iota3A, %add3A_2435 : vector<16xi32>
    %jit3A_2437 = arith.constant 1048576 : i32
    %broadcast_in_dim3A_2438 = vector.broadcast %jit3A_2437 : i32 to vector<16xi32>
    %select_n3A_2439 = arith.select %ge3A_2433, %add3A_2436, %broadcast_in_dim3A_2438 : vector<16xi1>, vector<16xi32>
    %min3A_2440 = arith.minsi %min3A_2432, %select_n3A_2439 : vector<16xi32>
    %ge3A_2441 = arith.cmpf oge, %get3A_2391, %max3A_2422 : vector<16xf32>
    %add3A_2442 = arith.constant 32 : i32
    %add3A_2443 = vector.broadcast %add3A_2442 : i32 to vector<16xi32>
    %add3A_2444 = arith.addi %iota3A, %add3A_2443 : vector<16xi32>
    %jit3A_2445 = arith.constant 1048576 : i32
    %broadcast_in_dim3A_2446 = vector.broadcast %jit3A_2445 : i32 to vector<16xi32>
    %select_n3A_2447 = arith.select %ge3A_2441, %add3A_2444, %broadcast_in_dim3A_2446 : vector<16xi1>, vector<16xi32>
    %min3A_2448 = arith.minsi %min3A_2440, %select_n3A_2447 : vector<16xi32>
    %iota3A_2449 = tpu.iota {dimensions = array<i32: 0>} : vector<16xi32>
    %xor3A_2450 = arith.constant 8 : i32
    %xor3A_2451 = vector.broadcast %xor3A_2450 : i32 to vector<16xi32>
    %xor3A_2452 = arith.xori %iota3A_2449, %xor3A_2451 : vector<16xi32>
    %broadcast_in_dim3A_2453 = vector.shape_cast %xor3A_2452 : vector<16xi32> to vector<16x1xi32>
    %gather3A_2454 = vector.shape_cast %broadcast_in_dim3A_2453 : vector<16x1xi32> to vector<16xi32>
    %gather3A_2455 = tpu.dynamic_gather %min3A_2448[%gather3A_2454] in [0] : vector<16xi32>, vector<16xi32> -> vector<16xi32>
    %min3A_2456 = arith.minsi %min3A_2448, %gather3A_2455 : vector<16xi32>
    %xor3A_2457 = arith.constant 4 : i32
    %xor3A_2458 = vector.broadcast %xor3A_2457 : i32 to vector<16xi32>
    %xor3A_2459 = arith.xori %iota3A_2449, %xor3A_2458 : vector<16xi32>
    %broadcast_in_dim3A_2460 = vector.shape_cast %xor3A_2459 : vector<16xi32> to vector<16x1xi32>
    %gather3A_2461 = vector.shape_cast %broadcast_in_dim3A_2460 : vector<16x1xi32> to vector<16xi32>
    %gather3A_2462 = tpu.dynamic_gather %min3A_2456[%gather3A_2461] in [0] : vector<16xi32>, vector<16xi32> -> vector<16xi32>
    %min3A_2463 = arith.minsi %min3A_2456, %gather3A_2462 : vector<16xi32>
    %xor3A_2464 = arith.constant 2 : i32
    %xor3A_2465 = vector.broadcast %xor3A_2464 : i32 to vector<16xi32>
    %xor3A_2466 = arith.xori %iota3A_2449, %xor3A_2465 : vector<16xi32>
    %broadcast_in_dim3A_2467 = vector.shape_cast %xor3A_2466 : vector<16xi32> to vector<16x1xi32>
    %gather3A_2468 = vector.shape_cast %broadcast_in_dim3A_2467 : vector<16x1xi32> to vector<16xi32>
    %gather3A_2469 = tpu.dynamic_gather %min3A_2463[%gather3A_2468] in [0] : vector<16xi32>, vector<16xi32> -> vector<16xi32>
    %min3A_2470 = arith.minsi %min3A_2463, %gather3A_2469 : vector<16xi32>
    %xor3A_2471 = arith.constant 1 : i32
    %xor3A_2472 = vector.broadcast %xor3A_2471 : i32 to vector<16xi32>
    %xor3A_2473 = arith.xori %iota3A_2449, %xor3A_2472 : vector<16xi32>
    %broadcast_in_dim3A_2474 = vector.shape_cast %xor3A_2473 : vector<16xi32> to vector<16x1xi32>
    %gather3A_2475 = vector.shape_cast %broadcast_in_dim3A_2474 : vector<16x1xi32> to vector<16xi32>
    %gather3A_2476 = tpu.dynamic_gather %min3A_2470[%gather3A_2475] in [0] : vector<16xi32>, vector<16xi32> -> vector<16xi32>
    %min3A_2477 = arith.minsi %min3A_2470, %gather3A_2476 : vector<16xi32>
    %add3A_2478 = arith.constant 0 : i32
    %add3A_2479 = vector.broadcast %add3A_2478 : i32 to vector<16xi32>
    %add3A_2480 = arith.addi %iota3A, %add3A_2479 : vector<16xi32>
    %eq3A_2481 = arith.cmpi eq, %add3A_2480, %min3A_2477 : vector<16xi32>
    %jit3A_2482 = arith.constant 0xFF800000 : f32
    %broadcast_in_dim3A_2483 = vector.broadcast %jit3A_2482 : f32 to vector<16xf32>
    %select_n3A_2484 = arith.select %eq3A_2481, %broadcast_in_dim3A_2483, %get3A_2381 : vector<16xi1>, vector<16xf32>
    %add3A_2485 = arith.constant 16 : i32
    %add3A_2486 = vector.broadcast %add3A_2485 : i32 to vector<16xi32>
    %add3A_2487 = arith.addi %iota3A, %add3A_2486 : vector<16xi32>
    %eq3A_2488 = arith.cmpi eq, %add3A_2487, %min3A_2477 : vector<16xi32>
    %jit3A_2489 = arith.constant 0xFF800000 : f32
    %broadcast_in_dim3A_2490 = vector.broadcast %jit3A_2489 : f32 to vector<16xf32>
    %select_n3A_2491 = arith.select %eq3A_2488, %broadcast_in_dim3A_2490, %get3A_2386 : vector<16xi1>, vector<16xf32>
    %add3A_2492 = arith.constant 32 : i32
    %add3A_2493 = vector.broadcast %add3A_2492 : i32 to vector<16xi32>
    %add3A_2494 = arith.addi %iota3A, %add3A_2493 : vector<16xi32>
    %eq3A_2495 = arith.cmpi eq, %add3A_2494, %min3A_2477 : vector<16xi32>
    %jit3A_2496 = arith.constant 0xFF800000 : f32
    %broadcast_in_dim3A_2497 = vector.broadcast %jit3A_2496 : f32 to vector<16xf32>
    %select_n3A_2498 = arith.select %eq3A_2495, %broadcast_in_dim3A_2497, %get3A_2391 : vector<16xi1>, vector<16xf32>
    %max3A_2499 = arith.maximumf %select_n3A_2484, %select_n3A_2491 : vector<16xf32>
    %max3A_2500 = arith.maximumf %max3A_2499, %select_n3A_2498 : vector<16xf32>
    %iota3A_2501 = tpu.iota {dimensions = array<i32: 0>} : vector<16xi32>
    %xor3A_2502 = arith.constant 8 : i32
    %xor3A_2503 = vector.broadcast %xor3A_2502 : i32 to vector<16xi32>
    %xor3A_2504 = arith.xori %iota3A_2501, %xor3A_2503 : vector<16xi32>
    %broadcast_in_dim3A_2505 = vector.shape_cast %xor3A_2504 : vector<16xi32> to vector<16x1xi32>
    %gather3A_2506 = vector.shape_cast %broadcast_in_dim3A_2505 : vector<16x1xi32> to vector<16xi32>
    %gather3A_2507 = tpu.dynamic_gather %max3A_2500[%gather3A_2506] in [0] : vector<16xf32>, vector<16xi32> -> vector<16xf32>
    %max3A_2508 = arith.maximumf %max3A_2500, %gather3A_2507 : vector<16xf32>
    %xor3A_2509 = arith.constant 4 : i32
    %xor3A_2510 = vector.broadcast %xor3A_2509 : i32 to vector<16xi32>
    %xor3A_2511 = arith.xori %iota3A_2501, %xor3A_2510 : vector<16xi32>
    %broadcast_in_dim3A_2512 = vector.shape_cast %xor3A_2511 : vector<16xi32> to vector<16x1xi32>
    %gather3A_2513 = vector.shape_cast %broadcast_in_dim3A_2512 : vector<16x1xi32> to vector<16xi32>
    %gather3A_2514 = tpu.dynamic_gather %max3A_2508[%gather3A_2513] in [0] : vector<16xf32>, vector<16xi32> -> vector<16xf32>
    %max3A_2515 = arith.maximumf %max3A_2508, %gather3A_2514 : vector<16xf32>
    %xor3A_2516 = arith.constant 2 : i32
    %xor3A_2517 = vector.broadcast %xor3A_2516 : i32 to vector<16xi32>
    %xor3A_2518 = arith.xori %iota3A_2501, %xor3A_2517 : vector<16xi32>
    %broadcast_in_dim3A_2519 = vector.shape_cast %xor3A_2518 : vector<16xi32> to vector<16x1xi32>
    %gather3A_2520 = vector.shape_cast %broadcast_in_dim3A_2519 : vector<16x1xi32> to vector<16xi32>
    %gather3A_2521 = tpu.dynamic_gather %max3A_2515[%gather3A_2520] in [0] : vector<16xf32>, vector<16xi32> -> vector<16xf32>
    %max3A_2522 = arith.maximumf %max3A_2515, %gather3A_2521 : vector<16xf32>
    %xor3A_2523 = arith.constant 1 : i32
    %xor3A_2524 = vector.broadcast %xor3A_2523 : i32 to vector<16xi32>
    %xor3A_2525 = arith.xori %iota3A_2501, %xor3A_2524 : vector<16xi32>
    %broadcast_in_dim3A_2526 = vector.shape_cast %xor3A_2525 : vector<16xi32> to vector<16x1xi32>
    %gather3A_2527 = vector.shape_cast %broadcast_in_dim3A_2526 : vector<16x1xi32> to vector<16xi32>
    %gather3A_2528 = tpu.dynamic_gather %max3A_2522[%gather3A_2527] in [0] : vector<16xf32>, vector<16xi32> -> vector<16xf32>
    %max3A_2529 = arith.maximumf %max3A_2522, %gather3A_2528 : vector<16xf32>
    %broadcast_in_dim3A_2530 = arith.constant 1048576 : i32
    %broadcast_in_dim3A_2531 = vector.broadcast %broadcast_in_dim3A_2530 : i32 to vector<16xi32>
    %ge3A_2532 = arith.cmpf oge, %select_n3A_2484, %max3A_2529 : vector<16xf32>
    %add3A_2533 = arith.constant 0 : i32
    %add3A_2534 = vector.broadcast %add3A_2533 : i32 to vector<16xi32>
    %add3A_2535 = arith.addi %iota3A, %add3A_2534 : vector<16xi32>
    %jit3A_2536 = arith.constant 1048576 : i32
    %broadcast_in_dim3A_2537 = vector.broadcast %jit3A_2536 : i32 to vector<16xi32>
    %select_n3A_2538 = arith.select %ge3A_2532, %add3A_2535, %broadcast_in_dim3A_2537 : vector<16xi1>, vector<16xi32>
    %min3A_2539 = arith.minsi %broadcast_in_dim3A_2531, %select_n3A_2538 : vector<16xi32>
    %ge3A_2540 = arith.cmpf oge, %select_n3A_2491, %max3A_2529 : vector<16xf32>
    %add3A_2541 = arith.constant 16 : i32
    %add3A_2542 = vector.broadcast %add3A_2541 : i32 to vector<16xi32>
    %add3A_2543 = arith.addi %iota3A, %add3A_2542 : vector<16xi32>
    %jit3A_2544 = arith.constant 1048576 : i32
    %broadcast_in_dim3A_2545 = vector.broadcast %jit3A_2544 : i32 to vector<16xi32>
    %select_n3A_2546 = arith.select %ge3A_2540, %add3A_2543, %broadcast_in_dim3A_2545 : vector<16xi1>, vector<16xi32>
    %min3A_2547 = arith.minsi %min3A_2539, %select_n3A_2546 : vector<16xi32>
    %ge3A_2548 = arith.cmpf oge, %select_n3A_2498, %max3A_2529 : vector<16xf32>
    %add3A_2549 = arith.constant 32 : i32
    %add3A_2550 = vector.broadcast %add3A_2549 : i32 to vector<16xi32>
    %add3A_2551 = arith.addi %iota3A, %add3A_2550 : vector<16xi32>
    %jit3A_2552 = arith.constant 1048576 : i32
    %broadcast_in_dim3A_2553 = vector.broadcast %jit3A_2552 : i32 to vector<16xi32>
    %select_n3A_2554 = arith.select %ge3A_2548, %add3A_2551, %broadcast_in_dim3A_2553 : vector<16xi1>, vector<16xi32>
    %min3A_2555 = arith.minsi %min3A_2547, %select_n3A_2554 : vector<16xi32>
    %iota3A_2556 = tpu.iota {dimensions = array<i32: 0>} : vector<16xi32>
    %xor3A_2557 = arith.constant 8 : i32
    %xor3A_2558 = vector.broadcast %xor3A_2557 : i32 to vector<16xi32>
    %xor3A_2559 = arith.xori %iota3A_2556, %xor3A_2558 : vector<16xi32>
    %broadcast_in_dim3A_2560 = vector.shape_cast %xor3A_2559 : vector<16xi32> to vector<16x1xi32>
    %gather3A_2561 = vector.shape_cast %broadcast_in_dim3A_2560 : vector<16x1xi32> to vector<16xi32>
    %gather3A_2562 = tpu.dynamic_gather %min3A_2555[%gather3A_2561] in [0] : vector<16xi32>, vector<16xi32> -> vector<16xi32>
    %min3A_2563 = arith.minsi %min3A_2555, %gather3A_2562 : vector<16xi32>
    %xor3A_2564 = arith.constant 4 : i32
    %xor3A_2565 = vector.broadcast %xor3A_2564 : i32 to vector<16xi32>
    %xor3A_2566 = arith.xori %iota3A_2556, %xor3A_2565 : vector<16xi32>
    %broadcast_in_dim3A_2567 = vector.shape_cast %xor3A_2566 : vector<16xi32> to vector<16x1xi32>
    %gather3A_2568 = vector.shape_cast %broadcast_in_dim3A_2567 : vector<16x1xi32> to vector<16xi32>
    %gather3A_2569 = tpu.dynamic_gather %min3A_2563[%gather3A_2568] in [0] : vector<16xi32>, vector<16xi32> -> vector<16xi32>
    %min3A_2570 = arith.minsi %min3A_2563, %gather3A_2569 : vector<16xi32>
    %xor3A_2571 = arith.constant 2 : i32
    %xor3A_2572 = vector.broadcast %xor3A_2571 : i32 to vector<16xi32>
    %xor3A_2573 = arith.xori %iota3A_2556, %xor3A_2572 : vector<16xi32>
    %broadcast_in_dim3A_2574 = vector.shape_cast %xor3A_2573 : vector<16xi32> to vector<16x1xi32>
    %gather3A_2575 = vector.shape_cast %broadcast_in_dim3A_2574 : vector<16x1xi32> to vector<16xi32>
    %gather3A_2576 = tpu.dynamic_gather %min3A_2570[%gather3A_2575] in [0] : vector<16xi32>, vector<16xi32> -> vector<16xi32>
    %min3A_2577 = arith.minsi %min3A_2570, %gather3A_2576 : vector<16xi32>
    %xor3A_2578 = arith.constant 1 : i32
    %xor3A_2579 = vector.broadcast %xor3A_2578 : i32 to vector<16xi32>
    %xor3A_2580 = arith.xori %iota3A_2556, %xor3A_2579 : vector<16xi32>
    %broadcast_in_dim3A_2581 = vector.shape_cast %xor3A_2580 : vector<16xi32> to vector<16x1xi32>
    %gather3A_2582 = vector.shape_cast %broadcast_in_dim3A_2581 : vector<16x1xi32> to vector<16xi32>
    %gather3A_2583 = tpu.dynamic_gather %min3A_2577[%gather3A_2582] in [0] : vector<16xi32>, vector<16xi32> -> vector<16xi32>
    %min3A_2584 = arith.minsi %min3A_2577, %gather3A_2583 : vector<16xi32>
    %add3A_2585 = arith.constant 0 : i32
    %add3A_2586 = vector.broadcast %add3A_2585 : i32 to vector<16xi32>
    %add3A_2587 = arith.addi %iota3A, %add3A_2586 : vector<16xi32>
    %eq3A_2588 = arith.cmpi eq, %add3A_2587, %min3A_2584 : vector<16xi32>
    %jit3A_2589 = arith.constant 0xFF800000 : f32
    %broadcast_in_dim3A_2590 = vector.broadcast %jit3A_2589 : f32 to vector<16xf32>
    %select_n3A_2591 = arith.select %eq3A_2588, %broadcast_in_dim3A_2590, %select_n3A_2484 : vector<16xi1>, vector<16xf32>
    %add3A_2592 = arith.constant 16 : i32
    %add3A_2593 = vector.broadcast %add3A_2592 : i32 to vector<16xi32>
    %add3A_2594 = arith.addi %iota3A, %add3A_2593 : vector<16xi32>
    %eq3A_2595 = arith.cmpi eq, %add3A_2594, %min3A_2584 : vector<16xi32>
    %jit3A_2596 = arith.constant 0xFF800000 : f32
    %broadcast_in_dim3A_2597 = vector.broadcast %jit3A_2596 : f32 to vector<16xf32>
    %select_n3A_2598 = arith.select %eq3A_2595, %broadcast_in_dim3A_2597, %select_n3A_2491 : vector<16xi1>, vector<16xf32>
    %add3A_2599 = arith.constant 32 : i32
    %add3A_2600 = vector.broadcast %add3A_2599 : i32 to vector<16xi32>
    %add3A_2601 = arith.addi %iota3A, %add3A_2600 : vector<16xi32>
    %eq3A_2602 = arith.cmpi eq, %add3A_2601, %min3A_2584 : vector<16xi32>
    %jit3A_2603 = arith.constant 0xFF800000 : f32
    %broadcast_in_dim3A_2604 = vector.broadcast %jit3A_2603 : f32 to vector<16xf32>
    %select_n3A_2605 = arith.select %eq3A_2602, %broadcast_in_dim3A_2604, %select_n3A_2498 : vector<16xi1>, vector<16xf32>
    %max3A_2606 = arith.maximumf %select_n3A_2591, %select_n3A_2598 : vector<16xf32>
    %max3A_2607 = arith.maximumf %max3A_2606, %select_n3A_2605 : vector<16xf32>
    %iota3A_2608 = tpu.iota {dimensions = array<i32: 0>} : vector<16xi32>
    %xor3A_2609 = arith.constant 8 : i32
    %xor3A_2610 = vector.broadcast %xor3A_2609 : i32 to vector<16xi32>
    %xor3A_2611 = arith.xori %iota3A_2608, %xor3A_2610 : vector<16xi32>
    %broadcast_in_dim3A_2612 = vector.shape_cast %xor3A_2611 : vector<16xi32> to vector<16x1xi32>
    %gather3A_2613 = vector.shape_cast %broadcast_in_dim3A_2612 : vector<16x1xi32> to vector<16xi32>
    %gather3A_2614 = tpu.dynamic_gather %max3A_2607[%gather3A_2613] in [0] : vector<16xf32>, vector<16xi32> -> vector<16xf32>
    %max3A_2615 = arith.maximumf %max3A_2607, %gather3A_2614 : vector<16xf32>
    %xor3A_2616 = arith.constant 4 : i32
    %xor3A_2617 = vector.broadcast %xor3A_2616 : i32 to vector<16xi32>
    %xor3A_2618 = arith.xori %iota3A_2608, %xor3A_2617 : vector<16xi32>
    %broadcast_in_dim3A_2619 = vector.shape_cast %xor3A_2618 : vector<16xi32> to vector<16x1xi32>
    %gather3A_2620 = vector.shape_cast %broadcast_in_dim3A_2619 : vector<16x1xi32> to vector<16xi32>
    %gather3A_2621 = tpu.dynamic_gather %max3A_2615[%gather3A_2620] in [0] : vector<16xf32>, vector<16xi32> -> vector<16xf32>
    %max3A_2622 = arith.maximumf %max3A_2615, %gather3A_2621 : vector<16xf32>
    %xor3A_2623 = arith.constant 2 : i32
    %xor3A_2624 = vector.broadcast %xor3A_2623 : i32 to vector<16xi32>
    %xor3A_2625 = arith.xori %iota3A_2608, %xor3A_2624 : vector<16xi32>
    %broadcast_in_dim3A_2626 = vector.shape_cast %xor3A_2625 : vector<16xi32> to vector<16x1xi32>
    %gather3A_2627 = vector.shape_cast %broadcast_in_dim3A_2626 : vector<16x1xi32> to vector<16xi32>
    %gather3A_2628 = tpu.dynamic_gather %max3A_2622[%gather3A_2627] in [0] : vector<16xf32>, vector<16xi32> -> vector<16xf32>
    %max3A_2629 = arith.maximumf %max3A_2622, %gather3A_2628 : vector<16xf32>
    %xor3A_2630 = arith.constant 1 : i32
    %xor3A_2631 = vector.broadcast %xor3A_2630 : i32 to vector<16xi32>
    %xor3A_2632 = arith.xori %iota3A_2608, %xor3A_2631 : vector<16xi32>
    %broadcast_in_dim3A_2633 = vector.shape_cast %xor3A_2632 : vector<16xi32> to vector<16x1xi32>
    %gather3A_2634 = vector.shape_cast %broadcast_in_dim3A_2633 : vector<16x1xi32> to vector<16xi32>
    %gather3A_2635 = tpu.dynamic_gather %max3A_2629[%gather3A_2634] in [0] : vector<16xf32>, vector<16xi32> -> vector<16xf32>
    %max3A_2636 = arith.maximumf %max3A_2629, %gather3A_2635 : vector<16xf32>
    %broadcast_in_dim3A_2637 = arith.constant 1048576 : i32
    %broadcast_in_dim3A_2638 = vector.broadcast %broadcast_in_dim3A_2637 : i32 to vector<16xi32>
    %ge3A_2639 = arith.cmpf oge, %select_n3A_2591, %max3A_2636 : vector<16xf32>
    %add3A_2640 = arith.constant 0 : i32
    %add3A_2641 = vector.broadcast %add3A_2640 : i32 to vector<16xi32>
    %add3A_2642 = arith.addi %iota3A, %add3A_2641 : vector<16xi32>
    %jit3A_2643 = arith.constant 1048576 : i32
    %broadcast_in_dim3A_2644 = vector.broadcast %jit3A_2643 : i32 to vector<16xi32>
    %select_n3A_2645 = arith.select %ge3A_2639, %add3A_2642, %broadcast_in_dim3A_2644 : vector<16xi1>, vector<16xi32>
    %min3A_2646 = arith.minsi %broadcast_in_dim3A_2638, %select_n3A_2645 : vector<16xi32>
    %ge3A_2647 = arith.cmpf oge, %select_n3A_2598, %max3A_2636 : vector<16xf32>
    %add3A_2648 = arith.constant 16 : i32
    %add3A_2649 = vector.broadcast %add3A_2648 : i32 to vector<16xi32>
    %add3A_2650 = arith.addi %iota3A, %add3A_2649 : vector<16xi32>
    %jit3A_2651 = arith.constant 1048576 : i32
    %broadcast_in_dim3A_2652 = vector.broadcast %jit3A_2651 : i32 to vector<16xi32>
    %select_n3A_2653 = arith.select %ge3A_2647, %add3A_2650, %broadcast_in_dim3A_2652 : vector<16xi1>, vector<16xi32>
    %min3A_2654 = arith.minsi %min3A_2646, %select_n3A_2653 : vector<16xi32>
    %ge3A_2655 = arith.cmpf oge, %select_n3A_2605, %max3A_2636 : vector<16xf32>
    %add3A_2656 = arith.constant 32 : i32
    %add3A_2657 = vector.broadcast %add3A_2656 : i32 to vector<16xi32>
    %add3A_2658 = arith.addi %iota3A, %add3A_2657 : vector<16xi32>
    %jit3A_2659 = arith.constant 1048576 : i32
    %broadcast_in_dim3A_2660 = vector.broadcast %jit3A_2659 : i32 to vector<16xi32>
    %select_n3A_2661 = arith.select %ge3A_2655, %add3A_2658, %broadcast_in_dim3A_2660 : vector<16xi1>, vector<16xi32>
    %min3A_2662 = arith.minsi %min3A_2654, %select_n3A_2661 : vector<16xi32>
    %iota3A_2663 = tpu.iota {dimensions = array<i32: 0>} : vector<16xi32>
    %xor3A_2664 = arith.constant 8 : i32
    %xor3A_2665 = vector.broadcast %xor3A_2664 : i32 to vector<16xi32>
    %xor3A_2666 = arith.xori %iota3A_2663, %xor3A_2665 : vector<16xi32>
    %broadcast_in_dim3A_2667 = vector.shape_cast %xor3A_2666 : vector<16xi32> to vector<16x1xi32>
    %gather3A_2668 = vector.shape_cast %broadcast_in_dim3A_2667 : vector<16x1xi32> to vector<16xi32>
    %gather3A_2669 = tpu.dynamic_gather %min3A_2662[%gather3A_2668] in [0] : vector<16xi32>, vector<16xi32> -> vector<16xi32>
    %min3A_2670 = arith.minsi %min3A_2662, %gather3A_2669 : vector<16xi32>
    %xor3A_2671 = arith.constant 4 : i32
    %xor3A_2672 = vector.broadcast %xor3A_2671 : i32 to vector<16xi32>
    %xor3A_2673 = arith.xori %iota3A_2663, %xor3A_2672 : vector<16xi32>
    %broadcast_in_dim3A_2674 = vector.shape_cast %xor3A_2673 : vector<16xi32> to vector<16x1xi32>
    %gather3A_2675 = vector.shape_cast %broadcast_in_dim3A_2674 : vector<16x1xi32> to vector<16xi32>
    %gather3A_2676 = tpu.dynamic_gather %min3A_2670[%gather3A_2675] in [0] : vector<16xi32>, vector<16xi32> -> vector<16xi32>
    %min3A_2677 = arith.minsi %min3A_2670, %gather3A_2676 : vector<16xi32>
    %xor3A_2678 = arith.constant 2 : i32
    %xor3A_2679 = vector.broadcast %xor3A_2678 : i32 to vector<16xi32>
    %xor3A_2680 = arith.xori %iota3A_2663, %xor3A_2679 : vector<16xi32>
    %broadcast_in_dim3A_2681 = vector.shape_cast %xor3A_2680 : vector<16xi32> to vector<16x1xi32>
    %gather3A_2682 = vector.shape_cast %broadcast_in_dim3A_2681 : vector<16x1xi32> to vector<16xi32>
    %gather3A_2683 = tpu.dynamic_gather %min3A_2677[%gather3A_2682] in [0] : vector<16xi32>, vector<16xi32> -> vector<16xi32>
    %min3A_2684 = arith.minsi %min3A_2677, %gather3A_2683 : vector<16xi32>
    %xor3A_2685 = arith.constant 1 : i32
    %xor3A_2686 = vector.broadcast %xor3A_2685 : i32 to vector<16xi32>
    %xor3A_2687 = arith.xori %iota3A_2663, %xor3A_2686 : vector<16xi32>
    %broadcast_in_dim3A_2688 = vector.shape_cast %xor3A_2687 : vector<16xi32> to vector<16x1xi32>
    %gather3A_2689 = vector.shape_cast %broadcast_in_dim3A_2688 : vector<16x1xi32> to vector<16xi32>
    %gather3A_2690 = tpu.dynamic_gather %min3A_2684[%gather3A_2689] in [0] : vector<16xi32>, vector<16xi32> -> vector<16xi32>
    %min3A_2691 = arith.minsi %min3A_2684, %gather3A_2690 : vector<16xi32>
    %add3A_2692 = arith.constant 0 : i32
    %add3A_2693 = vector.broadcast %add3A_2692 : i32 to vector<16xi32>
    %add3A_2694 = arith.addi %iota3A, %add3A_2693 : vector<16xi32>
    %eq3A_2695 = arith.cmpi eq, %add3A_2694, %min3A_2691 : vector<16xi32>
    %jit3A_2696 = arith.constant 0xFF800000 : f32
    %broadcast_in_dim3A_2697 = vector.broadcast %jit3A_2696 : f32 to vector<16xf32>
    %select_n3A_2698 = arith.select %eq3A_2695, %broadcast_in_dim3A_2697, %select_n3A_2591 : vector<16xi1>, vector<16xf32>
    %add3A_2699 = arith.constant 16 : i32
    %add3A_2700 = vector.broadcast %add3A_2699 : i32 to vector<16xi32>
    %add3A_2701 = arith.addi %iota3A, %add3A_2700 : vector<16xi32>
    %eq3A_2702 = arith.cmpi eq, %add3A_2701, %min3A_2691 : vector<16xi32>
    %jit3A_2703 = arith.constant 0xFF800000 : f32
    %broadcast_in_dim3A_2704 = vector.broadcast %jit3A_2703 : f32 to vector<16xf32>
    %select_n3A_2705 = arith.select %eq3A_2702, %broadcast_in_dim3A_2704, %select_n3A_2598 : vector<16xi1>, vector<16xf32>
    %add3A_2706 = arith.constant 32 : i32
    %add3A_2707 = vector.broadcast %add3A_2706 : i32 to vector<16xi32>
    %add3A_2708 = arith.addi %iota3A, %add3A_2707 : vector<16xi32>
    %eq3A_2709 = arith.cmpi eq, %add3A_2708, %min3A_2691 : vector<16xi32>
    %jit3A_2710 = arith.constant 0xFF800000 : f32
    %broadcast_in_dim3A_2711 = vector.broadcast %jit3A_2710 : f32 to vector<16xf32>
    %select_n3A_2712 = arith.select %eq3A_2709, %broadcast_in_dim3A_2711, %select_n3A_2605 : vector<16xi1>, vector<16xf32>
    %max3A_2713 = arith.maximumf %select_n3A_2698, %select_n3A_2705 : vector<16xf32>
    %max3A_2714 = arith.maximumf %max3A_2713, %select_n3A_2712 : vector<16xf32>
    %iota3A_2715 = tpu.iota {dimensions = array<i32: 0>} : vector<16xi32>
    %xor3A_2716 = arith.constant 8 : i32
    %xor3A_2717 = vector.broadcast %xor3A_2716 : i32 to vector<16xi32>
    %xor3A_2718 = arith.xori %iota3A_2715, %xor3A_2717 : vector<16xi32>
    %broadcast_in_dim3A_2719 = vector.shape_cast %xor3A_2718 : vector<16xi32> to vector<16x1xi32>
    %gather3A_2720 = vector.shape_cast %broadcast_in_dim3A_2719 : vector<16x1xi32> to vector<16xi32>
    %gather3A_2721 = tpu.dynamic_gather %max3A_2714[%gather3A_2720] in [0] : vector<16xf32>, vector<16xi32> -> vector<16xf32>
    %max3A_2722 = arith.maximumf %max3A_2714, %gather3A_2721 : vector<16xf32>
    %xor3A_2723 = arith.constant 4 : i32
    %xor3A_2724 = vector.broadcast %xor3A_2723 : i32 to vector<16xi32>
    %xor3A_2725 = arith.xori %iota3A_2715, %xor3A_2724 : vector<16xi32>
    %broadcast_in_dim3A_2726 = vector.shape_cast %xor3A_2725 : vector<16xi32> to vector<16x1xi32>
    %gather3A_2727 = vector.shape_cast %broadcast_in_dim3A_2726 : vector<16x1xi32> to vector<16xi32>
    %gather3A_2728 = tpu.dynamic_gather %max3A_2722[%gather3A_2727] in [0] : vector<16xf32>, vector<16xi32> -> vector<16xf32>
    %max3A_2729 = arith.maximumf %max3A_2722, %gather3A_2728 : vector<16xf32>
    %xor3A_2730 = arith.constant 2 : i32
    %xor3A_2731 = vector.broadcast %xor3A_2730 : i32 to vector<16xi32>
    %xor3A_2732 = arith.xori %iota3A_2715, %xor3A_2731 : vector<16xi32>
    %broadcast_in_dim3A_2733 = vector.shape_cast %xor3A_2732 : vector<16xi32> to vector<16x1xi32>
    %gather3A_2734 = vector.shape_cast %broadcast_in_dim3A_2733 : vector<16x1xi32> to vector<16xi32>
    %gather3A_2735 = tpu.dynamic_gather %max3A_2729[%gather3A_2734] in [0] : vector<16xf32>, vector<16xi32> -> vector<16xf32>
    %max3A_2736 = arith.maximumf %max3A_2729, %gather3A_2735 : vector<16xf32>
    %xor3A_2737 = arith.constant 1 : i32
    %xor3A_2738 = vector.broadcast %xor3A_2737 : i32 to vector<16xi32>
    %xor3A_2739 = arith.xori %iota3A_2715, %xor3A_2738 : vector<16xi32>
    %broadcast_in_dim3A_2740 = vector.shape_cast %xor3A_2739 : vector<16xi32> to vector<16x1xi32>
    %gather3A_2741 = vector.shape_cast %broadcast_in_dim3A_2740 : vector<16x1xi32> to vector<16xi32>
    %gather3A_2742 = tpu.dynamic_gather %max3A_2736[%gather3A_2741] in [0] : vector<16xf32>, vector<16xi32> -> vector<16xf32>
    %max3A_2743 = arith.maximumf %max3A_2736, %gather3A_2742 : vector<16xf32>
    %broadcast_in_dim3A_2744 = arith.constant 1048576 : i32
    %broadcast_in_dim3A_2745 = vector.broadcast %broadcast_in_dim3A_2744 : i32 to vector<16xi32>
    %ge3A_2746 = arith.cmpf oge, %select_n3A_2698, %max3A_2743 : vector<16xf32>
    %add3A_2747 = arith.constant 0 : i32
    %add3A_2748 = vector.broadcast %add3A_2747 : i32 to vector<16xi32>
    %add3A_2749 = arith.addi %iota3A, %add3A_2748 : vector<16xi32>
    %jit3A_2750 = arith.constant 1048576 : i32
    %broadcast_in_dim3A_2751 = vector.broadcast %jit3A_2750 : i32 to vector<16xi32>
    %select_n3A_2752 = arith.select %ge3A_2746, %add3A_2749, %broadcast_in_dim3A_2751 : vector<16xi1>, vector<16xi32>
    %min3A_2753 = arith.minsi %broadcast_in_dim3A_2745, %select_n3A_2752 : vector<16xi32>
    %ge3A_2754 = arith.cmpf oge, %select_n3A_2705, %max3A_2743 : vector<16xf32>
    %add3A_2755 = arith.constant 16 : i32
    %add3A_2756 = vector.broadcast %add3A_2755 : i32 to vector<16xi32>
    %add3A_2757 = arith.addi %iota3A, %add3A_2756 : vector<16xi32>
    %jit3A_2758 = arith.constant 1048576 : i32
    %broadcast_in_dim3A_2759 = vector.broadcast %jit3A_2758 : i32 to vector<16xi32>
    %select_n3A_2760 = arith.select %ge3A_2754, %add3A_2757, %broadcast_in_dim3A_2759 : vector<16xi1>, vector<16xi32>
    %min3A_2761 = arith.minsi %min3A_2753, %select_n3A_2760 : vector<16xi32>
    %ge3A_2762 = arith.cmpf oge, %select_n3A_2712, %max3A_2743 : vector<16xf32>
    %add3A_2763 = arith.constant 32 : i32
    %add3A_2764 = vector.broadcast %add3A_2763 : i32 to vector<16xi32>
    %add3A_2765 = arith.addi %iota3A, %add3A_2764 : vector<16xi32>
    %jit3A_2766 = arith.constant 1048576 : i32
    %broadcast_in_dim3A_2767 = vector.broadcast %jit3A_2766 : i32 to vector<16xi32>
    %select_n3A_2768 = arith.select %ge3A_2762, %add3A_2765, %broadcast_in_dim3A_2767 : vector<16xi1>, vector<16xi32>
    %min3A_2769 = arith.minsi %min3A_2761, %select_n3A_2768 : vector<16xi32>
    %iota3A_2770 = tpu.iota {dimensions = array<i32: 0>} : vector<16xi32>
    %xor3A_2771 = arith.constant 8 : i32
    %xor3A_2772 = vector.broadcast %xor3A_2771 : i32 to vector<16xi32>
    %xor3A_2773 = arith.xori %iota3A_2770, %xor3A_2772 : vector<16xi32>
    %broadcast_in_dim3A_2774 = vector.shape_cast %xor3A_2773 : vector<16xi32> to vector<16x1xi32>
    %gather3A_2775 = vector.shape_cast %broadcast_in_dim3A_2774 : vector<16x1xi32> to vector<16xi32>
    %gather3A_2776 = tpu.dynamic_gather %min3A_2769[%gather3A_2775] in [0] : vector<16xi32>, vector<16xi32> -> vector<16xi32>
    %min3A_2777 = arith.minsi %min3A_2769, %gather3A_2776 : vector<16xi32>
    %xor3A_2778 = arith.constant 4 : i32
    %xor3A_2779 = vector.broadcast %xor3A_2778 : i32 to vector<16xi32>
    %xor3A_2780 = arith.xori %iota3A_2770, %xor3A_2779 : vector<16xi32>
    %broadcast_in_dim3A_2781 = vector.shape_cast %xor3A_2780 : vector<16xi32> to vector<16x1xi32>
    %gather3A_2782 = vector.shape_cast %broadcast_in_dim3A_2781 : vector<16x1xi32> to vector<16xi32>
    %gather3A_2783 = tpu.dynamic_gather %min3A_2777[%gather3A_2782] in [0] : vector<16xi32>, vector<16xi32> -> vector<16xi32>
    %min3A_2784 = arith.minsi %min3A_2777, %gather3A_2783 : vector<16xi32>
    %xor3A_2785 = arith.constant 2 : i32
    %xor3A_2786 = vector.broadcast %xor3A_2785 : i32 to vector<16xi32>
    %xor3A_2787 = arith.xori %iota3A_2770, %xor3A_2786 : vector<16xi32>
    %broadcast_in_dim3A_2788 = vector.shape_cast %xor3A_2787 : vector<16xi32> to vector<16x1xi32>
    %gather3A_2789 = vector.shape_cast %broadcast_in_dim3A_2788 : vector<16x1xi32> to vector<16xi32>
    %gather3A_2790 = tpu.dynamic_gather %min3A_2784[%gather3A_2789] in [0] : vector<16xi32>, vector<16xi32> -> vector<16xi32>
    %min3A_2791 = arith.minsi %min3A_2784, %gather3A_2790 : vector<16xi32>
    %xor3A_2792 = arith.constant 1 : i32
    %xor3A_2793 = vector.broadcast %xor3A_2792 : i32 to vector<16xi32>
    %xor3A_2794 = arith.xori %iota3A_2770, %xor3A_2793 : vector<16xi32>
    %broadcast_in_dim3A_2795 = vector.shape_cast %xor3A_2794 : vector<16xi32> to vector<16x1xi32>
    %gather3A_2796 = vector.shape_cast %broadcast_in_dim3A_2795 : vector<16x1xi32> to vector<16xi32>
    %gather3A_2797 = tpu.dynamic_gather %min3A_2791[%gather3A_2796] in [0] : vector<16xi32>, vector<16xi32> -> vector<16xi32>
    %min3A_2798 = arith.minsi %min3A_2791, %gather3A_2797 : vector<16xi32>
    %add3A_2799 = arith.constant 0 : i32
    %add3A_2800 = vector.broadcast %add3A_2799 : i32 to vector<16xi32>
    %add3A_2801 = arith.addi %iota3A, %add3A_2800 : vector<16xi32>
    %eq3A_2802 = arith.cmpi eq, %add3A_2801, %min3A_2798 : vector<16xi32>
    %jit3A_2803 = arith.constant 0xFF800000 : f32
    %broadcast_in_dim3A_2804 = vector.broadcast %jit3A_2803 : f32 to vector<16xf32>
    %select_n3A_2805 = arith.select %eq3A_2802, %broadcast_in_dim3A_2804, %select_n3A_2698 : vector<16xi1>, vector<16xf32>
    %add3A_2806 = arith.constant 16 : i32
    %add3A_2807 = vector.broadcast %add3A_2806 : i32 to vector<16xi32>
    %add3A_2808 = arith.addi %iota3A, %add3A_2807 : vector<16xi32>
    %eq3A_2809 = arith.cmpi eq, %add3A_2808, %min3A_2798 : vector<16xi32>
    %jit3A_2810 = arith.constant 0xFF800000 : f32
    %broadcast_in_dim3A_2811 = vector.broadcast %jit3A_2810 : f32 to vector<16xf32>
    %select_n3A_2812 = arith.select %eq3A_2809, %broadcast_in_dim3A_2811, %select_n3A_2705 : vector<16xi1>, vector<16xf32>
    %add3A_2813 = arith.constant 32 : i32
    %add3A_2814 = vector.broadcast %add3A_2813 : i32 to vector<16xi32>
    %add3A_2815 = arith.addi %iota3A, %add3A_2814 : vector<16xi32>
    %eq3A_2816 = arith.cmpi eq, %add3A_2815, %min3A_2798 : vector<16xi32>
    %jit3A_2817 = arith.constant 0xFF800000 : f32
    %broadcast_in_dim3A_2818 = vector.broadcast %jit3A_2817 : f32 to vector<16xf32>
    %select_n3A_2819 = arith.select %eq3A_2816, %broadcast_in_dim3A_2818, %select_n3A_2712 : vector<16xi1>, vector<16xf32>
    %broadcast_in_dim3A_2820 = arith.constant 0xFF800000 : f32
    %broadcast_in_dim3A_2821 = vector.broadcast %broadcast_in_dim3A_2820 : f32 to vector<16xf32>
    %eq3A_2822 = arith.constant 0 : i32
    %eq3A_2823 = vector.broadcast %eq3A_2822 : i32 to vector<16xi32>
    %eq3A_2824 = arith.cmpi eq, %iota3A, %eq3A_2823 : vector<16xi32>
    %select_n3A_2825 = arith.select %eq3A_2824, %max3A_2422, %broadcast_in_dim3A_2821 : vector<16xi1>, vector<16xf32>
    %eq3A_2826 = arith.constant 1 : i32
    %eq3A_2827 = vector.broadcast %eq3A_2826 : i32 to vector<16xi32>
    %eq3A_2828 = arith.cmpi eq, %iota3A, %eq3A_2827 : vector<16xi32>
    %select_n3A_2829 = arith.select %eq3A_2828, %max3A_2529, %select_n3A_2825 : vector<16xi1>, vector<16xf32>
    %eq3A_2830 = arith.constant 2 : i32
    %eq3A_2831 = vector.broadcast %eq3A_2830 : i32 to vector<16xi32>
    %eq3A_2832 = arith.cmpi eq, %iota3A, %eq3A_2831 : vector<16xi32>
    %select_n3A_2833 = arith.select %eq3A_2832, %max3A_2636, %select_n3A_2829 : vector<16xi1>, vector<16xf32>
    %eq3A_2834 = arith.constant 3 : i32
    %eq3A_2835 = vector.broadcast %eq3A_2834 : i32 to vector<16xi32>
    %eq3A_2836 = arith.cmpi eq, %iota3A, %eq3A_2835 : vector<16xi32>
    %select_n3A_2837 = arith.select %eq3A_2836, %max3A_2743, %select_n3A_2833 : vector<16xi1>, vector<16xf32>
    %sub3A_2838 = arith.subf %select_n3A_2837, %max3A_2422 : vector<16xf32>
    %exp3A_2839 = math.exp %sub3A_2838 : vector<16xf32>
    %iota3A_2840 = tpu.iota {dimensions = array<i32: 0>} : vector<16xi32>
    %xor3A_2841 = arith.constant 8 : i32
    %xor3A_2842 = vector.broadcast %xor3A_2841 : i32 to vector<16xi32>
    %xor3A_2843 = arith.xori %iota3A_2840, %xor3A_2842 : vector<16xi32>
    %broadcast_in_dim3A_2844 = vector.shape_cast %xor3A_2843 : vector<16xi32> to vector<16x1xi32>
    %gather3A_2845 = vector.shape_cast %broadcast_in_dim3A_2844 : vector<16x1xi32> to vector<16xi32>
    %gather3A_2846 = tpu.dynamic_gather %exp3A_2839[%gather3A_2845] in [0] : vector<16xf32>, vector<16xi32> -> vector<16xf32>
    %add3A_2847 = arith.addf %exp3A_2839, %gather3A_2846 : vector<16xf32>
    %xor3A_2848 = arith.constant 4 : i32
    %xor3A_2849 = vector.broadcast %xor3A_2848 : i32 to vector<16xi32>
    %xor3A_2850 = arith.xori %iota3A_2840, %xor3A_2849 : vector<16xi32>
    %broadcast_in_dim3A_2851 = vector.shape_cast %xor3A_2850 : vector<16xi32> to vector<16x1xi32>
    %gather3A_2852 = vector.shape_cast %broadcast_in_dim3A_2851 : vector<16x1xi32> to vector<16xi32>
    %gather3A_2853 = tpu.dynamic_gather %add3A_2847[%gather3A_2852] in [0] : vector<16xf32>, vector<16xi32> -> vector<16xf32>
    %add3A_2854 = arith.addf %add3A_2847, %gather3A_2853 : vector<16xf32>
    %xor3A_2855 = arith.constant 2 : i32
    %xor3A_2856 = vector.broadcast %xor3A_2855 : i32 to vector<16xi32>
    %xor3A_2857 = arith.xori %iota3A_2840, %xor3A_2856 : vector<16xi32>
    %broadcast_in_dim3A_2858 = vector.shape_cast %xor3A_2857 : vector<16xi32> to vector<16x1xi32>
    %gather3A_2859 = vector.shape_cast %broadcast_in_dim3A_2858 : vector<16x1xi32> to vector<16xi32>
    %gather3A_2860 = tpu.dynamic_gather %add3A_2854[%gather3A_2859] in [0] : vector<16xf32>, vector<16xi32> -> vector<16xf32>
    %add3A_2861 = arith.addf %add3A_2854, %gather3A_2860 : vector<16xf32>
    %xor3A_2862 = arith.constant 1 : i32
    %xor3A_2863 = vector.broadcast %xor3A_2862 : i32 to vector<16xi32>
    %xor3A_2864 = arith.xori %iota3A_2840, %xor3A_2863 : vector<16xi32>
    %broadcast_in_dim3A_2865 = vector.shape_cast %xor3A_2864 : vector<16xi32> to vector<16x1xi32>
    %gather3A_2866 = vector.shape_cast %broadcast_in_dim3A_2865 : vector<16x1xi32> to vector<16xi32>
    %gather3A_2867 = tpu.dynamic_gather %add3A_2861[%gather3A_2866] in [0] : vector<16xf32>, vector<16xi32> -> vector<16xf32>
    %add3A_2868 = arith.addf %add3A_2861, %gather3A_2867 : vector<16xf32>
    %div3A_2869 = arith.divf %exp3A_2839, %add3A_2868 : vector<16xf32>
    %broadcast_in_dim3A_2870 = arith.constant 0 : i32
    %broadcast_in_dim3A_2871 = vector.broadcast %broadcast_in_dim3A_2870 : i32 to vector<16xi32>
    %broadcast_in_dim3A_2872 = vector.shape_cast %broadcast_in_dim3A_2871 : vector<16xi32> to vector<16x1xi32>
    %gather3A_2873 = vector.shape_cast %broadcast_in_dim3A_2872 : vector<16x1xi32> to vector<16xi32>
    %gather3A_2874 = tpu.dynamic_gather %div3A_2869[%gather3A_2873] in [0] : vector<16xf32>, vector<16xi32> -> vector<16xf32>
    %broadcast_in_dim3A_2875 = arith.constant 1 : i32
    %broadcast_in_dim3A_2876 = vector.broadcast %broadcast_in_dim3A_2875 : i32 to vector<16xi32>
    %broadcast_in_dim3A_2877 = vector.shape_cast %broadcast_in_dim3A_2876 : vector<16xi32> to vector<16x1xi32>
    %gather3A_2878 = vector.shape_cast %broadcast_in_dim3A_2877 : vector<16x1xi32> to vector<16xi32>
    %gather3A_2879 = tpu.dynamic_gather %div3A_2869[%gather3A_2878] in [0] : vector<16xf32>, vector<16xi32> -> vector<16xf32>
    %broadcast_in_dim3A_2880 = arith.constant 2 : i32
    %broadcast_in_dim3A_2881 = vector.broadcast %broadcast_in_dim3A_2880 : i32 to vector<16xi32>
    %broadcast_in_dim3A_2882 = vector.shape_cast %broadcast_in_dim3A_2881 : vector<16xi32> to vector<16x1xi32>
    %gather3A_2883 = vector.shape_cast %broadcast_in_dim3A_2882 : vector<16x1xi32> to vector<16xi32>
    %gather3A_2884 = tpu.dynamic_gather %div3A_2869[%gather3A_2883] in [0] : vector<16xf32>, vector<16xi32> -> vector<16xf32>
    %broadcast_in_dim3A_2885 = arith.constant 3 : i32
    %broadcast_in_dim3A_2886 = vector.broadcast %broadcast_in_dim3A_2885 : i32 to vector<16xi32>
    %broadcast_in_dim3A_2887 = vector.shape_cast %broadcast_in_dim3A_2886 : vector<16xi32> to vector<16x1xi32>
    %gather3A_2888 = vector.shape_cast %broadcast_in_dim3A_2887 : vector<16x1xi32> to vector<16xi32>
    %gather3A_2889 = tpu.dynamic_gather %div3A_2869[%gather3A_2888] in [0] : vector<16xf32>, vector<16xi32> -> vector<16xf32>
    %broadcast_in_dim3A_2890 = arith.constant 0.000000e+00 : f32
    %broadcast_in_dim3A_2891 = vector.broadcast %broadcast_in_dim3A_2890 : f32 to vector<16xf32>
    %add3A_2892 = arith.constant 0 : i32
    %add3A_2893 = vector.broadcast %add3A_2892 : i32 to vector<16xi32>
    %add3A_2894 = arith.addi %iota3A, %add3A_2893 : vector<16xi32>
    %eq3A_2895 = arith.cmpi eq, %add3A_2894, %min3A_2477 : vector<16xi32>
    %select_n3A_2896 = arith.select %eq3A_2895, %gather3A_2874, %broadcast_in_dim3A_2891 : vector<16xi1>, vector<16xf32>
    %add3A_2897 = arith.constant 0 : i32
    %add3A_2898 = vector.broadcast %add3A_2897 : i32 to vector<16xi32>
    %add3A_2899 = arith.addi %iota3A, %add3A_2898 : vector<16xi32>
    %eq3A_2900 = arith.cmpi eq, %add3A_2899, %min3A_2584 : vector<16xi32>
    %select_n3A_2901 = arith.select %eq3A_2900, %gather3A_2879, %select_n3A_2896 : vector<16xi1>, vector<16xf32>
    %add3A_2902 = arith.constant 0 : i32
    %add3A_2903 = vector.broadcast %add3A_2902 : i32 to vector<16xi32>
    %add3A_2904 = arith.addi %iota3A, %add3A_2903 : vector<16xi32>
    %eq3A_2905 = arith.cmpi eq, %add3A_2904, %min3A_2691 : vector<16xi32>
    %select_n3A_2906 = arith.select %eq3A_2905, %gather3A_2884, %select_n3A_2901 : vector<16xi1>, vector<16xf32>
    %add3A_2907 = arith.constant 0 : i32
    %add3A_2908 = vector.broadcast %add3A_2907 : i32 to vector<16xi32>
    %add3A_2909 = arith.addi %iota3A, %add3A_2908 : vector<16xi32>
    %eq3A_2910 = arith.cmpi eq, %add3A_2909, %min3A_2798 : vector<16xi32>
    %select_n3A_2911 = arith.select %eq3A_2910, %gather3A_2889, %select_n3A_2906 : vector<16xi1>, vector<16xf32>
    %swap3A_2912 = arith.constant 4 : i32
    %swap3A_2913 = arith.index_cast %swap3A_2912 : i32 to index
    %swap3A_2914 = arith.constant 0 : index
    %swap3A_2915 = tpu.vector_load %arg5[%swap3A_2913, %swap3A_2914] {strides = array<i32>} : memref<8x48xf32, #tpu.memory_space<vmem>>, vector<1x16xf32>,
    %swap3A_2916 = vector.shape_cast %swap3A_2915 : vector<1x16xf32> to vector<16xf32>
    %swap3A_2917 = vector.shape_cast %select_n3A_2911 : vector<16xf32> to vector<1x16xf32>
    tpu.vector_store %arg5[%swap3A_2913, %swap3A_2914], %swap3A_2917 {strides = array<i32>} : memref<8x48xf32, #tpu.memory_space<vmem>>, vector<1x16xf32>,
    %broadcast_in_dim3A_2918 = arith.constant 0.000000e+00 : f32
    %broadcast_in_dim3A_2919 = vector.broadcast %broadcast_in_dim3A_2918 : f32 to vector<16xf32>
    %add3A_2920 = arith.constant 16 : i32
    %add3A_2921 = vector.broadcast %add3A_2920 : i32 to vector<16xi32>
    %add3A_2922 = arith.addi %iota3A, %add3A_2921 : vector<16xi32>
    %eq3A_2923 = arith.cmpi eq, %add3A_2922, %min3A_2477 : vector<16xi32>
    %select_n3A_2924 = arith.select %eq3A_2923, %gather3A_2874, %broadcast_in_dim3A_2919 : vector<16xi1>, vector<16xf32>
    %add3A_2925 = arith.constant 16 : i32
    %add3A_2926 = vector.broadcast %add3A_2925 : i32 to vector<16xi32>
    %add3A_2927 = arith.addi %iota3A, %add3A_2926 : vector<16xi32>
    %eq3A_2928 = arith.cmpi eq, %add3A_2927, %min3A_2584 : vector<16xi32>
    %select_n3A_2929 = arith.select %eq3A_2928, %gather3A_2879, %select_n3A_2924 : vector<16xi1>, vector<16xf32>
    %add3A_2930 = arith.constant 16 : i32
    %add3A_2931 = vector.broadcast %add3A_2930 : i32 to vector<16xi32>
    %add3A_2932 = arith.addi %iota3A, %add3A_2931 : vector<16xi32>
    %eq3A_2933 = arith.cmpi eq, %add3A_2932, %min3A_2691 : vector<16xi32>
    %select_n3A_2934 = arith.select %eq3A_2933, %gather3A_2884, %select_n3A_2929 : vector<16xi1>, vector<16xf32>
    %add3A_2935 = arith.constant 16 : i32
    %add3A_2936 = vector.broadcast %add3A_2935 : i32 to vector<16xi32>
    %add3A_2937 = arith.addi %iota3A, %add3A_2936 : vector<16xi32>
    %eq3A_2938 = arith.cmpi eq, %add3A_2937, %min3A_2798 : vector<16xi32>
    %select_n3A_2939 = arith.select %eq3A_2938, %gather3A_2889, %select_n3A_2934 : vector<16xi1>, vector<16xf32>
    %swap3A_2940 = arith.constant 4 : i32
    %swap3A_2941 = arith.index_cast %swap3A_2940 : i32 to index
    %swap3A_2942 = arith.constant 16 : index
    %swap3A_2943 = tpu.vector_load %arg5[%swap3A_2941, %swap3A_2942] {strides = array<i32>} : memref<8x48xf32, #tpu.memory_space<vmem>>, vector<1x16xf32>,
    %swap3A_2944 = vector.shape_cast %swap3A_2943 : vector<1x16xf32> to vector<16xf32>
    %swap3A_2945 = vector.shape_cast %select_n3A_2939 : vector<16xf32> to vector<1x16xf32>
    tpu.vector_store %arg5[%swap3A_2941, %swap3A_2942], %swap3A_2945 {strides = array<i32>} : memref<8x48xf32, #tpu.memory_space<vmem>>, vector<1x16xf32>,
    %broadcast_in_dim3A_2946 = arith.constant 0.000000e+00 : f32
    %broadcast_in_dim3A_2947 = vector.broadcast %broadcast_in_dim3A_2946 : f32 to vector<16xf32>
    %add3A_2948 = arith.constant 32 : i32
    %add3A_2949 = vector.broadcast %add3A_2948 : i32 to vector<16xi32>
    %add3A_2950 = arith.addi %iota3A, %add3A_2949 : vector<16xi32>
    %eq3A_2951 = arith.cmpi eq, %add3A_2950, %min3A_2477 : vector<16xi32>
    %select_n3A_2952 = arith.select %eq3A_2951, %gather3A_2874, %broadcast_in_dim3A_2947 : vector<16xi1>, vector<16xf32>
    %add3A_2953 = arith.constant 32 : i32
    %add3A_2954 = vector.broadcast %add3A_2953 : i32 to vector<16xi32>
    %add3A_2955 = arith.addi %iota3A, %add3A_2954 : vector<16xi32>
    %eq3A_2956 = arith.cmpi eq, %add3A_2955, %min3A_2584 : vector<16xi32>
    %select_n3A_2957 = arith.select %eq3A_2956, %gather3A_2879, %select_n3A_2952 : vector<16xi1>, vector<16xf32>
    %add3A_2958 = arith.constant 32 : i32
    %add3A_2959 = vector.broadcast %add3A_2958 : i32 to vector<16xi32>
    %add3A_2960 = arith.addi %iota3A, %add3A_2959 : vector<16xi32>
    %eq3A_2961 = arith.cmpi eq, %add3A_2960, %min3A_2691 : vector<16xi32>
    %select_n3A_2962 = arith.select %eq3A_2961, %gather3A_2884, %select_n3A_2957 : vector<16xi1>, vector<16xf32>
    %add3A_2963 = arith.constant 32 : i32
    %add3A_2964 = vector.broadcast %add3A_2963 : i32 to vector<16xi32>
    %add3A_2965 = arith.addi %iota3A, %add3A_2964 : vector<16xi32>
    %eq3A_2966 = arith.cmpi eq, %add3A_2965, %min3A_2798 : vector<16xi32>
    %select_n3A_2967 = arith.select %eq3A_2966, %gather3A_2889, %select_n3A_2962 : vector<16xi1>, vector<16xf32>
    %swap3A_2968 = arith.constant 4 : i32
    %swap3A_2969 = arith.index_cast %swap3A_2968 : i32 to index
    %swap3A_2970 = arith.constant 32 : index
    %swap3A_2971 = tpu.vector_load %arg5[%swap3A_2969, %swap3A_2970] {strides = array<i32>} : memref<8x48xf32, #tpu.memory_space<vmem>>, vector<1x16xf32>,
    %swap3A_2972 = vector.shape_cast %swap3A_2971 : vector<1x16xf32> to vector<16xf32>
    %swap3A_2973 = vector.shape_cast %select_n3A_2967 : vector<16xf32> to vector<1x16xf32>
    tpu.vector_store %arg5[%swap3A_2969, %swap3A_2970], %swap3A_2973 {strides = array<i32>} : memref<8x48xf32, #tpu.memory_space<vmem>>, vector<1x16xf32>,
    %get3A_2974 = arith.constant 5 : i32
    %get3A_2975 = arith.index_cast %get3A_2974 : i32 to index
    %get3A_2976 = arith.constant 0 : index
    %get3A_2977 = tpu.vector_load %arg4[%get3A_2975, %get3A_2976] {strides = array<i32>} : memref<8x48xf32, #tpu.memory_space<vmem>>, vector<1x16xf32>,
    %get3A_2978 = vector.shape_cast %get3A_2977 : vector<1x16xf32> to vector<16xf32>
    %get3A_2979 = arith.constant 5 : i32
    %get3A_2980 = arith.index_cast %get3A_2979 : i32 to index
    %get3A_2981 = arith.constant 16 : index
    %get3A_2982 = tpu.vector_load %arg4[%get3A_2980, %get3A_2981] {strides = array<i32>} : memref<8x48xf32, #tpu.memory_space<vmem>>, vector<1x16xf32>,
    %get3A_2983 = vector.shape_cast %get3A_2982 : vector<1x16xf32> to vector<16xf32>
    %get3A_2984 = arith.constant 5 : i32
    %get3A_2985 = arith.index_cast %get3A_2984 : i32 to index
    %get3A_2986 = arith.constant 32 : index
    %get3A_2987 = tpu.vector_load %arg4[%get3A_2985, %get3A_2986] {strides = array<i32>} : memref<8x48xf32, #tpu.memory_space<vmem>>, vector<1x16xf32>,
    %get3A_2988 = vector.shape_cast %get3A_2987 : vector<1x16xf32> to vector<16xf32>
    %max3A_2989 = arith.maximumf %get3A_2978, %get3A_2983 : vector<16xf32>
    %max3A_2990 = arith.maximumf %max3A_2989, %get3A_2988 : vector<16xf32>
    %iota3A_2991 = tpu.iota {dimensions = array<i32: 0>} : vector<16xi32>
    %xor3A_2992 = arith.constant 8 : i32
    %xor3A_2993 = vector.broadcast %xor3A_2992 : i32 to vector<16xi32>
    %xor3A_2994 = arith.xori %iota3A_2991, %xor3A_2993 : vector<16xi32>
    %broadcast_in_dim3A_2995 = vector.shape_cast %xor3A_2994 : vector<16xi32> to vector<16x1xi32>
    %gather3A_2996 = vector.shape_cast %broadcast_in_dim3A_2995 : vector<16x1xi32> to vector<16xi32>
    %gather3A_2997 = tpu.dynamic_gather %max3A_2990[%gather3A_2996] in [0] : vector<16xf32>, vector<16xi32> -> vector<16xf32>
    %max3A_2998 = arith.maximumf %max3A_2990, %gather3A_2997 : vector<16xf32>
    %xor3A_2999 = arith.constant 4 : i32
    %xor3A_3000 = vector.broadcast %xor3A_2999 : i32 to vector<16xi32>
    %xor3A_3001 = arith.xori %iota3A_2991, %xor3A_3000 : vector<16xi32>
    %broadcast_in_dim3A_3002 = vector.shape_cast %xor3A_3001 : vector<16xi32> to vector<16x1xi32>
    %gather3A_3003 = vector.shape_cast %broadcast_in_dim3A_3002 : vector<16x1xi32> to vector<16xi32>
    %gather3A_3004 = tpu.dynamic_gather %max3A_2998[%gather3A_3003] in [0] : vector<16xf32>, vector<16xi32> -> vector<16xf32>
    %max3A_3005 = arith.maximumf %max3A_2998, %gather3A_3004 : vector<16xf32>
    %xor3A_3006 = arith.constant 2 : i32
    %xor3A_3007 = vector.broadcast %xor3A_3006 : i32 to vector<16xi32>
    %xor3A_3008 = arith.xori %iota3A_2991, %xor3A_3007 : vector<16xi32>
    %broadcast_in_dim3A_3009 = vector.shape_cast %xor3A_3008 : vector<16xi32> to vector<16x1xi32>
    %gather3A_3010 = vector.shape_cast %broadcast_in_dim3A_3009 : vector<16x1xi32> to vector<16xi32>
    %gather3A_3011 = tpu.dynamic_gather %max3A_3005[%gather3A_3010] in [0] : vector<16xf32>, vector<16xi32> -> vector<16xf32>
    %max3A_3012 = arith.maximumf %max3A_3005, %gather3A_3011 : vector<16xf32>
    %xor3A_3013 = arith.constant 1 : i32
    %xor3A_3014 = vector.broadcast %xor3A_3013 : i32 to vector<16xi32>
    %xor3A_3015 = arith.xori %iota3A_2991, %xor3A_3014 : vector<16xi32>
    %broadcast_in_dim3A_3016 = vector.shape_cast %xor3A_3015 : vector<16xi32> to vector<16x1xi32>
    %gather3A_3017 = vector.shape_cast %broadcast_in_dim3A_3016 : vector<16x1xi32> to vector<16xi32>
    %gather3A_3018 = tpu.dynamic_gather %max3A_3012[%gather3A_3017] in [0] : vector<16xf32>, vector<16xi32> -> vector<16xf32>
    %max3A_3019 = arith.maximumf %max3A_3012, %gather3A_3018 : vector<16xf32>
    %broadcast_in_dim3A_3020 = arith.constant 1048576 : i32
    %broadcast_in_dim3A_3021 = vector.broadcast %broadcast_in_dim3A_3020 : i32 to vector<16xi32>
    %ge3A_3022 = arith.cmpf oge, %get3A_2978, %max3A_3019 : vector<16xf32>
    %add3A_3023 = arith.constant 0 : i32
    %add3A_3024 = vector.broadcast %add3A_3023 : i32 to vector<16xi32>
    %add3A_3025 = arith.addi %iota3A, %add3A_3024 : vector<16xi32>
    %jit3A_3026 = arith.constant 1048576 : i32
    %broadcast_in_dim3A_3027 = vector.broadcast %jit3A_3026 : i32 to vector<16xi32>
    %select_n3A_3028 = arith.select %ge3A_3022, %add3A_3025, %broadcast_in_dim3A_3027 : vector<16xi1>, vector<16xi32>
    %min3A_3029 = arith.minsi %broadcast_in_dim3A_3021, %select_n3A_3028 : vector<16xi32>
    %ge3A_3030 = arith.cmpf oge, %get3A_2983, %max3A_3019 : vector<16xf32>
    %add3A_3031 = arith.constant 16 : i32
    %add3A_3032 = vector.broadcast %add3A_3031 : i32 to vector<16xi32>
    %add3A_3033 = arith.addi %iota3A, %add3A_3032 : vector<16xi32>
    %jit3A_3034 = arith.constant 1048576 : i32
    %broadcast_in_dim3A_3035 = vector.broadcast %jit3A_3034 : i32 to vector<16xi32>
    %select_n3A_3036 = arith.select %ge3A_3030, %add3A_3033, %broadcast_in_dim3A_3035 : vector<16xi1>, vector<16xi32>
    %min3A_3037 = arith.minsi %min3A_3029, %select_n3A_3036 : vector<16xi32>
    %ge3A_3038 = arith.cmpf oge, %get3A_2988, %max3A_3019 : vector<16xf32>
    %add3A_3039 = arith.constant 32 : i32
    %add3A_3040 = vector.broadcast %add3A_3039 : i32 to vector<16xi32>
    %add3A_3041 = arith.addi %iota3A, %add3A_3040 : vector<16xi32>
    %jit3A_3042 = arith.constant 1048576 : i32
    %broadcast_in_dim3A_3043 = vector.broadcast %jit3A_3042 : i32 to vector<16xi32>
    %select_n3A_3044 = arith.select %ge3A_3038, %add3A_3041, %broadcast_in_dim3A_3043 : vector<16xi1>, vector<16xi32>
    %min3A_3045 = arith.minsi %min3A_3037, %select_n3A_3044 : vector<16xi32>
    %iota3A_3046 = tpu.iota {dimensions = array<i32: 0>} : vector<16xi32>
    %xor3A_3047 = arith.constant 8 : i32
    %xor3A_3048 = vector.broadcast %xor3A_3047 : i32 to vector<16xi32>
    %xor3A_3049 = arith.xori %iota3A_3046, %xor3A_3048 : vector<16xi32>
    %broadcast_in_dim3A_3050 = vector.shape_cast %xor3A_3049 : vector<16xi32> to vector<16x1xi32>
    %gather3A_3051 = vector.shape_cast %broadcast_in_dim3A_3050 : vector<16x1xi32> to vector<16xi32>
    %gather3A_3052 = tpu.dynamic_gather %min3A_3045[%gather3A_3051] in [0] : vector<16xi32>, vector<16xi32> -> vector<16xi32>
    %min3A_3053 = arith.minsi %min3A_3045, %gather3A_3052 : vector<16xi32>
    %xor3A_3054 = arith.constant 4 : i32
    %xor3A_3055 = vector.broadcast %xor3A_3054 : i32 to vector<16xi32>
    %xor3A_3056 = arith.xori %iota3A_3046, %xor3A_3055 : vector<16xi32>
    %broadcast_in_dim3A_3057 = vector.shape_cast %xor3A_3056 : vector<16xi32> to vector<16x1xi32>
    %gather3A_3058 = vector.shape_cast %broadcast_in_dim3A_3057 : vector<16x1xi32> to vector<16xi32>
    %gather3A_3059 = tpu.dynamic_gather %min3A_3053[%gather3A_3058] in [0] : vector<16xi32>, vector<16xi32> -> vector<16xi32>
    %min3A_3060 = arith.minsi %min3A_3053, %gather3A_3059 : vector<16xi32>
    %xor3A_3061 = arith.constant 2 : i32
    %xor3A_3062 = vector.broadcast %xor3A_3061 : i32 to vector<16xi32>
    %xor3A_3063 = arith.xori %iota3A_3046, %xor3A_3062 : vector<16xi32>
    %broadcast_in_dim3A_3064 = vector.shape_cast %xor3A_3063 : vector<16xi32> to vector<16x1xi32>
    %gather3A_3065 = vector.shape_cast %broadcast_in_dim3A_3064 : vector<16x1xi32> to vector<16xi32>
    %gather3A_3066 = tpu.dynamic_gather %min3A_3060[%gather3A_3065] in [0] : vector<16xi32>, vector<16xi32> -> vector<16xi32>
    %min3A_3067 = arith.minsi %min3A_3060, %gather3A_3066 : vector<16xi32>
    %xor3A_3068 = arith.constant 1 : i32
    %xor3A_3069 = vector.broadcast %xor3A_3068 : i32 to vector<16xi32>
    %xor3A_3070 = arith.xori %iota3A_3046, %xor3A_3069 : vector<16xi32>
    %broadcast_in_dim3A_3071 = vector.shape_cast %xor3A_3070 : vector<16xi32> to vector<16x1xi32>
    %gather3A_3072 = vector.shape_cast %broadcast_in_dim3A_3071 : vector<16x1xi32> to vector<16xi32>
    %gather3A_3073 = tpu.dynamic_gather %min3A_3067[%gather3A_3072] in [0] : vector<16xi32>, vector<16xi32> -> vector<16xi32>
    %min3A_3074 = arith.minsi %min3A_3067, %gather3A_3073 : vector<16xi32>
    %add3A_3075 = arith.constant 0 : i32
    %add3A_3076 = vector.broadcast %add3A_3075 : i32 to vector<16xi32>
    %add3A_3077 = arith.addi %iota3A, %add3A_3076 : vector<16xi32>
    %eq3A_3078 = arith.cmpi eq, %add3A_3077, %min3A_3074 : vector<16xi32>
    %jit3A_3079 = arith.constant 0xFF800000 : f32
    %broadcast_in_dim3A_3080 = vector.broadcast %jit3A_3079 : f32 to vector<16xf32>
    %select_n3A_3081 = arith.select %eq3A_3078, %broadcast_in_dim3A_3080, %get3A_2978 : vector<16xi1>, vector<16xf32>
    %add3A_3082 = arith.constant 16 : i32
    %add3A_3083 = vector.broadcast %add3A_3082 : i32 to vector<16xi32>
    %add3A_3084 = arith.addi %iota3A, %add3A_3083 : vector<16xi32>
    %eq3A_3085 = arith.cmpi eq, %add3A_3084, %min3A_3074 : vector<16xi32>
    %jit3A_3086 = arith.constant 0xFF800000 : f32
    %broadcast_in_dim3A_3087 = vector.broadcast %jit3A_3086 : f32 to vector<16xf32>
    %select_n3A_3088 = arith.select %eq3A_3085, %broadcast_in_dim3A_3087, %get3A_2983 : vector<16xi1>, vector<16xf32>
    %add3A_3089 = arith.constant 32 : i32
    %add3A_3090 = vector.broadcast %add3A_3089 : i32 to vector<16xi32>
    %add3A_3091 = arith.addi %iota3A, %add3A_3090 : vector<16xi32>
    %eq3A_3092 = arith.cmpi eq, %add3A_3091, %min3A_3074 : vector<16xi32>
    %jit3A_3093 = arith.constant 0xFF800000 : f32
    %broadcast_in_dim3A_3094 = vector.broadcast %jit3A_3093 : f32 to vector<16xf32>
    %select_n3A_3095 = arith.select %eq3A_3092, %broadcast_in_dim3A_3094, %get3A_2988 : vector<16xi1>, vector<16xf32>
    %max3A_3096 = arith.maximumf %select_n3A_3081, %select_n3A_3088 : vector<16xf32>
    %max3A_3097 = arith.maximumf %max3A_3096, %select_n3A_3095 : vector<16xf32>
    %iota3A_3098 = tpu.iota {dimensions = array<i32: 0>} : vector<16xi32>
    %xor3A_3099 = arith.constant 8 : i32
    %xor3A_3100 = vector.broadcast %xor3A_3099 : i32 to vector<16xi32>
    %xor3A_3101 = arith.xori %iota3A_3098, %xor3A_3100 : vector<16xi32>
    %broadcast_in_dim3A_3102 = vector.shape_cast %xor3A_3101 : vector<16xi32> to vector<16x1xi32>
    %gather3A_3103 = vector.shape_cast %broadcast_in_dim3A_3102 : vector<16x1xi32> to vector<16xi32>
    %gather3A_3104 = tpu.dynamic_gather %max3A_3097[%gather3A_3103] in [0] : vector<16xf32>, vector<16xi32> -> vector<16xf32>
    %max3A_3105 = arith.maximumf %max3A_3097, %gather3A_3104 : vector<16xf32>
    %xor3A_3106 = arith.constant 4 : i32
    %xor3A_3107 = vector.broadcast %xor3A_3106 : i32 to vector<16xi32>
    %xor3A_3108 = arith.xori %iota3A_3098, %xor3A_3107 : vector<16xi32>
    %broadcast_in_dim3A_3109 = vector.shape_cast %xor3A_3108 : vector<16xi32> to vector<16x1xi32>
    %gather3A_3110 = vector.shape_cast %broadcast_in_dim3A_3109 : vector<16x1xi32> to vector<16xi32>
    %gather3A_3111 = tpu.dynamic_gather %max3A_3105[%gather3A_3110] in [0] : vector<16xf32>, vector<16xi32> -> vector<16xf32>
    %max3A_3112 = arith.maximumf %max3A_3105, %gather3A_3111 : vector<16xf32>
    %xor3A_3113 = arith.constant 2 : i32
    %xor3A_3114 = vector.broadcast %xor3A_3113 : i32 to vector<16xi32>
    %xor3A_3115 = arith.xori %iota3A_3098, %xor3A_3114 : vector<16xi32>
    %broadcast_in_dim3A_3116 = vector.shape_cast %xor3A_3115 : vector<16xi32> to vector<16x1xi32>
    %gather3A_3117 = vector.shape_cast %broadcast_in_dim3A_3116 : vector<16x1xi32> to vector<16xi32>
    %gather3A_3118 = tpu.dynamic_gather %max3A_3112[%gather3A_3117] in [0] : vector<16xf32>, vector<16xi32> -> vector<16xf32>
    %max3A_3119 = arith.maximumf %max3A_3112, %gather3A_3118 : vector<16xf32>
    %xor3A_3120 = arith.constant 1 : i32
    %xor3A_3121 = vector.broadcast %xor3A_3120 : i32 to vector<16xi32>
    %xor3A_3122 = arith.xori %iota3A_3098, %xor3A_3121 : vector<16xi32>
    %broadcast_in_dim3A_3123 = vector.shape_cast %xor3A_3122 : vector<16xi32> to vector<16x1xi32>
    %gather3A_3124 = vector.shape_cast %broadcast_in_dim3A_3123 : vector<16x1xi32> to vector<16xi32>
    %gather3A_3125 = tpu.dynamic_gather %max3A_3119[%gather3A_3124] in [0] : vector<16xf32>, vector<16xi32> -> vector<16xf32>
    %max3A_3126 = arith.maximumf %max3A_3119, %gather3A_3125 : vector<16xf32>
    %broadcast_in_dim3A_3127 = arith.constant 1048576 : i32
    %broadcast_in_dim3A_3128 = vector.broadcast %broadcast_in_dim3A_3127 : i32 to vector<16xi32>
    %ge3A_3129 = arith.cmpf oge, %select_n3A_3081, %max3A_3126 : vector<16xf32>
    %add3A_3130 = arith.constant 0 : i32
    %add3A_3131 = vector.broadcast %add3A_3130 : i32 to vector<16xi32>
    %add3A_3132 = arith.addi %iota3A, %add3A_3131 : vector<16xi32>
    %jit3A_3133 = arith.constant 1048576 : i32
    %broadcast_in_dim3A_3134 = vector.broadcast %jit3A_3133 : i32 to vector<16xi32>
    %select_n3A_3135 = arith.select %ge3A_3129, %add3A_3132, %broadcast_in_dim3A_3134 : vector<16xi1>, vector<16xi32>
    %min3A_3136 = arith.minsi %broadcast_in_dim3A_3128, %select_n3A_3135 : vector<16xi32>
    %ge3A_3137 = arith.cmpf oge, %select_n3A_3088, %max3A_3126 : vector<16xf32>
    %add3A_3138 = arith.constant 16 : i32
    %add3A_3139 = vector.broadcast %add3A_3138 : i32 to vector<16xi32>
    %add3A_3140 = arith.addi %iota3A, %add3A_3139 : vector<16xi32>
    %jit3A_3141 = arith.constant 1048576 : i32
    %broadcast_in_dim3A_3142 = vector.broadcast %jit3A_3141 : i32 to vector<16xi32>
    %select_n3A_3143 = arith.select %ge3A_3137, %add3A_3140, %broadcast_in_dim3A_3142 : vector<16xi1>, vector<16xi32>
    %min3A_3144 = arith.minsi %min3A_3136, %select_n3A_3143 : vector<16xi32>
    %ge3A_3145 = arith.cmpf oge, %select_n3A_3095, %max3A_3126 : vector<16xf32>
    %add3A_3146 = arith.constant 32 : i32
    %add3A_3147 = vector.broadcast %add3A_3146 : i32 to vector<16xi32>
    %add3A_3148 = arith.addi %iota3A, %add3A_3147 : vector<16xi32>
    %jit3A_3149 = arith.constant 1048576 : i32
    %broadcast_in_dim3A_3150 = vector.broadcast %jit3A_3149 : i32 to vector<16xi32>
    %select_n3A_3151 = arith.select %ge3A_3145, %add3A_3148, %broadcast_in_dim3A_3150 : vector<16xi1>, vector<16xi32>
    %min3A_3152 = arith.minsi %min3A_3144, %select_n3A_3151 : vector<16xi32>
    %iota3A_3153 = tpu.iota {dimensions = array<i32: 0>} : vector<16xi32>
    %xor3A_3154 = arith.constant 8 : i32
    %xor3A_3155 = vector.broadcast %xor3A_3154 : i32 to vector<16xi32>
    %xor3A_3156 = arith.xori %iota3A_3153, %xor3A_3155 : vector<16xi32>
    %broadcast_in_dim3A_3157 = vector.shape_cast %xor3A_3156 : vector<16xi32> to vector<16x1xi32>
    %gather3A_3158 = vector.shape_cast %broadcast_in_dim3A_3157 : vector<16x1xi32> to vector<16xi32>
    %gather3A_3159 = tpu.dynamic_gather %min3A_3152[%gather3A_3158] in [0] : vector<16xi32>, vector<16xi32> -> vector<16xi32>
    %min3A_3160 = arith.minsi %min3A_3152, %gather3A_3159 : vector<16xi32>
    %xor3A_3161 = arith.constant 4 : i32
    %xor3A_3162 = vector.broadcast %xor3A_3161 : i32 to vector<16xi32>
    %xor3A_3163 = arith.xori %iota3A_3153, %xor3A_3162 : vector<16xi32>
    %broadcast_in_dim3A_3164 = vector.shape_cast %xor3A_3163 : vector<16xi32> to vector<16x1xi32>
    %gather3A_3165 = vector.shape_cast %broadcast_in_dim3A_3164 : vector<16x1xi32> to vector<16xi32>
    %gather3A_3166 = tpu.dynamic_gather %min3A_3160[%gather3A_3165] in [0] : vector<16xi32>, vector<16xi32> -> vector<16xi32>
    %min3A_3167 = arith.minsi %min3A_3160, %gather3A_3166 : vector<16xi32>
    %xor3A_3168 = arith.constant 2 : i32
    %xor3A_3169 = vector.broadcast %xor3A_3168 : i32 to vector<16xi32>
    %xor3A_3170 = arith.xori %iota3A_3153, %xor3A_3169 : vector<16xi32>
    %broadcast_in_dim3A_3171 = vector.shape_cast %xor3A_3170 : vector<16xi32> to vector<16x1xi32>
    %gather3A_3172 = vector.shape_cast %broadcast_in_dim3A_3171 : vector<16x1xi32> to vector<16xi32>
    %gather3A_3173 = tpu.dynamic_gather %min3A_3167[%gather3A_3172] in [0] : vector<16xi32>, vector<16xi32> -> vector<16xi32>
    %min3A_3174 = arith.minsi %min3A_3167, %gather3A_3173 : vector<16xi32>
    %xor3A_3175 = arith.constant 1 : i32
    %xor3A_3176 = vector.broadcast %xor3A_3175 : i32 to vector<16xi32>
    %xor3A_3177 = arith.xori %iota3A_3153, %xor3A_3176 : vector<16xi32>
    %broadcast_in_dim3A_3178 = vector.shape_cast %xor3A_3177 : vector<16xi32> to vector<16x1xi32>
    %gather3A_3179 = vector.shape_cast %broadcast_in_dim3A_3178 : vector<16x1xi32> to vector<16xi32>
    %gather3A_3180 = tpu.dynamic_gather %min3A_3174[%gather3A_3179] in [0] : vector<16xi32>, vector<16xi32> -> vector<16xi32>
    %min3A_3181 = arith.minsi %min3A_3174, %gather3A_3180 : vector<16xi32>
    %add3A_3182 = arith.constant 0 : i32
    %add3A_3183 = vector.broadcast %add3A_3182 : i32 to vector<16xi32>
    %add3A_3184 = arith.addi %iota3A, %add3A_3183 : vector<16xi32>
    %eq3A_3185 = arith.cmpi eq, %add3A_3184, %min3A_3181 : vector<16xi32>
    %jit3A_3186 = arith.constant 0xFF800000 : f32
    %broadcast_in_dim3A_3187 = vector.broadcast %jit3A_3186 : f32 to vector<16xf32>
    %select_n3A_3188 = arith.select %eq3A_3185, %broadcast_in_dim3A_3187, %select_n3A_3081 : vector<16xi1>, vector<16xf32>
    %add3A_3189 = arith.constant 16 : i32
    %add3A_3190 = vector.broadcast %add3A_3189 : i32 to vector<16xi32>
    %add3A_3191 = arith.addi %iota3A, %add3A_3190 : vector<16xi32>
    %eq3A_3192 = arith.cmpi eq, %add3A_3191, %min3A_3181 : vector<16xi32>
    %jit3A_3193 = arith.constant 0xFF800000 : f32
    %broadcast_in_dim3A_3194 = vector.broadcast %jit3A_3193 : f32 to vector<16xf32>
    %select_n3A_3195 = arith.select %eq3A_3192, %broadcast_in_dim3A_3194, %select_n3A_3088 : vector<16xi1>, vector<16xf32>
    %add3A_3196 = arith.constant 32 : i32
    %add3A_3197 = vector.broadcast %add3A_3196 : i32 to vector<16xi32>
    %add3A_3198 = arith.addi %iota3A, %add3A_3197 : vector<16xi32>
    %eq3A_3199 = arith.cmpi eq, %add3A_3198, %min3A_3181 : vector<16xi32>
    %jit3A_3200 = arith.constant 0xFF800000 : f32
    %broadcast_in_dim3A_3201 = vector.broadcast %jit3A_3200 : f32 to vector<16xf32>
    %select_n3A_3202 = arith.select %eq3A_3199, %broadcast_in_dim3A_3201, %select_n3A_3095 : vector<16xi1>, vector<16xf32>
    %max3A_3203 = arith.maximumf %select_n3A_3188, %select_n3A_3195 : vector<16xf32>
    %max3A_3204 = arith.maximumf %max3A_3203, %select_n3A_3202 : vector<16xf32>
    %iota3A_3205 = tpu.iota {dimensions = array<i32: 0>} : vector<16xi32>
    %xor3A_3206 = arith.constant 8 : i32
    %xor3A_3207 = vector.broadcast %xor3A_3206 : i32 to vector<16xi32>
    %xor3A_3208 = arith.xori %iota3A_3205, %xor3A_3207 : vector<16xi32>
    %broadcast_in_dim3A_3209 = vector.shape_cast %xor3A_3208 : vector<16xi32> to vector<16x1xi32>
    %gather3A_3210 = vector.shape_cast %broadcast_in_dim3A_3209 : vector<16x1xi32> to vector<16xi32>
    %gather3A_3211 = tpu.dynamic_gather %max3A_3204[%gather3A_3210] in [0] : vector<16xf32>, vector<16xi32> -> vector<16xf32>
    %max3A_3212 = arith.maximumf %max3A_3204, %gather3A_3211 : vector<16xf32>
    %xor3A_3213 = arith.constant 4 : i32
    %xor3A_3214 = vector.broadcast %xor3A_3213 : i32 to vector<16xi32>
    %xor3A_3215 = arith.xori %iota3A_3205, %xor3A_3214 : vector<16xi32>
    %broadcast_in_dim3A_3216 = vector.shape_cast %xor3A_3215 : vector<16xi32> to vector<16x1xi32>
    %gather3A_3217 = vector.shape_cast %broadcast_in_dim3A_3216 : vector<16x1xi32> to vector<16xi32>
    %gather3A_3218 = tpu.dynamic_gather %max3A_3212[%gather3A_3217] in [0] : vector<16xf32>, vector<16xi32> -> vector<16xf32>
    %max3A_3219 = arith.maximumf %max3A_3212, %gather3A_3218 : vector<16xf32>
    %xor3A_3220 = arith.constant 2 : i32
    %xor3A_3221 = vector.broadcast %xor3A_3220 : i32 to vector<16xi32>
    %xor3A_3222 = arith.xori %iota3A_3205, %xor3A_3221 : vector<16xi32>
    %broadcast_in_dim3A_3223 = vector.shape_cast %xor3A_3222 : vector<16xi32> to vector<16x1xi32>
    %gather3A_3224 = vector.shape_cast %broadcast_in_dim3A_3223 : vector<16x1xi32> to vector<16xi32>
    %gather3A_3225 = tpu.dynamic_gather %max3A_3219[%gather3A_3224] in [0] : vector<16xf32>, vector<16xi32> -> vector<16xf32>
    %max3A_3226 = arith.maximumf %max3A_3219, %gather3A_3225 : vector<16xf32>
    %xor3A_3227 = arith.constant 1 : i32
    %xor3A_3228 = vector.broadcast %xor3A_3227 : i32 to vector<16xi32>
    %xor3A_3229 = arith.xori %iota3A_3205, %xor3A_3228 : vector<16xi32>
    %broadcast_in_dim3A_3230 = vector.shape_cast %xor3A_3229 : vector<16xi32> to vector<16x1xi32>
    %gather3A_3231 = vector.shape_cast %broadcast_in_dim3A_3230 : vector<16x1xi32> to vector<16xi32>
    %gather3A_3232 = tpu.dynamic_gather %max3A_3226[%gather3A_3231] in [0] : vector<16xf32>, vector<16xi32> -> vector<16xf32>
    %max3A_3233 = arith.maximumf %max3A_3226, %gather3A_3232 : vector<16xf32>
    %broadcast_in_dim3A_3234 = arith.constant 1048576 : i32
    %broadcast_in_dim3A_3235 = vector.broadcast %broadcast_in_dim3A_3234 : i32 to vector<16xi32>
    %ge3A_3236 = arith.cmpf oge, %select_n3A_3188, %max3A_3233 : vector<16xf32>
    %add3A_3237 = arith.constant 0 : i32
    %add3A_3238 = vector.broadcast %add3A_3237 : i32 to vector<16xi32>
    %add3A_3239 = arith.addi %iota3A, %add3A_3238 : vector<16xi32>
    %jit3A_3240 = arith.constant 1048576 : i32
    %broadcast_in_dim3A_3241 = vector.broadcast %jit3A_3240 : i32 to vector<16xi32>
    %select_n3A_3242 = arith.select %ge3A_3236, %add3A_3239, %broadcast_in_dim3A_3241 : vector<16xi1>, vector<16xi32>
    %min3A_3243 = arith.minsi %broadcast_in_dim3A_3235, %select_n3A_3242 : vector<16xi32>
    %ge3A_3244 = arith.cmpf oge, %select_n3A_3195, %max3A_3233 : vector<16xf32>
    %add3A_3245 = arith.constant 16 : i32
    %add3A_3246 = vector.broadcast %add3A_3245 : i32 to vector<16xi32>
    %add3A_3247 = arith.addi %iota3A, %add3A_3246 : vector<16xi32>
    %jit3A_3248 = arith.constant 1048576 : i32
    %broadcast_in_dim3A_3249 = vector.broadcast %jit3A_3248 : i32 to vector<16xi32>
    %select_n3A_3250 = arith.select %ge3A_3244, %add3A_3247, %broadcast_in_dim3A_3249 : vector<16xi1>, vector<16xi32>
    %min3A_3251 = arith.minsi %min3A_3243, %select_n3A_3250 : vector<16xi32>
    %ge3A_3252 = arith.cmpf oge, %select_n3A_3202, %max3A_3233 : vector<16xf32>
    %add3A_3253 = arith.constant 32 : i32
    %add3A_3254 = vector.broadcast %add3A_3253 : i32 to vector<16xi32>
    %add3A_3255 = arith.addi %iota3A, %add3A_3254 : vector<16xi32>
    %jit3A_3256 = arith.constant 1048576 : i32
    %broadcast_in_dim3A_3257 = vector.broadcast %jit3A_3256 : i32 to vector<16xi32>
    %select_n3A_3258 = arith.select %ge3A_3252, %add3A_3255, %broadcast_in_dim3A_3257 : vector<16xi1>, vector<16xi32>
    %min3A_3259 = arith.minsi %min3A_3251, %select_n3A_3258 : vector<16xi32>
    %iota3A_3260 = tpu.iota {dimensions = array<i32: 0>} : vector<16xi32>
    %xor3A_3261 = arith.constant 8 : i32
    %xor3A_3262 = vector.broadcast %xor3A_3261 : i32 to vector<16xi32>
    %xor3A_3263 = arith.xori %iota3A_3260, %xor3A_3262 : vector<16xi32>
    %broadcast_in_dim3A_3264 = vector.shape_cast %xor3A_3263 : vector<16xi32> to vector<16x1xi32>
    %gather3A_3265 = vector.shape_cast %broadcast_in_dim3A_3264 : vector<16x1xi32> to vector<16xi32>
    %gather3A_3266 = tpu.dynamic_gather %min3A_3259[%gather3A_3265] in [0] : vector<16xi32>, vector<16xi32> -> vector<16xi32>
    %min3A_3267 = arith.minsi %min3A_3259, %gather3A_3266 : vector<16xi32>
    %xor3A_3268 = arith.constant 4 : i32
    %xor3A_3269 = vector.broadcast %xor3A_3268 : i32 to vector<16xi32>
    %xor3A_3270 = arith.xori %iota3A_3260, %xor3A_3269 : vector<16xi32>
    %broadcast_in_dim3A_3271 = vector.shape_cast %xor3A_3270 : vector<16xi32> to vector<16x1xi32>
    %gather3A_3272 = vector.shape_cast %broadcast_in_dim3A_3271 : vector<16x1xi32> to vector<16xi32>
    %gather3A_3273 = tpu.dynamic_gather %min3A_3267[%gather3A_3272] in [0] : vector<16xi32>, vector<16xi32> -> vector<16xi32>
    %min3A_3274 = arith.minsi %min3A_3267, %gather3A_3273 : vector<16xi32>
    %xor3A_3275 = arith.constant 2 : i32
    %xor3A_3276 = vector.broadcast %xor3A_3275 : i32 to vector<16xi32>
    %xor3A_3277 = arith.xori %iota3A_3260, %xor3A_3276 : vector<16xi32>
    %broadcast_in_dim3A_3278 = vector.shape_cast %xor3A_3277 : vector<16xi32> to vector<16x1xi32>
    %gather3A_3279 = vector.shape_cast %broadcast_in_dim3A_3278 : vector<16x1xi32> to vector<16xi32>
    %gather3A_3280 = tpu.dynamic_gather %min3A_3274[%gather3A_3279] in [0] : vector<16xi32>, vector<16xi32> -> vector<16xi32>
    %min3A_3281 = arith.minsi %min3A_3274, %gather3A_3280 : vector<16xi32>
    %xor3A_3282 = arith.constant 1 : i32
    %xor3A_3283 = vector.broadcast %xor3A_3282 : i32 to vector<16xi32>
    %xor3A_3284 = arith.xori %iota3A_3260, %xor3A_3283 : vector<16xi32>
    %broadcast_in_dim3A_3285 = vector.shape_cast %xor3A_3284 : vector<16xi32> to vector<16x1xi32>
    %gather3A_3286 = vector.shape_cast %broadcast_in_dim3A_3285 : vector<16x1xi32> to vector<16xi32>
    %gather3A_3287 = tpu.dynamic_gather %min3A_3281[%gather3A_3286] in [0] : vector<16xi32>, vector<16xi32> -> vector<16xi32>
    %min3A_3288 = arith.minsi %min3A_3281, %gather3A_3287 : vector<16xi32>
    %add3A_3289 = arith.constant 0 : i32
    %add3A_3290 = vector.broadcast %add3A_3289 : i32 to vector<16xi32>
    %add3A_3291 = arith.addi %iota3A, %add3A_3290 : vector<16xi32>
    %eq3A_3292 = arith.cmpi eq, %add3A_3291, %min3A_3288 : vector<16xi32>
    %jit3A_3293 = arith.constant 0xFF800000 : f32
    %broadcast_in_dim3A_3294 = vector.broadcast %jit3A_3293 : f32 to vector<16xf32>
    %select_n3A_3295 = arith.select %eq3A_3292, %broadcast_in_dim3A_3294, %select_n3A_3188 : vector<16xi1>, vector<16xf32>
    %add3A_3296 = arith.constant 16 : i32
    %add3A_3297 = vector.broadcast %add3A_3296 : i32 to vector<16xi32>
    %add3A_3298 = arith.addi %iota3A, %add3A_3297 : vector<16xi32>
    %eq3A_3299 = arith.cmpi eq, %add3A_3298, %min3A_3288 : vector<16xi32>
    %jit3A_3300 = arith.constant 0xFF800000 : f32
    %broadcast_in_dim3A_3301 = vector.broadcast %jit3A_3300 : f32 to vector<16xf32>
    %select_n3A_3302 = arith.select %eq3A_3299, %broadcast_in_dim3A_3301, %select_n3A_3195 : vector<16xi1>, vector<16xf32>
    %add3A_3303 = arith.constant 32 : i32
    %add3A_3304 = vector.broadcast %add3A_3303 : i32 to vector<16xi32>
    %add3A_3305 = arith.addi %iota3A, %add3A_3304 : vector<16xi32>
    %eq3A_3306 = arith.cmpi eq, %add3A_3305, %min3A_3288 : vector<16xi32>
    %jit3A_3307 = arith.constant 0xFF800000 : f32
    %broadcast_in_dim3A_3308 = vector.broadcast %jit3A_3307 : f32 to vector<16xf32>
    %select_n3A_3309 = arith.select %eq3A_3306, %broadcast_in_dim3A_3308, %select_n3A_3202 : vector<16xi1>, vector<16xf32>
    %max3A_3310 = arith.maximumf %select_n3A_3295, %select_n3A_3302 : vector<16xf32>
    %max3A_3311 = arith.maximumf %max3A_3310, %select_n3A_3309 : vector<16xf32>
    %iota3A_3312 = tpu.iota {dimensions = array<i32: 0>} : vector<16xi32>
    %xor3A_3313 = arith.constant 8 : i32
    %xor3A_3314 = vector.broadcast %xor3A_3313 : i32 to vector<16xi32>
    %xor3A_3315 = arith.xori %iota3A_3312, %xor3A_3314 : vector<16xi32>
    %broadcast_in_dim3A_3316 = vector.shape_cast %xor3A_3315 : vector<16xi32> to vector<16x1xi32>
    %gather3A_3317 = vector.shape_cast %broadcast_in_dim3A_3316 : vector<16x1xi32> to vector<16xi32>
    %gather3A_3318 = tpu.dynamic_gather %max3A_3311[%gather3A_3317] in [0] : vector<16xf32>, vector<16xi32> -> vector<16xf32>
    %max3A_3319 = arith.maximumf %max3A_3311, %gather3A_3318 : vector<16xf32>
    %xor3A_3320 = arith.constant 4 : i32
    %xor3A_3321 = vector.broadcast %xor3A_3320 : i32 to vector<16xi32>
    %xor3A_3322 = arith.xori %iota3A_3312, %xor3A_3321 : vector<16xi32>
    %broadcast_in_dim3A_3323 = vector.shape_cast %xor3A_3322 : vector<16xi32> to vector<16x1xi32>
    %gather3A_3324 = vector.shape_cast %broadcast_in_dim3A_3323 : vector<16x1xi32> to vector<16xi32>
    %gather3A_3325 = tpu.dynamic_gather %max3A_3319[%gather3A_3324] in [0] : vector<16xf32>, vector<16xi32> -> vector<16xf32>
    %max3A_3326 = arith.maximumf %max3A_3319, %gather3A_3325 : vector<16xf32>
    %xor3A_3327 = arith.constant 2 : i32
    %xor3A_3328 = vector.broadcast %xor3A_3327 : i32 to vector<16xi32>
    %xor3A_3329 = arith.xori %iota3A_3312, %xor3A_3328 : vector<16xi32>
    %broadcast_in_dim3A_3330 = vector.shape_cast %xor3A_3329 : vector<16xi32> to vector<16x1xi32>
    %gather3A_3331 = vector.shape_cast %broadcast_in_dim3A_3330 : vector<16x1xi32> to vector<16xi32>
    %gather3A_3332 = tpu.dynamic_gather %max3A_3326[%gather3A_3331] in [0] : vector<16xf32>, vector<16xi32> -> vector<16xf32>
    %max3A_3333 = arith.maximumf %max3A_3326, %gather3A_3332 : vector<16xf32>
    %xor3A_3334 = arith.constant 1 : i32
    %xor3A_3335 = vector.broadcast %xor3A_3334 : i32 to vector<16xi32>
    %xor3A_3336 = arith.xori %iota3A_3312, %xor3A_3335 : vector<16xi32>
    %broadcast_in_dim3A_3337 = vector.shape_cast %xor3A_3336 : vector<16xi32> to vector<16x1xi32>
    %gather3A_3338 = vector.shape_cast %broadcast_in_dim3A_3337 : vector<16x1xi32> to vector<16xi32>
    %gather3A_3339 = tpu.dynamic_gather %max3A_3333[%gather3A_3338] in [0] : vector<16xf32>, vector<16xi32> -> vector<16xf32>
    %max3A_3340 = arith.maximumf %max3A_3333, %gather3A_3339 : vector<16xf32>
    %broadcast_in_dim3A_3341 = arith.constant 1048576 : i32
    %broadcast_in_dim3A_3342 = vector.broadcast %broadcast_in_dim3A_3341 : i32 to vector<16xi32>
    %ge3A_3343 = arith.cmpf oge, %select_n3A_3295, %max3A_3340 : vector<16xf32>
    %add3A_3344 = arith.constant 0 : i32
    %add3A_3345 = vector.broadcast %add3A_3344 : i32 to vector<16xi32>
    %add3A_3346 = arith.addi %iota3A, %add3A_3345 : vector<16xi32>
    %jit3A_3347 = arith.constant 1048576 : i32
    %broadcast_in_dim3A_3348 = vector.broadcast %jit3A_3347 : i32 to vector<16xi32>
    %select_n3A_3349 = arith.select %ge3A_3343, %add3A_3346, %broadcast_in_dim3A_3348 : vector<16xi1>, vector<16xi32>
    %min3A_3350 = arith.minsi %broadcast_in_dim3A_3342, %select_n3A_3349 : vector<16xi32>
    %ge3A_3351 = arith.cmpf oge, %select_n3A_3302, %max3A_3340 : vector<16xf32>
    %add3A_3352 = arith.constant 16 : i32
    %add3A_3353 = vector.broadcast %add3A_3352 : i32 to vector<16xi32>
    %add3A_3354 = arith.addi %iota3A, %add3A_3353 : vector<16xi32>
    %jit3A_3355 = arith.constant 1048576 : i32
    %broadcast_in_dim3A_3356 = vector.broadcast %jit3A_3355 : i32 to vector<16xi32>
    %select_n3A_3357 = arith.select %ge3A_3351, %add3A_3354, %broadcast_in_dim3A_3356 : vector<16xi1>, vector<16xi32>
    %min3A_3358 = arith.minsi %min3A_3350, %select_n3A_3357 : vector<16xi32>
    %ge3A_3359 = arith.cmpf oge, %select_n3A_3309, %max3A_3340 : vector<16xf32>
    %add3A_3360 = arith.constant 32 : i32
    %add3A_3361 = vector.broadcast %add3A_3360 : i32 to vector<16xi32>
    %add3A_3362 = arith.addi %iota3A, %add3A_3361 : vector<16xi32>
    %jit3A_3363 = arith.constant 1048576 : i32
    %broadcast_in_dim3A_3364 = vector.broadcast %jit3A_3363 : i32 to vector<16xi32>
    %select_n3A_3365 = arith.select %ge3A_3359, %add3A_3362, %broadcast_in_dim3A_3364 : vector<16xi1>, vector<16xi32>
    %min3A_3366 = arith.minsi %min3A_3358, %select_n3A_3365 : vector<16xi32>
    %iota3A_3367 = tpu.iota {dimensions = array<i32: 0>} : vector<16xi32>
    %xor3A_3368 = arith.constant 8 : i32
    %xor3A_3369 = vector.broadcast %xor3A_3368 : i32 to vector<16xi32>
    %xor3A_3370 = arith.xori %iota3A_3367, %xor3A_3369 : vector<16xi32>
    %broadcast_in_dim3A_3371 = vector.shape_cast %xor3A_3370 : vector<16xi32> to vector<16x1xi32>
    %gather3A_3372 = vector.shape_cast %broadcast_in_dim3A_3371 : vector<16x1xi32> to vector<16xi32>
    %gather3A_3373 = tpu.dynamic_gather %min3A_3366[%gather3A_3372] in [0] : vector<16xi32>, vector<16xi32> -> vector<16xi32>
    %min3A_3374 = arith.minsi %min3A_3366, %gather3A_3373 : vector<16xi32>
    %xor3A_3375 = arith.constant 4 : i32
    %xor3A_3376 = vector.broadcast %xor3A_3375 : i32 to vector<16xi32>
    %xor3A_3377 = arith.xori %iota3A_3367, %xor3A_3376 : vector<16xi32>
    %broadcast_in_dim3A_3378 = vector.shape_cast %xor3A_3377 : vector<16xi32> to vector<16x1xi32>
    %gather3A_3379 = vector.shape_cast %broadcast_in_dim3A_3378 : vector<16x1xi32> to vector<16xi32>
    %gather3A_3380 = tpu.dynamic_gather %min3A_3374[%gather3A_3379] in [0] : vector<16xi32>, vector<16xi32> -> vector<16xi32>
    %min3A_3381 = arith.minsi %min3A_3374, %gather3A_3380 : vector<16xi32>
    %xor3A_3382 = arith.constant 2 : i32
    %xor3A_3383 = vector.broadcast %xor3A_3382 : i32 to vector<16xi32>
    %xor3A_3384 = arith.xori %iota3A_3367, %xor3A_3383 : vector<16xi32>
    %broadcast_in_dim3A_3385 = vector.shape_cast %xor3A_3384 : vector<16xi32> to vector<16x1xi32>
    %gather3A_3386 = vector.shape_cast %broadcast_in_dim3A_3385 : vector<16x1xi32> to vector<16xi32>
    %gather3A_3387 = tpu.dynamic_gather %min3A_3381[%gather3A_3386] in [0] : vector<16xi32>, vector<16xi32> -> vector<16xi32>
    %min3A_3388 = arith.minsi %min3A_3381, %gather3A_3387 : vector<16xi32>
    %xor3A_3389 = arith.constant 1 : i32
    %xor3A_3390 = vector.broadcast %xor3A_3389 : i32 to vector<16xi32>
    %xor3A_3391 = arith.xori %iota3A_3367, %xor3A_3390 : vector<16xi32>
    %broadcast_in_dim3A_3392 = vector.shape_cast %xor3A_3391 : vector<16xi32> to vector<16x1xi32>
    %gather3A_3393 = vector.shape_cast %broadcast_in_dim3A_3392 : vector<16x1xi32> to vector<16xi32>
    %gather3A_3394 = tpu.dynamic_gather %min3A_3388[%gather3A_3393] in [0] : vector<16xi32>, vector<16xi32> -> vector<16xi32>
    %min3A_3395 = arith.minsi %min3A_3388, %gather3A_3394 : vector<16xi32>
    %add3A_3396 = arith.constant 0 : i32
    %add3A_3397 = vector.broadcast %add3A_3396 : i32 to vector<16xi32>
    %add3A_3398 = arith.addi %iota3A, %add3A_3397 : vector<16xi32>
    %eq3A_3399 = arith.cmpi eq, %add3A_3398, %min3A_3395 : vector<16xi32>
    %jit3A_3400 = arith.constant 0xFF800000 : f32
    %broadcast_in_dim3A_3401 = vector.broadcast %jit3A_3400 : f32 to vector<16xf32>
    %select_n3A_3402 = arith.select %eq3A_3399, %broadcast_in_dim3A_3401, %select_n3A_3295 : vector<16xi1>, vector<16xf32>
    %add3A_3403 = arith.constant 16 : i32
    %add3A_3404 = vector.broadcast %add3A_3403 : i32 to vector<16xi32>
    %add3A_3405 = arith.addi %iota3A, %add3A_3404 : vector<16xi32>
    %eq3A_3406 = arith.cmpi eq, %add3A_3405, %min3A_3395 : vector<16xi32>
    %jit3A_3407 = arith.constant 0xFF800000 : f32
    %broadcast_in_dim3A_3408 = vector.broadcast %jit3A_3407 : f32 to vector<16xf32>
    %select_n3A_3409 = arith.select %eq3A_3406, %broadcast_in_dim3A_3408, %select_n3A_3302 : vector<16xi1>, vector<16xf32>
    %add3A_3410 = arith.constant 32 : i32
    %add3A_3411 = vector.broadcast %add3A_3410 : i32 to vector<16xi32>
    %add3A_3412 = arith.addi %iota3A, %add3A_3411 : vector<16xi32>
    %eq3A_3413 = arith.cmpi eq, %add3A_3412, %min3A_3395 : vector<16xi32>
    %jit3A_3414 = arith.constant 0xFF800000 : f32
    %broadcast_in_dim3A_3415 = vector.broadcast %jit3A_3414 : f32 to vector<16xf32>
    %select_n3A_3416 = arith.select %eq3A_3413, %broadcast_in_dim3A_3415, %select_n3A_3309 : vector<16xi1>, vector<16xf32>
    %broadcast_in_dim3A_3417 = arith.constant 0xFF800000 : f32
    %broadcast_in_dim3A_3418 = vector.broadcast %broadcast_in_dim3A_3417 : f32 to vector<16xf32>
    %eq3A_3419 = arith.constant 0 : i32
    %eq3A_3420 = vector.broadcast %eq3A_3419 : i32 to vector<16xi32>
    %eq3A_3421 = arith.cmpi eq, %iota3A, %eq3A_3420 : vector<16xi32>
    %select_n3A_3422 = arith.select %eq3A_3421, %max3A_3019, %broadcast_in_dim3A_3418 : vector<16xi1>, vector<16xf32>
    %eq3A_3423 = arith.constant 1 : i32
    %eq3A_3424 = vector.broadcast %eq3A_3423 : i32 to vector<16xi32>
    %eq3A_3425 = arith.cmpi eq, %iota3A, %eq3A_3424 : vector<16xi32>
    %select_n3A_3426 = arith.select %eq3A_3425, %max3A_3126, %select_n3A_3422 : vector<16xi1>, vector<16xf32>
    %eq3A_3427 = arith.constant 2 : i32
    %eq3A_3428 = vector.broadcast %eq3A_3427 : i32 to vector<16xi32>
    %eq3A_3429 = arith.cmpi eq, %iota3A, %eq3A_3428 : vector<16xi32>
    %select_n3A_3430 = arith.select %eq3A_3429, %max3A_3233, %select_n3A_3426 : vector<16xi1>, vector<16xf32>
    %eq3A_3431 = arith.constant 3 : i32
    %eq3A_3432 = vector.broadcast %eq3A_3431 : i32 to vector<16xi32>
    %eq3A_3433 = arith.cmpi eq, %iota3A, %eq3A_3432 : vector<16xi32>
    %select_n3A_3434 = arith.select %eq3A_3433, %max3A_3340, %select_n3A_3430 : vector<16xi1>, vector<16xf32>
    %sub3A_3435 = arith.subf %select_n3A_3434, %max3A_3019 : vector<16xf32>
    %exp3A_3436 = math.exp %sub3A_3435 : vector<16xf32>
    %iota3A_3437 = tpu.iota {dimensions = array<i32: 0>} : vector<16xi32>
    %xor3A_3438 = arith.constant 8 : i32
    %xor3A_3439 = vector.broadcast %xor3A_3438 : i32 to vector<16xi32>
    %xor3A_3440 = arith.xori %iota3A_3437, %xor3A_3439 : vector<16xi32>
    %broadcast_in_dim3A_3441 = vector.shape_cast %xor3A_3440 : vector<16xi32> to vector<16x1xi32>
    %gather3A_3442 = vector.shape_cast %broadcast_in_dim3A_3441 : vector<16x1xi32> to vector<16xi32>
    %gather3A_3443 = tpu.dynamic_gather %exp3A_3436[%gather3A_3442] in [0] : vector<16xf32>, vector<16xi32> -> vector<16xf32>
    %add3A_3444 = arith.addf %exp3A_3436, %gather3A_3443 : vector<16xf32>
    %xor3A_3445 = arith.constant 4 : i32
    %xor3A_3446 = vector.broadcast %xor3A_3445 : i32 to vector<16xi32>
    %xor3A_3447 = arith.xori %iota3A_3437, %xor3A_3446 : vector<16xi32>
    %broadcast_in_dim3A_3448 = vector.shape_cast %xor3A_3447 : vector<16xi32> to vector<16x1xi32>
    %gather3A_3449 = vector.shape_cast %broadcast_in_dim3A_3448 : vector<16x1xi32> to vector<16xi32>
    %gather3A_3450 = tpu.dynamic_gather %add3A_3444[%gather3A_3449] in [0] : vector<16xf32>, vector<16xi32> -> vector<16xf32>
    %add3A_3451 = arith.addf %add3A_3444, %gather3A_3450 : vector<16xf32>
    %xor3A_3452 = arith.constant 2 : i32
    %xor3A_3453 = vector.broadcast %xor3A_3452 : i32 to vector<16xi32>
    %xor3A_3454 = arith.xori %iota3A_3437, %xor3A_3453 : vector<16xi32>
    %broadcast_in_dim3A_3455 = vector.shape_cast %xor3A_3454 : vector<16xi32> to vector<16x1xi32>
    %gather3A_3456 = vector.shape_cast %broadcast_in_dim3A_3455 : vector<16x1xi32> to vector<16xi32>
    %gather3A_3457 = tpu.dynamic_gather %add3A_3451[%gather3A_3456] in [0] : vector<16xf32>, vector<16xi32> -> vector<16xf32>
    %add3A_3458 = arith.addf %add3A_3451, %gather3A_3457 : vector<16xf32>
    %xor3A_3459 = arith.constant 1 : i32
    %xor3A_3460 = vector.broadcast %xor3A_3459 : i32 to vector<16xi32>
    %xor3A_3461 = arith.xori %iota3A_3437, %xor3A_3460 : vector<16xi32>
    %broadcast_in_dim3A_3462 = vector.shape_cast %xor3A_3461 : vector<16xi32> to vector<16x1xi32>
    %gather3A_3463 = vector.shape_cast %broadcast_in_dim3A_3462 : vector<16x1xi32> to vector<16xi32>
    %gather3A_3464 = tpu.dynamic_gather %add3A_3458[%gather3A_3463] in [0] : vector<16xf32>, vector<16xi32> -> vector<16xf32>
    %add3A_3465 = arith.addf %add3A_3458, %gather3A_3464 : vector<16xf32>
    %div3A_3466 = arith.divf %exp3A_3436, %add3A_3465 : vector<16xf32>
    %broadcast_in_dim3A_3467 = arith.constant 0 : i32
    %broadcast_in_dim3A_3468 = vector.broadcast %broadcast_in_dim3A_3467 : i32 to vector<16xi32>
    %broadcast_in_dim3A_3469 = vector.shape_cast %broadcast_in_dim3A_3468 : vector<16xi32> to vector<16x1xi32>
    %gather3A_3470 = vector.shape_cast %broadcast_in_dim3A_3469 : vector<16x1xi32> to vector<16xi32>
    %gather3A_3471 = tpu.dynamic_gather %div3A_3466[%gather3A_3470] in [0] : vector<16xf32>, vector<16xi32> -> vector<16xf32>
    %broadcast_in_dim3A_3472 = arith.constant 1 : i32
    %broadcast_in_dim3A_3473 = vector.broadcast %broadcast_in_dim3A_3472 : i32 to vector<16xi32>
    %broadcast_in_dim3A_3474 = vector.shape_cast %broadcast_in_dim3A_3473 : vector<16xi32> to vector<16x1xi32>
    %gather3A_3475 = vector.shape_cast %broadcast_in_dim3A_3474 : vector<16x1xi32> to vector<16xi32>
    %gather3A_3476 = tpu.dynamic_gather %div3A_3466[%gather3A_3475] in [0] : vector<16xf32>, vector<16xi32> -> vector<16xf32>
    %broadcast_in_dim3A_3477 = arith.constant 2 : i32
    %broadcast_in_dim3A_3478 = vector.broadcast %broadcast_in_dim3A_3477 : i32 to vector<16xi32>
    %broadcast_in_dim3A_3479 = vector.shape_cast %broadcast_in_dim3A_3478 : vector<16xi32> to vector<16x1xi32>
    %gather3A_3480 = vector.shape_cast %broadcast_in_dim3A_3479 : vector<16x1xi32> to vector<16xi32>
    %gather3A_3481 = tpu.dynamic_gather %div3A_3466[%gather3A_3480] in [0] : vector<16xf32>, vector<16xi32> -> vector<16xf32>
    %broadcast_in_dim3A_3482 = arith.constant 3 : i32
    %broadcast_in_dim3A_3483 = vector.broadcast %broadcast_in_dim3A_3482 : i32 to vector<16xi32>
    %broadcast_in_dim3A_3484 = vector.shape_cast %broadcast_in_dim3A_3483 : vector<16xi32> to vector<16x1xi32>
    %gather3A_3485 = vector.shape_cast %broadcast_in_dim3A_3484 : vector<16x1xi32> to vector<16xi32>
    %gather3A_3486 = tpu.dynamic_gather %div3A_3466[%gather3A_3485] in [0] : vector<16xf32>, vector<16xi32> -> vector<16xf32>
    %broadcast_in_dim3A_3487 = arith.constant 0.000000e+00 : f32
    %broadcast_in_dim3A_3488 = vector.broadcast %broadcast_in_dim3A_3487 : f32 to vector<16xf32>
    %add3A_3489 = arith.constant 0 : i32
    %add3A_3490 = vector.broadcast %add3A_3489 : i32 to vector<16xi32>
    %add3A_3491 = arith.addi %iota3A, %add3A_3490 : vector<16xi32>
    %eq3A_3492 = arith.cmpi eq, %add3A_3491, %min3A_3074 : vector<16xi32>
    %select_n3A_3493 = arith.select %eq3A_3492, %gather3A_3471, %broadcast_in_dim3A_3488 : vector<16xi1>, vector<16xf32>
    %add3A_3494 = arith.constant 0 : i32
    %add3A_3495 = vector.broadcast %add3A_3494 : i32 to vector<16xi32>
    %add3A_3496 = arith.addi %iota3A, %add3A_3495 : vector<16xi32>
    %eq3A_3497 = arith.cmpi eq, %add3A_3496, %min3A_3181 : vector<16xi32>
    %select_n3A_3498 = arith.select %eq3A_3497, %gather3A_3476, %select_n3A_3493 : vector<16xi1>, vector<16xf32>
    %add3A_3499 = arith.constant 0 : i32
    %add3A_3500 = vector.broadcast %add3A_3499 : i32 to vector<16xi32>
    %add3A_3501 = arith.addi %iota3A, %add3A_3500 : vector<16xi32>
    %eq3A_3502 = arith.cmpi eq, %add3A_3501, %min3A_3288 : vector<16xi32>
    %select_n3A_3503 = arith.select %eq3A_3502, %gather3A_3481, %select_n3A_3498 : vector<16xi1>, vector<16xf32>
    %add3A_3504 = arith.constant 0 : i32
    %add3A_3505 = vector.broadcast %add3A_3504 : i32 to vector<16xi32>
    %add3A_3506 = arith.addi %iota3A, %add3A_3505 : vector<16xi32>
    %eq3A_3507 = arith.cmpi eq, %add3A_3506, %min3A_3395 : vector<16xi32>
    %select_n3A_3508 = arith.select %eq3A_3507, %gather3A_3486, %select_n3A_3503 : vector<16xi1>, vector<16xf32>
    %swap3A_3509 = arith.constant 5 : i32
    %swap3A_3510 = arith.index_cast %swap3A_3509 : i32 to index
    %swap3A_3511 = arith.constant 0 : index
    %swap3A_3512 = tpu.vector_load %arg5[%swap3A_3510, %swap3A_3511] {strides = array<i32>} : memref<8x48xf32, #tpu.memory_space<vmem>>, vector<1x16xf32>,
    %swap3A_3513 = vector.shape_cast %swap3A_3512 : vector<1x16xf32> to vector<16xf32>
    %swap3A_3514 = vector.shape_cast %select_n3A_3508 : vector<16xf32> to vector<1x16xf32>
    tpu.vector_store %arg5[%swap3A_3510, %swap3A_3511], %swap3A_3514 {strides = array<i32>} : memref<8x48xf32, #tpu.memory_space<vmem>>, vector<1x16xf32>,
    %broadcast_in_dim3A_3515 = arith.constant 0.000000e+00 : f32
    %broadcast_in_dim3A_3516 = vector.broadcast %broadcast_in_dim3A_3515 : f32 to vector<16xf32>
    %add3A_3517 = arith.constant 16 : i32
    %add3A_3518 = vector.broadcast %add3A_3517 : i32 to vector<16xi32>
    %add3A_3519 = arith.addi %iota3A, %add3A_3518 : vector<16xi32>
    %eq3A_3520 = arith.cmpi eq, %add3A_3519, %min3A_3074 : vector<16xi32>
    %select_n3A_3521 = arith.select %eq3A_3520, %gather3A_3471, %broadcast_in_dim3A_3516 : vector<16xi1>, vector<16xf32>
    %add3A_3522 = arith.constant 16 : i32
    %add3A_3523 = vector.broadcast %add3A_3522 : i32 to vector<16xi32>
    %add3A_3524 = arith.addi %iota3A, %add3A_3523 : vector<16xi32>
    %eq3A_3525 = arith.cmpi eq, %add3A_3524, %min3A_3181 : vector<16xi32>
    %select_n3A_3526 = arith.select %eq3A_3525, %gather3A_3476, %select_n3A_3521 : vector<16xi1>, vector<16xf32>
    %add3A_3527 = arith.constant 16 : i32
    %add3A_3528 = vector.broadcast %add3A_3527 : i32 to vector<16xi32>
    %add3A_3529 = arith.addi %iota3A, %add3A_3528 : vector<16xi32>
    %eq3A_3530 = arith.cmpi eq, %add3A_3529, %min3A_3288 : vector<16xi32>
    %select_n3A_3531 = arith.select %eq3A_3530, %gather3A_3481, %select_n3A_3526 : vector<16xi1>, vector<16xf32>
    %add3A_3532 = arith.constant 16 : i32
    %add3A_3533 = vector.broadcast %add3A_3532 : i32 to vector<16xi32>
    %add3A_3534 = arith.addi %iota3A, %add3A_3533 : vector<16xi32>
    %eq3A_3535 = arith.cmpi eq, %add3A_3534, %min3A_3395 : vector<16xi32>
    %select_n3A_3536 = arith.select %eq3A_3535, %gather3A_3486, %select_n3A_3531 : vector<16xi1>, vector<16xf32>
    %swap3A_3537 = arith.constant 5 : i32
    %swap3A_3538 = arith.index_cast %swap3A_3537 : i32 to index
    %swap3A_3539 = arith.constant 16 : index
    %swap3A_3540 = tpu.vector_load %arg5[%swap3A_3538, %swap3A_3539] {strides = array<i32>} : memref<8x48xf32, #tpu.memory_space<vmem>>, vector<1x16xf32>,
    %swap3A_3541 = vector.shape_cast %swap3A_3540 : vector<1x16xf32> to vector<16xf32>
    %swap3A_3542 = vector.shape_cast %select_n3A_3536 : vector<16xf32> to vector<1x16xf32>
    tpu.vector_store %arg5[%swap3A_3538, %swap3A_3539], %swap3A_3542 {strides = array<i32>} : memref<8x48xf32, #tpu.memory_space<vmem>>, vector<1x16xf32>,
    %broadcast_in_dim3A_3543 = arith.constant 0.000000e+00 : f32
    %broadcast_in_dim3A_3544 = vector.broadcast %broadcast_in_dim3A_3543 : f32 to vector<16xf32>
    %add3A_3545 = arith.constant 32 : i32
    %add3A_3546 = vector.broadcast %add3A_3545 : i32 to vector<16xi32>
    %add3A_3547 = arith.addi %iota3A, %add3A_3546 : vector<16xi32>
    %eq3A_3548 = arith.cmpi eq, %add3A_3547, %min3A_3074 : vector<16xi32>
    %select_n3A_3549 = arith.select %eq3A_3548, %gather3A_3471, %broadcast_in_dim3A_3544 : vector<16xi1>, vector<16xf32>
    %add3A_3550 = arith.constant 32 : i32
    %add3A_3551 = vector.broadcast %add3A_3550 : i32 to vector<16xi32>
    %add3A_3552 = arith.addi %iota3A, %add3A_3551 : vector<16xi32>
    %eq3A_3553 = arith.cmpi eq, %add3A_3552, %min3A_3181 : vector<16xi32>
    %select_n3A_3554 = arith.select %eq3A_3553, %gather3A_3476, %select_n3A_3549 : vector<16xi1>, vector<16xf32>
    %add3A_3555 = arith.constant 32 : i32
    %add3A_3556 = vector.broadcast %add3A_3555 : i32 to vector<16xi32>
    %add3A_3557 = arith.addi %iota3A, %add3A_3556 : vector<16xi32>
    %eq3A_3558 = arith.cmpi eq, %add3A_3557, %min3A_3288 : vector<16xi32>
    %select_n3A_3559 = arith.select %eq3A_3558, %gather3A_3481, %select_n3A_3554 : vector<16xi1>, vector<16xf32>
    %add3A_3560 = arith.constant 32 : i32
    %add3A_3561 = vector.broadcast %add3A_3560 : i32 to vector<16xi32>
    %add3A_3562 = arith.addi %iota3A, %add3A_3561 : vector<16xi32>
    %eq3A_3563 = arith.cmpi eq, %add3A_3562, %min3A_3395 : vector<16xi32>
    %select_n3A_3564 = arith.select %eq3A_3563, %gather3A_3486, %select_n3A_3559 : vector<16xi1>, vector<16xf32>
    %swap3A_3565 = arith.constant 5 : i32
    %swap3A_3566 = arith.index_cast %swap3A_3565 : i32 to index
    %swap3A_3567 = arith.constant 32 : index
    %swap3A_3568 = tpu.vector_load %arg5[%swap3A_3566, %swap3A_3567] {strides = array<i32>} : memref<8x48xf32, #tpu.memory_space<vmem>>, vector<1x16xf32>,
    %swap3A_3569 = vector.shape_cast %swap3A_3568 : vector<1x16xf32> to vector<16xf32>
    %swap3A_3570 = vector.shape_cast %select_n3A_3564 : vector<16xf32> to vector<1x16xf32>
    tpu.vector_store %arg5[%swap3A_3566, %swap3A_3567], %swap3A_3570 {strides = array<i32>} : memref<8x48xf32, #tpu.memory_space<vmem>>, vector<1x16xf32>,
    %get3A_3571 = arith.constant 6 : i32
    %get3A_3572 = arith.index_cast %get3A_3571 : i32 to index
    %get3A_3573 = arith.constant 0 : index
    %get3A_3574 = tpu.vector_load %arg4[%get3A_3572, %get3A_3573] {strides = array<i32>} : memref<8x48xf32, #tpu.memory_space<vmem>>, vector<1x16xf32>,
    %get3A_3575 = vector.shape_cast %get3A_3574 : vector<1x16xf32> to vector<16xf32>
    %get3A_3576 = arith.constant 6 : i32
    %get3A_3577 = arith.index_cast %get3A_3576 : i32 to index
    %get3A_3578 = arith.constant 16 : index
    %get3A_3579 = tpu.vector_load %arg4[%get3A_3577, %get3A_3578] {strides = array<i32>} : memref<8x48xf32, #tpu.memory_space<vmem>>, vector<1x16xf32>,
    %get3A_3580 = vector.shape_cast %get3A_3579 : vector<1x16xf32> to vector<16xf32>
    %get3A_3581 = arith.constant 6 : i32
    %get3A_3582 = arith.index_cast %get3A_3581 : i32 to index
    %get3A_3583 = arith.constant 32 : index
    %get3A_3584 = tpu.vector_load %arg4[%get3A_3582, %get3A_3583] {strides = array<i32>} : memref<8x48xf32, #tpu.memory_space<vmem>>, vector<1x16xf32>,
    %get3A_3585 = vector.shape_cast %get3A_3584 : vector<1x16xf32> to vector<16xf32>
    %max3A_3586 = arith.maximumf %get3A_3575, %get3A_3580 : vector<16xf32>
    %max3A_3587 = arith.maximumf %max3A_3586, %get3A_3585 : vector<16xf32>
    %iota3A_3588 = tpu.iota {dimensions = array<i32: 0>} : vector<16xi32>
    %xor3A_3589 = arith.constant 8 : i32
    %xor3A_3590 = vector.broadcast %xor3A_3589 : i32 to vector<16xi32>
    %xor3A_3591 = arith.xori %iota3A_3588, %xor3A_3590 : vector<16xi32>
    %broadcast_in_dim3A_3592 = vector.shape_cast %xor3A_3591 : vector<16xi32> to vector<16x1xi32>
    %gather3A_3593 = vector.shape_cast %broadcast_in_dim3A_3592 : vector<16x1xi32> to vector<16xi32>
    %gather3A_3594 = tpu.dynamic_gather %max3A_3587[%gather3A_3593] in [0] : vector<16xf32>, vector<16xi32> -> vector<16xf32>
    %max3A_3595 = arith.maximumf %max3A_3587, %gather3A_3594 : vector<16xf32>
    %xor3A_3596 = arith.constant 4 : i32
    %xor3A_3597 = vector.broadcast %xor3A_3596 : i32 to vector<16xi32>
    %xor3A_3598 = arith.xori %iota3A_3588, %xor3A_3597 : vector<16xi32>
    %broadcast_in_dim3A_3599 = vector.shape_cast %xor3A_3598 : vector<16xi32> to vector<16x1xi32>
    %gather3A_3600 = vector.shape_cast %broadcast_in_dim3A_3599 : vector<16x1xi32> to vector<16xi32>
    %gather3A_3601 = tpu.dynamic_gather %max3A_3595[%gather3A_3600] in [0] : vector<16xf32>, vector<16xi32> -> vector<16xf32>
    %max3A_3602 = arith.maximumf %max3A_3595, %gather3A_3601 : vector<16xf32>
    %xor3A_3603 = arith.constant 2 : i32
    %xor3A_3604 = vector.broadcast %xor3A_3603 : i32 to vector<16xi32>
    %xor3A_3605 = arith.xori %iota3A_3588, %xor3A_3604 : vector<16xi32>
    %broadcast_in_dim3A_3606 = vector.shape_cast %xor3A_3605 : vector<16xi32> to vector<16x1xi32>
    %gather3A_3607 = vector.shape_cast %broadcast_in_dim3A_3606 : vector<16x1xi32> to vector<16xi32>
    %gather3A_3608 = tpu.dynamic_gather %max3A_3602[%gather3A_3607] in [0] : vector<16xf32>, vector<16xi32> -> vector<16xf32>
    %max3A_3609 = arith.maximumf %max3A_3602, %gather3A_3608 : vector<16xf32>
    %xor3A_3610 = arith.constant 1 : i32
    %xor3A_3611 = vector.broadcast %xor3A_3610 : i32 to vector<16xi32>
    %xor3A_3612 = arith.xori %iota3A_3588, %xor3A_3611 : vector<16xi32>
    %broadcast_in_dim3A_3613 = vector.shape_cast %xor3A_3612 : vector<16xi32> to vector<16x1xi32>
    %gather3A_3614 = vector.shape_cast %broadcast_in_dim3A_3613 : vector<16x1xi32> to vector<16xi32>
    %gather3A_3615 = tpu.dynamic_gather %max3A_3609[%gather3A_3614] in [0] : vector<16xf32>, vector<16xi32> -> vector<16xf32>
    %max3A_3616 = arith.maximumf %max3A_3609, %gather3A_3615 : vector<16xf32>
    %broadcast_in_dim3A_3617 = arith.constant 1048576 : i32
    %broadcast_in_dim3A_3618 = vector.broadcast %broadcast_in_dim3A_3617 : i32 to vector<16xi32>
    %ge3A_3619 = arith.cmpf oge, %get3A_3575, %max3A_3616 : vector<16xf32>
    %add3A_3620 = arith.constant 0 : i32
    %add3A_3621 = vector.broadcast %add3A_3620 : i32 to vector<16xi32>
    %add3A_3622 = arith.addi %iota3A, %add3A_3621 : vector<16xi32>
    %jit3A_3623 = arith.constant 1048576 : i32
    %broadcast_in_dim3A_3624 = vector.broadcast %jit3A_3623 : i32 to vector<16xi32>
    %select_n3A_3625 = arith.select %ge3A_3619, %add3A_3622, %broadcast_in_dim3A_3624 : vector<16xi1>, vector<16xi32>
    %min3A_3626 = arith.minsi %broadcast_in_dim3A_3618, %select_n3A_3625 : vector<16xi32>
    %ge3A_3627 = arith.cmpf oge, %get3A_3580, %max3A_3616 : vector<16xf32>
    %add3A_3628 = arith.constant 16 : i32
    %add3A_3629 = vector.broadcast %add3A_3628 : i32 to vector<16xi32>
    %add3A_3630 = arith.addi %iota3A, %add3A_3629 : vector<16xi32>
    %jit3A_3631 = arith.constant 1048576 : i32
    %broadcast_in_dim3A_3632 = vector.broadcast %jit3A_3631 : i32 to vector<16xi32>
    %select_n3A_3633 = arith.select %ge3A_3627, %add3A_3630, %broadcast_in_dim3A_3632 : vector<16xi1>, vector<16xi32>
    %min3A_3634 = arith.minsi %min3A_3626, %select_n3A_3633 : vector<16xi32>
    %ge3A_3635 = arith.cmpf oge, %get3A_3585, %max3A_3616 : vector<16xf32>
    %add3A_3636 = arith.constant 32 : i32
    %add3A_3637 = vector.broadcast %add3A_3636 : i32 to vector<16xi32>
    %add3A_3638 = arith.addi %iota3A, %add3A_3637 : vector<16xi32>
    %jit3A_3639 = arith.constant 1048576 : i32
    %broadcast_in_dim3A_3640 = vector.broadcast %jit3A_3639 : i32 to vector<16xi32>
    %select_n3A_3641 = arith.select %ge3A_3635, %add3A_3638, %broadcast_in_dim3A_3640 : vector<16xi1>, vector<16xi32>
    %min3A_3642 = arith.minsi %min3A_3634, %select_n3A_3641 : vector<16xi32>
    %iota3A_3643 = tpu.iota {dimensions = array<i32: 0>} : vector<16xi32>
    %xor3A_3644 = arith.constant 8 : i32
    %xor3A_3645 = vector.broadcast %xor3A_3644 : i32 to vector<16xi32>
    %xor3A_3646 = arith.xori %iota3A_3643, %xor3A_3645 : vector<16xi32>
    %broadcast_in_dim3A_3647 = vector.shape_cast %xor3A_3646 : vector<16xi32> to vector<16x1xi32>
    %gather3A_3648 = vector.shape_cast %broadcast_in_dim3A_3647 : vector<16x1xi32> to vector<16xi32>
    %gather3A_3649 = tpu.dynamic_gather %min3A_3642[%gather3A_3648] in [0] : vector<16xi32>, vector<16xi32> -> vector<16xi32>
    %min3A_3650 = arith.minsi %min3A_3642, %gather3A_3649 : vector<16xi32>
    %xor3A_3651 = arith.constant 4 : i32
    %xor3A_3652 = vector.broadcast %xor3A_3651 : i32 to vector<16xi32>
    %xor3A_3653 = arith.xori %iota3A_3643, %xor3A_3652 : vector<16xi32>
    %broadcast_in_dim3A_3654 = vector.shape_cast %xor3A_3653 : vector<16xi32> to vector<16x1xi32>
    %gather3A_3655 = vector.shape_cast %broadcast_in_dim3A_3654 : vector<16x1xi32> to vector<16xi32>
    %gather3A_3656 = tpu.dynamic_gather %min3A_3650[%gather3A_3655] in [0] : vector<16xi32>, vector<16xi32> -> vector<16xi32>
    %min3A_3657 = arith.minsi %min3A_3650, %gather3A_3656 : vector<16xi32>
    %xor3A_3658 = arith.constant 2 : i32
    %xor3A_3659 = vector.broadcast %xor3A_3658 : i32 to vector<16xi32>
    %xor3A_3660 = arith.xori %iota3A_3643, %xor3A_3659 : vector<16xi32>
    %broadcast_in_dim3A_3661 = vector.shape_cast %xor3A_3660 : vector<16xi32> to vector<16x1xi32>
    %gather3A_3662 = vector.shape_cast %broadcast_in_dim3A_3661 : vector<16x1xi32> to vector<16xi32>
    %gather3A_3663 = tpu.dynamic_gather %min3A_3657[%gather3A_3662] in [0] : vector<16xi32>, vector<16xi32> -> vector<16xi32>
    %min3A_3664 = arith.minsi %min3A_3657, %gather3A_3663 : vector<16xi32>
    %xor3A_3665 = arith.constant 1 : i32
    %xor3A_3666 = vector.broadcast %xor3A_3665 : i32 to vector<16xi32>
    %xor3A_3667 = arith.xori %iota3A_3643, %xor3A_3666 : vector<16xi32>
    %broadcast_in_dim3A_3668 = vector.shape_cast %xor3A_3667 : vector<16xi32> to vector<16x1xi32>
    %gather3A_3669 = vector.shape_cast %broadcast_in_dim3A_3668 : vector<16x1xi32> to vector<16xi32>
    %gather3A_3670 = tpu.dynamic_gather %min3A_3664[%gather3A_3669] in [0] : vector<16xi32>, vector<16xi32> -> vector<16xi32>
    %min3A_3671 = arith.minsi %min3A_3664, %gather3A_3670 : vector<16xi32>
    %add3A_3672 = arith.constant 0 : i32
    %add3A_3673 = vector.broadcast %add3A_3672 : i32 to vector<16xi32>
    %add3A_3674 = arith.addi %iota3A, %add3A_3673 : vector<16xi32>
    %eq3A_3675 = arith.cmpi eq, %add3A_3674, %min3A_3671 : vector<16xi32>
    %jit3A_3676 = arith.constant 0xFF800000 : f32
    %broadcast_in_dim3A_3677 = vector.broadcast %jit3A_3676 : f32 to vector<16xf32>
    %select_n3A_3678 = arith.select %eq3A_3675, %broadcast_in_dim3A_3677, %get3A_3575 : vector<16xi1>, vector<16xf32>
    %add3A_3679 = arith.constant 16 : i32
    %add3A_3680 = vector.broadcast %add3A_3679 : i32 to vector<16xi32>
    %add3A_3681 = arith.addi %iota3A, %add3A_3680 : vector<16xi32>
    %eq3A_3682 = arith.cmpi eq, %add3A_3681, %min3A_3671 : vector<16xi32>
    %jit3A_3683 = arith.constant 0xFF800000 : f32
    %broadcast_in_dim3A_3684 = vector.broadcast %jit3A_3683 : f32 to vector<16xf32>
    %select_n3A_3685 = arith.select %eq3A_3682, %broadcast_in_dim3A_3684, %get3A_3580 : vector<16xi1>, vector<16xf32>
    %add3A_3686 = arith.constant 32 : i32
    %add3A_3687 = vector.broadcast %add3A_3686 : i32 to vector<16xi32>
    %add3A_3688 = arith.addi %iota3A, %add3A_3687 : vector<16xi32>
    %eq3A_3689 = arith.cmpi eq, %add3A_3688, %min3A_3671 : vector<16xi32>
    %jit3A_3690 = arith.constant 0xFF800000 : f32
    %broadcast_in_dim3A_3691 = vector.broadcast %jit3A_3690 : f32 to vector<16xf32>
    %select_n3A_3692 = arith.select %eq3A_3689, %broadcast_in_dim3A_3691, %get3A_3585 : vector<16xi1>, vector<16xf32>
    %max3A_3693 = arith.maximumf %select_n3A_3678, %select_n3A_3685 : vector<16xf32>
    %max3A_3694 = arith.maximumf %max3A_3693, %select_n3A_3692 : vector<16xf32>
    %iota3A_3695 = tpu.iota {dimensions = array<i32: 0>} : vector<16xi32>
    %xor3A_3696 = arith.constant 8 : i32
    %xor3A_3697 = vector.broadcast %xor3A_3696 : i32 to vector<16xi32>
    %xor3A_3698 = arith.xori %iota3A_3695, %xor3A_3697 : vector<16xi32>
    %broadcast_in_dim3A_3699 = vector.shape_cast %xor3A_3698 : vector<16xi32> to vector<16x1xi32>
    %gather3A_3700 = vector.shape_cast %broadcast_in_dim3A_3699 : vector<16x1xi32> to vector<16xi32>
    %gather3A_3701 = tpu.dynamic_gather %max3A_3694[%gather3A_3700] in [0] : vector<16xf32>, vector<16xi32> -> vector<16xf32>
    %max3A_3702 = arith.maximumf %max3A_3694, %gather3A_3701 : vector<16xf32>
    %xor3A_3703 = arith.constant 4 : i32
    %xor3A_3704 = vector.broadcast %xor3A_3703 : i32 to vector<16xi32>
    %xor3A_3705 = arith.xori %iota3A_3695, %xor3A_3704 : vector<16xi32>
    %broadcast_in_dim3A_3706 = vector.shape_cast %xor3A_3705 : vector<16xi32> to vector<16x1xi32>
    %gather3A_3707 = vector.shape_cast %broadcast_in_dim3A_3706 : vector<16x1xi32> to vector<16xi32>
    %gather3A_3708 = tpu.dynamic_gather %max3A_3702[%gather3A_3707] in [0] : vector<16xf32>, vector<16xi32> -> vector<16xf32>
    %max3A_3709 = arith.maximumf %max3A_3702, %gather3A_3708 : vector<16xf32>
    %xor3A_3710 = arith.constant 2 : i32
    %xor3A_3711 = vector.broadcast %xor3A_3710 : i32 to vector<16xi32>
    %xor3A_3712 = arith.xori %iota3A_3695, %xor3A_3711 : vector<16xi32>
    %broadcast_in_dim3A_3713 = vector.shape_cast %xor3A_3712 : vector<16xi32> to vector<16x1xi32>
    %gather3A_3714 = vector.shape_cast %broadcast_in_dim3A_3713 : vector<16x1xi32> to vector<16xi32>
    %gather3A_3715 = tpu.dynamic_gather %max3A_3709[%gather3A_3714] in [0] : vector<16xf32>, vector<16xi32> -> vector<16xf32>
    %max3A_3716 = arith.maximumf %max3A_3709, %gather3A_3715 : vector<16xf32>
    %xor3A_3717 = arith.constant 1 : i32
    %xor3A_3718 = vector.broadcast %xor3A_3717 : i32 to vector<16xi32>
    %xor3A_3719 = arith.xori %iota3A_3695, %xor3A_3718 : vector<16xi32>
    %broadcast_in_dim3A_3720 = vector.shape_cast %xor3A_3719 : vector<16xi32> to vector<16x1xi32>
    %gather3A_3721 = vector.shape_cast %broadcast_in_dim3A_3720 : vector<16x1xi32> to vector<16xi32>
    %gather3A_3722 = tpu.dynamic_gather %max3A_3716[%gather3A_3721] in [0] : vector<16xf32>, vector<16xi32> -> vector<16xf32>
    %max3A_3723 = arith.maximumf %max3A_3716, %gather3A_3722 : vector<16xf32>
    %broadcast_in_dim3A_3724 = arith.constant 1048576 : i32
    %broadcast_in_dim3A_3725 = vector.broadcast %broadcast_in_dim3A_3724 : i32 to vector<16xi32>
    %ge3A_3726 = arith.cmpf oge, %select_n3A_3678, %max3A_3723 : vector<16xf32>
    %add3A_3727 = arith.constant 0 : i32
    %add3A_3728 = vector.broadcast %add3A_3727 : i32 to vector<16xi32>
    %add3A_3729 = arith.addi %iota3A, %add3A_3728 : vector<16xi32>
    %jit3A_3730 = arith.constant 1048576 : i32
    %broadcast_in_dim3A_3731 = vector.broadcast %jit3A_3730 : i32 to vector<16xi32>
    %select_n3A_3732 = arith.select %ge3A_3726, %add3A_3729, %broadcast_in_dim3A_3731 : vector<16xi1>, vector<16xi32>
    %min3A_3733 = arith.minsi %broadcast_in_dim3A_3725, %select_n3A_3732 : vector<16xi32>
    %ge3A_3734 = arith.cmpf oge, %select_n3A_3685, %max3A_3723 : vector<16xf32>
    %add3A_3735 = arith.constant 16 : i32
    %add3A_3736 = vector.broadcast %add3A_3735 : i32 to vector<16xi32>
    %add3A_3737 = arith.addi %iota3A, %add3A_3736 : vector<16xi32>
    %jit3A_3738 = arith.constant 1048576 : i32
    %broadcast_in_dim3A_3739 = vector.broadcast %jit3A_3738 : i32 to vector<16xi32>
    %select_n3A_3740 = arith.select %ge3A_3734, %add3A_3737, %broadcast_in_dim3A_3739 : vector<16xi1>, vector<16xi32>
    %min3A_3741 = arith.minsi %min3A_3733, %select_n3A_3740 : vector<16xi32>
    %ge3A_3742 = arith.cmpf oge, %select_n3A_3692, %max3A_3723 : vector<16xf32>
    %add3A_3743 = arith.constant 32 : i32
    %add3A_3744 = vector.broadcast %add3A_3743 : i32 to vector<16xi32>
    %add3A_3745 = arith.addi %iota3A, %add3A_3744 : vector<16xi32>
    %jit3A_3746 = arith.constant 1048576 : i32
    %broadcast_in_dim3A_3747 = vector.broadcast %jit3A_3746 : i32 to vector<16xi32>
    %select_n3A_3748 = arith.select %ge3A_3742, %add3A_3745, %broadcast_in_dim3A_3747 : vector<16xi1>, vector<16xi32>
    %min3A_3749 = arith.minsi %min3A_3741, %select_n3A_3748 : vector<16xi32>
    %iota3A_3750 = tpu.iota {dimensions = array<i32: 0>} : vector<16xi32>
    %xor3A_3751 = arith.constant 8 : i32
    %xor3A_3752 = vector.broadcast %xor3A_3751 : i32 to vector<16xi32>
    %xor3A_3753 = arith.xori %iota3A_3750, %xor3A_3752 : vector<16xi32>
    %broadcast_in_dim3A_3754 = vector.shape_cast %xor3A_3753 : vector<16xi32> to vector<16x1xi32>
    %gather3A_3755 = vector.shape_cast %broadcast_in_dim3A_3754 : vector<16x1xi32> to vector<16xi32>
    %gather3A_3756 = tpu.dynamic_gather %min3A_3749[%gather3A_3755] in [0] : vector<16xi32>, vector<16xi32> -> vector<16xi32>
    %min3A_3757 = arith.minsi %min3A_3749, %gather3A_3756 : vector<16xi32>
    %xor3A_3758 = arith.constant 4 : i32
    %xor3A_3759 = vector.broadcast %xor3A_3758 : i32 to vector<16xi32>
    %xor3A_3760 = arith.xori %iota3A_3750, %xor3A_3759 : vector<16xi32>
    %broadcast_in_dim3A_3761 = vector.shape_cast %xor3A_3760 : vector<16xi32> to vector<16x1xi32>
    %gather3A_3762 = vector.shape_cast %broadcast_in_dim3A_3761 : vector<16x1xi32> to vector<16xi32>
    %gather3A_3763 = tpu.dynamic_gather %min3A_3757[%gather3A_3762] in [0] : vector<16xi32>, vector<16xi32> -> vector<16xi32>
    %min3A_3764 = arith.minsi %min3A_3757, %gather3A_3763 : vector<16xi32>
    %xor3A_3765 = arith.constant 2 : i32
    %xor3A_3766 = vector.broadcast %xor3A_3765 : i32 to vector<16xi32>
    %xor3A_3767 = arith.xori %iota3A_3750, %xor3A_3766 : vector<16xi32>
    %broadcast_in_dim3A_3768 = vector.shape_cast %xor3A_3767 : vector<16xi32> to vector<16x1xi32>
    %gather3A_3769 = vector.shape_cast %broadcast_in_dim3A_3768 : vector<16x1xi32> to vector<16xi32>
    %gather3A_3770 = tpu.dynamic_gather %min3A_3764[%gather3A_3769] in [0] : vector<16xi32>, vector<16xi32> -> vector<16xi32>
    %min3A_3771 = arith.minsi %min3A_3764, %gather3A_3770 : vector<16xi32>
    %xor3A_3772 = arith.constant 1 : i32
    %xor3A_3773 = vector.broadcast %xor3A_3772 : i32 to vector<16xi32>
    %xor3A_3774 = arith.xori %iota3A_3750, %xor3A_3773 : vector<16xi32>
    %broadcast_in_dim3A_3775 = vector.shape_cast %xor3A_3774 : vector<16xi32> to vector<16x1xi32>
    %gather3A_3776 = vector.shape_cast %broadcast_in_dim3A_3775 : vector<16x1xi32> to vector<16xi32>
    %gather3A_3777 = tpu.dynamic_gather %min3A_3771[%gather3A_3776] in [0] : vector<16xi32>, vector<16xi32> -> vector<16xi32>
    %min3A_3778 = arith.minsi %min3A_3771, %gather3A_3777 : vector<16xi32>
    %add3A_3779 = arith.constant 0 : i32
    %add3A_3780 = vector.broadcast %add3A_3779 : i32 to vector<16xi32>
    %add3A_3781 = arith.addi %iota3A, %add3A_3780 : vector<16xi32>
    %eq3A_3782 = arith.cmpi eq, %add3A_3781, %min3A_3778 : vector<16xi32>
    %jit3A_3783 = arith.constant 0xFF800000 : f32
    %broadcast_in_dim3A_3784 = vector.broadcast %jit3A_3783 : f32 to vector<16xf32>
    %select_n3A_3785 = arith.select %eq3A_3782, %broadcast_in_dim3A_3784, %select_n3A_3678 : vector<16xi1>, vector<16xf32>
    %add3A_3786 = arith.constant 16 : i32
    %add3A_3787 = vector.broadcast %add3A_3786 : i32 to vector<16xi32>
    %add3A_3788 = arith.addi %iota3A, %add3A_3787 : vector<16xi32>
    %eq3A_3789 = arith.cmpi eq, %add3A_3788, %min3A_3778 : vector<16xi32>
    %jit3A_3790 = arith.constant 0xFF800000 : f32
    %broadcast_in_dim3A_3791 = vector.broadcast %jit3A_3790 : f32 to vector<16xf32>
    %select_n3A_3792 = arith.select %eq3A_3789, %broadcast_in_dim3A_3791, %select_n3A_3685 : vector<16xi1>, vector<16xf32>
    %add3A_3793 = arith.constant 32 : i32
    %add3A_3794 = vector.broadcast %add3A_3793 : i32 to vector<16xi32>
    %add3A_3795 = arith.addi %iota3A, %add3A_3794 : vector<16xi32>
    %eq3A_3796 = arith.cmpi eq, %add3A_3795, %min3A_3778 : vector<16xi32>
    %jit3A_3797 = arith.constant 0xFF800000 : f32
    %broadcast_in_dim3A_3798 = vector.broadcast %jit3A_3797 : f32 to vector<16xf32>
    %select_n3A_3799 = arith.select %eq3A_3796, %broadcast_in_dim3A_3798, %select_n3A_3692 : vector<16xi1>, vector<16xf32>
    %max3A_3800 = arith.maximumf %select_n3A_3785, %select_n3A_3792 : vector<16xf32>
    %max3A_3801 = arith.maximumf %max3A_3800, %select_n3A_3799 : vector<16xf32>
    %iota3A_3802 = tpu.iota {dimensions = array<i32: 0>} : vector<16xi32>
    %xor3A_3803 = arith.constant 8 : i32
    %xor3A_3804 = vector.broadcast %xor3A_3803 : i32 to vector<16xi32>
    %xor3A_3805 = arith.xori %iota3A_3802, %xor3A_3804 : vector<16xi32>
    %broadcast_in_dim3A_3806 = vector.shape_cast %xor3A_3805 : vector<16xi32> to vector<16x1xi32>
    %gather3A_3807 = vector.shape_cast %broadcast_in_dim3A_3806 : vector<16x1xi32> to vector<16xi32>
    %gather3A_3808 = tpu.dynamic_gather %max3A_3801[%gather3A_3807] in [0] : vector<16xf32>, vector<16xi32> -> vector<16xf32>
    %max3A_3809 = arith.maximumf %max3A_3801, %gather3A_3808 : vector<16xf32>
    %xor3A_3810 = arith.constant 4 : i32
    %xor3A_3811 = vector.broadcast %xor3A_3810 : i32 to vector<16xi32>
    %xor3A_3812 = arith.xori %iota3A_3802, %xor3A_3811 : vector<16xi32>
    %broadcast_in_dim3A_3813 = vector.shape_cast %xor3A_3812 : vector<16xi32> to vector<16x1xi32>
    %gather3A_3814 = vector.shape_cast %broadcast_in_dim3A_3813 : vector<16x1xi32> to vector<16xi32>
    %gather3A_3815 = tpu.dynamic_gather %max3A_3809[%gather3A_3814] in [0] : vector<16xf32>, vector<16xi32> -> vector<16xf32>
    %max3A_3816 = arith.maximumf %max3A_3809, %gather3A_3815 : vector<16xf32>
    %xor3A_3817 = arith.constant 2 : i32
    %xor3A_3818 = vector.broadcast %xor3A_3817 : i32 to vector<16xi32>
    %xor3A_3819 = arith.xori %iota3A_3802, %xor3A_3818 : vector<16xi32>
    %broadcast_in_dim3A_3820 = vector.shape_cast %xor3A_3819 : vector<16xi32> to vector<16x1xi32>
    %gather3A_3821 = vector.shape_cast %broadcast_in_dim3A_3820 : vector<16x1xi32> to vector<16xi32>
    %gather3A_3822 = tpu.dynamic_gather %max3A_3816[%gather3A_3821] in [0] : vector<16xf32>, vector<16xi32> -> vector<16xf32>
    %max3A_3823 = arith.maximumf %max3A_3816, %gather3A_3822 : vector<16xf32>
    %xor3A_3824 = arith.constant 1 : i32
    %xor3A_3825 = vector.broadcast %xor3A_3824 : i32 to vector<16xi32>
    %xor3A_3826 = arith.xori %iota3A_3802, %xor3A_3825 : vector<16xi32>
    %broadcast_in_dim3A_3827 = vector.shape_cast %xor3A_3826 : vector<16xi32> to vector<16x1xi32>
    %gather3A_3828 = vector.shape_cast %broadcast_in_dim3A_3827 : vector<16x1xi32> to vector<16xi32>
    %gather3A_3829 = tpu.dynamic_gather %max3A_3823[%gather3A_3828] in [0] : vector<16xf32>, vector<16xi32> -> vector<16xf32>
    %max3A_3830 = arith.maximumf %max3A_3823, %gather3A_3829 : vector<16xf32>
    %broadcast_in_dim3A_3831 = arith.constant 1048576 : i32
    %broadcast_in_dim3A_3832 = vector.broadcast %broadcast_in_dim3A_3831 : i32 to vector<16xi32>
    %ge3A_3833 = arith.cmpf oge, %select_n3A_3785, %max3A_3830 : vector<16xf32>
    %add3A_3834 = arith.constant 0 : i32
    %add3A_3835 = vector.broadcast %add3A_3834 : i32 to vector<16xi32>
    %add3A_3836 = arith.addi %iota3A, %add3A_3835 : vector<16xi32>
    %jit3A_3837 = arith.constant 1048576 : i32
    %broadcast_in_dim3A_3838 = vector.broadcast %jit3A_3837 : i32 to vector<16xi32>
    %select_n3A_3839 = arith.select %ge3A_3833, %add3A_3836, %broadcast_in_dim3A_3838 : vector<16xi1>, vector<16xi32>
    %min3A_3840 = arith.minsi %broadcast_in_dim3A_3832, %select_n3A_3839 : vector<16xi32>
    %ge3A_3841 = arith.cmpf oge, %select_n3A_3792, %max3A_3830 : vector<16xf32>
    %add3A_3842 = arith.constant 16 : i32
    %add3A_3843 = vector.broadcast %add3A_3842 : i32 to vector<16xi32>
    %add3A_3844 = arith.addi %iota3A, %add3A_3843 : vector<16xi32>
    %jit3A_3845 = arith.constant 1048576 : i32
    %broadcast_in_dim3A_3846 = vector.broadcast %jit3A_3845 : i32 to vector<16xi32>
    %select_n3A_3847 = arith.select %ge3A_3841, %add3A_3844, %broadcast_in_dim3A_3846 : vector<16xi1>, vector<16xi32>
    %min3A_3848 = arith.minsi %min3A_3840, %select_n3A_3847 : vector<16xi32>
    %ge3A_3849 = arith.cmpf oge, %select_n3A_3799, %max3A_3830 : vector<16xf32>
    %add3A_3850 = arith.constant 32 : i32
    %add3A_3851 = vector.broadcast %add3A_3850 : i32 to vector<16xi32>
    %add3A_3852 = arith.addi %iota3A, %add3A_3851 : vector<16xi32>
    %jit3A_3853 = arith.constant 1048576 : i32
    %broadcast_in_dim3A_3854 = vector.broadcast %jit3A_3853 : i32 to vector<16xi32>
    %select_n3A_3855 = arith.select %ge3A_3849, %add3A_3852, %broadcast_in_dim3A_3854 : vector<16xi1>, vector<16xi32>
    %min3A_3856 = arith.minsi %min3A_3848, %select_n3A_3855 : vector<16xi32>
    %iota3A_3857 = tpu.iota {dimensions = array<i32: 0>} : vector<16xi32>
    %xor3A_3858 = arith.constant 8 : i32
    %xor3A_3859 = vector.broadcast %xor3A_3858 : i32 to vector<16xi32>
    %xor3A_3860 = arith.xori %iota3A_3857, %xor3A_3859 : vector<16xi32>
    %broadcast_in_dim3A_3861 = vector.shape_cast %xor3A_3860 : vector<16xi32> to vector<16x1xi32>
    %gather3A_3862 = vector.shape_cast %broadcast_in_dim3A_3861 : vector<16x1xi32> to vector<16xi32>
    %gather3A_3863 = tpu.dynamic_gather %min3A_3856[%gather3A_3862] in [0] : vector<16xi32>, vector<16xi32> -> vector<16xi32>
    %min3A_3864 = arith.minsi %min3A_3856, %gather3A_3863 : vector<16xi32>
    %xor3A_3865 = arith.constant 4 : i32
    %xor3A_3866 = vector.broadcast %xor3A_3865 : i32 to vector<16xi32>
    %xor3A_3867 = arith.xori %iota3A_3857, %xor3A_3866 : vector<16xi32>
    %broadcast_in_dim3A_3868 = vector.shape_cast %xor3A_3867 : vector<16xi32> to vector<16x1xi32>
    %gather3A_3869 = vector.shape_cast %broadcast_in_dim3A_3868 : vector<16x1xi32> to vector<16xi32>
    %gather3A_3870 = tpu.dynamic_gather %min3A_3864[%gather3A_3869] in [0] : vector<16xi32>, vector<16xi32> -> vector<16xi32>
    %min3A_3871 = arith.minsi %min3A_3864, %gather3A_3870 : vector<16xi32>
    %xor3A_3872 = arith.constant 2 : i32
    %xor3A_3873 = vector.broadcast %xor3A_3872 : i32 to vector<16xi32>
    %xor3A_3874 = arith.xori %iota3A_3857, %xor3A_3873 : vector<16xi32>
    %broadcast_in_dim3A_3875 = vector.shape_cast %xor3A_3874 : vector<16xi32> to vector<16x1xi32>
    %gather3A_3876 = vector.shape_cast %broadcast_in_dim3A_3875 : vector<16x1xi32> to vector<16xi32>
    %gather3A_3877 = tpu.dynamic_gather %min3A_3871[%gather3A_3876] in [0] : vector<16xi32>, vector<16xi32> -> vector<16xi32>
    %min3A_3878 = arith.minsi %min3A_3871, %gather3A_3877 : vector<16xi32>
    %xor3A_3879 = arith.constant 1 : i32
    %xor3A_3880 = vector.broadcast %xor3A_3879 : i32 to vector<16xi32>
    %xor3A_3881 = arith.xori %iota3A_3857, %xor3A_3880 : vector<16xi32>
    %broadcast_in_dim3A_3882 = vector.shape_cast %xor3A_3881 : vector<16xi32> to vector<16x1xi32>
    %gather3A_3883 = vector.shape_cast %broadcast_in_dim3A_3882 : vector<16x1xi32> to vector<16xi32>
    %gather3A_3884 = tpu.dynamic_gather %min3A_3878[%gather3A_3883] in [0] : vector<16xi32>, vector<16xi32> -> vector<16xi32>
    %min3A_3885 = arith.minsi %min3A_3878, %gather3A_3884 : vector<16xi32>
    %add3A_3886 = arith.constant 0 : i32
    %add3A_3887 = vector.broadcast %add3A_3886 : i32 to vector<16xi32>
    %add3A_3888 = arith.addi %iota3A, %add3A_3887 : vector<16xi32>
    %eq3A_3889 = arith.cmpi eq, %add3A_3888, %min3A_3885 : vector<16xi32>
    %jit3A_3890 = arith.constant 0xFF800000 : f32
    %broadcast_in_dim3A_3891 = vector.broadcast %jit3A_3890 : f32 to vector<16xf32>
    %select_n3A_3892 = arith.select %eq3A_3889, %broadcast_in_dim3A_3891, %select_n3A_3785 : vector<16xi1>, vector<16xf32>
    %add3A_3893 = arith.constant 16 : i32
    %add3A_3894 = vector.broadcast %add3A_3893 : i32 to vector<16xi32>
    %add3A_3895 = arith.addi %iota3A, %add3A_3894 : vector<16xi32>
    %eq3A_3896 = arith.cmpi eq, %add3A_3895, %min3A_3885 : vector<16xi32>
    %jit3A_3897 = arith.constant 0xFF800000 : f32
    %broadcast_in_dim3A_3898 = vector.broadcast %jit3A_3897 : f32 to vector<16xf32>
    %select_n3A_3899 = arith.select %eq3A_3896, %broadcast_in_dim3A_3898, %select_n3A_3792 : vector<16xi1>, vector<16xf32>
    %add3A_3900 = arith.constant 32 : i32
    %add3A_3901 = vector.broadcast %add3A_3900 : i32 to vector<16xi32>
    %add3A_3902 = arith.addi %iota3A, %add3A_3901 : vector<16xi32>
    %eq3A_3903 = arith.cmpi eq, %add3A_3902, %min3A_3885 : vector<16xi32>
    %jit3A_3904 = arith.constant 0xFF800000 : f32
    %broadcast_in_dim3A_3905 = vector.broadcast %jit3A_3904 : f32 to vector<16xf32>
    %select_n3A_3906 = arith.select %eq3A_3903, %broadcast_in_dim3A_3905, %select_n3A_3799 : vector<16xi1>, vector<16xf32>
    %max3A_3907 = arith.maximumf %select_n3A_3892, %select_n3A_3899 : vector<16xf32>
    %max3A_3908 = arith.maximumf %max3A_3907, %select_n3A_3906 : vector<16xf32>
    %iota3A_3909 = tpu.iota {dimensions = array<i32: 0>} : vector<16xi32>
    %xor3A_3910 = arith.constant 8 : i32
    %xor3A_3911 = vector.broadcast %xor3A_3910 : i32 to vector<16xi32>
    %xor3A_3912 = arith.xori %iota3A_3909, %xor3A_3911 : vector<16xi32>
    %broadcast_in_dim3A_3913 = vector.shape_cast %xor3A_3912 : vector<16xi32> to vector<16x1xi32>
    %gather3A_3914 = vector.shape_cast %broadcast_in_dim3A_3913 : vector<16x1xi32> to vector<16xi32>
    %gather3A_3915 = tpu.dynamic_gather %max3A_3908[%gather3A_3914] in [0] : vector<16xf32>, vector<16xi32> -> vector<16xf32>
    %max3A_3916 = arith.maximumf %max3A_3908, %gather3A_3915 : vector<16xf32>
    %xor3A_3917 = arith.constant 4 : i32
    %xor3A_3918 = vector.broadcast %xor3A_3917 : i32 to vector<16xi32>
    %xor3A_3919 = arith.xori %iota3A_3909, %xor3A_3918 : vector<16xi32>
    %broadcast_in_dim3A_3920 = vector.shape_cast %xor3A_3919 : vector<16xi32> to vector<16x1xi32>
    %gather3A_3921 = vector.shape_cast %broadcast_in_dim3A_3920 : vector<16x1xi32> to vector<16xi32>
    %gather3A_3922 = tpu.dynamic_gather %max3A_3916[%gather3A_3921] in [0] : vector<16xf32>, vector<16xi32> -> vector<16xf32>
    %max3A_3923 = arith.maximumf %max3A_3916, %gather3A_3922 : vector<16xf32>
    %xor3A_3924 = arith.constant 2 : i32
    %xor3A_3925 = vector.broadcast %xor3A_3924 : i32 to vector<16xi32>
    %xor3A_3926 = arith.xori %iota3A_3909, %xor3A_3925 : vector<16xi32>
    %broadcast_in_dim3A_3927 = vector.shape_cast %xor3A_3926 : vector<16xi32> to vector<16x1xi32>
    %gather3A_3928 = vector.shape_cast %broadcast_in_dim3A_3927 : vector<16x1xi32> to vector<16xi32>
    %gather3A_3929 = tpu.dynamic_gather %max3A_3923[%gather3A_3928] in [0] : vector<16xf32>, vector<16xi32> -> vector<16xf32>
    %max3A_3930 = arith.maximumf %max3A_3923, %gather3A_3929 : vector<16xf32>
    %xor3A_3931 = arith.constant 1 : i32
    %xor3A_3932 = vector.broadcast %xor3A_3931 : i32 to vector<16xi32>
    %xor3A_3933 = arith.xori %iota3A_3909, %xor3A_3932 : vector<16xi32>
    %broadcast_in_dim3A_3934 = vector.shape_cast %xor3A_3933 : vector<16xi32> to vector<16x1xi32>
    %gather3A_3935 = vector.shape_cast %broadcast_in_dim3A_3934 : vector<16x1xi32> to vector<16xi32>
    %gather3A_3936 = tpu.dynamic_gather %max3A_3930[%gather3A_3935] in [0] : vector<16xf32>, vector<16xi32> -> vector<16xf32>
    %max3A_3937 = arith.maximumf %max3A_3930, %gather3A_3936 : vector<16xf32>
    %broadcast_in_dim3A_3938 = arith.constant 1048576 : i32
    %broadcast_in_dim3A_3939 = vector.broadcast %broadcast_in_dim3A_3938 : i32 to vector<16xi32>
    %ge3A_3940 = arith.cmpf oge, %select_n3A_3892, %max3A_3937 : vector<16xf32>
    %add3A_3941 = arith.constant 0 : i32
    %add3A_3942 = vector.broadcast %add3A_3941 : i32 to vector<16xi32>
    %add3A_3943 = arith.addi %iota3A, %add3A_3942 : vector<16xi32>
    %jit3A_3944 = arith.constant 1048576 : i32
    %broadcast_in_dim3A_3945 = vector.broadcast %jit3A_3944 : i32 to vector<16xi32>
    %select_n3A_3946 = arith.select %ge3A_3940, %add3A_3943, %broadcast_in_dim3A_3945 : vector<16xi1>, vector<16xi32>
    %min3A_3947 = arith.minsi %broadcast_in_dim3A_3939, %select_n3A_3946 : vector<16xi32>
    %ge3A_3948 = arith.cmpf oge, %select_n3A_3899, %max3A_3937 : vector<16xf32>
    %add3A_3949 = arith.constant 16 : i32
    %add3A_3950 = vector.broadcast %add3A_3949 : i32 to vector<16xi32>
    %add3A_3951 = arith.addi %iota3A, %add3A_3950 : vector<16xi32>
    %jit3A_3952 = arith.constant 1048576 : i32
    %broadcast_in_dim3A_3953 = vector.broadcast %jit3A_3952 : i32 to vector<16xi32>
    %select_n3A_3954 = arith.select %ge3A_3948, %add3A_3951, %broadcast_in_dim3A_3953 : vector<16xi1>, vector<16xi32>
    %min3A_3955 = arith.minsi %min3A_3947, %select_n3A_3954 : vector<16xi32>
    %ge3A_3956 = arith.cmpf oge, %select_n3A_3906, %max3A_3937 : vector<16xf32>
    %add3A_3957 = arith.constant 32 : i32
    %add3A_3958 = vector.broadcast %add3A_3957 : i32 to vector<16xi32>
    %add3A_3959 = arith.addi %iota3A, %add3A_3958 : vector<16xi32>
    %jit3A_3960 = arith.constant 1048576 : i32
    %broadcast_in_dim3A_3961 = vector.broadcast %jit3A_3960 : i32 to vector<16xi32>
    %select_n3A_3962 = arith.select %ge3A_3956, %add3A_3959, %broadcast_in_dim3A_3961 : vector<16xi1>, vector<16xi32>
    %min3A_3963 = arith.minsi %min3A_3955, %select_n3A_3962 : vector<16xi32>
    %iota3A_3964 = tpu.iota {dimensions = array<i32: 0>} : vector<16xi32>
    %xor3A_3965 = arith.constant 8 : i32
    %xor3A_3966 = vector.broadcast %xor3A_3965 : i32 to vector<16xi32>
    %xor3A_3967 = arith.xori %iota3A_3964, %xor3A_3966 : vector<16xi32>
    %broadcast_in_dim3A_3968 = vector.shape_cast %xor3A_3967 : vector<16xi32> to vector<16x1xi32>
    %gather3A_3969 = vector.shape_cast %broadcast_in_dim3A_3968 : vector<16x1xi32> to vector<16xi32>
    %gather3A_3970 = tpu.dynamic_gather %min3A_3963[%gather3A_3969] in [0] : vector<16xi32>, vector<16xi32> -> vector<16xi32>
    %min3A_3971 = arith.minsi %min3A_3963, %gather3A_3970 : vector<16xi32>
    %xor3A_3972 = arith.constant 4 : i32
    %xor3A_3973 = vector.broadcast %xor3A_3972 : i32 to vector<16xi32>
    %xor3A_3974 = arith.xori %iota3A_3964, %xor3A_3973 : vector<16xi32>
    %broadcast_in_dim3A_3975 = vector.shape_cast %xor3A_3974 : vector<16xi32> to vector<16x1xi32>
    %gather3A_3976 = vector.shape_cast %broadcast_in_dim3A_3975 : vector<16x1xi32> to vector<16xi32>
    %gather3A_3977 = tpu.dynamic_gather %min3A_3971[%gather3A_3976] in [0] : vector<16xi32>, vector<16xi32> -> vector<16xi32>
    %min3A_3978 = arith.minsi %min3A_3971, %gather3A_3977 : vector<16xi32>
    %xor3A_3979 = arith.constant 2 : i32
    %xor3A_3980 = vector.broadcast %xor3A_3979 : i32 to vector<16xi32>
    %xor3A_3981 = arith.xori %iota3A_3964, %xor3A_3980 : vector<16xi32>
    %broadcast_in_dim3A_3982 = vector.shape_cast %xor3A_3981 : vector<16xi32> to vector<16x1xi32>
    %gather3A_3983 = vector.shape_cast %broadcast_in_dim3A_3982 : vector<16x1xi32> to vector<16xi32>
    %gather3A_3984 = tpu.dynamic_gather %min3A_3978[%gather3A_3983] in [0] : vector<16xi32>, vector<16xi32> -> vector<16xi32>
    %min3A_3985 = arith.minsi %min3A_3978, %gather3A_3984 : vector<16xi32>
    %xor3A_3986 = arith.constant 1 : i32
    %xor3A_3987 = vector.broadcast %xor3A_3986 : i32 to vector<16xi32>
    %xor3A_3988 = arith.xori %iota3A_3964, %xor3A_3987 : vector<16xi32>
    %broadcast_in_dim3A_3989 = vector.shape_cast %xor3A_3988 : vector<16xi32> to vector<16x1xi32>
    %gather3A_3990 = vector.shape_cast %broadcast_in_dim3A_3989 : vector<16x1xi32> to vector<16xi32>
    %gather3A_3991 = tpu.dynamic_gather %min3A_3985[%gather3A_3990] in [0] : vector<16xi32>, vector<16xi32> -> vector<16xi32>
    %min3A_3992 = arith.minsi %min3A_3985, %gather3A_3991 : vector<16xi32>
    %add3A_3993 = arith.constant 0 : i32
    %add3A_3994 = vector.broadcast %add3A_3993 : i32 to vector<16xi32>
    %add3A_3995 = arith.addi %iota3A, %add3A_3994 : vector<16xi32>
    %eq3A_3996 = arith.cmpi eq, %add3A_3995, %min3A_3992 : vector<16xi32>
    %jit3A_3997 = arith.constant 0xFF800000 : f32
    %broadcast_in_dim3A_3998 = vector.broadcast %jit3A_3997 : f32 to vector<16xf32>
    %select_n3A_3999 = arith.select %eq3A_3996, %broadcast_in_dim3A_3998, %select_n3A_3892 : vector<16xi1>, vector<16xf32>
    %add3A_4000 = arith.constant 16 : i32
    %add3A_4001 = vector.broadcast %add3A_4000 : i32 to vector<16xi32>
    %add3A_4002 = arith.addi %iota3A, %add3A_4001 : vector<16xi32>
    %eq3A_4003 = arith.cmpi eq, %add3A_4002, %min3A_3992 : vector<16xi32>
    %jit3A_4004 = arith.constant 0xFF800000 : f32
    %broadcast_in_dim3A_4005 = vector.broadcast %jit3A_4004 : f32 to vector<16xf32>
    %select_n3A_4006 = arith.select %eq3A_4003, %broadcast_in_dim3A_4005, %select_n3A_3899 : vector<16xi1>, vector<16xf32>
    %add3A_4007 = arith.constant 32 : i32
    %add3A_4008 = vector.broadcast %add3A_4007 : i32 to vector<16xi32>
    %add3A_4009 = arith.addi %iota3A, %add3A_4008 : vector<16xi32>
    %eq3A_4010 = arith.cmpi eq, %add3A_4009, %min3A_3992 : vector<16xi32>
    %jit3A_4011 = arith.constant 0xFF800000 : f32
    %broadcast_in_dim3A_4012 = vector.broadcast %jit3A_4011 : f32 to vector<16xf32>
    %select_n3A_4013 = arith.select %eq3A_4010, %broadcast_in_dim3A_4012, %select_n3A_3906 : vector<16xi1>, vector<16xf32>
    %broadcast_in_dim3A_4014 = arith.constant 0xFF800000 : f32
    %broadcast_in_dim3A_4015 = vector.broadcast %broadcast_in_dim3A_4014 : f32 to vector<16xf32>
    %eq3A_4016 = arith.constant 0 : i32
    %eq3A_4017 = vector.broadcast %eq3A_4016 : i32 to vector<16xi32>
    %eq3A_4018 = arith.cmpi eq, %iota3A, %eq3A_4017 : vector<16xi32>
    %select_n3A_4019 = arith.select %eq3A_4018, %max3A_3616, %broadcast_in_dim3A_4015 : vector<16xi1>, vector<16xf32>
    %eq3A_4020 = arith.constant 1 : i32
    %eq3A_4021 = vector.broadcast %eq3A_4020 : i32 to vector<16xi32>
    %eq3A_4022 = arith.cmpi eq, %iota3A, %eq3A_4021 : vector<16xi32>
    %select_n3A_4023 = arith.select %eq3A_4022, %max3A_3723, %select_n3A_4019 : vector<16xi1>, vector<16xf32>
    %eq3A_4024 = arith.constant 2 : i32
    %eq3A_4025 = vector.broadcast %eq3A_4024 : i32 to vector<16xi32>
    %eq3A_4026 = arith.cmpi eq, %iota3A, %eq3A_4025 : vector<16xi32>
    %select_n3A_4027 = arith.select %eq3A_4026, %max3A_3830, %select_n3A_4023 : vector<16xi1>, vector<16xf32>
    %eq3A_4028 = arith.constant 3 : i32
    %eq3A_4029 = vector.broadcast %eq3A_4028 : i32 to vector<16xi32>
    %eq3A_4030 = arith.cmpi eq, %iota3A, %eq3A_4029 : vector<16xi32>
    %select_n3A_4031 = arith.select %eq3A_4030, %max3A_3937, %select_n3A_4027 : vector<16xi1>, vector<16xf32>
    %sub3A_4032 = arith.subf %select_n3A_4031, %max3A_3616 : vector<16xf32>
    %exp3A_4033 = math.exp %sub3A_4032 : vector<16xf32>
    %iota3A_4034 = tpu.iota {dimensions = array<i32: 0>} : vector<16xi32>
    %xor3A_4035 = arith.constant 8 : i32
    %xor3A_4036 = vector.broadcast %xor3A_4035 : i32 to vector<16xi32>
    %xor3A_4037 = arith.xori %iota3A_4034, %xor3A_4036 : vector<16xi32>
    %broadcast_in_dim3A_4038 = vector.shape_cast %xor3A_4037 : vector<16xi32> to vector<16x1xi32>
    %gather3A_4039 = vector.shape_cast %broadcast_in_dim3A_4038 : vector<16x1xi32> to vector<16xi32>
    %gather3A_4040 = tpu.dynamic_gather %exp3A_4033[%gather3A_4039] in [0] : vector<16xf32>, vector<16xi32> -> vector<16xf32>
    %add3A_4041 = arith.addf %exp3A_4033, %gather3A_4040 : vector<16xf32>
    %xor3A_4042 = arith.constant 4 : i32
    %xor3A_4043 = vector.broadcast %xor3A_4042 : i32 to vector<16xi32>
    %xor3A_4044 = arith.xori %iota3A_4034, %xor3A_4043 : vector<16xi32>
    %broadcast_in_dim3A_4045 = vector.shape_cast %xor3A_4044 : vector<16xi32> to vector<16x1xi32>
    %gather3A_4046 = vector.shape_cast %broadcast_in_dim3A_4045 : vector<16x1xi32> to vector<16xi32>
    %gather3A_4047 = tpu.dynamic_gather %add3A_4041[%gather3A_4046] in [0] : vector<16xf32>, vector<16xi32> -> vector<16xf32>
    %add3A_4048 = arith.addf %add3A_4041, %gather3A_4047 : vector<16xf32>
    %xor3A_4049 = arith.constant 2 : i32
    %xor3A_4050 = vector.broadcast %xor3A_4049 : i32 to vector<16xi32>
    %xor3A_4051 = arith.xori %iota3A_4034, %xor3A_4050 : vector<16xi32>
    %broadcast_in_dim3A_4052 = vector.shape_cast %xor3A_4051 : vector<16xi32> to vector<16x1xi32>
    %gather3A_4053 = vector.shape_cast %broadcast_in_dim3A_4052 : vector<16x1xi32> to vector<16xi32>
    %gather3A_4054 = tpu.dynamic_gather %add3A_4048[%gather3A_4053] in [0] : vector<16xf32>, vector<16xi32> -> vector<16xf32>
    %add3A_4055 = arith.addf %add3A_4048, %gather3A_4054 : vector<16xf32>
    %xor3A_4056 = arith.constant 1 : i32
    %xor3A_4057 = vector.broadcast %xor3A_4056 : i32 to vector<16xi32>
    %xor3A_4058 = arith.xori %iota3A_4034, %xor3A_4057 : vector<16xi32>
    %broadcast_in_dim3A_4059 = vector.shape_cast %xor3A_4058 : vector<16xi32> to vector<16x1xi32>
    %gather3A_4060 = vector.shape_cast %broadcast_in_dim3A_4059 : vector<16x1xi32> to vector<16xi32>
    %gather3A_4061 = tpu.dynamic_gather %add3A_4055[%gather3A_4060] in [0] : vector<16xf32>, vector<16xi32> -> vector<16xf32>
    %add3A_4062 = arith.addf %add3A_4055, %gather3A_4061 : vector<16xf32>
    %div3A_4063 = arith.divf %exp3A_4033, %add3A_4062 : vector<16xf32>
    %broadcast_in_dim3A_4064 = arith.constant 0 : i32
    %broadcast_in_dim3A_4065 = vector.broadcast %broadcast_in_dim3A_4064 : i32 to vector<16xi32>
    %broadcast_in_dim3A_4066 = vector.shape_cast %broadcast_in_dim3A_4065 : vector<16xi32> to vector<16x1xi32>
    %gather3A_4067 = vector.shape_cast %broadcast_in_dim3A_4066 : vector<16x1xi32> to vector<16xi32>
    %gather3A_4068 = tpu.dynamic_gather %div3A_4063[%gather3A_4067] in [0] : vector<16xf32>, vector<16xi32> -> vector<16xf32>
    %broadcast_in_dim3A_4069 = arith.constant 1 : i32
    %broadcast_in_dim3A_4070 = vector.broadcast %broadcast_in_dim3A_4069 : i32 to vector<16xi32>
    %broadcast_in_dim3A_4071 = vector.shape_cast %broadcast_in_dim3A_4070 : vector<16xi32> to vector<16x1xi32>
    %gather3A_4072 = vector.shape_cast %broadcast_in_dim3A_4071 : vector<16x1xi32> to vector<16xi32>
    %gather3A_4073 = tpu.dynamic_gather %div3A_4063[%gather3A_4072] in [0] : vector<16xf32>, vector<16xi32> -> vector<16xf32>
    %broadcast_in_dim3A_4074 = arith.constant 2 : i32
    %broadcast_in_dim3A_4075 = vector.broadcast %broadcast_in_dim3A_4074 : i32 to vector<16xi32>
    %broadcast_in_dim3A_4076 = vector.shape_cast %broadcast_in_dim3A_4075 : vector<16xi32> to vector<16x1xi32>
    %gather3A_4077 = vector.shape_cast %broadcast_in_dim3A_4076 : vector<16x1xi32> to vector<16xi32>
    %gather3A_4078 = tpu.dynamic_gather %div3A_4063[%gather3A_4077] in [0] : vector<16xf32>, vector<16xi32> -> vector<16xf32>
    %broadcast_in_dim3A_4079 = arith.constant 3 : i32
    %broadcast_in_dim3A_4080 = vector.broadcast %broadcast_in_dim3A_4079 : i32 to vector<16xi32>
    %broadcast_in_dim3A_4081 = vector.shape_cast %broadcast_in_dim3A_4080 : vector<16xi32> to vector<16x1xi32>
    %gather3A_4082 = vector.shape_cast %broadcast_in_dim3A_4081 : vector<16x1xi32> to vector<16xi32>
    %gather3A_4083 = tpu.dynamic_gather %div3A_4063[%gather3A_4082] in [0] : vector<16xf32>, vector<16xi32> -> vector<16xf32>
    %broadcast_in_dim3A_4084 = arith.constant 0.000000e+00 : f32
    %broadcast_in_dim3A_4085 = vector.broadcast %broadcast_in_dim3A_4084 : f32 to vector<16xf32>
    %add3A_4086 = arith.constant 0 : i32
    %add3A_4087 = vector.broadcast %add3A_4086 : i32 to vector<16xi32>
    %add3A_4088 = arith.addi %iota3A, %add3A_4087 : vector<16xi32>
    %eq3A_4089 = arith.cmpi eq, %add3A_4088, %min3A_3671 : vector<16xi32>
    %select_n3A_4090 = arith.select %eq3A_4089, %gather3A_4068, %broadcast_in_dim3A_4085 : vector<16xi1>, vector<16xf32>
    %add3A_4091 = arith.constant 0 : i32
    %add3A_4092 = vector.broadcast %add3A_4091 : i32 to vector<16xi32>
    %add3A_4093 = arith.addi %iota3A, %add3A_4092 : vector<16xi32>
    %eq3A_4094 = arith.cmpi eq, %add3A_4093, %min3A_3778 : vector<16xi32>
    %select_n3A_4095 = arith.select %eq3A_4094, %gather3A_4073, %select_n3A_4090 : vector<16xi1>, vector<16xf32>
    %add3A_4096 = arith.constant 0 : i32
    %add3A_4097 = vector.broadcast %add3A_4096 : i32 to vector<16xi32>
    %add3A_4098 = arith.addi %iota3A, %add3A_4097 : vector<16xi32>
    %eq3A_4099 = arith.cmpi eq, %add3A_4098, %min3A_3885 : vector<16xi32>
    %select_n3A_4100 = arith.select %eq3A_4099, %gather3A_4078, %select_n3A_4095 : vector<16xi1>, vector<16xf32>
    %add3A_4101 = arith.constant 0 : i32
    %add3A_4102 = vector.broadcast %add3A_4101 : i32 to vector<16xi32>
    %add3A_4103 = arith.addi %iota3A, %add3A_4102 : vector<16xi32>
    %eq3A_4104 = arith.cmpi eq, %add3A_4103, %min3A_3992 : vector<16xi32>
    %select_n3A_4105 = arith.select %eq3A_4104, %gather3A_4083, %select_n3A_4100 : vector<16xi1>, vector<16xf32>
    %swap3A_4106 = arith.constant 6 : i32
    %swap3A_4107 = arith.index_cast %swap3A_4106 : i32 to index
    %swap3A_4108 = arith.constant 0 : index
    %swap3A_4109 = tpu.vector_load %arg5[%swap3A_4107, %swap3A_4108] {strides = array<i32>} : memref<8x48xf32, #tpu.memory_space<vmem>>, vector<1x16xf32>,
    %swap3A_4110 = vector.shape_cast %swap3A_4109 : vector<1x16xf32> to vector<16xf32>
    %swap3A_4111 = vector.shape_cast %select_n3A_4105 : vector<16xf32> to vector<1x16xf32>
    tpu.vector_store %arg5[%swap3A_4107, %swap3A_4108], %swap3A_4111 {strides = array<i32>} : memref<8x48xf32, #tpu.memory_space<vmem>>, vector<1x16xf32>,
    %broadcast_in_dim3A_4112 = arith.constant 0.000000e+00 : f32
    %broadcast_in_dim3A_4113 = vector.broadcast %broadcast_in_dim3A_4112 : f32 to vector<16xf32>
    %add3A_4114 = arith.constant 16 : i32
    %add3A_4115 = vector.broadcast %add3A_4114 : i32 to vector<16xi32>
    %add3A_4116 = arith.addi %iota3A, %add3A_4115 : vector<16xi32>
    %eq3A_4117 = arith.cmpi eq, %add3A_4116, %min3A_3671 : vector<16xi32>
    %select_n3A_4118 = arith.select %eq3A_4117, %gather3A_4068, %broadcast_in_dim3A_4113 : vector<16xi1>, vector<16xf32>
    %add3A_4119 = arith.constant 16 : i32
    %add3A_4120 = vector.broadcast %add3A_4119 : i32 to vector<16xi32>
    %add3A_4121 = arith.addi %iota3A, %add3A_4120 : vector<16xi32>
    %eq3A_4122 = arith.cmpi eq, %add3A_4121, %min3A_3778 : vector<16xi32>
    %select_n3A_4123 = arith.select %eq3A_4122, %gather3A_4073, %select_n3A_4118 : vector<16xi1>, vector<16xf32>
    %add3A_4124 = arith.constant 16 : i32
    %add3A_4125 = vector.broadcast %add3A_4124 : i32 to vector<16xi32>
    %add3A_4126 = arith.addi %iota3A, %add3A_4125 : vector<16xi32>
    %eq3A_4127 = arith.cmpi eq, %add3A_4126, %min3A_3885 : vector<16xi32>
    %select_n3A_4128 = arith.select %eq3A_4127, %gather3A_4078, %select_n3A_4123 : vector<16xi1>, vector<16xf32>
    %add3A_4129 = arith.constant 16 : i32
    %add3A_4130 = vector.broadcast %add3A_4129 : i32 to vector<16xi32>
    %add3A_4131 = arith.addi %iota3A, %add3A_4130 : vector<16xi32>
    %eq3A_4132 = arith.cmpi eq, %add3A_4131, %min3A_3992 : vector<16xi32>
    %select_n3A_4133 = arith.select %eq3A_4132, %gather3A_4083, %select_n3A_4128 : vector<16xi1>, vector<16xf32>
    %swap3A_4134 = arith.constant 6 : i32
    %swap3A_4135 = arith.index_cast %swap3A_4134 : i32 to index
    %swap3A_4136 = arith.constant 16 : index
    %swap3A_4137 = tpu.vector_load %arg5[%swap3A_4135, %swap3A_4136] {strides = array<i32>} : memref<8x48xf32, #tpu.memory_space<vmem>>, vector<1x16xf32>,
    %swap3A_4138 = vector.shape_cast %swap3A_4137 : vector<1x16xf32> to vector<16xf32>
    %swap3A_4139 = vector.shape_cast %select_n3A_4133 : vector<16xf32> to vector<1x16xf32>
    tpu.vector_store %arg5[%swap3A_4135, %swap3A_4136], %swap3A_4139 {strides = array<i32>} : memref<8x48xf32, #tpu.memory_space<vmem>>, vector<1x16xf32>,
    %broadcast_in_dim3A_4140 = arith.constant 0.000000e+00 : f32
    %broadcast_in_dim3A_4141 = vector.broadcast %broadcast_in_dim3A_4140 : f32 to vector<16xf32>
    %add3A_4142 = arith.constant 32 : i32
    %add3A_4143 = vector.broadcast %add3A_4142 : i32 to vector<16xi32>
    %add3A_4144 = arith.addi %iota3A, %add3A_4143 : vector<16xi32>
    %eq3A_4145 = arith.cmpi eq, %add3A_4144, %min3A_3671 : vector<16xi32>
    %select_n3A_4146 = arith.select %eq3A_4145, %gather3A_4068, %broadcast_in_dim3A_4141 : vector<16xi1>, vector<16xf32>
    %add3A_4147 = arith.constant 32 : i32
    %add3A_4148 = vector.broadcast %add3A_4147 : i32 to vector<16xi32>
    %add3A_4149 = arith.addi %iota3A, %add3A_4148 : vector<16xi32>
    %eq3A_4150 = arith.cmpi eq, %add3A_4149, %min3A_3778 : vector<16xi32>
    %select_n3A_4151 = arith.select %eq3A_4150, %gather3A_4073, %select_n3A_4146 : vector<16xi1>, vector<16xf32>
    %add3A_4152 = arith.constant 32 : i32
    %add3A_4153 = vector.broadcast %add3A_4152 : i32 to vector<16xi32>
    %add3A_4154 = arith.addi %iota3A, %add3A_4153 : vector<16xi32>
    %eq3A_4155 = arith.cmpi eq, %add3A_4154, %min3A_3885 : vector<16xi32>
    %select_n3A_4156 = arith.select %eq3A_4155, %gather3A_4078, %select_n3A_4151 : vector<16xi1>, vector<16xf32>
    %add3A_4157 = arith.constant 32 : i32
    %add3A_4158 = vector.broadcast %add3A_4157 : i32 to vector<16xi32>
    %add3A_4159 = arith.addi %iota3A, %add3A_4158 : vector<16xi32>
    %eq3A_4160 = arith.cmpi eq, %add3A_4159, %min3A_3992 : vector<16xi32>
    %select_n3A_4161 = arith.select %eq3A_4160, %gather3A_4083, %select_n3A_4156 : vector<16xi1>, vector<16xf32>
    %swap3A_4162 = arith.constant 6 : i32
    %swap3A_4163 = arith.index_cast %swap3A_4162 : i32 to index
    %swap3A_4164 = arith.constant 32 : index
    %swap3A_4165 = tpu.vector_load %arg5[%swap3A_4163, %swap3A_4164] {strides = array<i32>} : memref<8x48xf32, #tpu.memory_space<vmem>>, vector<1x16xf32>,
    %swap3A_4166 = vector.shape_cast %swap3A_4165 : vector<1x16xf32> to vector<16xf32>
    %swap3A_4167 = vector.shape_cast %select_n3A_4161 : vector<16xf32> to vector<1x16xf32>
    tpu.vector_store %arg5[%swap3A_4163, %swap3A_4164], %swap3A_4167 {strides = array<i32>} : memref<8x48xf32, #tpu.memory_space<vmem>>, vector<1x16xf32>,
    %get3A_4168 = arith.constant 7 : i32
    %get3A_4169 = arith.index_cast %get3A_4168 : i32 to index
    %get3A_4170 = arith.constant 0 : index
    %get3A_4171 = tpu.vector_load %arg4[%get3A_4169, %get3A_4170] {strides = array<i32>} : memref<8x48xf32, #tpu.memory_space<vmem>>, vector<1x16xf32>,
    %get3A_4172 = vector.shape_cast %get3A_4171 : vector<1x16xf32> to vector<16xf32>
    %get3A_4173 = arith.constant 7 : i32
    %get3A_4174 = arith.index_cast %get3A_4173 : i32 to index
    %get3A_4175 = arith.constant 16 : index
    %get3A_4176 = tpu.vector_load %arg4[%get3A_4174, %get3A_4175] {strides = array<i32>} : memref<8x48xf32, #tpu.memory_space<vmem>>, vector<1x16xf32>,
    %get3A_4177 = vector.shape_cast %get3A_4176 : vector<1x16xf32> to vector<16xf32>
    %get3A_4178 = arith.constant 7 : i32
    %get3A_4179 = arith.index_cast %get3A_4178 : i32 to index
    %get3A_4180 = arith.constant 32 : index
    %get3A_4181 = tpu.vector_load %arg4[%get3A_4179, %get3A_4180] {strides = array<i32>} : memref<8x48xf32, #tpu.memory_space<vmem>>, vector<1x16xf32>,
    %get3A_4182 = vector.shape_cast %get3A_4181 : vector<1x16xf32> to vector<16xf32>
    %max3A_4183 = arith.maximumf %get3A_4172, %get3A_4177 : vector<16xf32>
    %max3A_4184 = arith.maximumf %max3A_4183, %get3A_4182 : vector<16xf32>
    %iota3A_4185 = tpu.iota {dimensions = array<i32: 0>} : vector<16xi32>
    %xor3A_4186 = arith.constant 8 : i32
    %xor3A_4187 = vector.broadcast %xor3A_4186 : i32 to vector<16xi32>
    %xor3A_4188 = arith.xori %iota3A_4185, %xor3A_4187 : vector<16xi32>
    %broadcast_in_dim3A_4189 = vector.shape_cast %xor3A_4188 : vector<16xi32> to vector<16x1xi32>
    %gather3A_4190 = vector.shape_cast %broadcast_in_dim3A_4189 : vector<16x1xi32> to vector<16xi32>
    %gather3A_4191 = tpu.dynamic_gather %max3A_4184[%gather3A_4190] in [0] : vector<16xf32>, vector<16xi32> -> vector<16xf32>
    %max3A_4192 = arith.maximumf %max3A_4184, %gather3A_4191 : vector<16xf32>
    %xor3A_4193 = arith.constant 4 : i32
    %xor3A_4194 = vector.broadcast %xor3A_4193 : i32 to vector<16xi32>
    %xor3A_4195 = arith.xori %iota3A_4185, %xor3A_4194 : vector<16xi32>
    %broadcast_in_dim3A_4196 = vector.shape_cast %xor3A_4195 : vector<16xi32> to vector<16x1xi32>
    %gather3A_4197 = vector.shape_cast %broadcast_in_dim3A_4196 : vector<16x1xi32> to vector<16xi32>
    %gather3A_4198 = tpu.dynamic_gather %max3A_4192[%gather3A_4197] in [0] : vector<16xf32>, vector<16xi32> -> vector<16xf32>
    %max3A_4199 = arith.maximumf %max3A_4192, %gather3A_4198 : vector<16xf32>
    %xor3A_4200 = arith.constant 2 : i32
    %xor3A_4201 = vector.broadcast %xor3A_4200 : i32 to vector<16xi32>
    %xor3A_4202 = arith.xori %iota3A_4185, %xor3A_4201 : vector<16xi32>
    %broadcast_in_dim3A_4203 = vector.shape_cast %xor3A_4202 : vector<16xi32> to vector<16x1xi32>
    %gather3A_4204 = vector.shape_cast %broadcast_in_dim3A_4203 : vector<16x1xi32> to vector<16xi32>
    %gather3A_4205 = tpu.dynamic_gather %max3A_4199[%gather3A_4204] in [0] : vector<16xf32>, vector<16xi32> -> vector<16xf32>
    %max3A_4206 = arith.maximumf %max3A_4199, %gather3A_4205 : vector<16xf32>
    %xor3A_4207 = arith.constant 1 : i32
    %xor3A_4208 = vector.broadcast %xor3A_4207 : i32 to vector<16xi32>
    %xor3A_4209 = arith.xori %iota3A_4185, %xor3A_4208 : vector<16xi32>
    %broadcast_in_dim3A_4210 = vector.shape_cast %xor3A_4209 : vector<16xi32> to vector<16x1xi32>
    %gather3A_4211 = vector.shape_cast %broadcast_in_dim3A_4210 : vector<16x1xi32> to vector<16xi32>
    %gather3A_4212 = tpu.dynamic_gather %max3A_4206[%gather3A_4211] in [0] : vector<16xf32>, vector<16xi32> -> vector<16xf32>
    %max3A_4213 = arith.maximumf %max3A_4206, %gather3A_4212 : vector<16xf32>
    %broadcast_in_dim3A_4214 = arith.constant 1048576 : i32
    %broadcast_in_dim3A_4215 = vector.broadcast %broadcast_in_dim3A_4214 : i32 to vector<16xi32>
    %ge3A_4216 = arith.cmpf oge, %get3A_4172, %max3A_4213 : vector<16xf32>
    %add3A_4217 = arith.constant 0 : i32
    %add3A_4218 = vector.broadcast %add3A_4217 : i32 to vector<16xi32>
    %add3A_4219 = arith.addi %iota3A, %add3A_4218 : vector<16xi32>
    %jit3A_4220 = arith.constant 1048576 : i32
    %broadcast_in_dim3A_4221 = vector.broadcast %jit3A_4220 : i32 to vector<16xi32>
    %select_n3A_4222 = arith.select %ge3A_4216, %add3A_4219, %broadcast_in_dim3A_4221 : vector<16xi1>, vector<16xi32>
    %min3A_4223 = arith.minsi %broadcast_in_dim3A_4215, %select_n3A_4222 : vector<16xi32>
    %ge3A_4224 = arith.cmpf oge, %get3A_4177, %max3A_4213 : vector<16xf32>
    %add3A_4225 = arith.constant 16 : i32
    %add3A_4226 = vector.broadcast %add3A_4225 : i32 to vector<16xi32>
    %add3A_4227 = arith.addi %iota3A, %add3A_4226 : vector<16xi32>
    %jit3A_4228 = arith.constant 1048576 : i32
    %broadcast_in_dim3A_4229 = vector.broadcast %jit3A_4228 : i32 to vector<16xi32>
    %select_n3A_4230 = arith.select %ge3A_4224, %add3A_4227, %broadcast_in_dim3A_4229 : vector<16xi1>, vector<16xi32>
    %min3A_4231 = arith.minsi %min3A_4223, %select_n3A_4230 : vector<16xi32>
    %ge3A_4232 = arith.cmpf oge, %get3A_4182, %max3A_4213 : vector<16xf32>
    %add3A_4233 = arith.constant 32 : i32
    %add3A_4234 = vector.broadcast %add3A_4233 : i32 to vector<16xi32>
    %add3A_4235 = arith.addi %iota3A, %add3A_4234 : vector<16xi32>
    %jit3A_4236 = arith.constant 1048576 : i32
    %broadcast_in_dim3A_4237 = vector.broadcast %jit3A_4236 : i32 to vector<16xi32>
    %select_n3A_4238 = arith.select %ge3A_4232, %add3A_4235, %broadcast_in_dim3A_4237 : vector<16xi1>, vector<16xi32>
    %min3A_4239 = arith.minsi %min3A_4231, %select_n3A_4238 : vector<16xi32>
    %iota3A_4240 = tpu.iota {dimensions = array<i32: 0>} : vector<16xi32>
    %xor3A_4241 = arith.constant 8 : i32
    %xor3A_4242 = vector.broadcast %xor3A_4241 : i32 to vector<16xi32>
    %xor3A_4243 = arith.xori %iota3A_4240, %xor3A_4242 : vector<16xi32>
    %broadcast_in_dim3A_4244 = vector.shape_cast %xor3A_4243 : vector<16xi32> to vector<16x1xi32>
    %gather3A_4245 = vector.shape_cast %broadcast_in_dim3A_4244 : vector<16x1xi32> to vector<16xi32>
    %gather3A_4246 = tpu.dynamic_gather %min3A_4239[%gather3A_4245] in [0] : vector<16xi32>, vector<16xi32> -> vector<16xi32>
    %min3A_4247 = arith.minsi %min3A_4239, %gather3A_4246 : vector<16xi32>
    %xor3A_4248 = arith.constant 4 : i32
    %xor3A_4249 = vector.broadcast %xor3A_4248 : i32 to vector<16xi32>
    %xor3A_4250 = arith.xori %iota3A_4240, %xor3A_4249 : vector<16xi32>
    %broadcast_in_dim3A_4251 = vector.shape_cast %xor3A_4250 : vector<16xi32> to vector<16x1xi32>
    %gather3A_4252 = vector.shape_cast %broadcast_in_dim3A_4251 : vector<16x1xi32> to vector<16xi32>
    %gather3A_4253 = tpu.dynamic_gather %min3A_4247[%gather3A_4252] in [0] : vector<16xi32>, vector<16xi32> -> vector<16xi32>
    %min3A_4254 = arith.minsi %min3A_4247, %gather3A_4253 : vector<16xi32>
    %xor3A_4255 = arith.constant 2 : i32
    %xor3A_4256 = vector.broadcast %xor3A_4255 : i32 to vector<16xi32>
    %xor3A_4257 = arith.xori %iota3A_4240, %xor3A_4256 : vector<16xi32>
    %broadcast_in_dim3A_4258 = vector.shape_cast %xor3A_4257 : vector<16xi32> to vector<16x1xi32>
    %gather3A_4259 = vector.shape_cast %broadcast_in_dim3A_4258 : vector<16x1xi32> to vector<16xi32>
    %gather3A_4260 = tpu.dynamic_gather %min3A_4254[%gather3A_4259] in [0] : vector<16xi32>, vector<16xi32> -> vector<16xi32>
    %min3A_4261 = arith.minsi %min3A_4254, %gather3A_4260 : vector<16xi32>
    %xor3A_4262 = arith.constant 1 : i32
    %xor3A_4263 = vector.broadcast %xor3A_4262 : i32 to vector<16xi32>
    %xor3A_4264 = arith.xori %iota3A_4240, %xor3A_4263 : vector<16xi32>
    %broadcast_in_dim3A_4265 = vector.shape_cast %xor3A_4264 : vector<16xi32> to vector<16x1xi32>
    %gather3A_4266 = vector.shape_cast %broadcast_in_dim3A_4265 : vector<16x1xi32> to vector<16xi32>
    %gather3A_4267 = tpu.dynamic_gather %min3A_4261[%gather3A_4266] in [0] : vector<16xi32>, vector<16xi32> -> vector<16xi32>
    %min3A_4268 = arith.minsi %min3A_4261, %gather3A_4267 : vector<16xi32>
    %add3A_4269 = arith.constant 0 : i32
    %add3A_4270 = vector.broadcast %add3A_4269 : i32 to vector<16xi32>
    %add3A_4271 = arith.addi %iota3A, %add3A_4270 : vector<16xi32>
    %eq3A_4272 = arith.cmpi eq, %add3A_4271, %min3A_4268 : vector<16xi32>
    %jit3A_4273 = arith.constant 0xFF800000 : f32
    %broadcast_in_dim3A_4274 = vector.broadcast %jit3A_4273 : f32 to vector<16xf32>
    %select_n3A_4275 = arith.select %eq3A_4272, %broadcast_in_dim3A_4274, %get3A_4172 : vector<16xi1>, vector<16xf32>
    %add3A_4276 = arith.constant 16 : i32
    %add3A_4277 = vector.broadcast %add3A_4276 : i32 to vector<16xi32>
    %add3A_4278 = arith.addi %iota3A, %add3A_4277 : vector<16xi32>
    %eq3A_4279 = arith.cmpi eq, %add3A_4278, %min3A_4268 : vector<16xi32>
    %jit3A_4280 = arith.constant 0xFF800000 : f32
    %broadcast_in_dim3A_4281 = vector.broadcast %jit3A_4280 : f32 to vector<16xf32>
    %select_n3A_4282 = arith.select %eq3A_4279, %broadcast_in_dim3A_4281, %get3A_4177 : vector<16xi1>, vector<16xf32>
    %add3A_4283 = arith.constant 32 : i32
    %add3A_4284 = vector.broadcast %add3A_4283 : i32 to vector<16xi32>
    %add3A_4285 = arith.addi %iota3A, %add3A_4284 : vector<16xi32>
    %eq3A_4286 = arith.cmpi eq, %add3A_4285, %min3A_4268 : vector<16xi32>
    %jit3A_4287 = arith.constant 0xFF800000 : f32
    %broadcast_in_dim3A_4288 = vector.broadcast %jit3A_4287 : f32 to vector<16xf32>
    %select_n3A_4289 = arith.select %eq3A_4286, %broadcast_in_dim3A_4288, %get3A_4182 : vector<16xi1>, vector<16xf32>
    %max3A_4290 = arith.maximumf %select_n3A_4275, %select_n3A_4282 : vector<16xf32>
    %max3A_4291 = arith.maximumf %max3A_4290, %select_n3A_4289 : vector<16xf32>
    %iota3A_4292 = tpu.iota {dimensions = array<i32: 0>} : vector<16xi32>
    %xor3A_4293 = arith.constant 8 : i32
    %xor3A_4294 = vector.broadcast %xor3A_4293 : i32 to vector<16xi32>
    %xor3A_4295 = arith.xori %iota3A_4292, %xor3A_4294 : vector<16xi32>
    %broadcast_in_dim3A_4296 = vector.shape_cast %xor3A_4295 : vector<16xi32> to vector<16x1xi32>
    %gather3A_4297 = vector.shape_cast %broadcast_in_dim3A_4296 : vector<16x1xi32> to vector<16xi32>
    %gather3A_4298 = tpu.dynamic_gather %max3A_4291[%gather3A_4297] in [0] : vector<16xf32>, vector<16xi32> -> vector<16xf32>
    %max3A_4299 = arith.maximumf %max3A_4291, %gather3A_4298 : vector<16xf32>
    %xor3A_4300 = arith.constant 4 : i32
    %xor3A_4301 = vector.broadcast %xor3A_4300 : i32 to vector<16xi32>
    %xor3A_4302 = arith.xori %iota3A_4292, %xor3A_4301 : vector<16xi32>
    %broadcast_in_dim3A_4303 = vector.shape_cast %xor3A_4302 : vector<16xi32> to vector<16x1xi32>
    %gather3A_4304 = vector.shape_cast %broadcast_in_dim3A_4303 : vector<16x1xi32> to vector<16xi32>
    %gather3A_4305 = tpu.dynamic_gather %max3A_4299[%gather3A_4304] in [0] : vector<16xf32>, vector<16xi32> -> vector<16xf32>
    %max3A_4306 = arith.maximumf %max3A_4299, %gather3A_4305 : vector<16xf32>
    %xor3A_4307 = arith.constant 2 : i32
    %xor3A_4308 = vector.broadcast %xor3A_4307 : i32 to vector<16xi32>
    %xor3A_4309 = arith.xori %iota3A_4292, %xor3A_4308 : vector<16xi32>
    %broadcast_in_dim3A_4310 = vector.shape_cast %xor3A_4309 : vector<16xi32> to vector<16x1xi32>
    %gather3A_4311 = vector.shape_cast %broadcast_in_dim3A_4310 : vector<16x1xi32> to vector<16xi32>
    %gather3A_4312 = tpu.dynamic_gather %max3A_4306[%gather3A_4311] in [0] : vector<16xf32>, vector<16xi32> -> vector<16xf32>
    %max3A_4313 = arith.maximumf %max3A_4306, %gather3A_4312 : vector<16xf32>
    %xor3A_4314 = arith.constant 1 : i32
    %xor3A_4315 = vector.broadcast %xor3A_4314 : i32 to vector<16xi32>
    %xor3A_4316 = arith.xori %iota3A_4292, %xor3A_4315 : vector<16xi32>
    %broadcast_in_dim3A_4317 = vector.shape_cast %xor3A_4316 : vector<16xi32> to vector<16x1xi32>
    %gather3A_4318 = vector.shape_cast %broadcast_in_dim3A_4317 : vector<16x1xi32> to vector<16xi32>
    %gather3A_4319 = tpu.dynamic_gather %max3A_4313[%gather3A_4318] in [0] : vector<16xf32>, vector<16xi32> -> vector<16xf32>
    %max3A_4320 = arith.maximumf %max3A_4313, %gather3A_4319 : vector<16xf32>
    %broadcast_in_dim3A_4321 = arith.constant 1048576 : i32
    %broadcast_in_dim3A_4322 = vector.broadcast %broadcast_in_dim3A_4321 : i32 to vector<16xi32>
    %ge3A_4323 = arith.cmpf oge, %select_n3A_4275, %max3A_4320 : vector<16xf32>
    %add3A_4324 = arith.constant 0 : i32
    %add3A_4325 = vector.broadcast %add3A_4324 : i32 to vector<16xi32>
    %add3A_4326 = arith.addi %iota3A, %add3A_4325 : vector<16xi32>
    %jit3A_4327 = arith.constant 1048576 : i32
    %broadcast_in_dim3A_4328 = vector.broadcast %jit3A_4327 : i32 to vector<16xi32>
    %select_n3A_4329 = arith.select %ge3A_4323, %add3A_4326, %broadcast_in_dim3A_4328 : vector<16xi1>, vector<16xi32>
    %min3A_4330 = arith.minsi %broadcast_in_dim3A_4322, %select_n3A_4329 : vector<16xi32>
    %ge3A_4331 = arith.cmpf oge, %select_n3A_4282, %max3A_4320 : vector<16xf32>
    %add3A_4332 = arith.constant 16 : i32
    %add3A_4333 = vector.broadcast %add3A_4332 : i32 to vector<16xi32>
    %add3A_4334 = arith.addi %iota3A, %add3A_4333 : vector<16xi32>
    %jit3A_4335 = arith.constant 1048576 : i32
    %broadcast_in_dim3A_4336 = vector.broadcast %jit3A_4335 : i32 to vector<16xi32>
    %select_n3A_4337 = arith.select %ge3A_4331, %add3A_4334, %broadcast_in_dim3A_4336 : vector<16xi1>, vector<16xi32>
    %min3A_4338 = arith.minsi %min3A_4330, %select_n3A_4337 : vector<16xi32>
    %ge3A_4339 = arith.cmpf oge, %select_n3A_4289, %max3A_4320 : vector<16xf32>
    %add3A_4340 = arith.constant 32 : i32
    %add3A_4341 = vector.broadcast %add3A_4340 : i32 to vector<16xi32>
    %add3A_4342 = arith.addi %iota3A, %add3A_4341 : vector<16xi32>
    %jit3A_4343 = arith.constant 1048576 : i32
    %broadcast_in_dim3A_4344 = vector.broadcast %jit3A_4343 : i32 to vector<16xi32>
    %select_n3A_4345 = arith.select %ge3A_4339, %add3A_4342, %broadcast_in_dim3A_4344 : vector<16xi1>, vector<16xi32>
    %min3A_4346 = arith.minsi %min3A_4338, %select_n3A_4345 : vector<16xi32>
    %iota3A_4347 = tpu.iota {dimensions = array<i32: 0>} : vector<16xi32>
    %xor3A_4348 = arith.constant 8 : i32
    %xor3A_4349 = vector.broadcast %xor3A_4348 : i32 to vector<16xi32>
    %xor3A_4350 = arith.xori %iota3A_4347, %xor3A_4349 : vector<16xi32>
    %broadcast_in_dim3A_4351 = vector.shape_cast %xor3A_4350 : vector<16xi32> to vector<16x1xi32>
    %gather3A_4352 = vector.shape_cast %broadcast_in_dim3A_4351 : vector<16x1xi32> to vector<16xi32>
    %gather3A_4353 = tpu.dynamic_gather %min3A_4346[%gather3A_4352] in [0] : vector<16xi32>, vector<16xi32> -> vector<16xi32>
    %min3A_4354 = arith.minsi %min3A_4346, %gather3A_4353 : vector<16xi32>
    %xor3A_4355 = arith.constant 4 : i32
    %xor3A_4356 = vector.broadcast %xor3A_4355 : i32 to vector<16xi32>
    %xor3A_4357 = arith.xori %iota3A_4347, %xor3A_4356 : vector<16xi32>
    %broadcast_in_dim3A_4358 = vector.shape_cast %xor3A_4357 : vector<16xi32> to vector<16x1xi32>
    %gather3A_4359 = vector.shape_cast %broadcast_in_dim3A_4358 : vector<16x1xi32> to vector<16xi32>
    %gather3A_4360 = tpu.dynamic_gather %min3A_4354[%gather3A_4359] in [0] : vector<16xi32>, vector<16xi32> -> vector<16xi32>
    %min3A_4361 = arith.minsi %min3A_4354, %gather3A_4360 : vector<16xi32>
    %xor3A_4362 = arith.constant 2 : i32
    %xor3A_4363 = vector.broadcast %xor3A_4362 : i32 to vector<16xi32>
    %xor3A_4364 = arith.xori %iota3A_4347, %xor3A_4363 : vector<16xi32>
    %broadcast_in_dim3A_4365 = vector.shape_cast %xor3A_4364 : vector<16xi32> to vector<16x1xi32>
    %gather3A_4366 = vector.shape_cast %broadcast_in_dim3A_4365 : vector<16x1xi32> to vector<16xi32>
    %gather3A_4367 = tpu.dynamic_gather %min3A_4361[%gather3A_4366] in [0] : vector<16xi32>, vector<16xi32> -> vector<16xi32>
    %min3A_4368 = arith.minsi %min3A_4361, %gather3A_4367 : vector<16xi32>
    %xor3A_4369 = arith.constant 1 : i32
    %xor3A_4370 = vector.broadcast %xor3A_4369 : i32 to vector<16xi32>
    %xor3A_4371 = arith.xori %iota3A_4347, %xor3A_4370 : vector<16xi32>
    %broadcast_in_dim3A_4372 = vector.shape_cast %xor3A_4371 : vector<16xi32> to vector<16x1xi32>
    %gather3A_4373 = vector.shape_cast %broadcast_in_dim3A_4372 : vector<16x1xi32> to vector<16xi32>
    %gather3A_4374 = tpu.dynamic_gather %min3A_4368[%gather3A_4373] in [0] : vector<16xi32>, vector<16xi32> -> vector<16xi32>
    %min3A_4375 = arith.minsi %min3A_4368, %gather3A_4374 : vector<16xi32>
    %add3A_4376 = arith.constant 0 : i32
    %add3A_4377 = vector.broadcast %add3A_4376 : i32 to vector<16xi32>
    %add3A_4378 = arith.addi %iota3A, %add3A_4377 : vector<16xi32>
    %eq3A_4379 = arith.cmpi eq, %add3A_4378, %min3A_4375 : vector<16xi32>
    %jit3A_4380 = arith.constant 0xFF800000 : f32
    %broadcast_in_dim3A_4381 = vector.broadcast %jit3A_4380 : f32 to vector<16xf32>
    %select_n3A_4382 = arith.select %eq3A_4379, %broadcast_in_dim3A_4381, %select_n3A_4275 : vector<16xi1>, vector<16xf32>
    %add3A_4383 = arith.constant 16 : i32
    %add3A_4384 = vector.broadcast %add3A_4383 : i32 to vector<16xi32>
    %add3A_4385 = arith.addi %iota3A, %add3A_4384 : vector<16xi32>
    %eq3A_4386 = arith.cmpi eq, %add3A_4385, %min3A_4375 : vector<16xi32>
    %jit3A_4387 = arith.constant 0xFF800000 : f32
    %broadcast_in_dim3A_4388 = vector.broadcast %jit3A_4387 : f32 to vector<16xf32>
    %select_n3A_4389 = arith.select %eq3A_4386, %broadcast_in_dim3A_4388, %select_n3A_4282 : vector<16xi1>, vector<16xf32>
    %add3A_4390 = arith.constant 32 : i32
    %add3A_4391 = vector.broadcast %add3A_4390 : i32 to vector<16xi32>
    %add3A_4392 = arith.addi %iota3A, %add3A_4391 : vector<16xi32>
    %eq3A_4393 = arith.cmpi eq, %add3A_4392, %min3A_4375 : vector<16xi32>
    %jit3A_4394 = arith.constant 0xFF800000 : f32
    %broadcast_in_dim3A_4395 = vector.broadcast %jit3A_4394 : f32 to vector<16xf32>
    %select_n3A_4396 = arith.select %eq3A_4393, %broadcast_in_dim3A_4395, %select_n3A_4289 : vector<16xi1>, vector<16xf32>
    %max3A_4397 = arith.maximumf %select_n3A_4382, %select_n3A_4389 : vector<16xf32>
    %max3A_4398 = arith.maximumf %max3A_4397, %select_n3A_4396 : vector<16xf32>
    %iota3A_4399 = tpu.iota {dimensions = array<i32: 0>} : vector<16xi32>
    %xor3A_4400 = arith.constant 8 : i32
    %xor3A_4401 = vector.broadcast %xor3A_4400 : i32 to vector<16xi32>
    %xor3A_4402 = arith.xori %iota3A_4399, %xor3A_4401 : vector<16xi32>
    %broadcast_in_dim3A_4403 = vector.shape_cast %xor3A_4402 : vector<16xi32> to vector<16x1xi32>
    %gather3A_4404 = vector.shape_cast %broadcast_in_dim3A_4403 : vector<16x1xi32> to vector<16xi32>
    %gather3A_4405 = tpu.dynamic_gather %max3A_4398[%gather3A_4404] in [0] : vector<16xf32>, vector<16xi32> -> vector<16xf32>
    %max3A_4406 = arith.maximumf %max3A_4398, %gather3A_4405 : vector<16xf32>
    %xor3A_4407 = arith.constant 4 : i32
    %xor3A_4408 = vector.broadcast %xor3A_4407 : i32 to vector<16xi32>
    %xor3A_4409 = arith.xori %iota3A_4399, %xor3A_4408 : vector<16xi32>
    %broadcast_in_dim3A_4410 = vector.shape_cast %xor3A_4409 : vector<16xi32> to vector<16x1xi32>
    %gather3A_4411 = vector.shape_cast %broadcast_in_dim3A_4410 : vector<16x1xi32> to vector<16xi32>
    %gather3A_4412 = tpu.dynamic_gather %max3A_4406[%gather3A_4411] in [0] : vector<16xf32>, vector<16xi32> -> vector<16xf32>
    %max3A_4413 = arith.maximumf %max3A_4406, %gather3A_4412 : vector<16xf32>
    %xor3A_4414 = arith.constant 2 : i32
    %xor3A_4415 = vector.broadcast %xor3A_4414 : i32 to vector<16xi32>
    %xor3A_4416 = arith.xori %iota3A_4399, %xor3A_4415 : vector<16xi32>
    %broadcast_in_dim3A_4417 = vector.shape_cast %xor3A_4416 : vector<16xi32> to vector<16x1xi32>
    %gather3A_4418 = vector.shape_cast %broadcast_in_dim3A_4417 : vector<16x1xi32> to vector<16xi32>
    %gather3A_4419 = tpu.dynamic_gather %max3A_4413[%gather3A_4418] in [0] : vector<16xf32>, vector<16xi32> -> vector<16xf32>
    %max3A_4420 = arith.maximumf %max3A_4413, %gather3A_4419 : vector<16xf32>
    %xor3A_4421 = arith.constant 1 : i32
    %xor3A_4422 = vector.broadcast %xor3A_4421 : i32 to vector<16xi32>
    %xor3A_4423 = arith.xori %iota3A_4399, %xor3A_4422 : vector<16xi32>
    %broadcast_in_dim3A_4424 = vector.shape_cast %xor3A_4423 : vector<16xi32> to vector<16x1xi32>
    %gather3A_4425 = vector.shape_cast %broadcast_in_dim3A_4424 : vector<16x1xi32> to vector<16xi32>
    %gather3A_4426 = tpu.dynamic_gather %max3A_4420[%gather3A_4425] in [0] : vector<16xf32>, vector<16xi32> -> vector<16xf32>
    %max3A_4427 = arith.maximumf %max3A_4420, %gather3A_4426 : vector<16xf32>
    %broadcast_in_dim3A_4428 = arith.constant 1048576 : i32
    %broadcast_in_dim3A_4429 = vector.broadcast %broadcast_in_dim3A_4428 : i32 to vector<16xi32>
    %ge3A_4430 = arith.cmpf oge, %select_n3A_4382, %max3A_4427 : vector<16xf32>
    %add3A_4431 = arith.constant 0 : i32
    %add3A_4432 = vector.broadcast %add3A_4431 : i32 to vector<16xi32>
    %add3A_4433 = arith.addi %iota3A, %add3A_4432 : vector<16xi32>
    %jit3A_4434 = arith.constant 1048576 : i32
    %broadcast_in_dim3A_4435 = vector.broadcast %jit3A_4434 : i32 to vector<16xi32>
    %select_n3A_4436 = arith.select %ge3A_4430, %add3A_4433, %broadcast_in_dim3A_4435 : vector<16xi1>, vector<16xi32>
    %min3A_4437 = arith.minsi %broadcast_in_dim3A_4429, %select_n3A_4436 : vector<16xi32>
    %ge3A_4438 = arith.cmpf oge, %select_n3A_4389, %max3A_4427 : vector<16xf32>
    %add3A_4439 = arith.constant 16 : i32
    %add3A_4440 = vector.broadcast %add3A_4439 : i32 to vector<16xi32>
    %add3A_4441 = arith.addi %iota3A, %add3A_4440 : vector<16xi32>
    %jit3A_4442 = arith.constant 1048576 : i32
    %broadcast_in_dim3A_4443 = vector.broadcast %jit3A_4442 : i32 to vector<16xi32>
    %select_n3A_4444 = arith.select %ge3A_4438, %add3A_4441, %broadcast_in_dim3A_4443 : vector<16xi1>, vector<16xi32>
    %min3A_4445 = arith.minsi %min3A_4437, %select_n3A_4444 : vector<16xi32>
    %ge3A_4446 = arith.cmpf oge, %select_n3A_4396, %max3A_4427 : vector<16xf32>
    %add3A_4447 = arith.constant 32 : i32
    %add3A_4448 = vector.broadcast %add3A_4447 : i32 to vector<16xi32>
    %add3A_4449 = arith.addi %iota3A, %add3A_4448 : vector<16xi32>
    %jit3A_4450 = arith.constant 1048576 : i32
    %broadcast_in_dim3A_4451 = vector.broadcast %jit3A_4450 : i32 to vector<16xi32>
    %select_n3A_4452 = arith.select %ge3A_4446, %add3A_4449, %broadcast_in_dim3A_4451 : vector<16xi1>, vector<16xi32>
    %min3A_4453 = arith.minsi %min3A_4445, %select_n3A_4452 : vector<16xi32>
    %iota3A_4454 = tpu.iota {dimensions = array<i32: 0>} : vector<16xi32>
    %xor3A_4455 = arith.constant 8 : i32
    %xor3A_4456 = vector.broadcast %xor3A_4455 : i32 to vector<16xi32>
    %xor3A_4457 = arith.xori %iota3A_4454, %xor3A_4456 : vector<16xi32>
    %broadcast_in_dim3A_4458 = vector.shape_cast %xor3A_4457 : vector<16xi32> to vector<16x1xi32>
    %gather3A_4459 = vector.shape_cast %broadcast_in_dim3A_4458 : vector<16x1xi32> to vector<16xi32>
    %gather3A_4460 = tpu.dynamic_gather %min3A_4453[%gather3A_4459] in [0] : vector<16xi32>, vector<16xi32> -> vector<16xi32>
    %min3A_4461 = arith.minsi %min3A_4453, %gather3A_4460 : vector<16xi32>
    %xor3A_4462 = arith.constant 4 : i32
    %xor3A_4463 = vector.broadcast %xor3A_4462 : i32 to vector<16xi32>
    %xor3A_4464 = arith.xori %iota3A_4454, %xor3A_4463 : vector<16xi32>
    %broadcast_in_dim3A_4465 = vector.shape_cast %xor3A_4464 : vector<16xi32> to vector<16x1xi32>
    %gather3A_4466 = vector.shape_cast %broadcast_in_dim3A_4465 : vector<16x1xi32> to vector<16xi32>
    %gather3A_4467 = tpu.dynamic_gather %min3A_4461[%gather3A_4466] in [0] : vector<16xi32>, vector<16xi32> -> vector<16xi32>
    %min3A_4468 = arith.minsi %min3A_4461, %gather3A_4467 : vector<16xi32>
    %xor3A_4469 = arith.constant 2 : i32
    %xor3A_4470 = vector.broadcast %xor3A_4469 : i32 to vector<16xi32>
    %xor3A_4471 = arith.xori %iota3A_4454, %xor3A_4470 : vector<16xi32>
    %broadcast_in_dim3A_4472 = vector.shape_cast %xor3A_4471 : vector<16xi32> to vector<16x1xi32>
    %gather3A_4473 = vector.shape_cast %broadcast_in_dim3A_4472 : vector<16x1xi32> to vector<16xi32>
    %gather3A_4474 = tpu.dynamic_gather %min3A_4468[%gather3A_4473] in [0] : vector<16xi32>, vector<16xi32> -> vector<16xi32>
    %min3A_4475 = arith.minsi %min3A_4468, %gather3A_4474 : vector<16xi32>
    %xor3A_4476 = arith.constant 1 : i32
    %xor3A_4477 = vector.broadcast %xor3A_4476 : i32 to vector<16xi32>
    %xor3A_4478 = arith.xori %iota3A_4454, %xor3A_4477 : vector<16xi32>
    %broadcast_in_dim3A_4479 = vector.shape_cast %xor3A_4478 : vector<16xi32> to vector<16x1xi32>
    %gather3A_4480 = vector.shape_cast %broadcast_in_dim3A_4479 : vector<16x1xi32> to vector<16xi32>
    %gather3A_4481 = tpu.dynamic_gather %min3A_4475[%gather3A_4480] in [0] : vector<16xi32>, vector<16xi32> -> vector<16xi32>
    %min3A_4482 = arith.minsi %min3A_4475, %gather3A_4481 : vector<16xi32>
    %add3A_4483 = arith.constant 0 : i32
    %add3A_4484 = vector.broadcast %add3A_4483 : i32 to vector<16xi32>
    %add3A_4485 = arith.addi %iota3A, %add3A_4484 : vector<16xi32>
    %eq3A_4486 = arith.cmpi eq, %add3A_4485, %min3A_4482 : vector<16xi32>
    %jit3A_4487 = arith.constant 0xFF800000 : f32
    %broadcast_in_dim3A_4488 = vector.broadcast %jit3A_4487 : f32 to vector<16xf32>
    %select_n3A_4489 = arith.select %eq3A_4486, %broadcast_in_dim3A_4488, %select_n3A_4382 : vector<16xi1>, vector<16xf32>
    %add3A_4490 = arith.constant 16 : i32
    %add3A_4491 = vector.broadcast %add3A_4490 : i32 to vector<16xi32>
    %add3A_4492 = arith.addi %iota3A, %add3A_4491 : vector<16xi32>
    %eq3A_4493 = arith.cmpi eq, %add3A_4492, %min3A_4482 : vector<16xi32>
    %jit3A_4494 = arith.constant 0xFF800000 : f32
    %broadcast_in_dim3A_4495 = vector.broadcast %jit3A_4494 : f32 to vector<16xf32>
    %select_n3A_4496 = arith.select %eq3A_4493, %broadcast_in_dim3A_4495, %select_n3A_4389 : vector<16xi1>, vector<16xf32>
    %add3A_4497 = arith.constant 32 : i32
    %add3A_4498 = vector.broadcast %add3A_4497 : i32 to vector<16xi32>
    %add3A_4499 = arith.addi %iota3A, %add3A_4498 : vector<16xi32>
    %eq3A_4500 = arith.cmpi eq, %add3A_4499, %min3A_4482 : vector<16xi32>
    %jit3A_4501 = arith.constant 0xFF800000 : f32
    %broadcast_in_dim3A_4502 = vector.broadcast %jit3A_4501 : f32 to vector<16xf32>
    %select_n3A_4503 = arith.select %eq3A_4500, %broadcast_in_dim3A_4502, %select_n3A_4396 : vector<16xi1>, vector<16xf32>
    %max3A_4504 = arith.maximumf %select_n3A_4489, %select_n3A_4496 : vector<16xf32>
    %max3A_4505 = arith.maximumf %max3A_4504, %select_n3A_4503 : vector<16xf32>
    %iota3A_4506 = tpu.iota {dimensions = array<i32: 0>} : vector<16xi32>
    %xor3A_4507 = arith.constant 8 : i32
    %xor3A_4508 = vector.broadcast %xor3A_4507 : i32 to vector<16xi32>
    %xor3A_4509 = arith.xori %iota3A_4506, %xor3A_4508 : vector<16xi32>
    %broadcast_in_dim3A_4510 = vector.shape_cast %xor3A_4509 : vector<16xi32> to vector<16x1xi32>
    %gather3A_4511 = vector.shape_cast %broadcast_in_dim3A_4510 : vector<16x1xi32> to vector<16xi32>
    %gather3A_4512 = tpu.dynamic_gather %max3A_4505[%gather3A_4511] in [0] : vector<16xf32>, vector<16xi32> -> vector<16xf32>
    %max3A_4513 = arith.maximumf %max3A_4505, %gather3A_4512 : vector<16xf32>
    %xor3A_4514 = arith.constant 4 : i32
    %xor3A_4515 = vector.broadcast %xor3A_4514 : i32 to vector<16xi32>
    %xor3A_4516 = arith.xori %iota3A_4506, %xor3A_4515 : vector<16xi32>
    %broadcast_in_dim3A_4517 = vector.shape_cast %xor3A_4516 : vector<16xi32> to vector<16x1xi32>
    %gather3A_4518 = vector.shape_cast %broadcast_in_dim3A_4517 : vector<16x1xi32> to vector<16xi32>
    %gather3A_4519 = tpu.dynamic_gather %max3A_4513[%gather3A_4518] in [0] : vector<16xf32>, vector<16xi32> -> vector<16xf32>
    %max3A_4520 = arith.maximumf %max3A_4513, %gather3A_4519 : vector<16xf32>
    %xor3A_4521 = arith.constant 2 : i32
    %xor3A_4522 = vector.broadcast %xor3A_4521 : i32 to vector<16xi32>
    %xor3A_4523 = arith.xori %iota3A_4506, %xor3A_4522 : vector<16xi32>
    %broadcast_in_dim3A_4524 = vector.shape_cast %xor3A_4523 : vector<16xi32> to vector<16x1xi32>
    %gather3A_4525 = vector.shape_cast %broadcast_in_dim3A_4524 : vector<16x1xi32> to vector<16xi32>
    %gather3A_4526 = tpu.dynamic_gather %max3A_4520[%gather3A_4525] in [0] : vector<16xf32>, vector<16xi32> -> vector<16xf32>
    %max3A_4527 = arith.maximumf %max3A_4520, %gather3A_4526 : vector<16xf32>
    %xor3A_4528 = arith.constant 1 : i32
    %xor3A_4529 = vector.broadcast %xor3A_4528 : i32 to vector<16xi32>
    %xor3A_4530 = arith.xori %iota3A_4506, %xor3A_4529 : vector<16xi32>
    %broadcast_in_dim3A_4531 = vector.shape_cast %xor3A_4530 : vector<16xi32> to vector<16x1xi32>
    %gather3A_4532 = vector.shape_cast %broadcast_in_dim3A_4531 : vector<16x1xi32> to vector<16xi32>
    %gather3A_4533 = tpu.dynamic_gather %max3A_4527[%gather3A_4532] in [0] : vector<16xf32>, vector<16xi32> -> vector<16xf32>
    %max3A_4534 = arith.maximumf %max3A_4527, %gather3A_4533 : vector<16xf32>
    %broadcast_in_dim3A_4535 = arith.constant 1048576 : i32
    %broadcast_in_dim3A_4536 = vector.broadcast %broadcast_in_dim3A_4535 : i32 to vector<16xi32>
    %ge3A_4537 = arith.cmpf oge, %select_n3A_4489, %max3A_4534 : vector<16xf32>
    %add3A_4538 = arith.constant 0 : i32
    %add3A_4539 = vector.broadcast %add3A_4538 : i32 to vector<16xi32>
    %add3A_4540 = arith.addi %iota3A, %add3A_4539 : vector<16xi32>
    %jit3A_4541 = arith.constant 1048576 : i32
    %broadcast_in_dim3A_4542 = vector.broadcast %jit3A_4541 : i32 to vector<16xi32>
    %select_n3A_4543 = arith.select %ge3A_4537, %add3A_4540, %broadcast_in_dim3A_4542 : vector<16xi1>, vector<16xi32>
    %min3A_4544 = arith.minsi %broadcast_in_dim3A_4536, %select_n3A_4543 : vector<16xi32>
    %ge3A_4545 = arith.cmpf oge, %select_n3A_4496, %max3A_4534 : vector<16xf32>
    %add3A_4546 = arith.constant 16 : i32
    %add3A_4547 = vector.broadcast %add3A_4546 : i32 to vector<16xi32>
    %add3A_4548 = arith.addi %iota3A, %add3A_4547 : vector<16xi32>
    %jit3A_4549 = arith.constant 1048576 : i32
    %broadcast_in_dim3A_4550 = vector.broadcast %jit3A_4549 : i32 to vector<16xi32>
    %select_n3A_4551 = arith.select %ge3A_4545, %add3A_4548, %broadcast_in_dim3A_4550 : vector<16xi1>, vector<16xi32>
    %min3A_4552 = arith.minsi %min3A_4544, %select_n3A_4551 : vector<16xi32>
    %ge3A_4553 = arith.cmpf oge, %select_n3A_4503, %max3A_4534 : vector<16xf32>
    %add3A_4554 = arith.constant 32 : i32
    %add3A_4555 = vector.broadcast %add3A_4554 : i32 to vector<16xi32>
    %add3A_4556 = arith.addi %iota3A, %add3A_4555 : vector<16xi32>
    %jit3A_4557 = arith.constant 1048576 : i32
    %broadcast_in_dim3A_4558 = vector.broadcast %jit3A_4557 : i32 to vector<16xi32>
    %select_n3A_4559 = arith.select %ge3A_4553, %add3A_4556, %broadcast_in_dim3A_4558 : vector<16xi1>, vector<16xi32>
    %min3A_4560 = arith.minsi %min3A_4552, %select_n3A_4559 : vector<16xi32>
    %iota3A_4561 = tpu.iota {dimensions = array<i32: 0>} : vector<16xi32>
    %xor3A_4562 = arith.constant 8 : i32
    %xor3A_4563 = vector.broadcast %xor3A_4562 : i32 to vector<16xi32>
    %xor3A_4564 = arith.xori %iota3A_4561, %xor3A_4563 : vector<16xi32>
    %broadcast_in_dim3A_4565 = vector.shape_cast %xor3A_4564 : vector<16xi32> to vector<16x1xi32>
    %gather3A_4566 = vector.shape_cast %broadcast_in_dim3A_4565 : vector<16x1xi32> to vector<16xi32>
    %gather3A_4567 = tpu.dynamic_gather %min3A_4560[%gather3A_4566] in [0] : vector<16xi32>, vector<16xi32> -> vector<16xi32>
    %min3A_4568 = arith.minsi %min3A_4560, %gather3A_4567 : vector<16xi32>
    %xor3A_4569 = arith.constant 4 : i32
    %xor3A_4570 = vector.broadcast %xor3A_4569 : i32 to vector<16xi32>
    %xor3A_4571 = arith.xori %iota3A_4561, %xor3A_4570 : vector<16xi32>
    %broadcast_in_dim3A_4572 = vector.shape_cast %xor3A_4571 : vector<16xi32> to vector<16x1xi32>
    %gather3A_4573 = vector.shape_cast %broadcast_in_dim3A_4572 : vector<16x1xi32> to vector<16xi32>
    %gather3A_4574 = tpu.dynamic_gather %min3A_4568[%gather3A_4573] in [0] : vector<16xi32>, vector<16xi32> -> vector<16xi32>
    %min3A_4575 = arith.minsi %min3A_4568, %gather3A_4574 : vector<16xi32>
    %xor3A_4576 = arith.constant 2 : i32
    %xor3A_4577 = vector.broadcast %xor3A_4576 : i32 to vector<16xi32>
    %xor3A_4578 = arith.xori %iota3A_4561, %xor3A_4577 : vector<16xi32>
    %broadcast_in_dim3A_4579 = vector.shape_cast %xor3A_4578 : vector<16xi32> to vector<16x1xi32>
    %gather3A_4580 = vector.shape_cast %broadcast_in_dim3A_4579 : vector<16x1xi32> to vector<16xi32>
    %gather3A_4581 = tpu.dynamic_gather %min3A_4575[%gather3A_4580] in [0] : vector<16xi32>, vector<16xi32> -> vector<16xi32>
    %min3A_4582 = arith.minsi %min3A_4575, %gather3A_4581 : vector<16xi32>
    %xor3A_4583 = arith.constant 1 : i32
    %xor3A_4584 = vector.broadcast %xor3A_4583 : i32 to vector<16xi32>
    %xor3A_4585 = arith.xori %iota3A_4561, %xor3A_4584 : vector<16xi32>
    %broadcast_in_dim3A_4586 = vector.shape_cast %xor3A_4585 : vector<16xi32> to vector<16x1xi32>
    %gather3A_4587 = vector.shape_cast %broadcast_in_dim3A_4586 : vector<16x1xi32> to vector<16xi32>
    %gather3A_4588 = tpu.dynamic_gather %min3A_4582[%gather3A_4587] in [0] : vector<16xi32>, vector<16xi32> -> vector<16xi32>
    %min3A_4589 = arith.minsi %min3A_4582, %gather3A_4588 : vector<16xi32>
    %add3A_4590 = arith.constant 0 : i32
    %add3A_4591 = vector.broadcast %add3A_4590 : i32 to vector<16xi32>
    %add3A_4592 = arith.addi %iota3A, %add3A_4591 : vector<16xi32>
    %eq3A_4593 = arith.cmpi eq, %add3A_4592, %min3A_4589 : vector<16xi32>
    %jit3A_4594 = arith.constant 0xFF800000 : f32
    %broadcast_in_dim3A_4595 = vector.broadcast %jit3A_4594 : f32 to vector<16xf32>
    %select_n3A_4596 = arith.select %eq3A_4593, %broadcast_in_dim3A_4595, %select_n3A_4489 : vector<16xi1>, vector<16xf32>
    %add3A_4597 = arith.constant 16 : i32
    %add3A_4598 = vector.broadcast %add3A_4597 : i32 to vector<16xi32>
    %add3A_4599 = arith.addi %iota3A, %add3A_4598 : vector<16xi32>
    %eq3A_4600 = arith.cmpi eq, %add3A_4599, %min3A_4589 : vector<16xi32>
    %jit3A_4601 = arith.constant 0xFF800000 : f32
    %broadcast_in_dim3A_4602 = vector.broadcast %jit3A_4601 : f32 to vector<16xf32>
    %select_n3A_4603 = arith.select %eq3A_4600, %broadcast_in_dim3A_4602, %select_n3A_4496 : vector<16xi1>, vector<16xf32>
    %add3A_4604 = arith.constant 32 : i32
    %add3A_4605 = vector.broadcast %add3A_4604 : i32 to vector<16xi32>
    %add3A_4606 = arith.addi %iota3A, %add3A_4605 : vector<16xi32>
    %eq3A_4607 = arith.cmpi eq, %add3A_4606, %min3A_4589 : vector<16xi32>
    %jit3A_4608 = arith.constant 0xFF800000 : f32
    %broadcast_in_dim3A_4609 = vector.broadcast %jit3A_4608 : f32 to vector<16xf32>
    %select_n3A_4610 = arith.select %eq3A_4607, %broadcast_in_dim3A_4609, %select_n3A_4503 : vector<16xi1>, vector<16xf32>
    %broadcast_in_dim3A_4611 = arith.constant 0xFF800000 : f32
    %broadcast_in_dim3A_4612 = vector.broadcast %broadcast_in_dim3A_4611 : f32 to vector<16xf32>
    %eq3A_4613 = arith.constant 0 : i32
    %eq3A_4614 = vector.broadcast %eq3A_4613 : i32 to vector<16xi32>
    %eq3A_4615 = arith.cmpi eq, %iota3A, %eq3A_4614 : vector<16xi32>
    %select_n3A_4616 = arith.select %eq3A_4615, %max3A_4213, %broadcast_in_dim3A_4612 : vector<16xi1>, vector<16xf32>
    %eq3A_4617 = arith.constant 1 : i32
    %eq3A_4618 = vector.broadcast %eq3A_4617 : i32 to vector<16xi32>
    %eq3A_4619 = arith.cmpi eq, %iota3A, %eq3A_4618 : vector<16xi32>
    %select_n3A_4620 = arith.select %eq3A_4619, %max3A_4320, %select_n3A_4616 : vector<16xi1>, vector<16xf32>
    %eq3A_4621 = arith.constant 2 : i32
    %eq3A_4622 = vector.broadcast %eq3A_4621 : i32 to vector<16xi32>
    %eq3A_4623 = arith.cmpi eq, %iota3A, %eq3A_4622 : vector<16xi32>
    %select_n3A_4624 = arith.select %eq3A_4623, %max3A_4427, %select_n3A_4620 : vector<16xi1>, vector<16xf32>
    %eq3A_4625 = arith.constant 3 : i32
    %eq3A_4626 = vector.broadcast %eq3A_4625 : i32 to vector<16xi32>
    %eq3A_4627 = arith.cmpi eq, %iota3A, %eq3A_4626 : vector<16xi32>
    %select_n3A_4628 = arith.select %eq3A_4627, %max3A_4534, %select_n3A_4624 : vector<16xi1>, vector<16xf32>
    %sub3A_4629 = arith.subf %select_n3A_4628, %max3A_4213 : vector<16xf32>
    %exp3A_4630 = math.exp %sub3A_4629 : vector<16xf32>
    %iota3A_4631 = tpu.iota {dimensions = array<i32: 0>} : vector<16xi32>
    %xor3A_4632 = arith.constant 8 : i32
    %xor3A_4633 = vector.broadcast %xor3A_4632 : i32 to vector<16xi32>
    %xor3A_4634 = arith.xori %iota3A_4631, %xor3A_4633 : vector<16xi32>
    %broadcast_in_dim3A_4635 = vector.shape_cast %xor3A_4634 : vector<16xi32> to vector<16x1xi32>
    %gather3A_4636 = vector.shape_cast %broadcast_in_dim3A_4635 : vector<16x1xi32> to vector<16xi32>
    %gather3A_4637 = tpu.dynamic_gather %exp3A_4630[%gather3A_4636] in [0] : vector<16xf32>, vector<16xi32> -> vector<16xf32>
    %add3A_4638 = arith.addf %exp3A_4630, %gather3A_4637 : vector<16xf32>
    %xor3A_4639 = arith.constant 4 : i32
    %xor3A_4640 = vector.broadcast %xor3A_4639 : i32 to vector<16xi32>
    %xor3A_4641 = arith.xori %iota3A_4631, %xor3A_4640 : vector<16xi32>
    %broadcast_in_dim3A_4642 = vector.shape_cast %xor3A_4641 : vector<16xi32> to vector<16x1xi32>
    %gather3A_4643 = vector.shape_cast %broadcast_in_dim3A_4642 : vector<16x1xi32> to vector<16xi32>
    %gather3A_4644 = tpu.dynamic_gather %add3A_4638[%gather3A_4643] in [0] : vector<16xf32>, vector<16xi32> -> vector<16xf32>
    %add3A_4645 = arith.addf %add3A_4638, %gather3A_4644 : vector<16xf32>
    %xor3A_4646 = arith.constant 2 : i32
    %xor3A_4647 = vector.broadcast %xor3A_4646 : i32 to vector<16xi32>
    %xor3A_4648 = arith.xori %iota3A_4631, %xor3A_4647 : vector<16xi32>
    %broadcast_in_dim3A_4649 = vector.shape_cast %xor3A_4648 : vector<16xi32> to vector<16x1xi32>
    %gather3A_4650 = vector.shape_cast %broadcast_in_dim3A_4649 : vector<16x1xi32> to vector<16xi32>
    %gather3A_4651 = tpu.dynamic_gather %add3A_4645[%gather3A_4650] in [0] : vector<16xf32>, vector<16xi32> -> vector<16xf32>
    %add3A_4652 = arith.addf %add3A_4645, %gather3A_4651 : vector<16xf32>
    %xor3A_4653 = arith.constant 1 : i32
    %xor3A_4654 = vector.broadcast %xor3A_4653 : i32 to vector<16xi32>
    %xor3A_4655 = arith.xori %iota3A_4631, %xor3A_4654 : vector<16xi32>
    %broadcast_in_dim3A_4656 = vector.shape_cast %xor3A_4655 : vector<16xi32> to vector<16x1xi32>
    %gather3A_4657 = vector.shape_cast %broadcast_in_dim3A_4656 : vector<16x1xi32> to vector<16xi32>
    %gather3A_4658 = tpu.dynamic_gather %add3A_4652[%gather3A_4657] in [0] : vector<16xf32>, vector<16xi32> -> vector<16xf32>
    %add3A_4659 = arith.addf %add3A_4652, %gather3A_4658 : vector<16xf32>
    %div3A_4660 = arith.divf %exp3A_4630, %add3A_4659 : vector<16xf32>
    %broadcast_in_dim3A_4661 = arith.constant 0 : i32
    %broadcast_in_dim3A_4662 = vector.broadcast %broadcast_in_dim3A_4661 : i32 to vector<16xi32>
    %broadcast_in_dim3A_4663 = vector.shape_cast %broadcast_in_dim3A_4662 : vector<16xi32> to vector<16x1xi32>
    %gather3A_4664 = vector.shape_cast %broadcast_in_dim3A_4663 : vector<16x1xi32> to vector<16xi32>
    %gather3A_4665 = tpu.dynamic_gather %div3A_4660[%gather3A_4664] in [0] : vector<16xf32>, vector<16xi32> -> vector<16xf32>
    %broadcast_in_dim3A_4666 = arith.constant 1 : i32
    %broadcast_in_dim3A_4667 = vector.broadcast %broadcast_in_dim3A_4666 : i32 to vector<16xi32>
    %broadcast_in_dim3A_4668 = vector.shape_cast %broadcast_in_dim3A_4667 : vector<16xi32> to vector<16x1xi32>
    %gather3A_4669 = vector.shape_cast %broadcast_in_dim3A_4668 : vector<16x1xi32> to vector<16xi32>
    %gather3A_4670 = tpu.dynamic_gather %div3A_4660[%gather3A_4669] in [0] : vector<16xf32>, vector<16xi32> -> vector<16xf32>
    %broadcast_in_dim3A_4671 = arith.constant 2 : i32
    %broadcast_in_dim3A_4672 = vector.broadcast %broadcast_in_dim3A_4671 : i32 to vector<16xi32>
    %broadcast_in_dim3A_4673 = vector.shape_cast %broadcast_in_dim3A_4672 : vector<16xi32> to vector<16x1xi32>
    %gather3A_4674 = vector.shape_cast %broadcast_in_dim3A_4673 : vector<16x1xi32> to vector<16xi32>
    %gather3A_4675 = tpu.dynamic_gather %div3A_4660[%gather3A_4674] in [0] : vector<16xf32>, vector<16xi32> -> vector<16xf32>
    %broadcast_in_dim3A_4676 = arith.constant 3 : i32
    %broadcast_in_dim3A_4677 = vector.broadcast %broadcast_in_dim3A_4676 : i32 to vector<16xi32>
    %broadcast_in_dim3A_4678 = vector.shape_cast %broadcast_in_dim3A_4677 : vector<16xi32> to vector<16x1xi32>
    %gather3A_4679 = vector.shape_cast %broadcast_in_dim3A_4678 : vector<16x1xi32> to vector<16xi32>
    %gather3A_4680 = tpu.dynamic_gather %div3A_4660[%gather3A_4679] in [0] : vector<16xf32>, vector<16xi32> -> vector<16xf32>
    %broadcast_in_dim3A_4681 = arith.constant 0.000000e+00 : f32
    %broadcast_in_dim3A_4682 = vector.broadcast %broadcast_in_dim3A_4681 : f32 to vector<16xf32>
    %add3A_4683 = arith.constant 0 : i32
    %add3A_4684 = vector.broadcast %add3A_4683 : i32 to vector<16xi32>
    %add3A_4685 = arith.addi %iota3A, %add3A_4684 : vector<16xi32>
    %eq3A_4686 = arith.cmpi eq, %add3A_4685, %min3A_4268 : vector<16xi32>
    %select_n3A_4687 = arith.select %eq3A_4686, %gather3A_4665, %broadcast_in_dim3A_4682 : vector<16xi1>, vector<16xf32>
    %add3A_4688 = arith.constant 0 : i32
    %add3A_4689 = vector.broadcast %add3A_4688 : i32 to vector<16xi32>
    %add3A_4690 = arith.addi %iota3A, %add3A_4689 : vector<16xi32>
    %eq3A_4691 = arith.cmpi eq, %add3A_4690, %min3A_4375 : vector<16xi32>
    %select_n3A_4692 = arith.select %eq3A_4691, %gather3A_4670, %select_n3A_4687 : vector<16xi1>, vector<16xf32>
    %add3A_4693 = arith.constant 0 : i32
    %add3A_4694 = vector.broadcast %add3A_4693 : i32 to vector<16xi32>
    %add3A_4695 = arith.addi %iota3A, %add3A_4694 : vector<16xi32>
    %eq3A_4696 = arith.cmpi eq, %add3A_4695, %min3A_4482 : vector<16xi32>
    %select_n3A_4697 = arith.select %eq3A_4696, %gather3A_4675, %select_n3A_4692 : vector<16xi1>, vector<16xf32>
    %add3A_4698 = arith.constant 0 : i32
    %add3A_4699 = vector.broadcast %add3A_4698 : i32 to vector<16xi32>
    %add3A_4700 = arith.addi %iota3A, %add3A_4699 : vector<16xi32>
    %eq3A_4701 = arith.cmpi eq, %add3A_4700, %min3A_4589 : vector<16xi32>
    %select_n3A_4702 = arith.select %eq3A_4701, %gather3A_4680, %select_n3A_4697 : vector<16xi1>, vector<16xf32>
    %swap3A_4703 = arith.constant 7 : i32
    %swap3A_4704 = arith.index_cast %swap3A_4703 : i32 to index
    %swap3A_4705 = arith.constant 0 : index
    %swap3A_4706 = tpu.vector_load %arg5[%swap3A_4704, %swap3A_4705] {strides = array<i32>} : memref<8x48xf32, #tpu.memory_space<vmem>>, vector<1x16xf32>,
    %swap3A_4707 = vector.shape_cast %swap3A_4706 : vector<1x16xf32> to vector<16xf32>
    %swap3A_4708 = vector.shape_cast %select_n3A_4702 : vector<16xf32> to vector<1x16xf32>
    tpu.vector_store %arg5[%swap3A_4704, %swap3A_4705], %swap3A_4708 {strides = array<i32>} : memref<8x48xf32, #tpu.memory_space<vmem>>, vector<1x16xf32>,
    %broadcast_in_dim3A_4709 = arith.constant 0.000000e+00 : f32
    %broadcast_in_dim3A_4710 = vector.broadcast %broadcast_in_dim3A_4709 : f32 to vector<16xf32>
    %add3A_4711 = arith.constant 16 : i32
    %add3A_4712 = vector.broadcast %add3A_4711 : i32 to vector<16xi32>
    %add3A_4713 = arith.addi %iota3A, %add3A_4712 : vector<16xi32>
    %eq3A_4714 = arith.cmpi eq, %add3A_4713, %min3A_4268 : vector<16xi32>
    %select_n3A_4715 = arith.select %eq3A_4714, %gather3A_4665, %broadcast_in_dim3A_4710 : vector<16xi1>, vector<16xf32>
    %add3A_4716 = arith.constant 16 : i32
    %add3A_4717 = vector.broadcast %add3A_4716 : i32 to vector<16xi32>
    %add3A_4718 = arith.addi %iota3A, %add3A_4717 : vector<16xi32>
    %eq3A_4719 = arith.cmpi eq, %add3A_4718, %min3A_4375 : vector<16xi32>
    %select_n3A_4720 = arith.select %eq3A_4719, %gather3A_4670, %select_n3A_4715 : vector<16xi1>, vector<16xf32>
    %add3A_4721 = arith.constant 16 : i32
    %add3A_4722 = vector.broadcast %add3A_4721 : i32 to vector<16xi32>
    %add3A_4723 = arith.addi %iota3A, %add3A_4722 : vector<16xi32>
    %eq3A_4724 = arith.cmpi eq, %add3A_4723, %min3A_4482 : vector<16xi32>
    %select_n3A_4725 = arith.select %eq3A_4724, %gather3A_4675, %select_n3A_4720 : vector<16xi1>, vector<16xf32>
    %add3A_4726 = arith.constant 16 : i32
    %add3A_4727 = vector.broadcast %add3A_4726 : i32 to vector<16xi32>
    %add3A_4728 = arith.addi %iota3A, %add3A_4727 : vector<16xi32>
    %eq3A_4729 = arith.cmpi eq, %add3A_4728, %min3A_4589 : vector<16xi32>
    %select_n3A_4730 = arith.select %eq3A_4729, %gather3A_4680, %select_n3A_4725 : vector<16xi1>, vector<16xf32>
    %swap3A_4731 = arith.constant 7 : i32
    %swap3A_4732 = arith.index_cast %swap3A_4731 : i32 to index
    %swap3A_4733 = arith.constant 16 : index
    %swap3A_4734 = tpu.vector_load %arg5[%swap3A_4732, %swap3A_4733] {strides = array<i32>} : memref<8x48xf32, #tpu.memory_space<vmem>>, vector<1x16xf32>,
    %swap3A_4735 = vector.shape_cast %swap3A_4734 : vector<1x16xf32> to vector<16xf32>
    %swap3A_4736 = vector.shape_cast %select_n3A_4730 : vector<16xf32> to vector<1x16xf32>
    tpu.vector_store %arg5[%swap3A_4732, %swap3A_4733], %swap3A_4736 {strides = array<i32>} : memref<8x48xf32, #tpu.memory_space<vmem>>, vector<1x16xf32>,
    %broadcast_in_dim3A_4737 = arith.constant 0.000000e+00 : f32
    %broadcast_in_dim3A_4738 = vector.broadcast %broadcast_in_dim3A_4737 : f32 to vector<16xf32>
    %add3A_4739 = arith.constant 32 : i32
    %add3A_4740 = vector.broadcast %add3A_4739 : i32 to vector<16xi32>
    %add3A_4741 = arith.addi %iota3A, %add3A_4740 : vector<16xi32>
    %eq3A_4742 = arith.cmpi eq, %add3A_4741, %min3A_4268 : vector<16xi32>
    %select_n3A_4743 = arith.select %eq3A_4742, %gather3A_4665, %broadcast_in_dim3A_4738 : vector<16xi1>, vector<16xf32>
    %add3A_4744 = arith.constant 32 : i32
    %add3A_4745 = vector.broadcast %add3A_4744 : i32 to vector<16xi32>
    %add3A_4746 = arith.addi %iota3A, %add3A_4745 : vector<16xi32>
    %eq3A_4747 = arith.cmpi eq, %add3A_4746, %min3A_4375 : vector<16xi32>
    %select_n3A_4748 = arith.select %eq3A_4747, %gather3A_4670, %select_n3A_4743 : vector<16xi1>, vector<16xf32>
    %add3A_4749 = arith.constant 32 : i32
    %add3A_4750 = vector.broadcast %add3A_4749 : i32 to vector<16xi32>
    %add3A_4751 = arith.addi %iota3A, %add3A_4750 : vector<16xi32>
    %eq3A_4752 = arith.cmpi eq, %add3A_4751, %min3A_4482 : vector<16xi32>
    %select_n3A_4753 = arith.select %eq3A_4752, %gather3A_4675, %select_n3A_4748 : vector<16xi1>, vector<16xf32>
    %add3A_4754 = arith.constant 32 : i32
    %add3A_4755 = vector.broadcast %add3A_4754 : i32 to vector<16xi32>
    %add3A_4756 = arith.addi %iota3A, %add3A_4755 : vector<16xi32>
    %eq3A_4757 = arith.cmpi eq, %add3A_4756, %min3A_4589 : vector<16xi32>
    %select_n3A_4758 = arith.select %eq3A_4757, %gather3A_4680, %select_n3A_4753 : vector<16xi1>, vector<16xf32>
    %swap3A_4759 = arith.constant 7 : i32
    %swap3A_4760 = arith.index_cast %swap3A_4759 : i32 to index
    %swap3A_4761 = arith.constant 32 : index
    %swap3A_4762 = tpu.vector_load %arg5[%swap3A_4760, %swap3A_4761] {strides = array<i32>} : memref<8x48xf32, #tpu.memory_space<vmem>>, vector<1x16xf32>,
    %swap3A_4763 = vector.shape_cast %swap3A_4762 : vector<1x16xf32> to vector<16xf32>
    %swap3A_4764 = vector.shape_cast %select_n3A_4758 : vector<16xf32> to vector<1x16xf32>
    tpu.vector_store %arg5[%swap3A_4760, %swap3A_4761], %swap3A_4764 {strides = array<i32>} : memref<8x48xf32, #tpu.memory_space<vmem>>, vector<1x16xf32>,
    "tpu.region"() ({
      %run_scoped3A = tpu.sem_alloc : memref<!tpu.dma_semaphore, #tpu.memory_space<semaphore_mem>>
      %dma_start3A = arith.constant 0 : i32
      %dma_start3A_4765 = tpu.memref_slice %arg3[%mul3A_2, %dma_start3A] : memref<256x48xf32, #tpu.memory_space<hbm>> -> memref<8x48xf32, #tpu.memory_space<hbm>>
      %dma_start3A_4766 = arith.constant 0 : i32
      %dma_start3A_4767 = tpu.memref_slice %arg3[%mul3A_2, %dma_start3A_4766] : memref<256x48xf32, #tpu.memory_space<hbm>> -> memref<8x48xf32, #tpu.memory_space<hbm>>
      tpu.enqueue_dma source(%arg5 : memref<8x48xf32, #tpu.memory_space<vmem>>) target(%dma_start3A_4767 : memref<8x48xf32, #tpu.memory_space<hbm>>) target_semaphore(%run_scoped3A : memref<!tpu.dma_semaphore, #tpu.memory_space<semaphore_mem>>)
      %dma_wait3A = arith.constant 0 : i32
      %dma_wait3A_4768 = tpu.memref_slice %arg3[%mul3A_2, %dma_wait3A] : memref<256x48xf32, #tpu.memory_space<hbm>> -> memref<8x48xf32, #tpu.memory_space<hbm>>
      %dma_wait3A_4769 = arith.constant 0 : i32
      %dma_wait3A_4770 = tpu.memref_slice %arg3[%mul3A_2, %dma_wait3A_4769] : memref<256x48xf32, #tpu.memory_space<hbm>> -> memref<8x48xf32, #tpu.memory_space<hbm>>
      tpu.wait_dma2 semaphore(%run_scoped3A : memref<!tpu.dma_semaphore, #tpu.memory_space<semaphore_mem>>) src(%arg5 : memref<8x48xf32, #tpu.memory_space<vmem>>) dst(%dma_wait3A_4770 : memref<8x48xf32, #tpu.memory_space<hbm>>)
      tpu.yield
    }) : () -> ()
    return
  }
}

module attributes {stable_mosaic.version = 14 : i64} {
  func.func @_logits_kernel(%arg0: memref<256x768xf32, #tpu.memory_space<vmem>>, %arg1: memref<48x768xf32, #tpu.memory_space<vmem>>, %arg2: memref<256x48xf32, #tpu.memory_space<vmem>>) attributes {dimension_semantics = [], scalar_prefetch = 0 : i64, scratch_operands = 0 : i64, tpu.core_type = #tpu.core_type<tc>} {
    %get3A = arith.constant 0 : index
    %get3A_0 = arith.constant 0 : index
    %get3A_1 = vector.load %arg0[%get3A, %get3A_0] : memref<256x768xf32, #tpu.memory_space<vmem>>, vector<256x768xf32>
    %get3A_2 = arith.constant 0 : index
    %get3A_3 = arith.constant 0 : index
    %get3A_4 = vector.load %arg1[%get3A_2, %get3A_3] : memref<48x768xf32, #tpu.memory_space<vmem>>, vector<48x768xf32>
    %dot_general3A = arith.constant dense<0.000000e+00> : vector<256x48xf32>
    %dot_general3A_5 = tpu.matmul %get3A_1, %get3A_4, %dot_general3A {dimension_numbers = #tpu.dot_dimension_numbers<[1], [1], [0], [0], [0, 0, 1, 0], [], []>, transpose_lhs_hint = false} : vector<256x768xf32>, vector<48x768xf32>, vector<256x48xf32> -> vector<256x48xf32>
    %swap3A = arith.constant 0 : index
    %swap3A_6 = arith.constant 0 : index
    %swap3A_7 = vector.load %arg2[%swap3A, %swap3A_6] : memref<256x48xf32, #tpu.memory_space<vmem>>, vector<256x48xf32>
    tpu.vector_store %arg2[%swap3A, %swap3A_6], %dot_general3A_5 {strides = array<i32>} : memref<256x48xf32, #tpu.memory_space<vmem>>, vector<256x48xf32>,
    return
  }
}

module attributes {stable_mosaic.version = 14 : i64} {
  func.func @_combine_kernel(%arg0: i32, %arg1: memref<256x768xf32, #tpu.memory_space<vmem>>, %arg2: memref<256x48xf32, #tpu.memory_space<vmem>>, %arg3: memref<48x768x768xf32, #tpu.memory_space<any>>, %arg4: memref<768x768xf32, #tpu.memory_space<vmem>>, %arg5: memref<1x768xf32, #tpu.memory_space<vmem>>, %arg6: memref<1x768xf32, #tpu.memory_space<vmem>>, %arg7: memref<1x768xf32, #tpu.memory_space<vmem>>, %arg8: memref<256x768xf32, #tpu.memory_space<vmem>>, %arg9: memref<256x768xf32, #tpu.memory_space<vmem>>, %arg10: memref<3x768x768xf32, #tpu.memory_space<vmem>>, %arg11: memref<3x!tpu.dma_semaphore, #tpu.memory_space<semaphore_mem>>) attributes {dimension_semantics = [#tpu.dimension_semantics<arbitrary>], iteration_bounds = array<i64: 48>, scalar_prefetch = 0 : i64, scratch_operands = 3 : i64, tpu.core_type = #tpu.core_type<tc>, window_params = [{pipeline_mode = #tpu.pipeline_mode<synchronous>, transform_indices = @transform_0, window_bounds = array<i64: 256, 768>}, {pipeline_mode = #tpu.pipeline_mode<synchronous>, transform_indices = @transform_1, window_bounds = array<i64: 256, 48>}, {}, {pipeline_mode = #tpu.pipeline_mode<synchronous>, transform_indices = @transform_3, window_bounds = array<i64: 768, 768>}, {pipeline_mode = #tpu.pipeline_mode<synchronous>, transform_indices = @transform_4, window_bounds = array<i64: 1, 768>}, {pipeline_mode = #tpu.pipeline_mode<synchronous>, transform_indices = @transform_5, window_bounds = array<i64: 1, 768>}, {pipeline_mode = #tpu.pipeline_mode<synchronous>, transform_indices = @transform_6, window_bounds = array<i64: 1, 768>}, {pipeline_mode = #tpu.pipeline_mode<synchronous>, transform_indices = @transform_7, window_bounds = array<i64: 256, 768>}]} {
    %eq3A = arith.constant 0 : i32
    %eq3A_0 = arith.cmpi eq, %arg0, %eq3A : i32
    %convert_element_type3A = arith.extui %eq3A_0 : i1 to i32
    %cond3A = arith.constant 0 : i32
    %cond3A_1 = arith.cmpi ne, %convert_element_type3A, %cond3A : i32
    scf.if %cond3A_1 {
      %dma_start3A = arith.constant 0 : i32
      %dma_start3A_44 = arith.constant 0 : i32
      %dma_start3A_45 = arith.constant 0 : i32
      %dma_start3A_46 = tpu.memref_slice %arg11[%dma_start3A_45] : memref<3x!tpu.dma_semaphore, #tpu.memory_space<semaphore_mem>> -> memref<1x!tpu.dma_semaphore, #tpu.memory_space<semaphore_mem>>
      %dma_start3A_47 = tpu.memref_squeeze %dma_start3A_46 : memref<1x!tpu.dma_semaphore, #tpu.memory_space<semaphore_mem>> -> memref<!tpu.dma_semaphore, #tpu.memory_space<semaphore_mem>>
      %dma_start3A_48 = arith.constant 0 : i32
      %dma_start3A_49 = arith.constant 0 : i32
      %dma_start3A_50 = tpu.memref_slice %arg10[%dma_start3A_44, %dma_start3A_48, %dma_start3A_49] : memref<3x768x768xf32, #tpu.memory_space<vmem>> -> memref<1x768x768xf32, #tpu.memory_space<vmem>>
      %dma_start3A_51 = tpu.memref_squeeze %dma_start3A_50 : memref<1x768x768xf32, #tpu.memory_space<vmem>> -> memref<768x768xf32, #tpu.memory_space<vmem>>
      %dma_start3A_52 = arith.constant 0 : i32
      %dma_start3A_53 = arith.constant 0 : i32
      %dma_start3A_54 = tpu.memref_slice %arg3[%dma_start3A, %dma_start3A_52, %dma_start3A_53] : memref<48x768x768xf32, #tpu.memory_space<any>> -> memref<1x768x768xf32, #tpu.memory_space<any>>
      %dma_start3A_55 = tpu.memref_squeeze %dma_start3A_54 : memref<1x768x768xf32, #tpu.memory_space<any>> -> memref<768x768xf32, #tpu.memory_space<any>>
      tpu.enqueue_dma source(%dma_start3A_55 : memref<768x768xf32, #tpu.memory_space<any>>) target(%dma_start3A_51 : memref<768x768xf32, #tpu.memory_space<vmem>>) target_semaphore(%dma_start3A_47 : memref<!tpu.dma_semaphore, #tpu.memory_space<semaphore_mem>>)
      %dma_start3A_56 = arith.constant 1 : i32
      %dma_start3A_57 = arith.constant 1 : i32
      %dma_start3A_58 = arith.constant 1 : i32
      %dma_start3A_59 = tpu.memref_slice %arg11[%dma_start3A_58] : memref<3x!tpu.dma_semaphore, #tpu.memory_space<semaphore_mem>> -> memref<1x!tpu.dma_semaphore, #tpu.memory_space<semaphore_mem>>
      %dma_start3A_60 = tpu.memref_squeeze %dma_start3A_59 : memref<1x!tpu.dma_semaphore, #tpu.memory_space<semaphore_mem>> -> memref<!tpu.dma_semaphore, #tpu.memory_space<semaphore_mem>>
      %dma_start3A_61 = arith.constant 0 : i32
      %dma_start3A_62 = arith.constant 0 : i32
      %dma_start3A_63 = tpu.memref_slice %arg10[%dma_start3A_57, %dma_start3A_61, %dma_start3A_62] : memref<3x768x768xf32, #tpu.memory_space<vmem>> -> memref<1x768x768xf32, #tpu.memory_space<vmem>>
      %dma_start3A_64 = tpu.memref_squeeze %dma_start3A_63 : memref<1x768x768xf32, #tpu.memory_space<vmem>> -> memref<768x768xf32, #tpu.memory_space<vmem>>
      %dma_start3A_65 = arith.constant 0 : i32
      %dma_start3A_66 = arith.constant 0 : i32
      %dma_start3A_67 = tpu.memref_slice %arg3[%dma_start3A_56, %dma_start3A_65, %dma_start3A_66] : memref<48x768x768xf32, #tpu.memory_space<any>> -> memref<1x768x768xf32, #tpu.memory_space<any>>
      %dma_start3A_68 = tpu.memref_squeeze %dma_start3A_67 : memref<1x768x768xf32, #tpu.memory_space<any>> -> memref<768x768xf32, #tpu.memory_space<any>>
      tpu.enqueue_dma source(%dma_start3A_68 : memref<768x768xf32, #tpu.memory_space<any>>) target(%dma_start3A_64 : memref<768x768xf32, #tpu.memory_space<vmem>>) target_semaphore(%dma_start3A_60 : memref<!tpu.dma_semaphore, #tpu.memory_space<semaphore_mem>>)
      %dma_start3A_69 = arith.constant 2 : i32
      %dma_start3A_70 = arith.constant 2 : i32
      %dma_start3A_71 = arith.constant 2 : i32
      %dma_start3A_72 = tpu.memref_slice %arg11[%dma_start3A_71] : memref<3x!tpu.dma_semaphore, #tpu.memory_space<semaphore_mem>> -> memref<1x!tpu.dma_semaphore, #tpu.memory_space<semaphore_mem>>
      %dma_start3A_73 = tpu.memref_squeeze %dma_start3A_72 : memref<1x!tpu.dma_semaphore, #tpu.memory_space<semaphore_mem>> -> memref<!tpu.dma_semaphore, #tpu.memory_space<semaphore_mem>>
      %dma_start3A_74 = arith.constant 0 : i32
      %dma_start3A_75 = arith.constant 0 : i32
      %dma_start3A_76 = tpu.memref_slice %arg10[%dma_start3A_70, %dma_start3A_74, %dma_start3A_75] : memref<3x768x768xf32, #tpu.memory_space<vmem>> -> memref<1x768x768xf32, #tpu.memory_space<vmem>>
      %dma_start3A_77 = tpu.memref_squeeze %dma_start3A_76 : memref<1x768x768xf32, #tpu.memory_space<vmem>> -> memref<768x768xf32, #tpu.memory_space<vmem>>
      %dma_start3A_78 = arith.constant 0 : i32
      %dma_start3A_79 = arith.constant 0 : i32
      %dma_start3A_80 = tpu.memref_slice %arg3[%dma_start3A_69, %dma_start3A_78, %dma_start3A_79] : memref<48x768x768xf32, #tpu.memory_space<any>> -> memref<1x768x768xf32, #tpu.memory_space<any>>
      %dma_start3A_81 = tpu.memref_squeeze %dma_start3A_80 : memref<1x768x768xf32, #tpu.memory_space<any>> -> memref<768x768xf32, #tpu.memory_space<any>>
      tpu.enqueue_dma source(%dma_start3A_81 : memref<768x768xf32, #tpu.memory_space<any>>) target(%dma_start3A_77 : memref<768x768xf32, #tpu.memory_space<vmem>>) target_semaphore(%dma_start3A_73 : memref<!tpu.dma_semaphore, #tpu.memory_space<semaphore_mem>>)
      %broadcast_in_dim3A_82 = arith.constant 0.000000e+00 : f32
      %broadcast_in_dim3A_83 = vector.broadcast %broadcast_in_dim3A_82 : f32 to vector<256x768xf32>
      %swap3A_84 = arith.constant 0 : index
      %swap3A_85 = arith.constant 0 : index
      %swap3A_86 = vector.load %arg9[%swap3A_84, %swap3A_85] : memref<256x768xf32, #tpu.memory_space<vmem>>, vector<256x768xf32>
      tpu.vector_store %arg9[%swap3A_84, %swap3A_85], %broadcast_in_dim3A_83 {strides = array<i32>} : memref<256x768xf32, #tpu.memory_space<vmem>>, vector<256x768xf32>,
    } else {
    }
    %rem3A = arith.constant 3 : i32
    %rem3A_2 = arith.remsi %arg0, %rem3A : i32
    %dma_wait3A = tpu.memref_slice %arg11[%rem3A_2] : memref<3x!tpu.dma_semaphore, #tpu.memory_space<semaphore_mem>> -> memref<1x!tpu.dma_semaphore, #tpu.memory_space<semaphore_mem>>
    %dma_wait3A_3 = tpu.memref_squeeze %dma_wait3A : memref<1x!tpu.dma_semaphore, #tpu.memory_space<semaphore_mem>> -> memref<!tpu.dma_semaphore, #tpu.memory_space<semaphore_mem>>
    %dma_wait3A_4 = arith.constant 0 : i32
    %dma_wait3A_5 = arith.constant 0 : i32
    %dma_wait3A_6 = tpu.memref_slice %arg10[%rem3A_2, %dma_wait3A_4, %dma_wait3A_5] : memref<3x768x768xf32, #tpu.memory_space<vmem>> -> memref<1x768x768xf32, #tpu.memory_space<vmem>>
    %dma_wait3A_7 = tpu.memref_squeeze %dma_wait3A_6 : memref<1x768x768xf32, #tpu.memory_space<vmem>> -> memref<768x768xf32, #tpu.memory_space<vmem>>
    %dma_wait3A_8 = arith.constant 0 : i32
    %dma_wait3A_9 = arith.constant 0 : i32
    %dma_wait3A_10 = tpu.memref_slice %arg3[%arg0, %dma_wait3A_8, %dma_wait3A_9] : memref<48x768x768xf32, #tpu.memory_space<any>> -> memref<1x768x768xf32, #tpu.memory_space<any>>
    %dma_wait3A_11 = tpu.memref_squeeze %dma_wait3A_10 : memref<1x768x768xf32, #tpu.memory_space<any>> -> memref<768x768xf32, #tpu.memory_space<any>>
    tpu.wait_dma2 semaphore(%dma_wait3A_3 : memref<!tpu.dma_semaphore, #tpu.memory_space<semaphore_mem>>) src(%dma_wait3A_11 : memref<768x768xf32, #tpu.memory_space<any>>) dst(%dma_wait3A_7 : memref<768x768xf32, #tpu.memory_space<vmem>>)
    %iota3A = tpu.iota {dimensions = array<i32: 1>} : vector<256x48xi32>
    %eq3A_12 = vector.broadcast %arg0 : i32 to vector<256x48xi32>
    %eq3A_13 = arith.cmpi eq, %iota3A, %eq3A_12 : vector<256x48xi32>
    %get3A = arith.constant 0 : index
    %get3A_14 = arith.constant 0 : index
    %get3A_15 = vector.load %arg2[%get3A, %get3A_14] : memref<256x48xf32, #tpu.memory_space<vmem>>, vector<256x48xf32>
    %jit3A = arith.constant 0.000000e+00 : f32
    %broadcast_in_dim3A = vector.broadcast %jit3A : f32 to vector<256x48xf32>
    %select_n3A = arith.select %eq3A_13, %get3A_15, %broadcast_in_dim3A : vector<256x48xi1>, vector<256x48xf32>
    %reduce_sum3A = arith.constant dense<0.000000e+00> : vector<256xf32>
    %reduce_sum3A_16 = vector.multi_reduction <add>, %select_n3A, %reduce_sum3A [1] : vector<256x48xf32> to vector<256xf32>
    %broadcast_in_dim3A_17 = vector.shape_cast %reduce_sum3A_16 : vector<256xf32> to vector<256x1xf32>
    %get3A_18 = arith.constant 0 : index
    %get3A_19 = arith.constant 0 : index
    %get3A_20 = vector.load %arg1[%get3A_18, %get3A_19] : memref<256x768xf32, #tpu.memory_space<vmem>>, vector<256x768xf32>
    %get3A_21 = arith.index_cast %rem3A_2 : i32 to index
    %get3A_22 = arith.constant 0 : index
    %get3A_23 = arith.constant 0 : index
    %get3A_24 = vector.load %arg10[%get3A_21, %get3A_22, %get3A_23] : memref<3x768x768xf32, #tpu.memory_space<vmem>>, vector<1x768x768xf32>
    %get3A_25 = vector.shape_cast %get3A_24 : vector<1x768x768xf32> to vector<768x768xf32>
    %dot_general3A = arith.constant dense<0.000000e+00> : vector<256x768xf32>
    %dot_general3A_26 = tpu.matmul %get3A_20, %get3A_25, %dot_general3A {dimension_numbers = #tpu.dot_dimension_numbers<[1], [0], [0], [1], [0, 0, 1, 1], [], []>, transpose_lhs_hint = false} : vector<256x768xf32>, vector<768x768xf32>, vector<256x768xf32> -> vector<256x768xf32>
    %get3A_27 = arith.constant 0 : index
    %get3A_28 = arith.constant 0 : index
    %get3A_29 = vector.load %arg9[%get3A_27, %get3A_28] : memref<256x768xf32, #tpu.memory_space<vmem>>, vector<256x768xf32>
    %mul3A = vector.broadcast %broadcast_in_dim3A_17 : vector<256x1xf32> to vector<256x768xf32>
    %mul3A_30 = arith.mulf %mul3A, %dot_general3A_26 : vector<256x768xf32>
    %add3A = arith.addf %get3A_29, %mul3A_30 : vector<256x768xf32>
    %swap3A = arith.constant 0 : index
    %swap3A_31 = arith.constant 0 : index
    %swap3A_32 = vector.load %arg9[%swap3A, %swap3A_31] : memref<256x768xf32, #tpu.memory_space<vmem>>, vector<256x768xf32>
    tpu.vector_store %arg9[%swap3A, %swap3A_31], %add3A {strides = array<i32>} : memref<256x768xf32, #tpu.memory_space<vmem>>, vector<256x768xf32>,
    %add3A_33 = arith.constant 3 : i32
    %add3A_34 = arith.addi %arg0, %add3A_33 : i32
    %lt3A = arith.constant 48 : i32
    %lt3A_35 = arith.cmpi slt, %add3A_34, %lt3A : i32
    %convert_element_type3A_36 = arith.extui %lt3A_35 : i1 to i32
    %cond3A_37 = arith.constant 0 : i32
    %cond3A_38 = arith.cmpi ne, %convert_element_type3A_36, %cond3A_37 : i32
    scf.if %cond3A_38 {
      %add3A_44 = arith.constant 3 : i32
      %add3A_45 = arith.addi %arg0, %add3A_44 : i32
      %dma_start3A = tpu.memref_slice %arg11[%rem3A_2] : memref<3x!tpu.dma_semaphore, #tpu.memory_space<semaphore_mem>> -> memref<1x!tpu.dma_semaphore, #tpu.memory_space<semaphore_mem>>
      %dma_start3A_46 = tpu.memref_squeeze %dma_start3A : memref<1x!tpu.dma_semaphore, #tpu.memory_space<semaphore_mem>> -> memref<!tpu.dma_semaphore, #tpu.memory_space<semaphore_mem>>
      %dma_start3A_47 = arith.constant 0 : i32
      %dma_start3A_48 = arith.constant 0 : i32
      %dma_start3A_49 = tpu.memref_slice %arg10[%rem3A_2, %dma_start3A_47, %dma_start3A_48] : memref<3x768x768xf32, #tpu.memory_space<vmem>> -> memref<1x768x768xf32, #tpu.memory_space<vmem>>
      %dma_start3A_50 = tpu.memref_squeeze %dma_start3A_49 : memref<1x768x768xf32, #tpu.memory_space<vmem>> -> memref<768x768xf32, #tpu.memory_space<vmem>>
      %dma_start3A_51 = arith.constant 0 : i32
      %dma_start3A_52 = arith.constant 0 : i32
      %dma_start3A_53 = tpu.memref_slice %arg3[%add3A_45, %dma_start3A_51, %dma_start3A_52] : memref<48x768x768xf32, #tpu.memory_space<any>> -> memref<1x768x768xf32, #tpu.memory_space<any>>
      %dma_start3A_54 = tpu.memref_squeeze %dma_start3A_53 : memref<1x768x768xf32, #tpu.memory_space<any>> -> memref<768x768xf32, #tpu.memory_space<any>>
      tpu.enqueue_dma source(%dma_start3A_54 : memref<768x768xf32, #tpu.memory_space<any>>) target(%dma_start3A_50 : memref<768x768xf32, #tpu.memory_space<vmem>>) target_semaphore(%dma_start3A_46 : memref<!tpu.dma_semaphore, #tpu.memory_space<semaphore_mem>>)
    } else {
    }
    %eq3A_39 = arith.constant 47 : i32
    %eq3A_40 = arith.cmpi eq, %arg0, %eq3A_39 : i32
    %convert_element_type3A_41 = arith.extui %eq3A_40 : i1 to i32
    %cond3A_42 = arith.constant 0 : i32
    %cond3A_43 = arith.cmpi ne, %convert_element_type3A_41, %cond3A_42 : i32
    scf.if %cond3A_43 {
      %get3A_44 = arith.constant 0 : index
      %get3A_45 = arith.constant 0 : index
      %get3A_46 = vector.load %arg1[%get3A_44, %get3A_45] : memref<256x768xf32, #tpu.memory_space<vmem>>, vector<256x768xf32>
      %get3A_47 = arith.constant 0 : index
      %get3A_48 = arith.constant 0 : index
      %get3A_49 = vector.load %arg9[%get3A_47, %get3A_48] : memref<256x768xf32, #tpu.memory_space<vmem>>, vector<256x768xf32>
      %get3A_50 = arith.constant 0 : index
      %get3A_51 = arith.constant 0 : index
      %get3A_52 = vector.load %arg4[%get3A_50, %get3A_51] : memref<768x768xf32, #tpu.memory_space<vmem>>, vector<768x768xf32>
      %dot_general3A_53 = arith.constant dense<0.000000e+00> : vector<256x768xf32>
      %dot_general3A_54 = tpu.matmul %get3A_49, %get3A_52, %dot_general3A_53 {dimension_numbers = #tpu.dot_dimension_numbers<[1], [1], [0], [0], [0, 0, 1, 0], [], []>, transpose_lhs_hint = false} : vector<256x768xf32>, vector<768x768xf32>, vector<256x768xf32> -> vector<256x768xf32>
      %add3A_55 = arith.addf %get3A_46, %dot_general3A_54 : vector<256x768xf32>
      %get3A_56 = arith.constant 0 : index
      %get3A_57 = arith.constant 0 : index
      %get3A_58 = vector.load %arg5[%get3A_56, %get3A_57] : memref<1x768xf32, #tpu.memory_space<vmem>>, vector<1x768xf32>
      %add3A_59 = vector.broadcast %get3A_58 : vector<1x768xf32> to vector<256x768xf32>
      %add3A_60 = arith.addf %add3A_55, %add3A_59 : vector<256x768xf32>
      %reduce_sum3A_61 = arith.constant dense<0.000000e+00> : vector<256xf32>
      %reduce_sum3A_62 = vector.multi_reduction <add>, %add3A_60, %reduce_sum3A_61 [1] : vector<256x768xf32> to vector<256xf32>
      %broadcast_in_dim3A_63 = vector.shape_cast %reduce_sum3A_62 : vector<256xf32> to vector<256x1xf32>
      %div3A = arith.constant 7.680000e+02 : f32
      %div3A_64 = vector.broadcast %div3A : f32 to vector<256x1xf32>
      %div3A_65 = arith.divf %broadcast_in_dim3A_63, %div3A_64 : vector<256x1xf32>
      %sub3A = vector.broadcast %div3A_65 : vector<256x1xf32> to vector<256x768xf32>
      %sub3A_66 = arith.subf %add3A_60, %sub3A : vector<256x768xf32>
      %mul3A_67 = arith.mulf %sub3A_66, %sub3A_66 : vector<256x768xf32>
      %reduce_sum3A_68 = arith.constant dense<0.000000e+00> : vector<256xf32>
      %reduce_sum3A_69 = vector.multi_reduction <add>, %mul3A_67, %reduce_sum3A_68 [1] : vector<256x768xf32> to vector<256xf32>
      %broadcast_in_dim3A_70 = vector.shape_cast %reduce_sum3A_69 : vector<256xf32> to vector<256x1xf32>
      %div3A_71 = arith.constant 7.680000e+02 : f32
      %div3A_72 = vector.broadcast %div3A_71 : f32 to vector<256x1xf32>
      %div3A_73 = arith.divf %broadcast_in_dim3A_70, %div3A_72 : vector<256x1xf32>
      %add3A_74 = arith.constant 9.99999974E-6 : f32
      %add3A_75 = vector.broadcast %add3A_74 : f32 to vector<256x1xf32>
      %add3A_76 = arith.addf %div3A_73, %add3A_75 : vector<256x1xf32>
      %rsqrt3A = math.rsqrt %add3A_76 : vector<256x1xf32>
      %mul3A_77 = vector.broadcast %rsqrt3A : vector<256x1xf32> to vector<256x768xf32>
      %mul3A_78 = arith.mulf %sub3A_66, %mul3A_77 : vector<256x768xf32>
      %get3A_79 = arith.constant 0 : index
      %get3A_80 = arith.constant 0 : index
      %get3A_81 = vector.load %arg6[%get3A_79, %get3A_80] : memref<1x768xf32, #tpu.memory_space<vmem>>, vector<1x768xf32>
      %mul3A_82 = vector.broadcast %get3A_81 : vector<1x768xf32> to vector<256x768xf32>
      %mul3A_83 = arith.mulf %mul3A_78, %mul3A_82 : vector<256x768xf32>
      %get3A_84 = arith.constant 0 : index
      %get3A_85 = arith.constant 0 : index
      %get3A_86 = vector.load %arg7[%get3A_84, %get3A_85] : memref<1x768xf32, #tpu.memory_space<vmem>>, vector<1x768xf32>
      %add3A_87 = vector.broadcast %get3A_86 : vector<1x768xf32> to vector<256x768xf32>
      %add3A_88 = arith.addf %mul3A_83, %add3A_87 : vector<256x768xf32>
      %swap3A_89 = arith.constant 0 : index
      %swap3A_90 = arith.constant 0 : index
      %swap3A_91 = vector.load %arg8[%swap3A_89, %swap3A_90] : memref<256x768xf32, #tpu.memory_space<vmem>>, vector<256x768xf32>
      tpu.vector_store %arg8[%swap3A_89, %swap3A_90], %add3A_88 {strides = array<i32>} : memref<256x768xf32, #tpu.memory_space<vmem>>, vector<256x768xf32>,
    } else {
    }
    return
  }
  func.func @transform_0(%arg0: i32) -> (i32, i32) {
    %c0_i32 = arith.constant 0 : i32
    %c0_i32_0 = arith.constant 0 : i32
    %c0_i32_1 = arith.constant 0 : i32
    return %c0_i32, %c0_i32_0 : i32, i32
  }
  func.func @transform_1(%arg0: i32) -> (i32, i32) {
    %c0_i32 = arith.constant 0 : i32
    %c0_i32_0 = arith.constant 0 : i32
    %c0_i32_1 = arith.constant 0 : i32
    return %c0_i32, %c0_i32_0 : i32, i32
  }
  func.func @transform_3(%arg0: i32) -> (i32, i32) {
    %c0_i32 = arith.constant 0 : i32
    %c0_i32_0 = arith.constant 0 : i32
    %c0_i32_1 = arith.constant 0 : i32
    return %c0_i32, %c0_i32_0 : i32, i32
  }
  func.func @transform_4(%arg0: i32) -> (i32, i32) {
    %c0_i32 = arith.constant 0 : i32
    %c0_i32_0 = arith.constant 0 : i32
    %c0_i32_1 = arith.constant 0 : i32
    return %c0_i32, %c0_i32_0 : i32, i32
  }
  func.func @transform_5(%arg0: i32) -> (i32, i32) {
    %c0_i32 = arith.constant 0 : i32
    %c0_i32_0 = arith.constant 0 : i32
    %c0_i32_1 = arith.constant 0 : i32
    return %c0_i32, %c0_i32_0 : i32, i32
  }
  func.func @transform_6(%arg0: i32) -> (i32, i32) {
    %c0_i32 = arith.constant 0 : i32
    %c0_i32_0 = arith.constant 0 : i32
    %c0_i32_1 = arith.constant 0 : i32
    return %c0_i32, %c0_i32_0 : i32, i32
  }
  func.func @transform_7(%arg0: i32) -> (i32, i32) {
    %c0_i32 = arith.constant 0 : i32
    %c0_i32_0 = arith.constant 0 : i32
    %c0_i32_1 = arith.constant 0 : i32
    return %c0_i32, %c0_i32_0 : i32, i32
  }
}

</mosaic_0001>

<sc_bundles>
// kernel: kernel.5.cloned.1.call-start
scs
__scs_entry_jumppad:
0x0: {  	(pc) =	sbr.rel $0x88, $3  }
0x1: {  	(tag) =	ssettag $0x0;
	lr =	simm.s32 $0x1  }
0x2: {  	[smem:$0x3F9A] =	sst lr;
	_ =	strace $0xD0000000  }
0x3: {  	_ = 	snop  }
0x4: {  	_ = 	snop  }
0x5: {  	_ = 	snop  }
0x6: {  	_ = 	snop  }
0x7: {  	_ = 	snop  }
__scs_overlays_trampoline_lowered:
0x8: {  	[smem:$0x3FA9] =	sst s0  }
0x9: {  	[smem:$0x3FAA] =	sst s1  }
0xa: {  	[smem:$0x3FAB] =	sst s2  }
0xb: {  	[smem:$0x3FAC] =	sst s3  }
0xc: {  	[smem:$0x3FAD] =	sst s4  }
0xd: {  	[smem:$0x3FAE] =	sst s5  }
0xe: {  	[smem:$0x3FAF] =	sst s6  }
0xf: {  	[smem:$0x3FB0] =	sst s7  }
0x10: {  	[smem:$0x3FB1] =	sst s8  }
0x11: {  	[smem:$0x3FB2] =	sst s9;
	s0 =	simm.s32 @!p0 $0x0  }
0x12: {  	s1 =	sld [smem:$0x3F98];
	s0 =	simm.s32 @p0 $0x1  }
0x13: {  	[smem:$0x3FB3] =	sst s0;
	s0 =	simm.s32 @!p1 $0x0  }
0x14: {  	s2 =	sld [smem:$0x3F97];
	s0 =	simm.s32 @p1 $0x1  }
0x15: {  	[smem:$0x3FB4] =	sst s0;
	s0 =	simm.s32 @!p2 $0x0  }
0x16: {  	s3 =	sld [smem:$0x3FDB];
	s0 =	simm.s32 @p2 $0x1  }
0x17: {  	s4 =	simm.s32 $0x1BF5;
	[smem:$0x3FB6] =	sst s0  }
0x18: {  	s0 =	sld [smem:$0x3F99];
	_ =	swait.ge [sflag:s4], $0x0  }
0x19: {  	s7 =	sld [smem:$0x3F9A]  }
0x1a: {  	s8 =	sadd.s32 $0xFFFFE003, lr  }
0x1b: {  	s9 =	sadd.s32 $0xFFFFFEF7, lr;
	s5 =	simm.s32 $0xFFFFFFFF;
	p2 =	slt.u32 s8, $0xFFFFF086  }
0x1c: {  	p1 =	slt.u32 s9, $0xF7A;
	s5 =	simm.s32 @!p2 $0x0  }
0x1d: {  	s5 =	simm.s32 @p1 $0x1;
	p0 =	seq.s32 s7, s2  }
0x1e: {  	s7 =	smul.u32 @!p0 $0xF7A, s2;
	p2 =	seq.s32 @!p0 s5, $0x0  }
0x1f: {  	s9 =	smul.u32 $0xF7A, s1;
	s8 =	simm.s32 @!p0 $0x1BF5;
	p2 =	por !p2, p0  }
0x20: {  	[sflag:s8] =	ssyncset.s32 @!p0 $0xFFFFF086;
	s6 =	sadd.s32 @!p0 s3, s7;
	s7 =	simm.s32 @!p0 $0x108  }
0x21: {  	s3 =	sadd.s32 s3, s9;
	s6 =	sadd.s32 @!p0 $0x88, s6;
	s7 =	simm.s32 @p2 $0x1082  }
0x22: {  	[simem:s7], [sflag:s8] =	dma.local @!p0 [hbm:s6], $0xF7A  }
0x23: {  	s9 =	sor.u32 $0xD0000000, s2;
	s6 =	simm.s32 $0x108;
	_ =	swait.ge @!p0 [sflag:s8], $0x0  }
0x24: {  	s3 =	sadd.s32 $0x88, s3;
	s6 =	simm.s32 @!p1 $0x1082;
	[sflag:s4] =	ssyncset.s32 $0xFFFFF086  }
0x25: {  	[simem:s6], [sflag:s4] =	dma.local [hbm:s3], $0xF7A  }
0x26: {  	[smem:$0x3F9A] =	sst s1;
	(tag) =	ssettag s2;
	_ =	strace s9  }
0x27: {  	s1 =	sld [smem:$0x3FAA]  }
0x28: {  	s2 =	sld [smem:$0x3FAB]  }
0x29: {  	s4 =	sld [smem:$0x3FAD]  }
0x2a: {  	p0 =	seq.s32 s5, $0x0;
	s5 =	sld [smem:$0x3FAE]  }
0x2b: {  	s6 =	sld [smem:$0x3FAF]  }
0x2c: {  	s7 =	sld [smem:$0x3FB0]  }
0x2d: {  	s3 =	simm.s32 $0x108;
	s8 =	sld [smem:$0x3FB1]  }
0x2e: {  	s3 =	simm.s32 @!p0 $0x1082;
	s9 =	sld [smem:$0x3FB2]  }
0x2f: {  	lr =	sadd.s32 s0, s3;
	s0 =	sld [smem:$0x3FA9]  }
0x30: {  	s3 =	sld [smem:$0x3FAC]  }
0x31: {  	[smem:$0x3FB5] =	sst s10  }
0x32: {  	s10 =	sld [smem:$0x3FB3];
	_ =	sdelay $0x3  }
0x33: {  	p0 =	seq.s32 s10, $0x1;
	s10 =	sld [smem:$0x3FB5];
	_ =	sdelay $0x3  }
0x34: {  	[smem:$0x3FB5] =	sst s10  }
0x35: {  	s10 =	sld [smem:$0x3FB4];
	_ =	sdelay $0x3  }
0x36: {  	p1 =	seq.s32 s10, $0x1;
	s10 =	sld [smem:$0x3FB5];
	_ =	sdelay $0x3  }
0x37: {  	[smem:$0x3FB5] =	sst s10  }
0x38: {  	s10 =	sld [smem:$0x3FB6]  }
0x39: {  	_ = 	snop;
	(pc) =	sbr.ind lr, $3  }
0x3a: {  	_ = 	snop  }
0x3b: {  	_ = 	snop  }
0x3c: {  	p2 =	seq.s32 s10, $0x1;
	s10 =	sld [smem:$0x3FB5]  }
0x3d: {  	_ =	shalt  }
0x3e: {  	_ =	shalt  }
0x3f: {  	_ =	shalt  }
0x40: {  	_ =	shalt  }
0x41: {  	_ =	shalt  }
0x42: {  	_ =	shalt  }
0x43: {  	_ =	shalt  }
0x44: {  	_ =	shalt  }
0x45: {  	_ =	shalt  }
0x46: {  	_ =	shalt  }
0x47: {  	_ =	shalt  }
0x48: {  	_ =	shalt  }
0x49: {  	_ =	shalt  }
0x4a: {  	_ =	shalt  }
0x4b: {  	_ =	shalt  }
0x4c: {  	_ =	shalt  }
0x4d: {  	_ =	shalt  }
0x4e: {  	_ =	shalt  }
0x4f: {  	_ =	shalt  }
0x50: {  	_ =	shalt  }
0x51: {  	_ =	shalt  }
0x52: {  	_ =	shalt  }
0x53: {  	_ =	shalt  }
0x54: {  	_ =	shalt  }
0x55: {  	_ =	shalt  }
0x56: {  	_ =	shalt  }
0x57: {  	_ =	shalt  }
0x58: {  	_ =	shalt  }
0x59: {  	_ =	shalt  }
0x5a: {  	_ =	shalt  }
0x5b: {  	_ =	shalt  }
0x5c: {  	_ =	shalt  }
0x5d: {  	_ =	shalt  }
0x5e: {  	_ =	shalt  }
0x5f: {  	_ =	shalt  }
0x60: {  	_ =	shalt  }
0x61: {  	_ =	shalt  }
0x62: {  	_ =	shalt  }
0x63: {  	_ =	shalt  }
0x64: {  	_ =	shalt  }
0x65: {  	_ =	shalt  }
0x66: {  	_ =	shalt  }
0x67: {  	_ =	shalt  }
0x68: {  	_ =	shalt  }
0x69: {  	_ =	shalt  }
0x6a: {  	_ =	shalt  }
0x6b: {  	_ =	shalt  }
0x6c: {  	_ =	shalt  }
0x6d: {  	_ =	shalt  }
0x6e: {  	_ =	shalt  }
0x6f: {  	_ =	shalt  }
0x70: {  	_ =	shalt  }
0x71: {  	_ =	shalt  }
0x72: {  	_ =	shalt  }
0x73: {  	_ =	shalt  }
0x74: {  	_ =	shalt  }
0x75: {  	_ =	shalt  }
0x76: {  	_ =	shalt  }
0x77: {  	_ =	shalt  }
0x78: {  	_ =	shalt  }
0x79: {  	_ =	shalt  }
0x7a: {  	_ =	shalt  }
0x7b: {  	_ =	shalt  }
0x7c: {  	_ =	shalt  }
0x7d: {  	_ =	shalt  }
0x7e: {  	_ =	shalt  }
0x7f: {  	_ =	shalt  }
0x80: {  	_ =	shalt  }
0x81: {  	_ =	shalt  }
0x82: {  	_ =	shalt  }
0x83: {  	_ =	shalt  }
0x84: {  	_ =	shalt  }
0x85: {  	_ =	shalt  }
0x86: {  	_ =	shalt  }
0x87: {  	_ =	shalt  }
.Lfunc_end0:
.L_simem_size_0:
called_computation_lowered:
.L_overlay_start_0:
0x88: {  	s2 =	sld [smem:$0x3FD9]  }
0x89: {  	s3 =	sld [smem:$0x3FFE];
	_ =	sdelay $0x1  }
0x8a: {  	s1 =	srdreg.scid  }
0x8b: {  	s0 =	sand.u32 $0x1, s1  }
0x8c: {  	s17 =	sshll.u32 s0, $0xA;
	s2 =	sadd.s32 s3, s2  }
0x8d: {  	s2 =	sadd.s32 s2, s17  }
0x8e: {  	[smem:$0x3FC1] =	sst s2  }
0x8f: {  	_ = 	snop  }
0x90: {  	s2 =	sld [smem:$0x3FD0];
	(tm) =	ssettm $0x1  }
0x91: {  	s18 =	sld [smem:$0x3FFB];
	_ =	sdelay $0x3  }
0x92: {  	_ =	strace s18  }
0x93: {  	s3 =	sld [smem:$0x3FFC];
	_ =	sdelay $0x3  }
0x94: {  	_ =	strace s3  }
0x95: {  	s3 =	sld [smem:$0x3FFD];
	_ =	sdelay $0x3  }
0x96: {  	_ =	strace s3  }
0x97: {  	_ =	strace $0x8FFFFFFF  }
0x98: {  	s19 =	sld [smem:$0x3FDB];
	_ =	sdelay $0x1  }
0x99: {  	s4 =	simm.s32 $_scs_section_size  }
0x9a: {  	s5 =	simm.s32 $_size__tile_overlayer_lowered;
	s6 =	simm.s32 $_tile_overlayer_lowered  }
0x9b: {  	s22 =	simm.s32 $0x1BFF;
	s21 =	sshll.u32 s6, $0x1;
	s3 =	sadd.s32 s4, s19  }
0x9c: {  	s7 =	simm.s32 $0x0;
	s20 =	sshll.u32 s5, $0x1;
	s5 =	sadd.s32 s21, s3  }
0x9d: {  	[timem:s7], [sflag:s22] =	dma.local [hbm:s5], s20  }
0x9e: {  	_ =	swait.ge [sflag:s22], s20  }
0x9f: {  	s4 =	ssub.s32 $0x0, s20;
	[sflag:s22] =	ssyncset.done $0x0  }
0xa0: {  	[sflag:s22] =	ssyncadd.s32 s4;
	_ =	sdelay $0x1  }
0xa1: {  	s23 =	simm.s32 $0x1B8B  }
0xa2: {  	_ =	swait.ge [sflag:s23], $0x1  }
0xa3: {  	[sflag:s23] =	ssyncset.done $0x0  }
0xa4: {  	s25 =	simm.s32 $0x1B8E;
	s24 =	sld [smem:$0x3FFE];
	[sflag:s23] =	ssyncadd.s32 $0xFFFFFFFF  }
0xa5: {  	s26 =	simm.s32 $execute0_lowered;
	[smem:$0x3FD2] =	sst s25  }
0xa6: {  	s5 =	sshll.u32 s26, $0x1;
	_ =	strace $0x80000046;
	[dreg:$0x1] =	wrdreg $0xFFFFFFFF  }
0xa7: {  	s28 =	simm.s32 $_size_execute0_lowered;
	s3 =	sadd.s32 s3, s5;
	[dreg:$0x0] =	wrdreg $0x0  }
0xa8: {  	s5 =	sshll.u32 s28, $0x1;
	[dreg:$0x2] =	wrdreg s3  }
0xa9: {  	[dreg:$0x3] =	wrdreg s5  }
0xaa: {  	[dreg:$0x4] =	wrdreg $0xC0  }
0xab: {  	_ =	task [dreg:s7], $0x5FFFF  }
0xac: {  	[dreg:$0x1] =	wrdreg $0xFFFFFFFF  }
0xad: {  	[dreg:$0x0] =	wrdreg $0x60  }
0xae: {  	[dreg:$0x2] =	wrdreg s2  }
0xaf: {  	[dreg:$0x3] =	wrdreg s24  }
0xb0: {  	[dreg:$0x4] =	wrdreg $0x9  }
0xb1: {  	_ =	task.clear_ibuf [dreg:s7], $0x5FFFF;
	_ =	strace $0x90000046  }
0xb2: {  	s29 =	simm.s32 $0x9;
	_ =	strace $0x80000048  }
0xb3: {  	_ =	swait.ge [sflag:s29], $0x1  }
0xb4: {  	[sflag:s29] =	ssyncadd.s32 $0xFFFFFFFF  }
0xb5: {  	_ =	strace $0x90000048  }
0xb6: {  	_ =	sfence  }
0xb7: {  	s30 =	sld [smem:$0x0];
	_ =	sdelay $0x2  }
0xb8: {  	s31 =	sshll.u32 s1, $0xD;
	s1 =	sshrl.u32 s1, $0x2  }
0xb9: {  	s3 =	sand.u32 $0x4000, s31;
	s1 =	sadd.s32 s1, s30  }
0xba: {  	s0 =	sor.u32 s3, s0;
	s1 =	sshll.u32 s1, $0x11  }
0xbb: {  	s0 =	sor.u32 s1, s0  }
0xbc: {  	s0 =	sadd.s32 $0x8F2B, s0  }
0xbd: {  	[sflag:s0] =	ssyncadd.remote.s32 $0x1  }
0xbe: {  	_ =	sfence.sel $0xFFFF  }
0xbf: {  	[dreg:$0x0] =	wrdreg $0xFFFFFFFF;
	(pc) =	sbr.abs _section_cstart, $3  }
0xc0: {  	[dreg:$0x1] =	wrdreg $0xFFFFFFFF  }
0xc1: {  	_ =	task.clear_ibuf [dreg:s7], $0x2FFFF;
	_ =	strace $0x9FFFFFFF  }
0xc2: {  	(tm) =	ssettm $0x7FFFFFFF  }
0xc3: {  	_ =	shalt  }
tec
execute0_lowered:
.L_overlay_start_1:
0x0: {  	(tag) =	ssettag $0x1  }
0x1: {  	v0 =	vimm.s32 $0xFEDCBA98;
	v1 =	vimm.s32 $0x76543210;
	v2 =	vimm.s32 $0xBA98FEDC  }
0x2: {  	v3 =	vimm.s32 $0x32107654;
	v4 =	vimm.s32 $0xDCFE98BA;
	v5 =	vimm.s32 $0x54761032  }
0x3: {  	v6 =	vimm.s32 $0xEFCDAB89;
	v7 =	vimm.s32 $0x67452301;
	vm0 =	vmmov $0x1  }
0x4: {  	v8 =	vimm.s32 $0x1;
	v9 =	vimm.s32 $0x2;
	v10 =	vimm.s32 $0x3  }
0x5: {  	v0 =	vunpack.c.l.s4.s8 v0;
	v1 =	vunpack.c.l.s4.s8 v1;
	v2 =	vunpack.c.l.s4.s8 v2  }
0x6: {  	v3 =	vunpack.c.l.s4.s8 v3;
	v4 =	vunpack.c.l.s4.s8 v4;
	v5 =	vunpack.c.l.s4.s8 v5  }
0x7: {  	s3 =	rddreg [dreg:$0x0];
	v6 =	vunpack.c.l.s4.s8 v6;
	v7 =	vunpack.c.l.s4.s8 v7;
	v0 =	vunpack.c.0.s8.s32 v0  }
0x8: {  	s4 =	rddreg [dreg:$0x1];
	s2 =	srdreg.scid;
	v2 =	vunpack.c.0.s8.s32 v2;
	v3 =	vunpack.c.0.s8.s32 v3;
	v4 =	vunpack.c.0.s8.s32 v4  }
0x9: {  	s0 =	rddreg [dreg:$0x2];
	s1 =	stileid.u32;
	s5 =	sand.u32 $0x1, s2;
	v5 =	vunpack.c.0.s8.s32 v5;
	v6 =	vunpack.c.0.s8.s32 v6;
	v7 =	vunpack.c.0.s8.s32 v7  }
0xa: {  	s2 =	simm.s32 $0x0;
	s6 =	sshll.u32 s1, $0x8;
	s7 =	sshll.u32 s5, $0x7;
	v1 =	vunpack.c.0.s8.s32 v1;
	v2 =	vcombine.low v3, v2;
	v0 =	vand.u32 $0xF, v0  }
0xb: {  	[smem:$0x7FF] =	sst s2;
	s5 =	ssub.s32 $0x2, s5;
	s6 =	sor.u32 s7, s6;
	v3 =	vcombine.low v5, v4;
	v4 =	vcombine.low v7, v6;
	v7 =	vimm.s32 $0x0  }
0xc: {  	_ =	strace $0x80000047;
	s31 =	sshrl.u32 s5, $0x1;
	s7 =	simm.s32 $0x400;
	v0 =	vcombine.low v0, v1;
	v7 =	vsel vm0, $0xFFFFFFFF, v7;
	v1 =	vand.u32 $0xF, v2  }
0xd: {  	s4 =	sadd.s32 s6, s4;
	s5 =	ssub.s32 s5, s31;
	s3 =	sadd.s32 s3, s6;
	v2 =	vlaneseq.u32;
	v3 =	vand.u32 $0xF, v3;
	v4 =	vand.u32 $0xF, v4  }
0xe: {  	s6 =	simm.s32 $0x1;
	s4 =	sadd.s32 $0xE00, s4;
	s5 =	smax.u32 s5, $0x1;
	[tilespmem:$0x1FFF0] =	vst v7;
	v7 =	vimm.s32 $0x0;
	v5 =	vor.u32 $0x20, v2;
	v6 =	vor.u32 $0x10, v2  }
.LBB2_1:
0xf: {  	[tilespmem:s2], [sflag:$0x1] =	stream.linear.gather [hbm4b:s3+s2], $0x400, $0x38;
	[tilespmem:$0x800] =	vst v63  }
0x10: {  	_ =	swait.ge [sflag:s6], $0x400  }
0x11: {  	[sflag:s6] =	ssyncset.done $0x0  }
0x12: {  	[sflag:s6] =	ssyncadd.s32 $0xFFFFFC00  }
0x13: {  	v11 =	vld [tilespmem:$0x0]  }
0x14: {  	v13 =	vld [tilespmem:$0x10]  }
0x15: {  	v14 =	vld [tilespmem:$0x20];
	_ =	sdelay $0x3  }
0x16: {  	v12 =	vmax.f32 v11, v13  }
0x17: {  	v12 =	vmax.f32 v12, v14  }
0x18: {  	v15 =	vperm.xlane v12, v0;
	_ =	sdelay $0x1  }
0x19: {  	v12 =	vmax.f32 v12, v15  }
0x1a: {  	v15 =	vperm.xlane v12, v1;
	_ =	sdelay $0x1  }
0x1b: {  	v12 =	vmax.f32 v12, v15  }
0x1c: {  	v15 =	vperm.xlane v12, v3;
	_ =	sdelay $0x1  }
0x1d: {  	v12 =	vmax.f32 v12, v15  }
0x1e: {  	v15 =	vperm.xlane v12, v4;
	_ =	sdelay $0x1  }
0x1f: {  	v12 =	vmax.f32 v12, v15  }
0x20: {  	vm0 =	vge.f32 v14, v12  }
0x21: {  	vm1 =	vge.f32 v13, v12;
	v51 =	vnsel vm0, $0x100000, v5  }
0x22: {  	vm6 =	vge.f32 v11, v12;
	v15 =	vsel vm1, v6, v51  }
0x23: {  	v15 =	vsel vm6, v2, v15  }
0x24: {  	v16 =	vperm.xlane v15, v0;
	_ =	sdelay $0x1  }
0x25: {  	vm0 =	vlt.s32 v15, v16  }
0x26: {  	v15 =	vsel vm0, v15, v16  }
0x27: {  	v16 =	vperm.xlane v15, v1;
	_ =	sdelay $0x1  }
0x28: {  	vm0 =	vlt.s32 v15, v16  }
0x29: {  	v15 =	vsel vm0, v15, v16  }
0x2a: {  	v16 =	vperm.xlane v15, v3;
	_ =	sdelay $0x1  }
0x2b: {  	vm0 =	vlt.s32 v15, v16  }
0x2c: {  	v15 =	vsel vm0, v15, v16  }
0x2d: {  	v16 =	vperm.xlane v15, v4;
	_ =	sdelay $0x1  }
0x2e: {  	vm0 =	vlt.s32 v15, v16  }
0x2f: {  	v15 =	vsel vm0, v15, v16  }
0x30: {  	vm9 =	veq.s32 v15, v2;
	vm8 =	veq.s32 v15, v6  }
0x31: {  	v52 =	vld [tilespmem:$0x80];
	vm0 =	veq.s32 v15, v5;
	v17 =	vsel vm9, $0xFF800000, v11;
	v11 =	vimm.s32 $0x0  }
0x32: {  	v53 =	vld [tilespmem:$0x90];
	v13 =	vsel vm8, $0xFF800000, v13;
	v11 =	vsel vm0, $0xFFFFFFFF, v11  }
0x33: {  	v19 =	vld [tilespmem:$0xA0];
	v18 =	vsel vm0, $0xFF800000, v14;
	[tilespmem:$0x1FCC0] =	vst v11;
	v11 =	vmax.f32 v17, v13  }
0x34: {  	v11 =	vmax.f32 v11, v18  }
0x35: {  	v54 =	vperm.xlane v11, v0;
	_ =	sdelay $0x1  }
0x36: {  	v55 =	vmax.f32 v52, v53;
	v11 =	vmax.f32 v11, v54  }
0x37: {  	v14 =	vmax.f32 v55, v19;
	v20 =	vperm.xlane v11, v1  }
0x38: {  	v21 =	vperm.xlane v14, v0  }
0x39: {  	v11 =	vmax.f32 v11, v20  }
0x3a: {  	v14 =	vmax.f32 v14, v21;
	v20 =	vperm.xlane v11, v3  }
0x3b: {  	v21 =	vperm.xlane v14, v1  }
0x3c: {  	v11 =	vmax.f32 v11, v20  }
0x3d: {  	v21 =	vmax.f32 v14, v21;
	v20 =	vperm.xlane v11, v4  }
0x3e: {  	v22 =	vperm.xlane v21, v3  }
0x3f: {  	v56 =	vmax.f32 v11, v20  }
0x40: {  	v11 =	vmax.f32 v21, v22;
	vm0 =	vge.f32 v18, v56  }
0x41: {  	vm7 =	vge.f32 v13, v56;
	v21 =	vperm.xlane v11, v4;
	v57 =	vnsel vm0, $0x100000, v5  }
0x42: {  	vm10 =	vge.f32 v17, v56;
	v20 =	vsel vm7, v6, v57  }
0x43: {  	v11 =	vmax.f32 v11, v21;
	v20 =	vsel vm10, v2, v20  }
0x44: {  	vm11 =	vge.f32 v19, v11;
	v58 =	vperm.xlane v20, v0  }
0x45: {  	vm12 =	vge.f32 v53, v11;
	v59 =	vnsel vm11, $0x100000, v5  }
0x46: {  	vm2 =	vge.f32 v52, v11;
	v22 =	vsel vm12, v6, v59;
	vm13 =	vlt.s32 v20, v58  }
0x47: {  	v60 =	vsel vm2, v2, v22;
	v20 =	vsel vm13, v20, v58  }
0x48: {  	v23 =	vperm.xlane v60, v0;
	v61 =	vperm.xlane v20, v1;
	_ =	sdelay $0x1  }
0x49: {  	vm14 =	vlt.s32 v60, v23;
	vm0 =	vlt.s32 v20, v61  }
0x4a: {  	v21 =	vsel vm14, v60, v23;
	v20 =	vsel vm0, v20, v61  }
0x4b: {  	v23 =	vperm.xlane v21, v1;
	v22 =	vperm.xlane v20, v3;
	_ =	sdelay $0x1  }
0x4c: {  	vm1 =	vlt.s32 v21, v23;
	vm0 =	vlt.s32 v20, v22  }
0x4d: {  	v21 =	vsel vm1, v21, v23;
	v20 =	vsel vm0, v20, v22  }
0x4e: {  	v23 =	vperm.xlane v21, v3;
	v22 =	vperm.xlane v20, v4;
	_ =	sdelay $0x1  }
0x4f: {  	vm1 =	vlt.s32 v21, v23;
	vm0 =	vlt.s32 v20, v22  }
0x50: {  	v21 =	vsel vm1, v21, v23;
	v20 =	vsel vm0, v20, v22  }
0x51: {  	v62 =	vperm.xlane v21, v4;
	vm13 =	veq.s32 v20, v2  }
0x52: {  	vm11 =	veq.s32 v20, v6;
	vm0 =	veq.s32 v20, v5;
	v20 =	vimm.s32 $0x0  }
0x53: {  	v17 =	vsel vm13, $0xFF800000, v17;
	v63 =	vsel vm11, $0xFF800000, v13;
	v13 =	vsel vm0, $0xFFFFFFFF, v20  }
0x54: {  	v18 =	vsel vm0, $0xFF800000, v18;
	vm15 =	vlt.s32 v21, v62;
	v24 =	vmax.f32 v17, v63  }
0x55: {  	v29 =	vimm.s32 $0x0;
	[tilespmem:$0x1FCD0] =	vst v13;
	v25 =	vsel vm15, v21, v62;
	v13 =	vmax.f32 v24, v18  }
0x56: {  	vm4 =	veq.s32 v25, v2;
	vm0 =	veq.s32 v25, v6;
	vm5 =	veq.s32 v25, v5  }
0x57: {  	v26 =	vperm.xlane v13, v0;
	v16 =	vsel vm4, $0xFF800000, v52;
	v15 =	vsel vm0, $0xFF800000, v53  }
0x58: {  	v20 =	vsel vm5, $0xFFFFFFFF, v29;
	v19 =	vsel vm5, $0xFF800000, v19;
	v30 =	vmax.f32 v16, v15  }
0x59: {  	[tilespmem:$0x1FD10] =	vst v20;
	v13 =	vmax.f32 v13, v26;
	v20 =	vmax.f32 v30, v19  }
0x5a: {  	v27 =	vimm.s32 $0x0;
	v21 =	vperm.xlane v13, v1;
	v31 =	vperm.xlane v20, v0  }
0x5b: {  	v28 =	vimm.s32 $0x0;
	v22 =	vsel vm4, $0xFFFFFFFF, v27  }
0x5c: {  	[tilespmem:$0x1FCE0] =	vst v22;
	v22 =	vsel vm0, $0xFFFFFFFF, v28;
	v13 =	vmax.f32 v13, v21;
	v20 =	vmax.f32 v20, v31  }
0x5d: {  	[tilespmem:$0x1FCF0] =	vst v22;
	v21 =	vperm.xlane v13, v3;
	v22 =	vperm.xlane v20, v1;
	_ =	sdelay $0x1  }
0x5e: {  	v13 =	vmax.f32 v13, v21;
	v20 =	vmax.f32 v20, v22  }
0x5f: {  	v21 =	vperm.xlane v13, v4;
	v22 =	vperm.xlane v20, v3;
	_ =	sdelay $0x1  }
0x60: {  	v21 =	vmax.f32 v13, v21;
	v32 =	vmax.f32 v20, v22  }
0x61: {  	vm6 =	vge.f32 v18, v21;
	v22 =	vperm.xlane v32, v4  }
0x62: {  	vm7 =	vge.f32 v63, v21;
	v33 =	vnsel vm6, $0x100000, v5  }
0x63: {  	vm10 =	vge.f32 v17, v21;
	v20 =	vsel vm7, v6, v33;
	v13 =	vmax.f32 v32, v22  }
0x64: {  	v20 =	vsel vm10, v2, v20;
	vm12 =	vge.f32 v19, v13  }
0x65: {  	vm14 =	vge.f32 v15, v13;
	v34 =	vperm.xlane v20, v0;
	v24 =	vnsel vm12, $0x100000, v5  }
0x66: {  	vm3 =	vge.f32 v16, v13;
	v24 =	vsel vm14, v6, v24  }
0x67: {  	vm15 =	vlt.s32 v20, v34;
	v35 =	vsel vm3, v2, v24  }
0x68: {  	v20 =	vsel vm15, v20, v34;
	v25 =	vperm.xlane v35, v0  }
0x69: {  	v36 =	vperm.xlane v20, v1  }
0x6a: {  	vm6 =	vlt.s32 v35, v25  }
0x6b: {  	vm0 =	vlt.s32 v20, v36;
	v22 =	vsel vm6, v35, v25  }
0x6c: {  	v20 =	vsel vm0, v20, v36;
	v25 =	vperm.xlane v22, v1  }
0x6d: {  	v24 =	vperm.xlane v20, v3  }
0x6e: {  	vm1 =	vlt.s32 v22, v25  }
0x6f: {  	vm0 =	vlt.s32 v20, v24;
	v22 =	vsel vm1, v22, v25  }
0x70: {  	v20 =	vsel vm0, v20, v24;
	v25 =	vperm.xlane v22, v3  }
0x71: {  	v24 =	vperm.xlane v20, v4  }
0x72: {  	vm1 =	vlt.s32 v22, v25  }
0x73: {  	vm0 =	vlt.s32 v20, v24;
	v22 =	vsel vm1, v22, v25  }
0x74: {  	v40 =	vimm.s32 $0x0;
	v20 =	vsel vm0, v20, v24;
	v37 =	vperm.xlane v22, v4  }
0x75: {  	vm3 =	veq.s32 v20, v2;
	vm15 =	veq.s32 v20, v6;
	vm12 =	veq.s32 v20, v5  }
0x76: {  	v17 =	vsel vm3, $0xFF800000, v17;
	vm1 =	vlt.s32 v22, v37;
	v38 =	vsel vm15, $0xFF800000, v63  }
0x77: {  	v18 =	vsel vm12, $0xFF800000, v18;
	v22 =	vsel vm1, v22, v37;
	v23 =	vmax.f32 v17, v38  }
0x78: {  	vm10 =	veq.s32 v22, v2;
	vm7 =	veq.s32 v22, v6;
	vm14 =	veq.s32 v22, v5  }
0x79: {  	v41 =	vmax.f32 v23, v18;
	v16 =	vsel vm10, $0xFF800000, v16;
	v15 =	vsel vm7, $0xFF800000, v15  }
0x7a: {  	v42 =	vsel vm14, $0xFF800000, v19;
	v44 =	vperm.xlane v41, v0;
	v43 =	vmax.f32 v16, v15  }
0x7b: {  	v39 =	vimm.s32 $0x0;
	v22 =	vsel vm14, $0xFFFFFFFF, v40;
	v19 =	vmax.f32 v43, v42  }
0x7c: {  	v46 =	vld [tilespmem:$0x100];
	v24 =	vsel vm7, $0xFFFFFFFF, v39;
	[tilespmem:$0x1FD20] =	vst v22;
	v22 =	vmax.f32 v41, v44;
	v45 =	vperm.xlane v19, v0  }
0x7d: {  	v47 =	vld [tilespmem:$0x110];
	[tilespmem:$0x1FD00] =	vst v24;
	v24 =	vperm.xlane v22, v1  }
0x7e: {  	v48 =	vld [tilespmem:$0x1FFF0];
	v19 =	vmax.f32 v19, v45  }
0x7f: {  	v28 =	vld [tilespmem:$0x120];
	v22 =	vmax.f32 v22, v24;
	v25 =	vperm.xlane v19, v1  }
0x80: {  	v26 =	vperm.xlane v22, v3  }
0x81: {  	v19 =	vmax.f32 v19, v25  }
0x82: {  	v49 =	vmax.f32 v46, v47;
	v22 =	vmax.f32 v22, v26;
	v27 =	vperm.xlane v19, v3  }
0x83: {  	vm2 =	vnez.u8 v48;
	vm5 =	vcmask $0x310;
	v26 =	vperm.xlane v22, v4  }
0x84: {  	v51 =	vmax.f32 v49, v28;
	v19 =	vmax.f32 v19, v27;
	v27 =	vnsel vm2, $0xFF800000, v12  }
0x85: {  	v22 =	vmax.f32 v22, v26;
	v26 =	vperm.xlane v51, v0;
	v29 =	vperm.xlane v19, v4  }
0x86: {  	vm4 =	vcmask $0xB10;
	vm7 =	vcmask $0x710;
	v14 =	vsel vm5, v27, v56  }
0x87: {  	v14 =	vsel vm7, v14, v21;
	v50 =	vmax.f32 v19, v29;
	v19 =	vmax.f32 v51, v26  }
0x88: {  	v14 =	vsel vm4, v14, v22;
	vm6 =	vge.f32 v42, v50;
	v26 =	vperm.xlane v19, v1  }
0x89: {  	v12 =	vsub.f32 v14, v12;
	vm0 =	vge.f32 v15, v50;
	v52 =	vnsel vm6, $0x100000, v5  }
0x8a: {  	vm1 =	vge.f32 v16, v50;
	v14 =	vsel vm0, v6, v52;
	v54 =	vmax.f32 v19, v26  }
0x8b: {  	v12 =	vmul.f32 $1.442695020e+00, v12;
	v14 =	vsel vm1, v2, v14;
	v19 =	vperm.xlane v54, v3  }
0x8c: {  	v53 =	vperm.xlane v14, v0  }
0x8d: {  	(erf) = vpow2.f32 v12;
	v12 =	vmax.f32 v54, v19  }
0x8e: {  	vm6 =	vlt.s32 v14, v53;
	v19 =	vperm.xlane v12, v4  }
0x8f: {  	v14 =	vsel vm6, v14, v53  }
0x90: {  	v55 =	vperm.xlane v14, v1;
	v19 =	vmax.f32 v12, v19  }
0x91: {  	vm14 =	vge.f32 v28, v19  }
0x92: {  	vm0 =	vge.f32 v47, v19;
	vm6 =	vlt.s32 v14, v55;
	v57 =	vnsel vm14, $0x100000, v5  }
0x93: {  	vm14 =	vge.f32 v46, v19;
	v14 =	vsel vm6, v14, v55;
	v26 =	vsel vm0, v6, v57  }
0x94: {  	v56 =	vperm.xlane v14, v3;
	v26 =	vsel vm14, v2, v26  }
0x95: {  	v30 =	vperm.xlane v26, v0  }
0x96: {  	v62 =	vimm.s32 $0x0;
	v58 =	vpop (erf);
	vm1 =	vlt.s32 v14, v56  }
0x97: {  	v59 =	vperm.xlane v58, v0;
	v12 =	vsel vm1, v14, v56;
	vm14 =	vlt.s32 v26, v30  }
0x98: {  	v40 =	vimm.s32 $0x0;
	v60 =	vperm.xlane v12, v4;
	v26 =	vsel vm14, v26, v30  }
0x99: {  	vm0 =	vge.f32 v18, v22;
	v14 =	vadd.f32 v58, v59;
	v30 =	vperm.xlane v26, v1  }
0x9a: {  	v41 =	vimm.s32 $0x0;
	v18 =	vnsel vm0, $0x100000, v5;
	vm1 =	vlt.s32 v12, v60  }
0x9b: {  	v61 =	vperm.xlane v14, v1;
	v12 =	vsel vm1, v12, v60;
	vm1 =	vlt.s32 v26, v30  }
0x9c: {  	vm14 =	veq.s32 v12, v2;
	vm6 =	veq.s32 v12, v6;
	vm0 =	veq.s32 v12, v5  }
0x9d: {  	v32 =	vsel vm1, v26, v30;
	v14 =	vadd.f32 v14, v61;
	vm1 =	vge.f32 v38, v22  }
0x9e: {  	v31 =	vsel vm14, $0xFF800000, v16;
	v15 =	vsel vm6, $0xFF800000, v15;
	v12 =	vsel vm0, $0xFFFFFFFF, v62  }
0x9f: {  	v23 =	vsel vm0, $0xFF800000, v42;
	v34 =	vperm.xlane v32, v3;
	v18 =	vsel vm1, v6, v18  }
0xa0: {  	vm1 =	vge.f32 v17, v22;
	v63 =	vmax.f32 v31, v15;
	v35 =	vperm.xlane v14, v3  }
0xa1: {  	[tilespmem:$0x1FD30] =	vst v12;
	v17 =	vsel vm1, v2, v18;
	v12 =	vmax.f32 v63, v23;
	vm1 =	vlt.s32 v32, v34  }
0xa2: {  	v33 =	vperm.xlane v12, v0;
	v16 =	vsel vm1, v32, v34;
	v14 =	vadd.f32 v14, v35  }
0xa3: {  	v43 =	vnsel vm2, $0xFF800000, v11;
	v37 =	vperm.xlane v17, v0;
	v38 =	vperm.xlane v16, v4  }
0xa4: {  	v13 =	vsel vm5, v43, v13;
	v12 =	vmax.f32 v12, v33;
	v39 =	vperm.xlane v14, v4  }
0xa5: {  	vm1 =	vlt.s32 v17, v37;
	v36 =	vperm.xlane v12, v1;
	vm0 =	vlt.s32 v16, v38  }
0xa6: {  	v17 =	vsel vm1, v17, v37;
	v16 =	vsel vm0, v16, v38;
	v14 =	vadd.f32 v14, v39  }
0xa7: {  	v20 =	vperm.xlane v17, v1;
	v12 =	vmax.f32 v12, v36;
	vm1 =	veq.s32 v16, v2  }
0xa8: {  	vm0 =	veq.s32 v16, v6;
	v18 =	vperm.xlane v12, v3;
	(erf) = vrcp.f32 v14  }
0xa9: {  	v22 =	vsel vm1, $0xFFFFFFFF, v40;
	v24 =	vsel vm1, $0xFF800000, v46;
	v25 =	vsel vm0, $0xFF800000, v47  }
0xaa: {  	[tilespmem:$0x1FD40] =	vst v22;
	v22 =	vsel vm0, $0xFFFFFFFF, v41;
	vm0 =	veq.s32 v16, v5;
	v12 =	vmax.f32 v12, v18  }
0xab: {  	v44 =	vmax.f32 v24, v25;
	v26 =	vsel vm0, $0xFF800000, v28;
	v18 =	vperm.xlane v12, v4  }
0xac: {  	vm5 =	vlt.s32 v17, v20;
	v46 =	vsel vm7, v13, v50;
	v45 =	vmax.f32 v44, v26  }
0xad: {  	v49 =	vsel vm5, v17, v20;
	v47 =	vperm.xlane v45, v0;
	v18 =	vmax.f32 v12, v18  }
0xae: {  	v50 =	vperm.xlane v49, v3;
	v12 =	vsel vm4, v46, v18  }
0xaf: {  	v42 =	vimm.s32 $0x0;
	v48 =	vmax.f32 v45, v47;
	v11 =	vsub.f32 v12, v11  }
0xb0: {  	v21 =	vld [tilespmem:$0x180];
	v16 =	vsel vm0, $0xFFFFFFFF, v42;
	vm0 =	vlt.s32 v49, v50;
	v14 =	vperm.xlane v48, v1  }
0xb1: {  	[tilespmem:$0x1FD70] =	vst v16;
	v16 =	vld [tilespmem:$0x190];
	v13 =	vsel vm0, v49, v50;
	v11 =	vmul.f32 $1.442695020e+00, v11;
	v52 =	vpop (erf)  }
0xb2: {  	v51 =	vperm.xlane v13, v4;
	v12 =	vmax.f32 v48, v14;
	v53 =	vmul.f32 v52, v58  }
0xb3: {  	v14 =	vld [tilespmem:$0x1A0];
	(erf) = vpow2.f32 v11;
	v11 =	vperm.xlane v12, v3  }
0xb4: {  	v47 =	vimm.s32 $0x0;
	vm0 =	vlt.s32 v13, v51  }
0xb5: {  	v13 =	vsel vm0, v13, v51;
	v55 =	vperm.xlane v53, v7;
	v11 =	vmax.f32 v12, v11  }
0xb6: {  	v34 =	vmax.f32 v21, v16;
	v27 =	vperm.xlane v53, v8;
	v54 =	vperm.xlane v11, v4  }
0xb7: {  	v32 =	vperm.xlane v53, v9;
	v36 =	vperm.xlane v53, v10;
	v57 =	vnsel vm8, $0x0, v55  }
0xb8: {  	[tilespmem:$0x1FD50] =	vst v22;
	v34 =	vmax.f32 v34, v14;
	vm8 =	vge.f32 v15, v18;
	v22 =	vmax.f32 v11, v54  }
0xb9: {  	v28 =	vsel vm11, v27, v57;
	v35 =	vperm.xlane v34, v0;
	vm5 =	vge.f32 v26, v22  }
0xba: {  	vm11 =	veq.s32 v13, v2;
	v56 =	vnsel vm5, $0x100000, v5;
	vm5 =	vge.f32 v25, v22  }
0xbb: {  	v11 =	vnsel vm9, $0x0, v55;
	vm9 =	vge.f32 v24, v22;
	v20 =	vsel vm5, v6, v56  }
0xbc: {  	v28 =	vsel vm15, v32, v28;
	v11 =	vsel vm13, v27, v11;
	v20 =	vsel vm9, v2, v20;
	v33 =	vpop (erf)  }
0xbd: {  	v34 =	vmax.f32 v34, v35;
	v58 =	vperm.xlane v33, v0;
	v59 =	vperm.xlane v20, v0  }
0xbe: {  	vm13 =	veq.s32 v13, v6;
	v11 =	vsel vm3, v32, v11;
	v37 =	vperm.xlane v34, v1  }
0xbf: {  	v12 =	vsel vm11, v36, v11;
	v29 =	vadd.f32 v33, v58;
	vm0 =	vlt.s32 v20, v59  }
0xc0: {  	v11 =	vsel vm13, v36, v28;
	v38 =	vmax.f32 v34, v37;
	v20 =	vsel vm0, v20, v59  }
0xc1: {  	v63 =	vld [tilespmem:$0x1FCC0];
	vm9 =	vge.f32 v23, v18;
	v60 =	vperm.xlane v29, v1;
	v61 =	vperm.xlane v20, v1  }
0xc2: {  	vm13 =	vge.f32 v31, v18;
	v34 =	vperm.xlane v38, v3;
	v23 =	vnsel vm9, $0x100000, v5  }
0xc3: {  	v23 =	vsel vm8, v6, v23;
	v62 =	vadd.f32 v29, v60;
	vm5 =	vlt.s32 v20, v61  }
0xc4: {  	v48 =	vimm.s32 $0x0;
	v52 =	vld [tilespmem:$0x1FCD0];
	v23 =	vsel vm13, v2, v23;
	v20 =	vsel vm5, v20, v61  }
0xc5: {  	v37 =	vld [tilespmem:$0x200];
	v29 =	vmax.f32 v38, v34;
	v30 =	vperm.xlane v62, v3;
	v39 =	vperm.xlane v20, v3  }
0xc6: {  	vm15 =	vnez.u8 v63;
	v43 =	vperm.xlane v23, v0;
	v38 =	vld [tilespmem:$0x210];
	v40 =	vperm.xlane v29, v4  }
0xc7: {  	v17 =	vnsel vm15, $0x0, v55;
	v60 =	vld [tilespmem:$0x1FCE0];
	v28 =	vadd.f32 v62, v30;
	vm11 =	vlt.s32 v20, v39  }
0xc8: {  	v15 =	vsel vm11, v20, v39;
	v20 =	vmax.f32 v29, v40;
	vm11 =	vlt.s32 v23, v43  }
0xc9: {  	v41 =	vperm.xlane v28, v4;
	v42 =	vperm.xlane v15, v4;
	vm15 =	vge.f32 v14, v20  }
0xca: {  	vm8 =	vge.f32 v16, v20;
	vm9 =	vge.f32 v21, v20;
	v23 =	vsel vm11, v23, v43  }
0xcb: {  	vm11 =	vnez.u8 v52;
	v43 =	vmax.f32 v37, v38;
	v44 =	vnsel vm15, $0x100000, v5  }
0xcc: {  	v46 =	vperm.xlane v23, v1;
	v17 =	vsel vm11, v27, v17;
	vm11 =	vnez.u8 v60  }
0xcd: {  	v18 =	vadd.f32 v28, v41;
	vm5 =	vlt.s32 v15, v42;
	v28 =	vsel vm8, v6, v44  }
0xce: {  	v17 =	vsel vm12, v32, v17;
	v44 =	vimm.s32 $0x0;
	v15 =	vsel vm5, v15, v42  }
0xcf: {  	v45 =	vsel vm9, v2, v28;
	vm9 =	vlt.s32 v23, v46;
	(erf) = vrcp.f32 v18  }
0xd0: {  	vm8 =	veq.s32 v15, v2;
	v28 =	vperm.xlane v45, v0;
	vm13 =	veq.s32 v15, v6  }
0xd1: {  	vm15 =	veq.s32 v15, v5;
	v30 =	vsel vm8, $0xFF800000, v24;
	v29 =	vsel vm13, $0xFF800000, v25  }
0xd2: {  	v25 =	vsel vm15, $0xFF800000, v26;
	vm5 =	vlt.s32 v45, v28;
	v50 =	vmax.f32 v30, v29  }
0xd3: {  	v42 =	vimm.s32 $0x0;
	v49 =	vsel vm5, v45, v28;
	v18 =	vmax.f32 v50, v25  }
0xd4: {  	v23 =	vsel vm9, v23, v46;
	v51 =	vperm.xlane v49, v1;
	v53 =	vperm.xlane v18, v0  }
0xd5: {  	v24 =	vsel vm13, $0xFFFFFFFF, v47;
	v15 =	vsel vm15, $0xFFFFFFFF, v48;
	v54 =	vperm.xlane v23, v3  }
0xd6: {  	vm13 =	veq.s32 v13, v5;
	vm12 =	vlt.s32 v49, v51;
	v18 =	vmax.f32 v18, v53  }
0xd7: {  	v31 =	vld [tilespmem:$0x280];
	[tilespmem:$0x1FD80] =	vst v15;
	vm15 =	vlt.s32 v23, v54;
	v15 =	vsel vm12, v49, v51;
	v26 =	vperm.xlane v18, v1  }
0xd8: {  	v32 =	vld [tilespmem:$0x290];
	v13 =	vsel vm13, v36, v17;
	v27 =	vsel vm15, v23, v54;
	v56 =	vperm.xlane v15, v3;
	v55 =	vpop (erf)  }
0xd9: {  	v52 =	vld [tilespmem:$0x1FCF0];
	[tilespmem:$0x1FD60] =	vst v24;
	v57 =	vperm.xlane v27, v4;
	v18 =	vmax.f32 v18, v26;
	v24 =	vmul.f32 v55, v33  }
0xda: {  	v45 =	vimm.s32 $0x0;
	vm5 =	vlt.s32 v15, v56;
	v58 =	vperm.xlane v18, v3  }
0xdb: {  	vm9 =	vlt.s32 v27, v57;
	v28 =	vsel vm5, v15, v56;
	v26 =	vperm.xlane v24, v7  }
0xdc: {  	v23 =	vperm.xlane v24, v8;
	v59 =	vperm.xlane v28, v4;
	v18 =	vmax.f32 v18, v58  }
0xdd: {  	v49 =	vmax.f32 v31, v32;
	v17 =	vperm.xlane v24, v9;
	v62 =	vperm.xlane v18, v4  }
0xde: {  	v15 =	vnsel vm11, $0x0, v26;
	vm12 =	vlt.s32 v28, v59;
	vm11 =	vnez.u8 v52  }
0xdf: {  	v39 =	vld [tilespmem:$0x220];
	v61 =	vsel vm10, v23, v15;
	v15 =	vsel vm9, v27, v57;
	v41 =	vsel vm12, v28, v59  }
0xe0: {  	v33 =	vld [tilespmem:$0x2A0];
	v28 =	vmax.f32 v18, v62;
	v63 =	vsel vm14, v17, v61;
	vm13 =	veq.s32 v41, v2  }
0xe1: {  	vm14 =	veq.s32 v41, v6;
	vm1 =	veq.s32 v41, v5;
	vm15 =	vge.f32 v25, v28  }
0xe2: {  	vm5 =	vge.f32 v29, v28;
	vm9 =	vge.f32 v30, v28;
	v18 =	vsel vm13, $0xFFFFFFFF, v42  }
0xe3: {  	v34 =	vsel vm13, $0xFF800000, v21;
	v36 =	vsel vm14, $0xFF800000, v16;
	v16 =	vsel vm1, $0xFFFFFFFF, v45  }
0xe4: {  	v35 =	vsel vm1, $0xFF800000, v14;
	[tilespmem:$0x1FDC0] =	vst v18;
	v18 =	vmax.f32 v43, v39;
	v47 =	vmax.f32 v34, v36  }
0xe5: {  	[tilespmem:$0x1FE00] =	vst v16;
	v16 =	vperm.xlane v24, v10;
	v24 =	vmax.f32 v49, v33;
	v46 =	vperm.xlane v18, v0  }
0xe6: {  	vm10 =	veq.s32 v15, v2;
	v14 =	vmax.f32 v47, v35;
	v50 =	vperm.xlane v24, v0  }
0xe7: {  	v21 =	vsel vm14, $0xFFFFFFFF, v44;
	v40 =	vperm.xlane v14, v0;
	v18 =	vmax.f32 v18, v46  }
0xe8: {  	v48 =	vnsel vm15, $0x100000, v5;
	v24 =	vmax.f32 v24, v50;
	v41 =	vperm.xlane v18, v1  }
0xe9: {  	[tilespmem:$0x1FDF0] =	vst v21;
	v21 =	vsel vm5, v6, v48;
	v14 =	vmax.f32 v14, v40;
	v53 =	vperm.xlane v24, v1  }
0xea: {  	v42 =	vsel vm9, v2, v21;
	v40 =	vperm.xlane v14, v1;
	v18 =	vmax.f32 v18, v41  }
0xeb: {  	v43 =	vperm.xlane v42, v0;
	v24 =	vmax.f32 v24, v53;
	v41 =	vperm.xlane v18, v3  }
0xec: {  	v45 =	vnsel vm11, $0x0, v26;
	v40 =	vmax.f32 v14, v40;
	v56 =	vperm.xlane v24, v3  }
0xed: {  	vm12 =	vlt.s32 v42, v43;
	v51 =	vperm.xlane v40, v3;
	v18 =	vmax.f32 v18, v41  }
0xee: {  	v42 =	vsel vm12, v42, v43;
	v59 =	vmax.f32 v24, v56;
	v44 =	vperm.xlane v18, v4  }
0xef: {  	v46 =	vperm.xlane v42, v1;
	v40 =	vmax.f32 v40, v51;
	v41 =	vperm.xlane v59, v4  }
0xf0: {  	v14 =	vsel vm10, v16, v63;
	v54 =	vperm.xlane v40, v4;
	v21 =	vmax.f32 v18, v44  }
0xf1: {  	v56 =	vimm.s32 $0x0;
	v18 =	vmax.f32 v59, v41;
	vm13 =	vge.f32 v39, v21  }
0xf2: {  	vm14 =	vge.f32 v38, v21;
	vm15 =	vge.f32 v37, v21;
	v27 =	vmax.f32 v40, v54  }
0xf3: {  	v52 =	vld [tilespmem:$0x1FD00];
	vm12 =	vge.f32 v33, v18;
	v55 =	vnsel vm13, $0x100000, v5;
	vm5 =	vge.f32 v35, v27  }
0xf4: {  	vm9 =	vge.f32 v34, v27;
	vm10 =	vge.f32 v36, v27;
	vm13 =	vge.f32 v32, v18  }
0xf5: {  	v63 =	vnsel vm12, $0x100000, v5;
	v57 =	vsel vm14, v6, v55;
	v61 =	vnsel vm5, $0x100000, v5  }
0xf6: {  	vm14 =	vge.f32 v31, v18;
	v58 =	vsel vm15, v2, v57;
	v43 =	vsel vm10, v6, v61  }
0xf7: {  	v55 =	vimm.s32 $0x0;
	v60 =	vperm.xlane v58, v0;
	v62 =	vsel vm9, v2, v43  }
0xf8: {  	v43 =	vsel vm13, v6, v63;
	vm9 =	vlt.s32 v42, v46;
	vm13 =	vnez.u8 v52  }
0xf9: {  	v52 =	vimm.s32 $0x0;
	v48 =	vperm.xlane v62, v0;
	vm11 =	vlt.s32 v58, v60  }
0xfa: {  	v43 =	vsel vm14, v2, v43;
	v42 =	vsel vm9, v42, v46;
	v24 =	vsel vm11, v58, v60  }
0xfb: {  	v44 =	vsel vm13, v23, v45;
	vm5 =	vlt.s32 v62, v48;
	v40 =	vperm.xlane v24, v1  }
0xfc: {  	v49 =	vperm.xlane v43, v0;
	v47 =	vperm.xlane v42, v3;
	v41 =	vsel vm5, v62, v48  }
0xfd: {  	v58 =	vimm.s32 $0x0;
	v51 =	vperm.xlane v41, v1;
	vm15 =	vlt.s32 v24, v40  }
0xfe: {  	vm10 =	vlt.s32 v43, v49;
	vm14 =	vlt.s32 v42, v47;
	v24 =	vsel vm15, v24, v40  }
0xff: {  	v40 =	vsel vm10, v43, v49;
	vm12 =	vlt.s32 v41, v51;
	v50 =	vperm.xlane v24, v3  }
0x100: {  	v62 =	vimm.s32 $0x0;
	v43 =	vperm.xlane v40, v1;
	v41 =	vsel vm12, v41, v51  }
0x101: {  	v42 =	vsel vm14, v42, v47;
	v46 =	vperm.xlane v41, v3;
	vm11 =	vlt.s32 v24, v50  }
0x102: {  	v54 =	vperm.xlane v42, v4;
	vm15 =	vlt.s32 v40, v43;
	v24 =	vsel vm11, v24, v50  }
0x103: {  	v40 =	vsel vm15, v40, v43;
	vm9 =	vlt.s32 v41, v46;
	v53 =	vperm.xlane v24, v4  }
0x104: {  	vm13 =	vlt.s32 v42, v54;
	v43 =	vperm.xlane v40, v3;
	v41 =	vsel vm9, v41, v46  }
0x105: {  	v42 =	vsel vm13, v42, v54;
	v59 =	vperm.xlane v41, v4;
	vm5 =	vlt.s32 v24, v53  }
0x106: {  	v54 =	vimm.s32 $0x0;
	vm11 =	vlt.s32 v40, v43;
	v24 =	vsel vm5, v24, v53  }
0x107: {  	v57 =	vsel vm11, v40, v43;
	vm14 =	vlt.s32 v41, v59;
	vm5 =	veq.s32 v42, v2  }
0x108: {  	v53 =	vimm.s32 $0x0;
	vm0 =	veq.s32 v24, v2;
	vm10 =	veq.s32 v24, v6  }
0x109: {  	vm12 =	veq.s32 v24, v5;
	v43 =	vperm.xlane v57, v4;
	v46 =	vsel vm0, $0xFFFFFFFF, v55  }
0x10a: {  	v47 =	vsel vm10, $0xFF800000, v38;
	v24 =	vsel vm12, $0xFFFFFFFF, v58;
	v39 =	vsel vm12, $0xFF800000, v39  }
0x10b: {  	v38 =	vsel vm14, v41, v59;
	[tilespmem:$0x1FE40] =	vst v46;
	v46 =	vsel vm0, $0xFF800000, v37;
	v37 =	vsel vm10, $0xFFFFFFFF, v56  }
0x10c: {  	[tilespmem:$0x1FEB0] =	vst v24;
	v24 =	vsel vm6, v17, v44;
	vm15 =	vlt.s32 v57, v43;
	vm6 =	veq.s32 v42, v6  }
0x10d: {  	vm1 =	veq.s32 v38, v2;
	vm9 =	veq.s32 v38, v6;
	vm10 =	veq.s32 v42, v5  }
0x10e: {  	v56 =	vimm.s32 $0x0;
	vm11 =	veq.s32 v38, v5;
	v44 =	vimm.s32 $0x0  }
0x10f: {  	[tilespmem:$0x1FE80] =	vst v37;
	v60 =	vmax.f32 v46, v47;
	v41 =	vsel vm15, v57, v43;
	v37 =	vsel vm5, $0xFFFFFFFF, v62  }
0x110: {  	v48 =	vsel vm6, $0xFF800000, v29;
	v29 =	vsel vm1, $0xFFFFFFFF, v53;
	v57 =	vimm.s32 $0x0  }
0x111: {  	v42 =	vsel vm10, $0xFF800000, v25;
	v62 =	vimm.s32 $0x0;
	v40 =	vmax.f32 v60, v39  }
0x112: {  	[tilespmem:$0x1FDD0] =	vst v29;
	v29 =	vsel vm9, $0xFFFFFFFF, v54;
	vm12 =	veq.s32 v41, v2;
	vm13 =	veq.s32 v41, v6  }
0x113: {  	vm14 =	veq.s32 v41, v5;
	v54 =	vld [tilespmem:$0x1FD10];
	v61 =	vperm.xlane v40, v0;
	[tilespmem:$0x1FE10] =	vst v29;
	v29 =	vsel vm9, $0xFF800000, v36  }
0x114: {  	v36 =	vsel vm10, $0xFFFFFFFF, v56;
	v31 =	vsel vm12, $0xFF800000, v31;
	v38 =	vsel vm14, $0xFF800000, v33  }
0x115: {  	[tilespmem:$0x1FDB0] =	vst v36;
	v63 =	vmax.f32 v40, v61;
	v40 =	vsel vm5, $0xFF800000, v30;
	v30 =	vsel vm6, $0xFFFFFFFF, v52  }
0x116: {  	v36 =	vsel vm11, $0xFFFFFFFF, v57;
	v45 =	vperm.xlane v63, v1;
	[tilespmem:$0x1FDA0] =	vst v30;
	v30 =	vsel vm1, $0xFF800000, v34  }
0x117: {  	[tilespmem:$0x1FE20] =	vst v36;
	v36 =	vsel vm11, $0xFF800000, v35;
	v59 =	vmax.f32 v40, v48;
	v58 =	vmax.f32 v30, v29  }
0x118: {  	v35 =	vmax.f32 v59, v42;
	vm9 =	vnez.u8 v54;
	v55 =	vmax.f32 v63, v45  }
0x119: {  	[tilespmem:$0x1FD90] =	vst v37;
	v60 =	vmax.f32 v58, v36;
	v52 =	vperm.xlane v35, v0;
	v37 =	vperm.xlane v55, v3  }
0x11a: {  	v63 =	vimm.s32 $0x0;
	v26 =	vnsel vm9, $0x0, v26;
	v49 =	vperm.xlane v60, v0  }
0x11b: {  	v35 =	vmax.f32 v35, v52;
	v61 =	vmax.f32 v55, v37;
	v37 =	vsel vm12, $0xFFFFFFFF, v62  }
0x11c: {  	v33 =	vmax.f32 v60, v49;
	v34 =	vperm.xlane v61, v4;
	[tilespmem:$0x1FEE0] =	vst v37;
	v37 =	vsel vm13, $0xFFFFFFFF, v63  }
0x11d: {  	v43 =	vperm.xlane v33, v1;
	[tilespmem:$0x1FF00] =	vst v37;
	v37 =	vsel vm13, $0xFF800000, v32;
	v32 =	vsel vm14, $0xFFFFFFFF, v44  }
0x11e: {  	v44 =	vperm.xlane v35, v1;
	v25 =	vmax.f32 v61, v34;
	v45 =	vmax.f32 v31, v37  }
0x11f: {  	[tilespmem:$0x1FF20] =	vst v32;
	v33 =	vmax.f32 v33, v43;
	v32 =	vmax.f32 v45, v38;
	vm15 =	vge.f32 v39, v25  }
0x120: {  	v58 =	vld [tilespmem:$0x1FD20];
	vm5 =	vge.f32 v47, v25;
	v35 =	vmax.f32 v35, v44;
	v51 =	vperm.xlane v32, v0  }
0x121: {  	vm6 =	vge.f32 v46, v25;
	v50 =	vnsel vm15, $0x100000, v5;
	v44 =	vperm.xlane v35, v3  }
0x122: {  	v43 =	vperm.xlane v33, v3;
	v34 =	vsel vm5, v6, v50;
	v32 =	vmax.f32 v32, v51  }
0x123: {  	v34 =	vsel vm6, v2, v34;
	v35 =	vmax.f32 v35, v44;
	v41 =	vperm.xlane v32, v1  }
0x124: {  	v33 =	vmax.f32 v33, v43;
	v53 =	vperm.xlane v34, v0;
	v49 =	vperm.xlane v35, v4  }
0x125: {  	vm11 =	vnez.u8 v58;
	v43 =	vperm.xlane v33, v4;
	v32 =	vmax.f32 v32, v41  }
0x126: {  	vm10 =	vlt.s32 v34, v53;
	v49 =	vmax.f32 v35, v49;
	v55 =	vperm.xlane v32, v3  }
0x127: {  	v26 =	vsel vm11, v23, v26;
	v34 =	vsel vm10, v34, v53;
	vm15 =	vge.f32 v42, v49  }
0x128: {  	v56 =	vperm.xlane v34, v1;
	v41 =	vmax.f32 v32, v55;
	v32 =	vmax.f32 v33, v43  }
0x129: {  	v42 =	vnsel vm15, $0x100000, v5;
	v57 =	vperm.xlane v41, v4;
	vm12 =	vge.f32 v36, v32  }
0x12a: {  	v45 =	vld [tilespmem:$0x310];
	vm13 =	vlt.s32 v34, v56;
	vm5 =	vge.f32 v29, v32;
	vm9 =	vge.f32 v30, v32  }
0x12b: {  	v43 =	vld [tilespmem:$0x300];
	v59 =	vnsel vm12, $0x100000, v5;
	v34 =	vsel vm13, v34, v56;
	vm12 =	vge.f32 v48, v49  }
0x12c: {  	v44 =	vld [tilespmem:$0x320];
	v23 =	vmax.f32 v41, v57;
	v61 =	vperm.xlane v34, v3;
	v33 =	vsel vm5, v6, v59  }
0x12d: {  	v48 =	vsel vm12, v6, v42;
	v59 =	vimm.s32 $0x0;
	vm14 =	vge.f32 v38, v23  }
0x12e: {  	vm6 =	vge.f32 v37, v23;
	vm11 =	vge.f32 v31, v23;
	v33 =	vsel vm9, v2, v33  }
0x12f: {  	vm9 =	vge.f32 v40, v49;
	v60 =	vnsel vm14, $0x100000, v5;
	vm10 =	vlt.s32 v34, v61  }
0x130: {  	v63 =	vperm.xlane v33, v0;
	v51 =	vmax.f32 v43, v45;
	v41 =	vsel vm6, v6, v60  }
0x131: {  	v34 =	vsel vm10, v34, v61;
	v51 =	vmax.f32 v51, v44;
	v60 =	vimm.s32 $0x0  }
0x132: {  	v62 =	vsel vm11, v2, v41;
	v50 =	vperm.xlane v34, v4;
	v56 =	vperm.xlane v51, v0  }
0x133: {  	v61 =	vimm.s32 $0x0;
	vm13 =	vlt.s32 v33, v63;
	v52 =	vperm.xlane v62, v0  }
0x134: {  	v41 =	vsel vm13, v33, v63;
	vm14 =	vlt.s32 v34, v50;
	v51 =	vmax.f32 v51, v56  }
0x135: {  	v58 =	vperm.xlane v41, v1;
	vm15 =	vlt.s32 v62, v52;
	v34 =	vsel vm14, v34, v50  }
0x136: {  	v53 =	vperm.xlane v51, v1;
	v57 =	vsel vm15, v62, v52;
	vm0 =	veq.s32 v34, v2  }
0x137: {  	v56 =	vld [tilespmem:$0x1FFF0];
	vm5 =	veq.s32 v34, v6;
	vm6 =	veq.s32 v34, v5;
	vm10 =	vlt.s32 v41, v58  }
0x138: {  	v33 =	vsel vm0, $0xFFFFFFFF, v59;
	v35 =	vsel vm5, $0xFFFFFFFF, v60;
	v34 =	vsel vm6, $0xFFFFFFFF, v61  }
0x139: {  	v42 =	vsel vm5, $0xFF800000, v47;
	v62 =	vmax.f32 v51, v53;
	v54 =	vperm.xlane v57, v1;
	[tilespmem:$0x1FE60] =	vst v33  }
0x13a: {  	v41 =	vsel vm10, v41, v58;
	vm10 =	vcmask $0x310;
	v33 =	vsel vm0, $0xFF800000, v46;
	[tilespmem:$0x1FE90] =	vst v35  }
0x13b: {  	[tilespmem:$0x1FEC0] =	vst v34;
	v35 =	vsel vm6, $0xFF800000, v39;
	v63 =	vperm.xlane v62, v3;
	v34 =	vsel vm9, v2, v48  }
0x13c: {  	v46 =	vmax.f32 v33, v42;
	vm11 =	vlt.s32 v57, v54;
	vm6 =	vnez.u8 v56  }
0x13d: {  	v53 =	vmax.f32 v46, v35;
	v39 =	vmax.f32 v62, v63;
	v46 =	vsel vm11, v57, v54  }
0x13e: {  	v50 =	vnsel vm6, $0xFF800000, v19;
	vm11 =	vmmov vm4;
	v63 =	vperm.xlane v41, v3  }
0x13f: {  	vm2 =	vmmov vm6;
	v55 =	vperm.xlane v53, v0;
	v47 =	vperm.xlane v39, v4  }
0x140: {  	v57 =	vsel vm10, v50, v22;
	v59 =	vperm.xlane v46, v3;
	vm3 =	vmmov vm2  }
0x141: {  	v28 =	vsel vm7, v57, v28;
	vm5 =	vlt.s32 v41, v63;
	v40 =	vmax.f32 v53, v55  }
0x142: {  	v22 =	vmax.f32 v39, v47;
	v28 =	vsel vm4, v28, v49;
	vm13 =	vlt.s32 v46, v59  }
0x143: {  	v58 =	vperm.xlane v40, v1;
	vm12 =	vge.f32 v44, v22;
	vm14 =	vge.f32 v45, v22  }
0x144: {  	v39 =	vsel vm13, v46, v59;
	v19 =	vsub.f32 v28, v19;
	vm15 =	vge.f32 v43, v22  }
0x145: {  	v28 =	vsel vm5, v41, v63;
	v59 =	vimm.s32 $0x0;
	v60 =	vnsel vm12, $0x100000, v5  }
0x146: {  	v53 =	vperm.xlane v39, v4;
	v57 =	vperm.xlane v28, v4;
	v40 =	vmax.f32 v40, v58  }
0x147: {  	v62 =	vsel vm14, v6, v60;
	v19 =	vmul.f32 $1.442695020e+00, v19;
	v58 =	vimm.s32 $0x0  }
0x148: {  	v60 =	vimm.s32 $0x0;
	v61 =	vperm.xlane v40, v3;
	v46 =	vsel vm15, v2, v62  }
0x149: {  	vm12 =	vlt.s32 v39, v53;
	v54 =	vperm.xlane v46, v0;
	(erf) = vpow2.f32 v19  }
0x14a: {  	v56 =	vsel vm12, v39, v53;
	v53 =	vimm.s32 $0x0;
	v40 =	vmax.f32 v40, v61  }
0x14b: {  	vm1 =	veq.s32 v56, v2;
	vm14 =	veq.s32 v56, v6;
	vm15 =	veq.s32 v56, v5  }
0x14c: {  	v56 =	vimm.s32 $0x0;
	v52 =	vperm.xlane v40, v4;
	vm13 =	vlt.s32 v46, v54  }
0x14d: {  	v39 =	vsel vm1, $0xFFFFFFFF, v58;
	v38 =	vsel vm15, $0xFF800000, v38;
	v46 =	vsel vm13, v46, v54  }
0x14e: {  	[tilespmem:$0x1FEF0] =	vst v39;
	v39 =	vsel vm14, $0xFFFFFFFF, v59;
	v41 =	vmax.f32 v40, v52;
	v40 =	vsel vm1, $0xFF800000, v31  }
0x14f: {  	[tilespmem:$0x1FF10] =	vst v39;
	v39 =	vsel vm14, $0xFF800000, v37;
	v31 =	vsel vm15, $0xFFFFFFFF, v60;
	v63 =	vperm.xlane v46, v1  }
0x150: {  	vm9 =	vge.f32 v35, v41;
	v61 =	vmax.f32 v40, v39;
	vm5 =	vge.f32 v42, v41  }
0x151: {  	vm12 =	vge.f32 v33, v41;
	v55 =	vnsel vm9, $0x100000, v5;
	v62 =	vmax.f32 v61, v38  }
0x152: {  	vm9 =	vlt.s32 v28, v57;
	vm13 =	vlt.s32 v46, v63;
	v19 =	vsel vm5, v6, v55  }
0x153: {  	v52 =	vperm.xlane v62, v0;
	v48 =	vsel vm9, v28, v57;
	v49 =	vsel vm13, v46, v63  }
0x154: {  	v57 =	vimm.s32 $0x0;
	v19 =	vsel vm12, v2, v19;
	vm14 =	veq.s32 v48, v2  }
0x155: {  	vm15 =	veq.s32 v48, v6;
	vm5 =	veq.s32 v48, v5;
	v60 =	vperm.xlane v49, v3  }
0x156: {  	[tilespmem:$0x1FF30] =	vst v31;
	v31 =	vpop (erf);
	v37 =	vmax.f32 v62, v52;
	v28 =	vsel vm14, $0xFFFFFFFF, v53;
	v55 =	vperm.xlane v19, v0  }
0x157: {  	v29 =	vsel vm15, $0xFF800000, v29;
	[tilespmem:$0x1FDE0] =	vst v28;
	v54 =	vperm.xlane v31, v0;
	v28 =	vsel vm14, $0xFF800000, v30  }
0x158: {  	v47 =	vperm.xlane v37, v1;
	v30 =	vsel vm15, $0xFFFFFFFF, v56;
	vm12 =	vlt.s32 v49, v60  }
0x159: {  	[tilespmem:$0x1FE30] =	vst v30;
	v30 =	vsel vm5, $0xFFFFFFFF, v57;
	v59 =	vmax.f32 v28, v29;
	vm9 =	vlt.s32 v19, v55  }
0x15a: {  	[tilespmem:$0x1FE50] =	vst v30;
	v30 =	vsel vm5, $0xFF800000, v36;
	v58 =	vmax.f32 v37, v47;
	v19 =	vsel vm9, v19, v55  }
0x15b: {  	v61 =	vadd.f32 v31, v54;
	v47 =	vperm.xlane v58, v3;
	v37 =	vmax.f32 v59, v30  }
0x15c: {  	v48 =	vsel vm12, v49, v60;
	v63 =	vperm.xlane v19, v1;
	v62 =	vperm.xlane v37, v0  }
0x15d: {  	v54 =	vperm.xlane v61, v1;
	v36 =	vmax.f32 v58, v47;
	v58 =	vperm.xlane v48, v4  }
0x15e: {  	v46 =	vld [tilespmem:$0x380];
	vm13 =	vlt.s32 v19, v63;
	v57 =	vperm.xlane v36, v4;
	v51 =	vmax.f32 v37, v62  }
0x15f: {  	v47 =	vld [tilespmem:$0x390];
	v19 =	vsel vm13, v19, v63;
	v54 =	vadd.f32 v61, v54;
	v62 =	vimm.s32 $0x0  }
0x160: {  	v63 =	vimm.s32 $0x0;
	v59 =	vperm.xlane v51, v1;
	vm15 =	vlt.s32 v48, v58  }
0x161: {  	v37 =	vmax.f32 v36, v57;
	v36 =	vsel vm15, v48, v58;
	v61 =	vperm.xlane v54, v3  }
0x162: {  	v49 =	vld [tilespmem:$0x3A0];
	vm14 =	vge.f32 v38, v37;
	v51 =	vmax.f32 v51, v59;
	vm5 =	veq.s32 v36, v2  }
0x163: {  	vm0 =	veq.s32 v36, v6;
	vm9 =	veq.s32 v36, v5;
	vm12 =	vge.f32 v39, v37  }
0x164: {  	vm13 =	vge.f32 v40, v37;
	v53 =	vnsel vm14, $0x100000, v5;
	v60 =	vmax.f32 v46, v47  }
0x165: {  	v55 =	vperm.xlane v51, v3;
	v48 =	vsel vm5, $0xFFFFFFFF, v62;
	v50 =	vsel vm5, $0xFF800000, v43  }
0x166: {  	v43 =	vimm.s32 $0x0;
	v44 =	vsel vm9, $0xFF800000, v44;
	v52 =	vadd.f32 v54, v61  }
0x167: {  	v62 =	vnsel vm6, $0xFF800000, v20;
	v56 =	vmax.f32 v60, v49;
	[tilespmem:$0x1FF40] =	vst v48;
	v48 =	vsel vm0, $0xFFFFFFFF, v63  }
0x168: {  	v36 =	vsel vm9, $0xFFFFFFFF, v43;
	v53 =	vsel vm12, v6, v53;
	v57 =	vperm.xlane v56, v0  }
0x169: {  	v27 =	vsel vm10, v62, v27;
	[tilespmem:$0x1FF60] =	vst v48;
	v48 =	vsel vm0, $0xFF800000, v45;
	v51 =	vmax.f32 v51, v55  }
0x16a: {  	v27 =	vsel vm7, v27, v32;
	v45 =	vmax.f32 v50, v48;
	v58 =	vmax.f32 v56, v57  }
0x16b: {  	[tilespmem:$0x1FF80] =	vst v36;
	v36 =	vmax.f32 v45, v44;
	v57 =	vperm.xlane v52, v4;
	v59 =	vperm.xlane v58, v1  }
0x16c: {  	v53 =	vsel vm13, v2, v53;
	v61 =	vperm.xlane v51, v4;
	v60 =	vperm.xlane v36, v0  }
0x16d: {  	v52 =	vadd.f32 v52, v57;
	v57 =	vperm.xlane v19, v3;
	v43 =	vmax.f32 v58, v59  }
0x16e: {  	v55 =	vmax.f32 v36, v60;
	v36 =	vmax.f32 v51, v61;
	v58 =	vperm.xlane v53, v0  }
0x16f: {  	v63 =	vperm.xlane v43, v3;
	v59 =	vperm.xlane v55, v1;
	v27 =	vsel vm4, v27, v36  }
0x170: {  	(erf) = vrcp.f32 v52;
	vm5 =	vlt.s32 v19, v57;
	v27 =	vsub.f32 v27, v20  }
0x171: {  	v19 =	vsel vm5, v19, v57;
	vm13 =	vlt.s32 v53, v58;
	v61 =	vmax.f32 v55, v59  }
0x172: {  	v60 =	vmax.f32 v43, v63;
	v63 =	vperm.xlane v61, v3;
	v27 =	vmul.f32 $1.442695020e+00, v27  }
0x173: {  	v51 =	vsel vm13, v53, v58;
	v58 =	vimm.s32 $0x0;
	v62 =	vperm.xlane v60, v4  }
0x174: {  	v54 =	vmax.f32 v61, v63;
	(erf) = vpow2.f32 v27;
	v61 =	vperm.xlane v34, v0  }
0x175: {  	v20 =	vmax.f32 v60, v62;
	v62 =	vperm.xlane v19, v4;
	v63 =	vperm.xlane v51, v1  }
0x176: {  	vm14 =	vge.f32 v49, v20;
	v56 =	vperm.xlane v54, v4;
	vm15 =	vge.f32 v47, v20  }
0x177: {  	vm12 =	vge.f32 v46, v20;
	v55 =	vnsel vm14, $0x100000, v5;
	vm13 =	vlt.s32 v51, v63  }
0x178: {  	v43 =	vsel vm15, v6, v55;
	v32 =	vmax.f32 v54, v56;
	v51 =	vsel vm13, v51, v63  }
0x179: {  	v55 =	vimm.s32 $0x0;
	v56 =	vimm.s32 $0x0;
	vm9 =	vge.f32 v44, v32  }
0x17a: {  	v43 =	vsel vm12, v2, v43;
	vm14 =	vge.f32 v48, v32;
	vm15 =	vge.f32 v50, v32  }
0x17b: {  	vm12 =	vlt.s32 v19, v62;
	v59 =	vnsel vm9, $0x100000, v5;
	v60 =	vperm.xlane v43, v0  }
0x17c: {  	vm9 =	vlt.s32 v34, v61;
	v19 =	vsel vm12, v19, v62;
	v27 =	vsel vm14, v6, v59  }
0x17d: {  	v52 =	vsel vm9, v34, v61;
	vm9 =	veq.s32 v19, v6;
	vm5 =	vlt.s32 v43, v60  }
0x17e: {  	vm12 =	veq.s32 v19, v5;
	v27 =	vsel vm15, v2, v27;
	v45 =	vsel vm5, v43, v60  }
0x17f: {  	v35 =	vsel vm12, $0xFF800000, v35;
	v43 =	vpop (erf);
	v60 =	vperm.xlane v27, v0;
	v61 =	vperm.xlane v45, v1  }
0x180: {  	vm5 =	veq.s32 v19, v2;
	v19 =	vsel vm12, $0xFFFFFFFF, v58;
	v34 =	vpop (erf);
	v43 =	vmul.f32 v43, v31  }
0x181: {  	v62 =	vperm.xlane v34, v0;
	vm14 =	vlt.s32 v27, v60;
	vm15 =	vlt.s32 v45, v61  }
0x182: {  	v63 =	vsel vm14, v27, v60;
	v27 =	vsel vm5, $0xFFFFFFFF, v55;
	v45 =	vsel vm15, v45, v61  }
0x183: {  	v53 =	vadd.f32 v34, v62;
	[tilespmem:$0x1FE70] =	vst v27;
	v27 =	vsel vm5, $0xFF800000, v33;
	v33 =	vsel vm9, $0xFFFFFFFF, v56  }
0x184: {  	v55 =	vperm.xlane v63, v1;
	vm15 =	veq.s32 v15, v6;
	[tilespmem:$0x1FEA0] =	vst v33;
	v33 =	vsel vm9, $0xFF800000, v42  }
0x185: {  	[tilespmem:$0x1FED0] =	vst v19;
	v57 =	vperm.xlane v45, v3;
	v19 =	vsel vm15, v16, v24;
	v59 =	vmax.f32 v27, v33  }
0x186: {  	vm13 =	vlt.s32 v63, v55;
	v61 =	vperm.xlane v53, v1;
	v60 =	vmax.f32 v59, v35  }
0x187: {  	v54 =	vsel vm13, v63, v55;
	vm14 =	vlt.s32 v45, v57;
	v62 =	vperm.xlane v60, v0  }
0x188: {  	v42 =	vsel vm14, v45, v57;
	v63 =	vperm.xlane v54, v3;
	v24 =	vadd.f32 v53, v61  }
0x189: {  	v59 =	vimm.s32 $0x0;
	v58 =	vperm.xlane v42, v4;
	v60 =	vmax.f32 v60, v62  }
0x18a: {  	vm5 =	vlt.s32 v54, v63;
	v55 =	vperm.xlane v24, v3;
	v62 =	vimm.s32 $0x0  }
0x18b: {  	v61 =	vperm.xlane v60, v1;
	vm9 =	vlt.s32 v42, v58;
	v54 =	vsel vm5, v54, v63  }
0x18c: {  	v42 =	vsel vm9, v42, v58;
	v53 =	vperm.xlane v54, v4;
	v24 =	vadd.f32 v24, v55  }
0x18d: {  	v45 =	vmax.f32 v60, v61;
	vm12 =	veq.s32 v42, v2;
	vm13 =	veq.s32 v42, v6  }
0x18e: {  	v60 =	vimm.s32 $0x0;
	vm1 =	veq.s32 v42, v5;
	v61 =	vimm.s32 $0x0  }
0x18f: {  	v56 =	vsel vm12, $0xFFFFFFFF, v62;
	v63 =	vperm.xlane v45, v3;
	v46 =	vsel vm12, $0xFF800000, v46  }
0x190: {  	v57 =	vsel vm13, $0xFFFFFFFF, v60;
	v47 =	vsel vm13, $0xFF800000, v47;
	vm14 =	vlt.s32 v54, v53  }
0x191: {  	v42 =	vsel vm1, $0xFFFFFFFF, v61;
	v49 =	vsel vm1, $0xFF800000, v49;
	v60 =	vnsel vm6, $0xFF800000, v21  }
0x192: {  	v58 =	vperm.xlane v24, v4;
	[tilespmem:$0x1FFA0] =	vst v56;
	v53 =	vsel vm14, v54, v53;
	v62 =	vmax.f32 v46, v47  }
0x193: {  	[tilespmem:$0x1FFB0] =	vst v57;
	v57 =	vperm.xlane v52, v1;
	v55 =	vsel vm10, v60, v25;
	v56 =	vimm.s32 $0x0  }
0x194: {  	[tilespmem:$0x1FFD0] =	vst v42;
	v45 =	vmax.f32 v45, v63;
	v42 =	vmax.f32 v62, v49;
	v41 =	vsel vm7, v55, v41  }
0x195: {  	vm0 =	veq.s32 v53, v2;
	v63 =	vperm.xlane v45, v4;
	v61 =	vperm.xlane v42, v0  }
0x196: {  	vm15 =	veq.s32 v53, v6;
	v24 =	vadd.f32 v24, v58;
	vm5 =	vlt.s32 v52, v57  }
0x197: {  	v52 =	vsel vm5, v52, v57;
	v25 =	vmax.f32 v45, v63;
	v62 =	vmax.f32 v42, v61  }
0x198: {  	v45 =	vimm.s32 $0x0;
	v41 =	vsel vm4, v41, v25;
	v63 =	vperm.xlane v62, v1  }
0x199: {  	v42 =	vsel vm0, $0xFFFFFFFF, v45;
	v45 =	vsel vm0, $0xFF800000, v50;
	vm4 =	veq.s32 v53, v5  }
0x19a: {  	[tilespmem:$0x1FF50] =	vst v42;
	v21 =	vsub.f32 v41, v21;
	v41 =	vsel vm15, $0xFFFFFFFF, v56;
	v42 =	vsel vm15, $0xFF800000, v48  }
0x19b: {  	[tilespmem:$0x1FF70] =	vst v41;
	v48 =	vmax.f32 v62, v63;
	v41 =	vsel vm4, $0xFFFFFFFF, v59;
	v60 =	vmax.f32 v45, v42  }
0x19c: {  	v62 =	vperm.xlane v51, v3;
	v59 =	vld [tilespmem:$0x1FD30];
	[tilespmem:$0x1FF90] =	vst v41;
	v41 =	vsel vm4, $0xFF800000, v44;
	v61 =	vperm.xlane v48, v3  }
0x19d: {  	(erf) = vrcp.f32 v24;
	v21 =	vmul.f32 $1.442695020e+00, v21;
	v44 =	vmax.f32 v60, v41  }
0x19e: {  	vm9 =	vlt.s32 v51, v62;
	v63 =	vperm.xlane v44, v0;
	v48 =	vmax.f32 v48, v61  }
0x19f: {  	v51 =	vsel vm9, v51, v62;
	v61 =	vperm.xlane v52, v3;
	v50 =	vperm.xlane v48, v4  }
0x1a0: {  	(erf) = vpow2.f32 v21;
	v57 =	vperm.xlane v51, v4;
	v56 =	vmax.f32 v44, v63  }
0x1a1: {  	vm13 =	vnez.u8 v59;
	vm4 =	vlt.s32 v52, v61;
	v21 =	vmax.f32 v48, v50  }
0x1a2: {  	v58 =	vperm.xlane v56, v1;
	v50 =	vsel vm13, v17, v26;
	vm14 =	vlt.s32 v51, v57  }
0x1a3: {  	vm12 =	vge.f32 v49, v21;
	vm15 =	vge.f32 v47, v21;
	v44 =	vsel vm14, v51, v57  }
0x1a4: {  	vm5 =	vge.f32 v46, v21;
	v51 =	vsel vm4, v52, v61;
	v60 =	vnsel vm12, $0x100000, v5  }
0x1a5: {  	v24 =	vmax.f32 v56, v58;
	vm12 =	veq.s32 v44, v2;
	vm13 =	veq.s32 v44, v6  }
0x1a6: {  	vm14 =	veq.s32 v44, v5;
	v17 =	vsel vm15, v6, v60;
	v48 =	vperm.xlane v24, v3  }
0x1a7: {  	v38 =	vsel vm14, $0xFF800000, v38;
	v62 =	vsel vm5, v2, v17;
	v17 =	vsel vm12, $0xFF800000, v40  }
0x1a8: {  	v63 =	vmax.f32 v24, v48;
	v56 =	vperm.xlane v62, v0;
	v24 =	vsel vm13, $0xFF800000, v39;
	v39 =	vpop (erf)  }
0x1a9: {  	v57 =	vperm.xlane v63, v4;
	v58 =	vmax.f32 v17, v24;
	v26 =	vpop (erf);
	v34 =	vmul.f32 v39, v34  }
0x1aa: {  	vm9 =	vlt.s32 v62, v56;
	v44 =	vmax.f32 v58, v38;
	v59 =	vperm.xlane v26, v0  }
0x1ab: {  	v48 =	vsel vm9, v62, v56;
	v40 =	vmax.f32 v63, v57;
	v60 =	vperm.xlane v44, v0  }
0x1ac: {  	v56 =	vimm.s32 $0x0;
	vm15 =	vge.f32 v41, v40;
	v62 =	vperm.xlane v48, v1  }
0x1ad: {  	vm4 =	vge.f32 v42, v40;
	v52 =	vadd.f32 v26, v59;
	vm5 =	vge.f32 v45, v40  }
0x1ae: {  	v61 =	vnsel vm15, $0x100000, v5;
	v44 =	vmax.f32 v44, v60;
	v60 =	vperm.xlane v51, v4  }
0x1af: {  	vm15 =	veq.s32 v15, v5;
	v54 =	vsel vm4, v6, v61;
	v53 =	vperm.xlane v44, v1  }
0x1b0: {  	vm9 =	vlt.s32 v48, v62;
	v63 =	vperm.xlane v52, v1;
	v15 =	vsel vm15, v16, v50  }
0x1b1: {  	v54 =	vsel vm5, v2, v54;
	v48 =	vsel vm9, v48, v62;
	vm4 =	vlt.s32 v51, v60  }
0x1b2: {  	v53 =	vmax.f32 v44, v53;
	v61 =	vperm.xlane v54, v0;
	v52 =	vadd.f32 v52, v63  }
0x1b3: {  	v63 =	vperm.xlane v48, v3;
	v44 =	vsel vm4, v51, v60;
	v60 =	vnsel vm6, $0xFF800000, v18  }
0x1b4: {  	vm4 =	vmmov vm7;
	v62 =	vperm.xlane v53, v3;
	v23 =	vsel vm10, v60, v23  }
0x1b5: {  	vm5 =	vlt.s32 v54, v61;
	v57 =	vperm.xlane v52, v3;
	vm9 =	vlt.s32 v48, v63  }
0x1b6: {  	v50 =	vsel vm5, v54, v61;
	v59 =	vmax.f32 v53, v62;
	v48 =	vsel vm9, v48, v63  }
0x1b7: {  	v53 =	vperm.xlane v59, v4;
	v52 =	vadd.f32 v52, v57;
	v61 =	vperm.xlane v50, v1  }
0x1b8: {  	v23 =	vsel vm7, v23, v37;
	v62 =	vperm.xlane v48, v4;
	v57 =	vimm.s32 $0x0  }
0x1b9: {  	v16 =	vmax.f32 v59, v53;
	v63 =	vperm.xlane v52, v4;
	vm15 =	vlt.s32 v50, v61  }
0x1ba: {  	vm5 =	vlt.s32 v48, v62;
	v23 =	vsel vm11, v23, v16;
	v50 =	vsel vm15, v50, v61  }
0x1bb: {  	v54 =	vsel vm5, v48, v62;
	vm5 =	vge.f32 v30, v36;
	v18 =	vsub.f32 v23, v18  }
0x1bc: {  	v55 =	vadd.f32 v52, v63;
	vm15 =	veq.s32 v54, v2;
	vm0 =	veq.s32 v54, v6  }
0x1bd: {  	vm6 =	veq.s32 v54, v5;
	v58 =	vperm.xlane v50, v3;
	v30 =	vnsel vm5, $0x100000, v5  }
0x1be: {  	v62 =	vld [tilespmem:$0x1FD40];
	v37 =	vsel vm0, $0xFFFFFFFF, v56;
	v46 =	vsel vm15, $0xFF800000, v46;
	v47 =	vsel vm0, $0xFF800000, v47  }
0x1bf: {  	v23 =	vsel vm6, $0xFFFFFFFF, v57;
	v48 =	vsel vm6, $0xFF800000, v49;
	v49 =	vperm.xlane v43, v7  }
0x1c0: {  	vm6 =	vge.f32 v29, v36;
	vm0 =	veq.s32 v44, v5;
	v18 =	vmul.f32 $1.442695020e+00, v18  }
0x1c1: {  	v59 =	vmax.f32 v46, v47;
	(erf) = vrcp.f32 v55;
	vm7 =	vlt.s32 v50, v58  }
0x1c2: {  	[tilespmem:$0x1FFE0] =	vst v23;
	v60 =	vmax.f32 v59, v48;
	v23 =	vsel vm7, v50, v58;
	v50 =	vperm.xlane v43, v8  }
0x1c3: {  	v59 =	vld [tilespmem:$0x1FD50];
	(erf) = vpow2.f32 v18;
	vm9 =	vnez.u8 v62;
	v63 =	vperm.xlane v23, v4  }
0x1c4: {  	[tilespmem:$0x1FFC0] =	vst v37;
	v29 =	vsel vm6, v6, v30;
	v61 =	vperm.xlane v60, v0;
	v37 =	vnsel vm9, $0x0, v49  }
0x1c5: {  	v52 =	vsel vm8, v50, v37;
	vm7 =	vlt.s32 v23, v63;
	vm8 =	vge.f32 v28, v36  }
0x1c6: {  	v62 =	vld [tilespmem:$0x1FD60];
	v18 =	vmax.f32 v60, v61;
	v51 =	vsel vm7, v23, v63;
	v28 =	vsel vm8, v2, v29  }
0x1c7: {  	v31 =	vperm.xlane v18, v1;
	vm8 =	veq.s32 v51, v2;
	v56 =	vperm.xlane v28, v0  }
0x1c8: {  	vm7 =	veq.s32 v51, v6;
	vm6 =	veq.s32 v51, v5;
	vm9 =	vnez.u8 v59  }
0x1c9: {  	v18 =	vmax.f32 v18, v31;
	v23 =	vsel vm8, $0xFF800000, v45;
	v30 =	vsel vm7, $0xFF800000, v42  }
0x1ca: {  	v31 =	vsel vm6, $0xFF800000, v41;
	v55 =	vperm.xlane v18, v3;
	v57 =	vmax.f32 v23, v30  }
0x1cb: {  	v45 =	vnsel vm9, $0x0, v49;
	vm9 =	vnez.u8 v62;
	v37 =	vpop (erf);
	v41 =	vmax.f32 v57, v31  }
0x1cc: {  	vm5 =	vlt.s32 v28, v56;
	v18 =	vmax.f32 v18, v55;
	v61 =	vperm.xlane v41, v0;
	v29 =	vpop (erf)  }
0x1cd: {  	v45 =	vsel vm9, v50, v45;
	v58 =	vperm.xlane v18, v4;
	v60 =	vperm.xlane v29, v0  }
0x1ce: {  	v63 =	vsel vm5, v28, v56;
	v56 =	vperm.xlane v43, v10;
	v41 =	vmax.f32 v41, v61  }
0x1cf: {  	v42 =	vmax.f32 v18, v58;
	v53 =	vperm.xlane v41, v1;
	v58 =	vadd.f32 v29, v60;
	v60 =	vld [tilespmem:$0x1FD70]  }
0x1d0: {  	v59 =	vperm.xlane v63, v1;
	vm5 =	vge.f32 v48, v42;
	vm9 =	vge.f32 v47, v42  }
0x1d1: {  	v57 =	vnsel vm5, $0x100000, v5;
	v41 =	vmax.f32 v41, v53;
	v61 =	vperm.xlane v58, v1  }
0x1d2: {  	v28 =	vsel vm9, v6, v57;
	vm9 =	vlt.s32 v63, v59;
	v62 =	vperm.xlane v41, v3  }
0x1d3: {  	v26 =	vmul.f32 v37, v26;
	v18 =	vsel vm9, v63, v59;
	v36 =	vadd.f32 v58, v61  }
0x1d4: {  	v63 =	vperm.xlane v18, v3;
	v58 =	vld [tilespmem:$0x1FD80];
	v41 =	vmax.f32 v41, v62;
	vm5 =	vnez.u8 v60  }
0x1d5: {  	v49 =	vnsel vm5, $0x0, v49;
	vm5 =	vge.f32 v46, v42;
	v59 =	vperm.xlane v36, v3  }
0x1d6: {  	v62 =	vld [tilespmem:$0x1FD90];
	v61 =	vperm.xlane v41, v4;
	v28 =	vsel vm5, v2, v28;
	vm5 =	vlt.s32 v18, v63  }
0x1d7: {  	v57 =	vperm.xlane v28, v0;
	v53 =	vsel vm5, v18, v63;
	v51 =	vadd.f32 v36, v59  }
0x1d8: {  	v63 =	vnsel vm2, $0xFF800000, v22;
	v36 =	vmax.f32 v41, v61;
	vm5 =	veq.s32 v44, v2  }
0x1d9: {  	vm9 =	vnez.u8 v58;
	v54 =	vsel vm10, v63, v32;
	v59 =	vperm.xlane v53, v4  }
0x1da: {  	v58 =	vld [tilespmem:$0x1FDA0];
	v63 =	vperm.xlane v34, v7;
	v49 =	vsel vm9, v50, v49;
	v50 =	vperm.xlane v43, v9  }
0x1db: {  	vm1 =	vlt.s32 v28, v57;
	vm9 =	vnez.u8 v62;
	v43 =	vperm.xlane v34, v8  }
0x1dc: {  	v60 =	vsel vm1, v28, v57;
	v28 =	vsel vm4, v54, v40;
	v57 =	vperm.xlane v51, v4  }
0x1dd: {  	v52 =	vsel vm9, v50, v52;
	v55 =	vperm.xlane v60, v1;
	v28 =	vsel vm11, v28, v36  }
0x1de: {  	v62 =	vld [tilespmem:$0x1FDB0];
	vm9 =	vmmov vm4;
	v18 =	vsel vm5, v56, v52;
	v22 =	vsub.f32 v28, v22  }
0x1df: {  	v40 =	vadd.f32 v51, v57;
	vm1 =	vlt.s32 v60, v55;
	vm4 =	vnez.u8 v58  }
0x1e0: {  	vm5 =	veq.s32 v44, v6;
	v32 =	vsel vm1, v60, v55;
	v28 =	vsel vm4, v50, v45  }
0x1e1: {  	v60 =	vmul.f32 $1.442695020e+00, v22;
	v22 =	vsel vm5, v56, v28;
	vm5 =	vlt.s32 v53, v59  }
0x1e2: {  	v52 =	vnsel vm3, $0xFF800000, v20;
	v61 =	vperm.xlane v32, v3;
	v39 =	vsel vm5, v53, v59;
	v53 =	vld [tilespmem:$0x1FDC0]  }
0x1e3: {  	v21 =	vsel vm10, v52, v21;
	vm10 =	vge.f32 v17, v16;
	vm4 =	vnez.u8 v62  }
0x1e4: {  	(erf) = vrcp.f32 v40;
	v28 =	vsel vm4, v50, v49;
	vm4 =	vlt.s32 v32, v61  }
0x1e5: {  	v17 =	vperm.xlane v26, v9;
	v55 =	vld [tilespmem:$0x1FDD0];
	(erf) = vpow2.f32 v60;
	v32 =	vsel vm4, v32, v61  }
0x1e6: {  	v21 =	vsel vm9, v21, v42;
	vm4 =	vge.f32 v35, v25;
	v61 =	vld [tilespmem:$0x1FE00];
	v54 =	vperm.xlane v32, v4  }
0x1e7: {  	v28 =	vsel vm0, v56, v28;
	v35 =	vnsel vm4, $0x100000, v5;
	vm5 =	vnez.u8 v53  }
0x1e8: {  	v57 =	vld [tilespmem:$0x1FDE0];
	vm4 =	vlt.s32 v32, v54;
	v40 =	vnsel vm5, $0x0, v63;
	vm5 =	vge.f32 v33, v25  }
0x1e9: {  	vm0 =	vge.f32 v27, v25;
	v32 =	vsel vm4, v32, v54;
	v33 =	vsel vm5, v6, v35  }
0x1ea: {  	v59 =	vld [tilespmem:$0x1FDF0];
	vm5 =	vnez.u8 v55;
	v35 =	vperm.xlane v34, v9;
	vm2 =	veq.s32 v32, v2  }
0x1eb: {  	vm4 =	veq.s32 v32, v6;
	vm1 =	vnez.u8 v61;
	v25 =	vsel vm5, v43, v40  }
0x1ec: {  	v27 =	vsel vm0, v2, v33;
	v33 =	vsel vm2, $0xFF800000, v46;
	v41 =	vsel vm4, $0xFF800000, v47  }
0x1ed: {  	vm5 =	veq.s32 v32, v5;
	vm0 =	vnez.u8 v57;
	v40 =	vpop (erf);
	v56 =	vperm.xlane v27, v0  }
0x1ee: {  	v46 =	vsel vm5, $0xFF800000, v48;
	v47 =	vmax.f32 v33, v41;
	v25 =	vsel vm0, v35, v25;
	v32 =	vpop (erf)  }
0x1ef: {  	vm0 =	vnez.u8 v59;
	v47 =	vmax.f32 v47, v46;
	v58 =	vperm.xlane v32, v0  }
0x1f0: {  	v49 =	vnsel vm0, $0x0, v63;
	v60 =	vperm.xlane v47, v0;
	vm0 =	vlt.s32 v27, v56  }
0x1f1: {  	v34 =	vperm.xlane v34, v10;
	v27 =	vsel vm0, v27, v56;
	v62 =	vadd.f32 v32, v58;
	v58 =	vld [tilespmem:$0x1FE10]  }
0x1f2: {  	v45 =	vnsel vm1, $0x0, v63;
	v63 =	vperm.xlane v27, v1;
	v47 =	vmax.f32 v47, v60  }
0x1f3: {  	v59 =	vld [tilespmem:$0x1FE20];
	v29 =	vmul.f32 v40, v29;
	vm0 =	veq.s32 v39, v2;
	v57 =	vperm.xlane v47, v1  }
0x1f4: {  	v25 =	vsel vm0, v34, v25;
	v56 =	vperm.xlane v62, v1;
	vm0 =	vlt.s32 v27, v63  }
0x1f5: {  	v61 =	vld [tilespmem:$0x1FE30];
	v60 =	vmax.f32 v47, v57;
	v48 =	vsel vm0, v27, v63;
	vm0 =	veq.s32 v39, v6  }
0x1f6: {  	v44 =	vadd.f32 v62, v56;
	v53 =	vperm.xlane v48, v3;
	vm1 =	vnez.u8 v58  }
0x1f7: {  	v62 =	vperm.xlane v60, v3;
	v58 =	vperm.xlane v26, v7;
	v49 =	vsel vm1, v43, v49  }
0x1f8: {  	vm1 =	vnez.u8 v59;
	v50 =	vperm.xlane v44, v3;
	vm9 =	vlt.s32 v48, v53  }
0x1f9: {  	v59 =	vperm.xlane v26, v8;
	v43 =	vsel vm1, v43, v45;
	v45 =	vmax.f32 v60, v62  }
0x1fa: {  	vm1 =	vnez.u8 v61;
	v55 =	vsel vm9, v48, v53;
	v62 =	vld [tilespmem:$0x1FE50];
	v63 =	vperm.xlane v45, v4  }
0x1fb: {  	v60 =	vld [tilespmem:$0x1FE40];
	v47 =	vsel vm1, v35, v49;
	vm1 =	vge.f32 v38, v16;
	v44 =	vadd.f32 v44, v50  }
0x1fc: {  	v48 =	vperm.xlane v26, v10;
	v38 =	vnsel vm1, $0x100000, v5;
	v45 =	vmax.f32 v45, v63  }
0x1fd: {  	v54 =	vperm.xlane v44, v4;
	v63 =	vld [tilespmem:$0x1FE60];
	v21 =	vsel vm11, v21, v45;
	vm11 =	vge.f32 v24, v16  }
0x1fe: {  	v57 =	vperm.xlane v55, v4;
	v27 =	vsel vm0, v34, v47;
	v56 =	vsel vm11, v6, v38  }
0x1ff: {  	v47 =	vld [tilespmem:$0x1FE80];
	v20 =	vsub.f32 v21, v20;
	v42 =	vadd.f32 v44, v54;
	vm9 =	vnez.u8 v62  }
0x200: {  	vm11 =	vnez.u8 v60;
	v16 =	vsel vm10, v2, v56;
	v35 =	vsel vm9, v35, v43;
	v43 =	vld [tilespmem:$0x1FE70]  }
0x201: {  	v37 =	vnsel vm11, $0x0, v58;
	vm11 =	vlt.s32 v55, v57;
	v61 =	vperm.xlane v16, v0  }
0x202: {  	v50 =	vld [tilespmem:$0x1FE90];
	v20 =	vmul.f32 $1.442695020e+00, v20;
	(erf) = vrcp.f32 v42;
	vm10 =	vnez.u8 v63  }
0x203: {  	v51 =	vld [tilespmem:$0x1FEA0];
	v21 =	vsel vm11, v55, v57;
	v37 =	vsel vm10, v59, v37;
	vm10 =	vlt.s32 v16, v61  }
0x204: {  	vm11 =	vnez.u8 v47;
	(erf) = vpow2.f32 v20;
	v16 =	vsel vm10, v16, v61  }
0x205: {  	v54 =	vld [tilespmem:$0x1FEB0];
	vm10 =	veq.s32 v21, v2;
	v61 =	vperm.xlane v29, v8;
	vm9 =	vnez.u8 v43  }
0x206: {  	v49 =	vperm.xlane v16, v1;
	v24 =	vsel vm9, v17, v37;
	vm9 =	veq.s32 v39, v5  }
0x207: {  	v37 =	vnsel vm11, $0x0, v58;
	vm11 =	vnez.u8 v50;
	v34 =	vsel vm9, v34, v35  }
0x208: {  	v56 =	vld [tilespmem:$0x1FEC0];
	v24 =	vsel vm10, v48, v24;
	v35 =	vsel vm11, v59, v37;
	vm9 =	vnez.u8 v51  }
0x209: {  	v43 =	vld [tilespmem:$0x1FEE0];
	vm10 =	veq.s32 v21, v6;
	vm11 =	vlt.s32 v16, v49;
	v35 =	vsel vm9, v17, v35  }
0x20a: {  	v60 =	vld [tilespmem:$0x1FED0];
	v16 =	vsel vm11, v16, v49;
	vm9 =	vge.f32 v31, v36;
	vm11 =	vnez.u8 v54  }
0x20b: {  	v49 =	vperm.xlane v29, v9;
	v35 =	vsel vm10, v48, v35;
	v52 =	vnsel vm9, $0x100000, v5  }
0x20c: {  	v53 =	vperm.xlane v16, v3;
	vm10 =	vge.f32 v30, v36;
	v30 =	vnsel vm11, $0x0, v58  }
0x20d: {  	v44 =	vld [tilespmem:$0x1FEF0];
	vm9 =	vge.f32 v23, v36;
	vm11 =	vnez.u8 v56;
	v58 =	vperm.xlane v29, v7  }
0x20e: {  	v26 =	vsel vm10, v6, v52;
	v23 =	vsel vm11, v59, v30;
	vm11 =	vnez.u8 v43  }
0x20f: {  	v31 =	vpop (erf);
	vm10 =	vlt.s32 v16, v53;
	v26 =	vsel vm9, v2, v26;
	vm9 =	vnez.u8 v60  }
0x210: {  	[tilespmem:$0x410] =	vst v11;
	v20 =	vnsel vm11, $0x0, v58;
	v11 =	vmul.f32 v31, v32;
	v60 =	vperm.xlane v29, v10  }
0x211: {  	v50 =	vld [tilespmem:$0x1FF10];
	v38 =	vpop (erf);
	v16 =	vsel vm10, v16, v53;
	v17 =	vsel vm9, v17, v23;
	v62 =	vperm.xlane v26, v0  }
0x212: {  	v52 =	vld [tilespmem:$0x1FF20];
	vm10 =	veq.s32 v21, v5;
	vm9 =	vnez.u8 v44;
	v55 =	vperm.xlane v38, v0  }
0x213: {  	v57 =	vperm.xlane v16, v4;
	v17 =	vsel vm10, v48, v17;
	v20 =	vsel vm9, v61, v20  }
0x214: {  	v48 =	vld [tilespmem:$0x1FF00];
	vm9 =	vge.f32 v46, v45;
	vm10 =	vlt.s32 v26, v62;
	v20 =	vsel vm12, v49, v20  }
0x215: {  	v51 =	vnsel vm9, $0x100000, v5;
	vm12 =	vge.f32 v41, v45;
	v41 =	vperm.xlane v11, v9  }
0x216: {  	v59 =	vadd.f32 v38, v55;
	vm1 =	vlt.s32 v16, v57;
	v26 =	vsel vm10, v26, v62  }
0x217: {  	v56 =	vld [tilespmem:$0x1FF30];
	vm10 =	vnez.u8 v50;
	vm9 =	vnez.u8 v52;
	v62 =	vperm.xlane v11, v7  }
0x218: {  	v53 =	vsel vm12, v6, v51;
	v39 =	vperm.xlane v26, v1;
	v63 =	vperm.xlane v59, v1  }
0x219: {  	v16 =	vsel vm1, v16, v57;
	v36 =	vnsel vm9, $0x0, v58;
	vm11 =	vnez.u8 v48  }
0x21a: {  	v47 =	vadd.f32 v59, v63;
	v30 =	vnsel vm11, $0x0, v58;
	vm11 =	vlt.s32 v26, v39  }
0x21b: {  	vm9 =	veq.s32 v16, v6;
	v30 =	vsel vm10, v61, v30;
	v26 =	vsel vm11, v26, v39  }
0x21c: {  	vm10 =	vge.f32 v33, v45;
	vm11 =	vnez.u8 v56;
	v40 =	vperm.xlane v47, v3  }
0x21d: {  	v42 =	vld [tilespmem:$0x1FF60];
	v54 =	vperm.xlane v26, v3;
	v30 =	vsel vm13, v49, v30;
	v23 =	vsel vm11, v61, v36  }
0x21e: {  	v44 =	vld [tilespmem:$0x1FF80];
	v57 =	vsel vm10, v2, v53;
	v36 =	vperm.xlane v11, v8;
	v21 =	vadd.f32 v47, v40  }
0x21f: {  	vm11 =	veq.s32 v16, v5;
	v11 =	vperm.xlane v11, v10;
	v59 =	vperm.xlane v57, v0  }
0x220: {  	v33 =	vld [tilespmem:$0x1FF40];
	v23 =	vsel vm14, v49, v23;
	vm14 =	veq.s32 v16, v2;
	v55 =	vperm.xlane v21, v4  }
0x221: {  	v43 =	vld [tilespmem:$0x1FF70];
	v32 =	vsel vm9, v60, v30;
	vm12 =	vlt.s32 v26, v54;
	v20 =	vsel vm14, v60, v20  }
0x222: {  	[tilespmem:$0x400] =	vst v12;
	v12 =	vsel vm11, v60, v23;
	vm14 =	vnez.u8 v42;
	v58 =	vadd.f32 v21, v55  }
0x223: {  	[tilespmem:$0x420] =	vst v13;
	v40 =	vld [tilespmem:$0x1FF50];
	vm11 =	vnez.u8 v44;
	v26 =	vsel vm12, v26, v54;
	vm13 =	vlt.s32 v57, v59  }
0x224: {  	[tilespmem:$0x480] =	vst v14;
	v45 =	vld [tilespmem:$0x1FF90];
	v23 =	vnsel vm14, $0x0, v62;
	v61 =	vsel vm13, v57, v59;
	(erf) = vrcp.f32 v58  }
0x225: {  	[tilespmem:$0x490] =	vst v19;
	v60 =	vld [tilespmem:$0x1FFB0];
	v63 =	vperm.xlane v26, v4;
	vm10 =	vnez.u8 v33;
	v37 =	vperm.xlane v61, v1  }
0x226: {  	[tilespmem:$0x4A0] =	vst v15;
	v14 =	vnsel vm11, $0x0, v62;
	v29 =	vnsel vm10, $0x0, v62;
	vm10 =	vnez.u8 v43  }
0x227: {  	[tilespmem:$0x500] =	vst v18;
	vm12 =	vlt.s32 v26, v63;
	v23 =	vsel vm10, v36, v23;
	vm9 =	vlt.s32 v61, v37  }
0x228: {  	[tilespmem:$0x510] =	vst v22;
	v39 =	vsel vm12, v26, v63;
	vm13 =	vnez.u8 v40;
	v13 =	vsel vm9, v61, v37  }
0x229: {  	[tilespmem:$0x520] =	vst v28;
	v62 =	vld [tilespmem:$0x1FFD0];
	vm12 =	vnez.u8 v45;
	v48 =	vsel vm7, v41, v23;
	v47 =	vperm.xlane v13, v3  }
0x22a: {  	[tilespmem:$0x580] =	vst v25;
	v55 =	vld [tilespmem:$0x1FFA0];
	vm10 =	vnez.u8 v60;
	v19 =	vsel vm13, v36, v29;
	v14 =	vsel vm12, v36, v14  }
0x22b: {  	[tilespmem:$0x590] =	vst v27;
	v63 =	vld [tilespmem:$0x1FFE0];
	vm13 =	veq.s32 v39, v2;
	vm7 =	veq.s32 v39, v5;
	vm14 =	vlt.s32 v13, v47  }
0x22c: {  	[tilespmem:$0x5A0] =	vst v34;
	v61 =	vld [tilespmem:$0x1FFC0];
	v46 =	vsel vm8, v41, v19;
	v14 =	vsel vm6, v41, v14;
	v13 =	vsel vm14, v13, v47  }
0x22d: {  	[tilespmem:$0x600] =	vst v24;
	vm6 =	veq.s32 v39, v6;
	v15 =	vsel vm13, v11, v46;
	v50 =	vperm.xlane v13, v4;
	v49 =	vpop (erf)  }
0x22e: {  	[tilespmem:$0x610] =	vst v35;
	v52 =	vsel vm6, v11, v48;
	v11 =	vsel vm7, v11, v14;
	v22 =	vmul.f32 v49, v38  }
0x22f: {  	[tilespmem:$0x620] =	vst v17;
	vm12 =	vnez.u8 v62;
	vm9 =	vnez.u8 v55;
	vm8 =	vlt.s32 v13, v50  }
0x230: {  	[tilespmem:$0x690] =	vst v32;
	vm14 =	vnez.u8 v63;
	v56 =	vsel vm8, v13, v50;
	v51 =	vperm.xlane v22, v7  }
0x231: {  	[tilespmem:$0x680] =	vst v20;
	vm11 =	vnez.u8 v61;
	vm0 =	veq.s32 v56, v2;
	v53 =	vperm.xlane v22, v8  }
0x232: {  	[tilespmem:$0x6A0] =	vst v12;
	vm13 =	veq.s32 v56, v6;
	v54 =	vperm.xlane v22, v9;
	v20 =	vnsel vm9, $0x0, v51  }
0x233: {  	[tilespmem:$0x700] =	vst v15;
	v57 =	vperm.xlane v22, v10;
	v16 =	vnsel vm10, $0x0, v51;
	v58 =	vsel vm15, v53, v20  }
0x234: {  	[tilespmem:$0x710] =	vst v52;
	v17 =	vnsel vm12, $0x0, v51;
	v16 =	vsel vm11, v53, v16;
	v59 =	vsel vm2, v54, v58  }
0x235: {  	[tilespmem:$0x720] =	vst v11;
	v14 =	vsel vm14, v53, v17;
	v11 =	vsel vm4, v54, v16;
	v15 =	vsel vm0, v57, v59  }
0x236: {  	vm15 =	veq.s32 v56, v5;
	v14 =	vsel vm5, v54, v14;
	v11 =	vsel vm13, v57, v11;
	[tilespmem:$0x780] =	vst v15  }
0x237: {  	p0 =	sne.s32 s5, $0x1;
	[tilespmem:$0x790] =	vst v11;
	v11 =	vsel vm15, v57, v14  }
.Ltmp0:
0x238: {  	[tilespmem:$0x7A0] =	vst v11;
	(pc) =	sbr.rel @p0 .LBB2_1-.Ltmp0, $4  }
0x239: {  	[hbm4b:s4+s2] =	stream.linear.scatter [tilespmem:s7], [sflag:$0x1], $0x400, $0x38;
	[tilespmem:$0x800] =	vst v63  }
0x23a: {  	_ =	swait.ge [sflag:s6], $0x400  }
0x23b: {  	[sflag:s6] =	ssyncset.done $0x0  }
0x23c: {  	s5 =	sadd.s32 $0xFFFFFFFF, s5;
	[sflag:s6] =	ssyncadd.s32 $0xFFFFFC00  }
0x23d: {  	_ =	sfence.sel $0x180000  }
0x23e: {  	[bflag:$0x0] =	sbarrier.arrive $0xFFFF  }
0x23f: {  	p0 =	sne.s32 s1, $0x0;
	_ =	strace $0x90000047  }
0x240: {  	s0 =	sadd.s32 @!p0 $0x100000, s0;
	[bflag:$0x2] =	sbarrier.arrive $0xFFFF  }
0x241: {  	[sflag:s0] =	ssyncadd.tile.s32 @!p0 $0x1;
	_ =	shalt  }
.Lfunc_end2:
_tile_overlayer_lowered:
.L_overlay_start_2:
0x242: {  	(tag) =	ssettag $0x2  }
0x243: {  	s0 =	rddreg [dreg:$0x0];
	s2 =	stileid.u32  }
0x244: {  	s1 =	rddreg [dreg:$0x1];
	p0 =	sne.s32 s2, $0x0  }
0x245: {  	s3 =	rddreg [dreg:$0x2];
	[bflag:$0x3] =	sbarrier.arrive $0xFFFF;
	s2 =	simm.s32 @!p0 $0x1C01  }
0x246: {  	[timem:s3], [sflag:s2] =	dma.local @!p0 [hbm:s0], s1  }
0x247: {  	s0 =	simm.s32 @!p0 $0x1  }
0x248: {  	_ =	swait.ge @!p0 [sflag:s0], s1  }
0x249: {  	s1 =	ssub.s32 @!p0 $0x0, s1;
	[sflag:s0] =	ssyncset.done @!p0 $0x0  }
0x24a: {  	[sflag:s0] =	ssyncadd.s32 @!p0 s1  }
0x24b: {  	[bflag:$0x3] =	sbarrier.arrive $0xFFFF  }
0x24c: {  	_ =	shalt  }

</sc_bundles>
